<compile_context>
chip_gen: v7x
topology: tpu7x:2x2x1
jax: 0.10.2.dev20260603
libtpu: 0.0.44.dev20260713+nightly
codegen_flags: <defaults>
</compile_context>

<pallas_src>
import functools

import jax
import jax.numpy as jnp
from jax import lax
from jax.experimental import pallas as pl
from jax.experimental.pallas import tpu as pltpu
from jax.experimental.pallas import tpu_sc as plsc

NC = 2
NS = 16
CH = 112
NB = 3


def _mesh():
    return plsc.VectorSubcoreMesh(core_axis_name="c", subcore_axis_name="s")


def _make_deg(NP, nch):
    ZR = NP // NS

    @functools.partial(
        pl.kernel,
        out_type=jax.ShapeDtypeStruct((NC * NP,), jnp.float32),
        mesh=_mesh(),
        scratch_types=[
            pltpu.VMEM((nch, 1, CH), jnp.int32),
            pltpu.VMEM((CH,), jnp.float32),
            pltpu.VMEM((ZR,), jnp.float32),
            pltpu.VMEM_SHARED((NP,), jnp.float32),
        ],
    )
    def deg_kernel(dst_hbm, out_hbm, dst_v, ones_v, zer_v, deg_sh):
        cid = lax.axis_index("c")
        sid = lax.axis_index("s")
        wid = sid * NC + cid
        for k in range(CH // 16):
            ones_v[pl.ds(k * 16, 16)] = jnp.ones((16,), jnp.float32)
        for k in range(ZR // 16):
            zer_v[pl.ds(k * 16, 16)] = jnp.zeros((16,), jnp.float32)

        pltpu.sync_copy(zer_v, deg_sh.at[pl.ds(sid * ZR, ZR)])
        pltpu.sync_copy(dst_hbm.at[wid], dst_v)
        plsc.subcore_barrier()

        def chunk(c, carry):
            pltpu.sync_copy(ones_v, deg_sh.at[dst_v.at[c, 0]], add=True)
            return carry

        lax.fori_loop(0, nch, chunk, 0)
        plsc.subcore_barrier()
        pltpu.sync_copy(deg_sh.at[pl.ds(sid * ZR, ZR)],
                        out_hbm.at[pl.ds(cid * NP + sid * ZR, ZR)])

    return deg_kernel


def _make_scatter(NP, F, nch, col_split):
    ZR = NP // NS
    assert nch % NB == 0 and ZR % 64 == 0

    @functools.partial(
        pl.kernel,
        out_type=jax.ShapeDtypeStruct((NC, NP, F), jnp.float32),
        mesh=_mesh(),
        scratch_types=[
            pltpu.VMEM((NB, 1, CH), jnp.int32),
            pltpu.VMEM((NB, 1, CH), jnp.int32),
            pltpu.VMEM((NB, CH, F), jnp.float32),
            pltpu.VMEM_SHARED((NP, F), jnp.float32),
            [pltpu.SemaphoreType.DMA] * NB,
            [pltpu.SemaphoreType.DMA] * NB,
        ],
    )
    def scat_kernel(src_hbm, dst_hbm, g_hbm, out_hbm,
                    src_v, dst_v, rows_v, acc_sh, sems_g, sems_s):
        cid = lax.axis_index("c")
        sid = lax.axis_index("s")

        def load_idx(cc, b):
            if col_split:
                pltpu.sync_copy(src_hbm.at[cid, sid, cc], src_v.at[b])
                pltpu.sync_copy(dst_hbm.at[sid, cc], dst_v.at[b])
            else:
                wid = sid * NC + cid
                pltpu.sync_copy(src_hbm.at[wid, cc], src_v.at[b])
                pltpu.sync_copy(dst_hbm.at[wid, cc], dst_v.at[b])

        def fire_gather(b):
            pltpu.async_copy(g_hbm.at[src_v.at[b, 0]], rows_v.at[b],
                             sems_g[b])

        def wait_gather(b):
            pltpu.make_async_copy(g_hbm.at[src_v.at[b, 0]], rows_v.at[b],
                                  sems_g[b]).wait()

        def fire_scatter(b):
            pltpu.async_copy(rows_v.at[b], acc_sh.at[dst_v.at[b, 0]],
                             sems_s[b], add=True)

        def wait_scatter(b):
            pltpu.make_async_copy(rows_v.at[b], acc_sh.at[dst_v.at[b, 0]],
                                  sems_s[b]).wait()

        def zrow(r, carry):
            for k in range(F // 16):
                rows_v[0, r, pl.ds(k * 16, 16)] = jnp.zeros((16,), jnp.float32)
            return carry

        lax.fori_loop(0, 64, zrow, 0)
        for z in range(ZR // 64):
            pltpu.sync_copy(rows_v.at[0, pl.ds(0, 64)],
                            acc_sh.at[pl.ds(sid * ZR + z * 64, 64)])

        NP_dummy = NP - 8
        for b in range(NB):
            for k in range(CH // 16):
                dst_v[b, 0, pl.ds(k * 16, 16)] = jnp.full(
                    (16,), NP_dummy, jnp.int32)
        for b in range(NB):
            fire_scatter(b)
        wait_scatter(0)
        load_idx(0, 0)
        fire_gather(0)
        plsc.subcore_barrier()

        def visit(cc, b, bnxt, last):
            if not last:
                wait_scatter(bnxt)
                load_idx(cc + 1, bnxt)
                fire_gather(bnxt)
            wait_gather(b)
            fire_scatter(b)

        def group(i, carry):
            for b in range(NB):
                cc = i * NB + b
                bnxt = (b + 1) % NB

                @pl.when(cc + 1 < nch)
                def _():
                    visit(cc, b, bnxt, False)

                @pl.when(cc + 1 >= nch)
                def _():
                    wait_gather(b)
                    fire_scatter(b)
            return carry

        lax.fori_loop(0, nch // NB, group, 0)
        for b in range(NB):
            wait_scatter(b)
        plsc.subcore_barrier()
        pltpu.sync_copy(acc_sh.at[pl.ds(sid * ZR, ZR)],
                        out_hbm.at[cid, pl.ds(sid * ZR, ZR)])

    return scat_kernel


def _prelu_tc(t, a):
    return jnp.where(t >= 0, t, a * t)


def _tc_a_body(x_ref, w_ref, degp_ref, g_ref, dinv_ref):
    deg = degp_ref[:, 0] + degp_ref[:, 1] + 1.0
    dinv = lax.rsqrt(deg)[:, None]
    h = jnp.dot(x_ref[...], w_ref[...], preferred_element_type=jnp.float32)
    g = h * dinv
    F = h.shape[1] // 2
    g_ref[0] = g[:, :F]
    g_ref[1] = g[:, F:]
    dinv_ref[...] = dinv


def _tc_d_body(s1_ref, g1_ref, dinv_ref, b1_ref, w2_ref, a_ref, g2_ref):
    a = a_ref[0, 0]
    dinv = dinv_ref[...]
    F = s1_ref.shape[2]
    t0 = _prelu_tc(dinv * (s1_ref[0] + g1_ref[0]) + b1_ref[0, :F], a)
    t1 = _prelu_tc(dinv * (s1_ref[1] + g1_ref[1]) + b1_ref[0, F:], a)
    h2 = (jnp.dot(t0, w2_ref[:F], preferred_element_type=jnp.float32)
          + jnp.dot(t1, w2_ref[F:], preferred_element_type=jnp.float32))
    g2_ref[...] = h2 * dinv


def _tc_f_body(s2_ref, g2_ref, dinv_ref, b2_ref, a_ref, out_ref):
    a = a_ref[0, 0]
    dinv = dinv_ref[...]
    t = dinv * (s2_ref[0] + s2_ref[1] + g2_ref[...]) + b2_ref[0, :]
    out_ref[...] = _prelu_tc(t, a)


def kernel(x, edge_index, W1, b1, W2, b2, a):
    N, IN_FT = x.shape
    HID = W1.shape[1]
    OUT_FT = W2.shape[1]
    E = edge_index.shape[1]
    F1 = HID // 2
    NW = NC * NS

    NP = ((N + NS * 64 - 1) // (NS * 64)) * (NS * 64)
    if NP == N:
        NP += NS * 64
    EP = ((E + NW * CH * NB - 1) // (NW * CH * NB)) * (NW * CH * NB)
    nch1 = EP // (NS * CH)
    nch2 = EP // (NW * CH)

    src = edge_index[0]
    dst = edge_index[1]
    pad = EP - E
    src_p = jnp.concatenate([src, jnp.zeros((pad,), jnp.int32)])
    dst_pad = N + jnp.arange(pad, dtype=jnp.int32) % (NP - N)
    dst_p = jnp.concatenate([dst, dst_pad])
    src16 = src_p.reshape(NS, nch1, 1, CH)
    src16b = jnp.stack([src16, src16 + N])
    dst16 = dst_p.reshape(NS, nch1, 1, CH)
    src32 = src_p.reshape(NW, nch2, 1, CH)
    coff = (jnp.arange(NW, dtype=jnp.int32) % NC)[:, None, None, None] * N
    src32b = src32 + coff
    dst32 = dst_p.reshape(NW, nch2, 1, CH)

    degp = _make_deg(NP, nch2)(dst32).reshape(NC, NP)

    BR = 1000
    assert N % BR == 0
    grid = (N // BR,)
    g1, dinv = pl.pallas_call(
        _tc_a_body,
        grid=grid,
        in_specs=[
            pl.BlockSpec((BR, IN_FT), lambda i: (i, 0)),
            pl.BlockSpec((IN_FT, HID), lambda i: (0, 0)),
            pl.BlockSpec((BR, NC), lambda i: (i, 0)),
        ],
        out_specs=[
            pl.BlockSpec((NC, BR, F1), lambda i: (0, i, 0)),
            pl.BlockSpec((BR, 1), lambda i: (i, 0)),
        ],
        out_shape=[
            jax.ShapeDtypeStruct((NC, N, F1), jnp.float32),
            jax.ShapeDtypeStruct((N, 1), jnp.float32),
        ],
    )(x, W1, degp[:, :N].T)

    g1_tab = g1.reshape(NC * N, F1)
    s1 = _make_scatter(NP, F1, nch1, True)(src16b, dst16, g1_tab)

    a2 = a.reshape(1, 1)
    g2 = pl.pallas_call(
        _tc_d_body,
        grid=grid,
        in_specs=[
            pl.BlockSpec((NC, BR, F1), lambda i: (0, i, 0)),
            pl.BlockSpec((NC, BR, F1), lambda i: (0, i, 0)),
            pl.BlockSpec((BR, 1), lambda i: (i, 0)),
            pl.BlockSpec((1, HID), lambda i: (0, 0)),
            pl.BlockSpec((HID, OUT_FT), lambda i: (0, 0)),
            pl.BlockSpec((1, 1), lambda i: (0, 0)),
        ],
        out_specs=pl.BlockSpec((BR, OUT_FT), lambda i: (i, 0)),
        out_shape=jax.ShapeDtypeStruct((N, OUT_FT), jnp.float32),
    )(s1[:, :N], g1, dinv, b1.reshape(1, HID), W2, a2)

    g2_tab = jnp.concatenate([g2, g2], axis=0)
    s2 = _make_scatter(NP, OUT_FT, nch2, False)(src32b, dst32, g2_tab)

    out = pl.pallas_call(
        _tc_f_body,
        grid=grid,
        in_specs=[
            pl.BlockSpec((NC, BR, OUT_FT), lambda i: (0, i, 0)),
            pl.BlockSpec((BR, OUT_FT), lambda i: (i, 0)),
            pl.BlockSpec((BR, 1), lambda i: (i, 0)),
            pl.BlockSpec((1, OUT_FT), lambda i: (0, 0)),
            pl.BlockSpec((1, 1), lambda i: (0, 0)),
        ],
        out_specs=pl.BlockSpec((BR, OUT_FT), lambda i: (i, 0)),
        out_shape=jax.ShapeDtypeStruct((N, OUT_FT), jnp.float32),
    )(s2[:, :N, :], g2, dinv, b2.reshape(1, OUT_FT), a2)
    return out

# --- scband reference (transcript-rebuilt; emitter-appended) ---
"""Pipeline reference for scband-gcn-21655225107208 (READ-ONLY COPY).

The authoritative reference and input builder live on the scoring server;
editing this copy changes nothing except your own understanding.
"""

import jax, jax.numpy as jnp
import numpy as np

N, E, IN_FT, OUT_FT = 10000, 320000, 128, 128
HID = 2 * OUT_FT


def _gcn_conv(x, edge_index, W, b):
    n = x.shape[0]
    loop = jnp.arange(n, dtype=edge_index.dtype)
    src = jnp.concatenate([edge_index[0], loop])
    dst = jnp.concatenate([edge_index[1], loop])
    deg = jnp.zeros((n,), x.dtype).at[dst].add(1.0)
    dinv = jnp.where(deg > 0, jax.lax.rsqrt(jnp.maximum(deg, 1e-12)), 0.0)
    norm = dinv[src] * dinv[dst]
    h = x @ W
    msg = h[src] * norm[:, None]
    out = jnp.zeros((n, W.shape[1]), x.dtype).at[dst].add(msg)
    return out + b


def _prelu(x, a):
    return jnp.where(x >= 0, x, a * x)


def setup_inputs(seed: int = 0) -> dict:
    key = jax.random.key(seed)
    ks = jax.random.split(key, 6)
    x = jax.random.normal(ks[0], (N, IN_FT), dtype=jnp.float32)
    edge_index = jax.random.randint(ks[1], (2, E), 0, N, dtype=jnp.int32)
    W1 = jax.random.normal(ks[2], (IN_FT, HID), dtype=jnp.float32) * (1.0 / np.sqrt(IN_FT))
    b1 = jnp.zeros((HID,), jnp.float32)
    W2 = jax.random.normal(ks[3], (HID, OUT_FT), dtype=jnp.float32) * (1.0 / np.sqrt(HID))
    b2 = jnp.zeros((OUT_FT,), jnp.float32)
    a = jnp.array(0.25, dtype=jnp.float32)
    return {"x": x, "edge_index": edge_index, "W1": W1, "b1": b1, "W2": W2, "b2": b2, "a": a}


def reference(x, edge_index, W1, b1, W2, b2, a):
    h = _gcn_conv(x, edge_index, W1, b1)
    h = _prelu(h, a)
    # dropout p=0.0 -> identity
    h = _gcn_conv(h, edge_index, W2, b2)
    h = _prelu(h, a)
    return h

if __name__ == "__main__":
    import jax
    _d = setup_inputs()
    print(jax.jit(kernel)(*tuple(_d.values())))

</pallas_src>

<mosaic_0001>
#map = affine_map<(d0, d1) -> (0, 0, 0, 0)>
#map1 = affine_map<(d0, d1) -> (0, 0)>
#map2 = affine_map<(d0, d1) -> (0, 0, 0)>
module attributes {stable_mosaic.version = 14 : i64} {
  func.func @scat_kernel(%arg0: i32, %arg1: i32, %arg2: memref<32x90x1x112xi32, #tpu.memory_space<hbm>>, %arg3: memref<32x90x1x112xi32, #tpu.memory_space<hbm>>, %arg4: memref<20000x128xf32, #tpu.memory_space<hbm>>, %arg5: memref<2x10240x128xf32, #tpu.memory_space<hbm>>, %arg6: memref<3x1x112xi32, #tpu.memory_space<vmem>>, %arg7: memref<3x1x112xi32, #tpu.memory_space<vmem>>, %arg8: memref<3x112x128xf32, #tpu.memory_space<vmem>>, %arg9: memref<10240x128xf32, #tpu.memory_space<vmem_shared>>, %arg10: memref<!tpu.dma_semaphore, #tpu.memory_space<semaphore_mem>>, %arg11: memref<!tpu.dma_semaphore, #tpu.memory_space<semaphore_mem>>, %arg12: memref<!tpu.dma_semaphore, #tpu.memory_space<semaphore_mem>>, %arg13: memref<!tpu.dma_semaphore, #tpu.memory_space<semaphore_mem>>, %arg14: memref<!tpu.dma_semaphore, #tpu.memory_space<semaphore_mem>>, %arg15: memref<!tpu.dma_semaphore, #tpu.memory_space<semaphore_mem>>) attributes {dimension_semantics = [#tpu.dimension_semantics<core_parallel>, #tpu.dimension_semantics<subcore_parallel>], iteration_bounds = array<i64: 2, 16>, scalar_prefetch = 0 : i64, scratch_operands = 10 : i64, tpu.core_type = #tpu.core_type<sc_vector_subcore>, window_params = [{transform_indices = #map}, {transform_indices = #map}, {transform_indices = #map1}, {transform_indices = #map2}]} {
    %scan3A = arith.constant 0 : i32
    %scan3A_0 = arith.constant 0 : i32
    %scan3A_1 = arith.constant 64 : i32
    %scan3A_2 = arith.addi %scan3A_0, %scan3A_1 : i32
    %scan3A_3 = arith.constant 1 : i32
    scf.for %scan3A_380 = %scan3A_0 to %scan3A_2 step %scan3A_3  : i32 {
      %broadcast_in_dim3A_381 = arith.constant 0.000000e+00 : f32
      %broadcast_in_dim3A_382 = vector.broadcast %broadcast_in_dim3A_381 : f32 to vector<16xf32>
      %swap3A_383 = arith.constant 0 : i32
      %swap3A_384 = arith.index_cast %swap3A_383 : i32 to index
      %swap3A_385 = arith.index_cast %scan3A_380 : i32 to index
      %swap3A_386 = arith.constant 0 : index
      %swap3A_387 = tpu.vector_load %arg8[%swap3A_384, %swap3A_385, %swap3A_386] {strides = array<i32>} : memref<3x112x128xf32, #tpu.memory_space<vmem>>, vector<1x1x16xf32>,
      %swap3A_388 = vector.shape_cast %swap3A_387 : vector<1x1x16xf32> to vector<16xf32>
      %swap3A_389 = vector.shape_cast %broadcast_in_dim3A_382 : vector<16xf32> to vector<1x1x16xf32>
      tpu.vector_store %arg8[%swap3A_384, %swap3A_385, %swap3A_386], %swap3A_389 {strides = array<i32>} : memref<3x112x128xf32, #tpu.memory_space<vmem>>, vector<1x1x16xf32>,
      %broadcast_in_dim3A_390 = arith.constant 0.000000e+00 : f32
      %broadcast_in_dim3A_391 = vector.broadcast %broadcast_in_dim3A_390 : f32 to vector<16xf32>
      %swap3A_392 = arith.constant 0 : i32
      %swap3A_393 = arith.index_cast %swap3A_392 : i32 to index
      %swap3A_394 = arith.index_cast %scan3A_380 : i32 to index
      %swap3A_395 = arith.constant 16 : index
      %swap3A_396 = tpu.vector_load %arg8[%swap3A_393, %swap3A_394, %swap3A_395] {strides = array<i32>} : memref<3x112x128xf32, #tpu.memory_space<vmem>>, vector<1x1x16xf32>,
      %swap3A_397 = vector.shape_cast %swap3A_396 : vector<1x1x16xf32> to vector<16xf32>
      %swap3A_398 = vector.shape_cast %broadcast_in_dim3A_391 : vector<16xf32> to vector<1x1x16xf32>
      tpu.vector_store %arg8[%swap3A_393, %swap3A_394, %swap3A_395], %swap3A_398 {strides = array<i32>} : memref<3x112x128xf32, #tpu.memory_space<vmem>>, vector<1x1x16xf32>,
      %broadcast_in_dim3A_399 = arith.constant 0.000000e+00 : f32
      %broadcast_in_dim3A_400 = vector.broadcast %broadcast_in_dim3A_399 : f32 to vector<16xf32>
      %swap3A_401 = arith.constant 0 : i32
      %swap3A_402 = arith.index_cast %swap3A_401 : i32 to index
      %swap3A_403 = arith.index_cast %scan3A_380 : i32 to index
      %swap3A_404 = arith.constant 32 : index
      %swap3A_405 = tpu.vector_load %arg8[%swap3A_402, %swap3A_403, %swap3A_404] {strides = array<i32>} : memref<3x112x128xf32, #tpu.memory_space<vmem>>, vector<1x1x16xf32>,
      %swap3A_406 = vector.shape_cast %swap3A_405 : vector<1x1x16xf32> to vector<16xf32>
      %swap3A_407 = vector.shape_cast %broadcast_in_dim3A_400 : vector<16xf32> to vector<1x1x16xf32>
      tpu.vector_store %arg8[%swap3A_402, %swap3A_403, %swap3A_404], %swap3A_407 {strides = array<i32>} : memref<3x112x128xf32, #tpu.memory_space<vmem>>, vector<1x1x16xf32>,
      %broadcast_in_dim3A_408 = arith.constant 0.000000e+00 : f32
      %broadcast_in_dim3A_409 = vector.broadcast %broadcast_in_dim3A_408 : f32 to vector<16xf32>
      %swap3A_410 = arith.constant 0 : i32
      %swap3A_411 = arith.index_cast %swap3A_410 : i32 to index
      %swap3A_412 = arith.index_cast %scan3A_380 : i32 to index
      %swap3A_413 = arith.constant 48 : index
      %swap3A_414 = tpu.vector_load %arg8[%swap3A_411, %swap3A_412, %swap3A_413] {strides = array<i32>} : memref<3x112x128xf32, #tpu.memory_space<vmem>>, vector<1x1x16xf32>,
      %swap3A_415 = vector.shape_cast %swap3A_414 : vector<1x1x16xf32> to vector<16xf32>
      %swap3A_416 = vector.shape_cast %broadcast_in_dim3A_409 : vector<16xf32> to vector<1x1x16xf32>
      tpu.vector_store %arg8[%swap3A_411, %swap3A_412, %swap3A_413], %swap3A_416 {strides = array<i32>} : memref<3x112x128xf32, #tpu.memory_space<vmem>>, vector<1x1x16xf32>,
      %broadcast_in_dim3A_417 = arith.constant 0.000000e+00 : f32
      %broadcast_in_dim3A_418 = vector.broadcast %broadcast_in_dim3A_417 : f32 to vector<16xf32>
      %swap3A_419 = arith.constant 0 : i32
      %swap3A_420 = arith.index_cast %swap3A_419 : i32 to index
      %swap3A_421 = arith.index_cast %scan3A_380 : i32 to index
      %swap3A_422 = arith.constant 64 : index
      %swap3A_423 = tpu.vector_load %arg8[%swap3A_420, %swap3A_421, %swap3A_422] {strides = array<i32>} : memref<3x112x128xf32, #tpu.memory_space<vmem>>, vector<1x1x16xf32>,
      %swap3A_424 = vector.shape_cast %swap3A_423 : vector<1x1x16xf32> to vector<16xf32>
      %swap3A_425 = vector.shape_cast %broadcast_in_dim3A_418 : vector<16xf32> to vector<1x1x16xf32>
      tpu.vector_store %arg8[%swap3A_420, %swap3A_421, %swap3A_422], %swap3A_425 {strides = array<i32>} : memref<3x112x128xf32, #tpu.memory_space<vmem>>, vector<1x1x16xf32>,
      %broadcast_in_dim3A_426 = arith.constant 0.000000e+00 : f32
      %broadcast_in_dim3A_427 = vector.broadcast %broadcast_in_dim3A_426 : f32 to vector<16xf32>
      %swap3A_428 = arith.constant 0 : i32
      %swap3A_429 = arith.index_cast %swap3A_428 : i32 to index
      %swap3A_430 = arith.index_cast %scan3A_380 : i32 to index
      %swap3A_431 = arith.constant 80 : index
      %swap3A_432 = tpu.vector_load %arg8[%swap3A_429, %swap3A_430, %swap3A_431] {strides = array<i32>} : memref<3x112x128xf32, #tpu.memory_space<vmem>>, vector<1x1x16xf32>,
      %swap3A_433 = vector.shape_cast %swap3A_432 : vector<1x1x16xf32> to vector<16xf32>
      %swap3A_434 = vector.shape_cast %broadcast_in_dim3A_427 : vector<16xf32> to vector<1x1x16xf32>
      tpu.vector_store %arg8[%swap3A_429, %swap3A_430, %swap3A_431], %swap3A_434 {strides = array<i32>} : memref<3x112x128xf32, #tpu.memory_space<vmem>>, vector<1x1x16xf32>,
      %broadcast_in_dim3A_435 = arith.constant 0.000000e+00 : f32
      %broadcast_in_dim3A_436 = vector.broadcast %broadcast_in_dim3A_435 : f32 to vector<16xf32>
      %swap3A_437 = arith.constant 0 : i32
      %swap3A_438 = arith.index_cast %swap3A_437 : i32 to index
      %swap3A_439 = arith.index_cast %scan3A_380 : i32 to index
      %swap3A_440 = arith.constant 96 : index
      %swap3A_441 = tpu.vector_load %arg8[%swap3A_438, %swap3A_439, %swap3A_440] {strides = array<i32>} : memref<3x112x128xf32, #tpu.memory_space<vmem>>, vector<1x1x16xf32>,
      %swap3A_442 = vector.shape_cast %swap3A_441 : vector<1x1x16xf32> to vector<16xf32>
      %swap3A_443 = vector.shape_cast %broadcast_in_dim3A_436 : vector<16xf32> to vector<1x1x16xf32>
      tpu.vector_store %arg8[%swap3A_438, %swap3A_439, %swap3A_440], %swap3A_443 {strides = array<i32>} : memref<3x112x128xf32, #tpu.memory_space<vmem>>, vector<1x1x16xf32>,
      %broadcast_in_dim3A_444 = arith.constant 0.000000e+00 : f32
      %broadcast_in_dim3A_445 = vector.broadcast %broadcast_in_dim3A_444 : f32 to vector<16xf32>
      %swap3A_446 = arith.constant 0 : i32
      %swap3A_447 = arith.index_cast %swap3A_446 : i32 to index
      %swap3A_448 = arith.index_cast %scan3A_380 : i32 to index
      %swap3A_449 = arith.constant 112 : index
      %swap3A_450 = tpu.vector_load %arg8[%swap3A_447, %swap3A_448, %swap3A_449] {strides = array<i32>} : memref<3x112x128xf32, #tpu.memory_space<vmem>>, vector<1x1x16xf32>,
      %swap3A_451 = vector.shape_cast %swap3A_450 : vector<1x1x16xf32> to vector<16xf32>
      %swap3A_452 = vector.shape_cast %broadcast_in_dim3A_445 : vector<16xf32> to vector<1x1x16xf32>
      tpu.vector_store %arg8[%swap3A_447, %swap3A_448, %swap3A_449], %swap3A_452 {strides = array<i32>} : memref<3x112x128xf32, #tpu.memory_space<vmem>>, vector<1x1x16xf32>,
    }
    %scan3A_4 = arith.constant 64 : i32
    %mul3A = arith.constant 640 : i32
    %mul3A_5 = arith.muli %arg1, %mul3A : i32
    %add3A = arith.constant 0 : i32
    %add3A_6 = arith.addi %mul3A_5, %add3A : i32
    %run_scoped3A = arith.constant 0 : i32
    "tpu.region"() ({
      %run_scoped3A_380 = tpu.sem_alloc : memref<!tpu.dma_semaphore, #tpu.memory_space<semaphore_mem>>
      %dma_start3A_381 = arith.constant 0 : i32
      %dma_start3A_382 = arith.constant 0 : i32
      %dma_start3A_383 = tpu.memref_slice %arg8[%run_scoped3A, %dma_start3A_381, %dma_start3A_382] : memref<3x112x128xf32, #tpu.memory_space<vmem>> -> memref<1x64x128xf32, #tpu.memory_space<vmem>>
      %dma_start3A_384 = tpu.memref_squeeze %dma_start3A_383 : memref<1x64x128xf32, #tpu.memory_space<vmem>> -> memref<64x128xf32, #tpu.memory_space<vmem>>
      %dma_start3A_385 = arith.constant 0 : i32
      %dma_start3A_386 = tpu.memref_slice %arg9[%add3A_6, %dma_start3A_385] : memref<10240x128xf32, #tpu.memory_space<vmem_shared>> -> memref<64x128xf32, #tpu.memory_space<vmem_shared>>
      %dma_start3A_387 = arith.constant 0 : i32
      %dma_start3A_388 = tpu.memref_slice %arg9[%add3A_6, %dma_start3A_387] : memref<10240x128xf32, #tpu.memory_space<vmem_shared>> -> memref<64x128xf32, #tpu.memory_space<vmem_shared>>
      %dma_start3A_389 = arith.constant 0 : i32
      %dma_start3A_390 = arith.constant 0 : i32
      %dma_start3A_391 = tpu.memref_slice %arg8[%run_scoped3A, %dma_start3A_389, %dma_start3A_390] : memref<3x112x128xf32, #tpu.memory_space<vmem>> -> memref<1x64x128xf32, #tpu.memory_space<vmem>>
      %dma_start3A_392 = tpu.memref_squeeze %dma_start3A_391 : memref<1x64x128xf32, #tpu.memory_space<vmem>> -> memref<64x128xf32, #tpu.memory_space<vmem>>
      tpu.enqueue_dma source(%dma_start3A_392 : memref<64x128xf32, #tpu.memory_space<vmem>>) target(%dma_start3A_388 : memref<64x128xf32, #tpu.memory_space<vmem_shared>>) target_semaphore(%run_scoped3A_380 : memref<!tpu.dma_semaphore, #tpu.memory_space<semaphore_mem>>)
      %dma_wait3A_393 = arith.constant 0 : i32
      %dma_wait3A_394 = arith.constant 0 : i32
      %dma_wait3A_395 = tpu.memref_slice %arg8[%run_scoped3A, %dma_wait3A_393, %dma_wait3A_394] : memref<3x112x128xf32, #tpu.memory_space<vmem>> -> memref<1x64x128xf32, #tpu.memory_space<vmem>>
      %dma_wait3A_396 = tpu.memref_squeeze %dma_wait3A_395 : memref<1x64x128xf32, #tpu.memory_space<vmem>> -> memref<64x128xf32, #tpu.memory_space<vmem>>
      %dma_wait3A_397 = arith.constant 0 : i32
      %dma_wait3A_398 = tpu.memref_slice %arg9[%add3A_6, %dma_wait3A_397] : memref<10240x128xf32, #tpu.memory_space<vmem_shared>> -> memref<64x128xf32, #tpu.memory_space<vmem_shared>>
      %dma_wait3A_399 = arith.constant 0 : i32
      %dma_wait3A_400 = tpu.memref_slice %arg9[%add3A_6, %dma_wait3A_399] : memref<10240x128xf32, #tpu.memory_space<vmem_shared>> -> memref<64x128xf32, #tpu.memory_space<vmem_shared>>
      %dma_wait3A_401 = arith.constant 0 : i32
      %dma_wait3A_402 = arith.constant 0 : i32
      %dma_wait3A_403 = tpu.memref_slice %arg8[%run_scoped3A, %dma_wait3A_401, %dma_wait3A_402] : memref<3x112x128xf32, #tpu.memory_space<vmem>> -> memref<1x64x128xf32, #tpu.memory_space<vmem>>
      %dma_wait3A_404 = tpu.memref_squeeze %dma_wait3A_403 : memref<1x64x128xf32, #tpu.memory_space<vmem>> -> memref<64x128xf32, #tpu.memory_space<vmem>>
      tpu.wait_dma2 semaphore(%run_scoped3A_380 : memref<!tpu.dma_semaphore, #tpu.memory_space<semaphore_mem>>) src(%dma_wait3A_404 : memref<64x128xf32, #tpu.memory_space<vmem>>) dst(%dma_wait3A_400 : memref<64x128xf32, #tpu.memory_space<vmem_shared>>)
      tpu.yield
    }) : () -> ()
    %mul3A_7 = arith.constant 640 : i32
    %mul3A_8 = arith.muli %arg1, %mul3A_7 : i32
    %add3A_9 = arith.constant 64 : i32
    %add3A_10 = arith.addi %mul3A_8, %add3A_9 : i32
    %run_scoped3A_11 = arith.constant 0 : i32
    "tpu.region"() ({
      %run_scoped3A_380 = tpu.sem_alloc : memref<!tpu.dma_semaphore, #tpu.memory_space<semaphore_mem>>
      %dma_start3A_381 = arith.constant 0 : i32
      %dma_start3A_382 = arith.constant 0 : i32
      %dma_start3A_383 = tpu.memref_slice %arg8[%run_scoped3A_11, %dma_start3A_381, %dma_start3A_382] : memref<3x112x128xf32, #tpu.memory_space<vmem>> -> memref<1x64x128xf32, #tpu.memory_space<vmem>>
      %dma_start3A_384 = tpu.memref_squeeze %dma_start3A_383 : memref<1x64x128xf32, #tpu.memory_space<vmem>> -> memref<64x128xf32, #tpu.memory_space<vmem>>
      %dma_start3A_385 = arith.constant 0 : i32
      %dma_start3A_386 = tpu.memref_slice %arg9[%add3A_10, %dma_start3A_385] : memref<10240x128xf32, #tpu.memory_space<vmem_shared>> -> memref<64x128xf32, #tpu.memory_space<vmem_shared>>
      %dma_start3A_387 = arith.constant 0 : i32
      %dma_start3A_388 = tpu.memref_slice %arg9[%add3A_10, %dma_start3A_387] : memref<10240x128xf32, #tpu.memory_space<vmem_shared>> -> memref<64x128xf32, #tpu.memory_space<vmem_shared>>
      %dma_start3A_389 = arith.constant 0 : i32
      %dma_start3A_390 = arith.constant 0 : i32
      %dma_start3A_391 = tpu.memref_slice %arg8[%run_scoped3A_11, %dma_start3A_389, %dma_start3A_390] : memref<3x112x128xf32, #tpu.memory_space<vmem>> -> memref<1x64x128xf32, #tpu.memory_space<vmem>>
      %dma_start3A_392 = tpu.memref_squeeze %dma_start3A_391 : memref<1x64x128xf32, #tpu.memory_space<vmem>> -> memref<64x128xf32, #tpu.memory_space<vmem>>
      tpu.enqueue_dma source(%dma_start3A_392 : memref<64x128xf32, #tpu.memory_space<vmem>>) target(%dma_start3A_388 : memref<64x128xf32, #tpu.memory_space<vmem_shared>>) target_semaphore(%run_scoped3A_380 : memref<!tpu.dma_semaphore, #tpu.memory_space<semaphore_mem>>)
      %dma_wait3A_393 = arith.constant 0 : i32
      %dma_wait3A_394 = arith.constant 0 : i32
      %dma_wait3A_395 = tpu.memref_slice %arg8[%run_scoped3A_11, %dma_wait3A_393, %dma_wait3A_394] : memref<3x112x128xf32, #tpu.memory_space<vmem>> -> memref<1x64x128xf32, #tpu.memory_space<vmem>>
      %dma_wait3A_396 = tpu.memref_squeeze %dma_wait3A_395 : memref<1x64x128xf32, #tpu.memory_space<vmem>> -> memref<64x128xf32, #tpu.memory_space<vmem>>
      %dma_wait3A_397 = arith.constant 0 : i32
      %dma_wait3A_398 = tpu.memref_slice %arg9[%add3A_10, %dma_wait3A_397] : memref<10240x128xf32, #tpu.memory_space<vmem_shared>> -> memref<64x128xf32, #tpu.memory_space<vmem_shared>>
      %dma_wait3A_399 = arith.constant 0 : i32
      %dma_wait3A_400 = tpu.memref_slice %arg9[%add3A_10, %dma_wait3A_399] : memref<10240x128xf32, #tpu.memory_space<vmem_shared>> -> memref<64x128xf32, #tpu.memory_space<vmem_shared>>
      %dma_wait3A_401 = arith.constant 0 : i32
      %dma_wait3A_402 = arith.constant 0 : i32
      %dma_wait3A_403 = tpu.memref_slice %arg8[%run_scoped3A_11, %dma_wait3A_401, %dma_wait3A_402] : memref<3x112x128xf32, #tpu.memory_space<vmem>> -> memref<1x64x128xf32, #tpu.memory_space<vmem>>
      %dma_wait3A_404 = tpu.memref_squeeze %dma_wait3A_403 : memref<1x64x128xf32, #tpu.memory_space<vmem>> -> memref<64x128xf32, #tpu.memory_space<vmem>>
      tpu.wait_dma2 semaphore(%run_scoped3A_380 : memref<!tpu.dma_semaphore, #tpu.memory_space<semaphore_mem>>) src(%dma_wait3A_404 : memref<64x128xf32, #tpu.memory_space<vmem>>) dst(%dma_wait3A_400 : memref<64x128xf32, #tpu.memory_space<vmem_shared>>)
      tpu.yield
    }) : () -> ()
    %mul3A_12 = arith.constant 640 : i32
    %mul3A_13 = arith.muli %arg1, %mul3A_12 : i32
    %add3A_14 = arith.constant 128 : i32
    %add3A_15 = arith.addi %mul3A_13, %add3A_14 : i32
    %run_scoped3A_16 = arith.constant 0 : i32
    "tpu.region"() ({
      %run_scoped3A_380 = tpu.sem_alloc : memref<!tpu.dma_semaphore, #tpu.memory_space<semaphore_mem>>
      %dma_start3A_381 = arith.constant 0 : i32
      %dma_start3A_382 = arith.constant 0 : i32
      %dma_start3A_383 = tpu.memref_slice %arg8[%run_scoped3A_16, %dma_start3A_381, %dma_start3A_382] : memref<3x112x128xf32, #tpu.memory_space<vmem>> -> memref<1x64x128xf32, #tpu.memory_space<vmem>>
      %dma_start3A_384 = tpu.memref_squeeze %dma_start3A_383 : memref<1x64x128xf32, #tpu.memory_space<vmem>> -> memref<64x128xf32, #tpu.memory_space<vmem>>
      %dma_start3A_385 = arith.constant 0 : i32
      %dma_start3A_386 = tpu.memref_slice %arg9[%add3A_15, %dma_start3A_385] : memref<10240x128xf32, #tpu.memory_space<vmem_shared>> -> memref<64x128xf32, #tpu.memory_space<vmem_shared>>
      %dma_start3A_387 = arith.constant 0 : i32
      %dma_start3A_388 = tpu.memref_slice %arg9[%add3A_15, %dma_start3A_387] : memref<10240x128xf32, #tpu.memory_space<vmem_shared>> -> memref<64x128xf32, #tpu.memory_space<vmem_shared>>
      %dma_start3A_389 = arith.constant 0 : i32
      %dma_start3A_390 = arith.constant 0 : i32
      %dma_start3A_391 = tpu.memref_slice %arg8[%run_scoped3A_16, %dma_start3A_389, %dma_start3A_390] : memref<3x112x128xf32, #tpu.memory_space<vmem>> -> memref<1x64x128xf32, #tpu.memory_space<vmem>>
      %dma_start3A_392 = tpu.memref_squeeze %dma_start3A_391 : memref<1x64x128xf32, #tpu.memory_space<vmem>> -> memref<64x128xf32, #tpu.memory_space<vmem>>
      tpu.enqueue_dma source(%dma_start3A_392 : memref<64x128xf32, #tpu.memory_space<vmem>>) target(%dma_start3A_388 : memref<64x128xf32, #tpu.memory_space<vmem_shared>>) target_semaphore(%run_scoped3A_380 : memref<!tpu.dma_semaphore, #tpu.memory_space<semaphore_mem>>)
      %dma_wait3A_393 = arith.constant 0 : i32
      %dma_wait3A_394 = arith.constant 0 : i32
      %dma_wait3A_395 = tpu.memref_slice %arg8[%run_scoped3A_16, %dma_wait3A_393, %dma_wait3A_394] : memref<3x112x128xf32, #tpu.memory_space<vmem>> -> memref<1x64x128xf32, #tpu.memory_space<vmem>>
      %dma_wait3A_396 = tpu.memref_squeeze %dma_wait3A_395 : memref<1x64x128xf32, #tpu.memory_space<vmem>> -> memref<64x128xf32, #tpu.memory_space<vmem>>
      %dma_wait3A_397 = arith.constant 0 : i32
      %dma_wait3A_398 = tpu.memref_slice %arg9[%add3A_15, %dma_wait3A_397] : memref<10240x128xf32, #tpu.memory_space<vmem_shared>> -> memref<64x128xf32, #tpu.memory_space<vmem_shared>>
      %dma_wait3A_399 = arith.constant 0 : i32
      %dma_wait3A_400 = tpu.memref_slice %arg9[%add3A_15, %dma_wait3A_399] : memref<10240x128xf32, #tpu.memory_space<vmem_shared>> -> memref<64x128xf32, #tpu.memory_space<vmem_shared>>
      %dma_wait3A_401 = arith.constant 0 : i32
      %dma_wait3A_402 = arith.constant 0 : i32
      %dma_wait3A_403 = tpu.memref_slice %arg8[%run_scoped3A_16, %dma_wait3A_401, %dma_wait3A_402] : memref<3x112x128xf32, #tpu.memory_space<vmem>> -> memref<1x64x128xf32, #tpu.memory_space<vmem>>
      %dma_wait3A_404 = tpu.memref_squeeze %dma_wait3A_403 : memref<1x64x128xf32, #tpu.memory_space<vmem>> -> memref<64x128xf32, #tpu.memory_space<vmem>>
      tpu.wait_dma2 semaphore(%run_scoped3A_380 : memref<!tpu.dma_semaphore, #tpu.memory_space<semaphore_mem>>) src(%dma_wait3A_404 : memref<64x128xf32, #tpu.memory_space<vmem>>) dst(%dma_wait3A_400 : memref<64x128xf32, #tpu.memory_space<vmem_shared>>)
      tpu.yield
    }) : () -> ()
    %mul3A_17 = arith.constant 640 : i32
    %mul3A_18 = arith.muli %arg1, %mul3A_17 : i32
    %add3A_19 = arith.constant 192 : i32
    %add3A_20 = arith.addi %mul3A_18, %add3A_19 : i32
    %run_scoped3A_21 = arith.constant 0 : i32
    "tpu.region"() ({
      %run_scoped3A_380 = tpu.sem_alloc : memref<!tpu.dma_semaphore, #tpu.memory_space<semaphore_mem>>
      %dma_start3A_381 = arith.constant 0 : i32
      %dma_start3A_382 = arith.constant 0 : i32
      %dma_start3A_383 = tpu.memref_slice %arg8[%run_scoped3A_21, %dma_start3A_381, %dma_start3A_382] : memref<3x112x128xf32, #tpu.memory_space<vmem>> -> memref<1x64x128xf32, #tpu.memory_space<vmem>>
      %dma_start3A_384 = tpu.memref_squeeze %dma_start3A_383 : memref<1x64x128xf32, #tpu.memory_space<vmem>> -> memref<64x128xf32, #tpu.memory_space<vmem>>
      %dma_start3A_385 = arith.constant 0 : i32
      %dma_start3A_386 = tpu.memref_slice %arg9[%add3A_20, %dma_start3A_385] : memref<10240x128xf32, #tpu.memory_space<vmem_shared>> -> memref<64x128xf32, #tpu.memory_space<vmem_shared>>
      %dma_start3A_387 = arith.constant 0 : i32
      %dma_start3A_388 = tpu.memref_slice %arg9[%add3A_20, %dma_start3A_387] : memref<10240x128xf32, #tpu.memory_space<vmem_shared>> -> memref<64x128xf32, #tpu.memory_space<vmem_shared>>
      %dma_start3A_389 = arith.constant 0 : i32
      %dma_start3A_390 = arith.constant 0 : i32
      %dma_start3A_391 = tpu.memref_slice %arg8[%run_scoped3A_21, %dma_start3A_389, %dma_start3A_390] : memref<3x112x128xf32, #tpu.memory_space<vmem>> -> memref<1x64x128xf32, #tpu.memory_space<vmem>>
      %dma_start3A_392 = tpu.memref_squeeze %dma_start3A_391 : memref<1x64x128xf32, #tpu.memory_space<vmem>> -> memref<64x128xf32, #tpu.memory_space<vmem>>
      tpu.enqueue_dma source(%dma_start3A_392 : memref<64x128xf32, #tpu.memory_space<vmem>>) target(%dma_start3A_388 : memref<64x128xf32, #tpu.memory_space<vmem_shared>>) target_semaphore(%run_scoped3A_380 : memref<!tpu.dma_semaphore, #tpu.memory_space<semaphore_mem>>)
      %dma_wait3A_393 = arith.constant 0 : i32
      %dma_wait3A_394 = arith.constant 0 : i32
      %dma_wait3A_395 = tpu.memref_slice %arg8[%run_scoped3A_21, %dma_wait3A_393, %dma_wait3A_394] : memref<3x112x128xf32, #tpu.memory_space<vmem>> -> memref<1x64x128xf32, #tpu.memory_space<vmem>>
      %dma_wait3A_396 = tpu.memref_squeeze %dma_wait3A_395 : memref<1x64x128xf32, #tpu.memory_space<vmem>> -> memref<64x128xf32, #tpu.memory_space<vmem>>
      %dma_wait3A_397 = arith.constant 0 : i32
      %dma_wait3A_398 = tpu.memref_slice %arg9[%add3A_20, %dma_wait3A_397] : memref<10240x128xf32, #tpu.memory_space<vmem_shared>> -> memref<64x128xf32, #tpu.memory_space<vmem_shared>>
      %dma_wait3A_399 = arith.constant 0 : i32
      %dma_wait3A_400 = tpu.memref_slice %arg9[%add3A_20, %dma_wait3A_399] : memref<10240x128xf32, #tpu.memory_space<vmem_shared>> -> memref<64x128xf32, #tpu.memory_space<vmem_shared>>
      %dma_wait3A_401 = arith.constant 0 : i32
      %dma_wait3A_402 = arith.constant 0 : i32
      %dma_wait3A_403 = tpu.memref_slice %arg8[%run_scoped3A_21, %dma_wait3A_401, %dma_wait3A_402] : memref<3x112x128xf32, #tpu.memory_space<vmem>> -> memref<1x64x128xf32, #tpu.memory_space<vmem>>
      %dma_wait3A_404 = tpu.memref_squeeze %dma_wait3A_403 : memref<1x64x128xf32, #tpu.memory_space<vmem>> -> memref<64x128xf32, #tpu.memory_space<vmem>>
      tpu.wait_dma2 semaphore(%run_scoped3A_380 : memref<!tpu.dma_semaphore, #tpu.memory_space<semaphore_mem>>) src(%dma_wait3A_404 : memref<64x128xf32, #tpu.memory_space<vmem>>) dst(%dma_wait3A_400 : memref<64x128xf32, #tpu.memory_space<vmem_shared>>)
      tpu.yield
    }) : () -> ()
    %mul3A_22 = arith.constant 640 : i32
    %mul3A_23 = arith.muli %arg1, %mul3A_22 : i32
    %add3A_24 = arith.constant 256 : i32
    %add3A_25 = arith.addi %mul3A_23, %add3A_24 : i32
    %run_scoped3A_26 = arith.constant 0 : i32
    "tpu.region"() ({
      %run_scoped3A_380 = tpu.sem_alloc : memref<!tpu.dma_semaphore, #tpu.memory_space<semaphore_mem>>
      %dma_start3A_381 = arith.constant 0 : i32
      %dma_start3A_382 = arith.constant 0 : i32
      %dma_start3A_383 = tpu.memref_slice %arg8[%run_scoped3A_26, %dma_start3A_381, %dma_start3A_382] : memref<3x112x128xf32, #tpu.memory_space<vmem>> -> memref<1x64x128xf32, #tpu.memory_space<vmem>>
      %dma_start3A_384 = tpu.memref_squeeze %dma_start3A_383 : memref<1x64x128xf32, #tpu.memory_space<vmem>> -> memref<64x128xf32, #tpu.memory_space<vmem>>
      %dma_start3A_385 = arith.constant 0 : i32
      %dma_start3A_386 = tpu.memref_slice %arg9[%add3A_25, %dma_start3A_385] : memref<10240x128xf32, #tpu.memory_space<vmem_shared>> -> memref<64x128xf32, #tpu.memory_space<vmem_shared>>
      %dma_start3A_387 = arith.constant 0 : i32
      %dma_start3A_388 = tpu.memref_slice %arg9[%add3A_25, %dma_start3A_387] : memref<10240x128xf32, #tpu.memory_space<vmem_shared>> -> memref<64x128xf32, #tpu.memory_space<vmem_shared>>
      %dma_start3A_389 = arith.constant 0 : i32
      %dma_start3A_390 = arith.constant 0 : i32
      %dma_start3A_391 = tpu.memref_slice %arg8[%run_scoped3A_26, %dma_start3A_389, %dma_start3A_390] : memref<3x112x128xf32, #tpu.memory_space<vmem>> -> memref<1x64x128xf32, #tpu.memory_space<vmem>>
      %dma_start3A_392 = tpu.memref_squeeze %dma_start3A_391 : memref<1x64x128xf32, #tpu.memory_space<vmem>> -> memref<64x128xf32, #tpu.memory_space<vmem>>
      tpu.enqueue_dma source(%dma_start3A_392 : memref<64x128xf32, #tpu.memory_space<vmem>>) target(%dma_start3A_388 : memref<64x128xf32, #tpu.memory_space<vmem_shared>>) target_semaphore(%run_scoped3A_380 : memref<!tpu.dma_semaphore, #tpu.memory_space<semaphore_mem>>)
      %dma_wait3A_393 = arith.constant 0 : i32
      %dma_wait3A_394 = arith.constant 0 : i32
      %dma_wait3A_395 = tpu.memref_slice %arg8[%run_scoped3A_26, %dma_wait3A_393, %dma_wait3A_394] : memref<3x112x128xf32, #tpu.memory_space<vmem>> -> memref<1x64x128xf32, #tpu.memory_space<vmem>>
      %dma_wait3A_396 = tpu.memref_squeeze %dma_wait3A_395 : memref<1x64x128xf32, #tpu.memory_space<vmem>> -> memref<64x128xf32, #tpu.memory_space<vmem>>
      %dma_wait3A_397 = arith.constant 0 : i32
      %dma_wait3A_398 = tpu.memref_slice %arg9[%add3A_25, %dma_wait3A_397] : memref<10240x128xf32, #tpu.memory_space<vmem_shared>> -> memref<64x128xf32, #tpu.memory_space<vmem_shared>>
      %dma_wait3A_399 = arith.constant 0 : i32
      %dma_wait3A_400 = tpu.memref_slice %arg9[%add3A_25, %dma_wait3A_399] : memref<10240x128xf32, #tpu.memory_space<vmem_shared>> -> memref<64x128xf32, #tpu.memory_space<vmem_shared>>
      %dma_wait3A_401 = arith.constant 0 : i32
      %dma_wait3A_402 = arith.constant 0 : i32
      %dma_wait3A_403 = tpu.memref_slice %arg8[%run_scoped3A_26, %dma_wait3A_401, %dma_wait3A_402] : memref<3x112x128xf32, #tpu.memory_space<vmem>> -> memref<1x64x128xf32, #tpu.memory_space<vmem>>
      %dma_wait3A_404 = tpu.memref_squeeze %dma_wait3A_403 : memref<1x64x128xf32, #tpu.memory_space<vmem>> -> memref<64x128xf32, #tpu.memory_space<vmem>>
      tpu.wait_dma2 semaphore(%run_scoped3A_380 : memref<!tpu.dma_semaphore, #tpu.memory_space<semaphore_mem>>) src(%dma_wait3A_404 : memref<64x128xf32, #tpu.memory_space<vmem>>) dst(%dma_wait3A_400 : memref<64x128xf32, #tpu.memory_space<vmem_shared>>)
      tpu.yield
    }) : () -> ()
    %mul3A_27 = arith.constant 640 : i32
    %mul3A_28 = arith.muli %arg1, %mul3A_27 : i32
    %add3A_29 = arith.constant 320 : i32
    %add3A_30 = arith.addi %mul3A_28, %add3A_29 : i32
    %run_scoped3A_31 = arith.constant 0 : i32
    "tpu.region"() ({
      %run_scoped3A_380 = tpu.sem_alloc : memref<!tpu.dma_semaphore, #tpu.memory_space<semaphore_mem>>
      %dma_start3A_381 = arith.constant 0 : i32
      %dma_start3A_382 = arith.constant 0 : i32
      %dma_start3A_383 = tpu.memref_slice %arg8[%run_scoped3A_31, %dma_start3A_381, %dma_start3A_382] : memref<3x112x128xf32, #tpu.memory_space<vmem>> -> memref<1x64x128xf32, #tpu.memory_space<vmem>>
      %dma_start3A_384 = tpu.memref_squeeze %dma_start3A_383 : memref<1x64x128xf32, #tpu.memory_space<vmem>> -> memref<64x128xf32, #tpu.memory_space<vmem>>
      %dma_start3A_385 = arith.constant 0 : i32
      %dma_start3A_386 = tpu.memref_slice %arg9[%add3A_30, %dma_start3A_385] : memref<10240x128xf32, #tpu.memory_space<vmem_shared>> -> memref<64x128xf32, #tpu.memory_space<vmem_shared>>
      %dma_start3A_387 = arith.constant 0 : i32
      %dma_start3A_388 = tpu.memref_slice %arg9[%add3A_30, %dma_start3A_387] : memref<10240x128xf32, #tpu.memory_space<vmem_shared>> -> memref<64x128xf32, #tpu.memory_space<vmem_shared>>
      %dma_start3A_389 = arith.constant 0 : i32
      %dma_start3A_390 = arith.constant 0 : i32
      %dma_start3A_391 = tpu.memref_slice %arg8[%run_scoped3A_31, %dma_start3A_389, %dma_start3A_390] : memref<3x112x128xf32, #tpu.memory_space<vmem>> -> memref<1x64x128xf32, #tpu.memory_space<vmem>>
      %dma_start3A_392 = tpu.memref_squeeze %dma_start3A_391 : memref<1x64x128xf32, #tpu.memory_space<vmem>> -> memref<64x128xf32, #tpu.memory_space<vmem>>
      tpu.enqueue_dma source(%dma_start3A_392 : memref<64x128xf32, #tpu.memory_space<vmem>>) target(%dma_start3A_388 : memref<64x128xf32, #tpu.memory_space<vmem_shared>>) target_semaphore(%run_scoped3A_380 : memref<!tpu.dma_semaphore, #tpu.memory_space<semaphore_mem>>)
      %dma_wait3A_393 = arith.constant 0 : i32
      %dma_wait3A_394 = arith.constant 0 : i32
      %dma_wait3A_395 = tpu.memref_slice %arg8[%run_scoped3A_31, %dma_wait3A_393, %dma_wait3A_394] : memref<3x112x128xf32, #tpu.memory_space<vmem>> -> memref<1x64x128xf32, #tpu.memory_space<vmem>>
      %dma_wait3A_396 = tpu.memref_squeeze %dma_wait3A_395 : memref<1x64x128xf32, #tpu.memory_space<vmem>> -> memref<64x128xf32, #tpu.memory_space<vmem>>
      %dma_wait3A_397 = arith.constant 0 : i32
      %dma_wait3A_398 = tpu.memref_slice %arg9[%add3A_30, %dma_wait3A_397] : memref<10240x128xf32, #tpu.memory_space<vmem_shared>> -> memref<64x128xf32, #tpu.memory_space<vmem_shared>>
      %dma_wait3A_399 = arith.constant 0 : i32
      %dma_wait3A_400 = tpu.memref_slice %arg9[%add3A_30, %dma_wait3A_399] : memref<10240x128xf32, #tpu.memory_space<vmem_shared>> -> memref<64x128xf32, #tpu.memory_space<vmem_shared>>
      %dma_wait3A_401 = arith.constant 0 : i32
      %dma_wait3A_402 = arith.constant 0 : i32
      %dma_wait3A_403 = tpu.memref_slice %arg8[%run_scoped3A_31, %dma_wait3A_401, %dma_wait3A_402] : memref<3x112x128xf32, #tpu.memory_space<vmem>> -> memref<1x64x128xf32, #tpu.memory_space<vmem>>
      %dma_wait3A_404 = tpu.memref_squeeze %dma_wait3A_403 : memref<1x64x128xf32, #tpu.memory_space<vmem>> -> memref<64x128xf32, #tpu.memory_space<vmem>>
      tpu.wait_dma2 semaphore(%run_scoped3A_380 : memref<!tpu.dma_semaphore, #tpu.memory_space<semaphore_mem>>) src(%dma_wait3A_404 : memref<64x128xf32, #tpu.memory_space<vmem>>) dst(%dma_wait3A_400 : memref<64x128xf32, #tpu.memory_space<vmem_shared>>)
      tpu.yield
    }) : () -> ()
    %mul3A_32 = arith.constant 640 : i32
    %mul3A_33 = arith.muli %arg1, %mul3A_32 : i32
    %add3A_34 = arith.constant 384 : i32
    %add3A_35 = arith.addi %mul3A_33, %add3A_34 : i32
    %run_scoped3A_36 = arith.constant 0 : i32
    "tpu.region"() ({
      %run_scoped3A_380 = tpu.sem_alloc : memref<!tpu.dma_semaphore, #tpu.memory_space<semaphore_mem>>
      %dma_start3A_381 = arith.constant 0 : i32
      %dma_start3A_382 = arith.constant 0 : i32
      %dma_start3A_383 = tpu.memref_slice %arg8[%run_scoped3A_36, %dma_start3A_381, %dma_start3A_382] : memref<3x112x128xf32, #tpu.memory_space<vmem>> -> memref<1x64x128xf32, #tpu.memory_space<vmem>>
      %dma_start3A_384 = tpu.memref_squeeze %dma_start3A_383 : memref<1x64x128xf32, #tpu.memory_space<vmem>> -> memref<64x128xf32, #tpu.memory_space<vmem>>
      %dma_start3A_385 = arith.constant 0 : i32
      %dma_start3A_386 = tpu.memref_slice %arg9[%add3A_35, %dma_start3A_385] : memref<10240x128xf32, #tpu.memory_space<vmem_shared>> -> memref<64x128xf32, #tpu.memory_space<vmem_shared>>
      %dma_start3A_387 = arith.constant 0 : i32
      %dma_start3A_388 = tpu.memref_slice %arg9[%add3A_35, %dma_start3A_387] : memref<10240x128xf32, #tpu.memory_space<vmem_shared>> -> memref<64x128xf32, #tpu.memory_space<vmem_shared>>
      %dma_start3A_389 = arith.constant 0 : i32
      %dma_start3A_390 = arith.constant 0 : i32
      %dma_start3A_391 = tpu.memref_slice %arg8[%run_scoped3A_36, %dma_start3A_389, %dma_start3A_390] : memref<3x112x128xf32, #tpu.memory_space<vmem>> -> memref<1x64x128xf32, #tpu.memory_space<vmem>>
      %dma_start3A_392 = tpu.memref_squeeze %dma_start3A_391 : memref<1x64x128xf32, #tpu.memory_space<vmem>> -> memref<64x128xf32, #tpu.memory_space<vmem>>
      tpu.enqueue_dma source(%dma_start3A_392 : memref<64x128xf32, #tpu.memory_space<vmem>>) target(%dma_start3A_388 : memref<64x128xf32, #tpu.memory_space<vmem_shared>>) target_semaphore(%run_scoped3A_380 : memref<!tpu.dma_semaphore, #tpu.memory_space<semaphore_mem>>)
      %dma_wait3A_393 = arith.constant 0 : i32
      %dma_wait3A_394 = arith.constant 0 : i32
      %dma_wait3A_395 = tpu.memref_slice %arg8[%run_scoped3A_36, %dma_wait3A_393, %dma_wait3A_394] : memref<3x112x128xf32, #tpu.memory_space<vmem>> -> memref<1x64x128xf32, #tpu.memory_space<vmem>>
      %dma_wait3A_396 = tpu.memref_squeeze %dma_wait3A_395 : memref<1x64x128xf32, #tpu.memory_space<vmem>> -> memref<64x128xf32, #tpu.memory_space<vmem>>
      %dma_wait3A_397 = arith.constant 0 : i32
      %dma_wait3A_398 = tpu.memref_slice %arg9[%add3A_35, %dma_wait3A_397] : memref<10240x128xf32, #tpu.memory_space<vmem_shared>> -> memref<64x128xf32, #tpu.memory_space<vmem_shared>>
      %dma_wait3A_399 = arith.constant 0 : i32
      %dma_wait3A_400 = tpu.memref_slice %arg9[%add3A_35, %dma_wait3A_399] : memref<10240x128xf32, #tpu.memory_space<vmem_shared>> -> memref<64x128xf32, #tpu.memory_space<vmem_shared>>
      %dma_wait3A_401 = arith.constant 0 : i32
      %dma_wait3A_402 = arith.constant 0 : i32
      %dma_wait3A_403 = tpu.memref_slice %arg8[%run_scoped3A_36, %dma_wait3A_401, %dma_wait3A_402] : memref<3x112x128xf32, #tpu.memory_space<vmem>> -> memref<1x64x128xf32, #tpu.memory_space<vmem>>
      %dma_wait3A_404 = tpu.memref_squeeze %dma_wait3A_403 : memref<1x64x128xf32, #tpu.memory_space<vmem>> -> memref<64x128xf32, #tpu.memory_space<vmem>>
      tpu.wait_dma2 semaphore(%run_scoped3A_380 : memref<!tpu.dma_semaphore, #tpu.memory_space<semaphore_mem>>) src(%dma_wait3A_404 : memref<64x128xf32, #tpu.memory_space<vmem>>) dst(%dma_wait3A_400 : memref<64x128xf32, #tpu.memory_space<vmem_shared>>)
      tpu.yield
    }) : () -> ()
    %mul3A_37 = arith.constant 640 : i32
    %mul3A_38 = arith.muli %arg1, %mul3A_37 : i32
    %add3A_39 = arith.constant 448 : i32
    %add3A_40 = arith.addi %mul3A_38, %add3A_39 : i32
    %run_scoped3A_41 = arith.constant 0 : i32
    "tpu.region"() ({
      %run_scoped3A_380 = tpu.sem_alloc : memref<!tpu.dma_semaphore, #tpu.memory_space<semaphore_mem>>
      %dma_start3A_381 = arith.constant 0 : i32
      %dma_start3A_382 = arith.constant 0 : i32
      %dma_start3A_383 = tpu.memref_slice %arg8[%run_scoped3A_41, %dma_start3A_381, %dma_start3A_382] : memref<3x112x128xf32, #tpu.memory_space<vmem>> -> memref<1x64x128xf32, #tpu.memory_space<vmem>>
      %dma_start3A_384 = tpu.memref_squeeze %dma_start3A_383 : memref<1x64x128xf32, #tpu.memory_space<vmem>> -> memref<64x128xf32, #tpu.memory_space<vmem>>
      %dma_start3A_385 = arith.constant 0 : i32
      %dma_start3A_386 = tpu.memref_slice %arg9[%add3A_40, %dma_start3A_385] : memref<10240x128xf32, #tpu.memory_space<vmem_shared>> -> memref<64x128xf32, #tpu.memory_space<vmem_shared>>
      %dma_start3A_387 = arith.constant 0 : i32
      %dma_start3A_388 = tpu.memref_slice %arg9[%add3A_40, %dma_start3A_387] : memref<10240x128xf32, #tpu.memory_space<vmem_shared>> -> memref<64x128xf32, #tpu.memory_space<vmem_shared>>
      %dma_start3A_389 = arith.constant 0 : i32
      %dma_start3A_390 = arith.constant 0 : i32
      %dma_start3A_391 = tpu.memref_slice %arg8[%run_scoped3A_41, %dma_start3A_389, %dma_start3A_390] : memref<3x112x128xf32, #tpu.memory_space<vmem>> -> memref<1x64x128xf32, #tpu.memory_space<vmem>>
      %dma_start3A_392 = tpu.memref_squeeze %dma_start3A_391 : memref<1x64x128xf32, #tpu.memory_space<vmem>> -> memref<64x128xf32, #tpu.memory_space<vmem>>
      tpu.enqueue_dma source(%dma_start3A_392 : memref<64x128xf32, #tpu.memory_space<vmem>>) target(%dma_start3A_388 : memref<64x128xf32, #tpu.memory_space<vmem_shared>>) target_semaphore(%run_scoped3A_380 : memref<!tpu.dma_semaphore, #tpu.memory_space<semaphore_mem>>)
      %dma_wait3A_393 = arith.constant 0 : i32
      %dma_wait3A_394 = arith.constant 0 : i32
      %dma_wait3A_395 = tpu.memref_slice %arg8[%run_scoped3A_41, %dma_wait3A_393, %dma_wait3A_394] : memref<3x112x128xf32, #tpu.memory_space<vmem>> -> memref<1x64x128xf32, #tpu.memory_space<vmem>>
      %dma_wait3A_396 = tpu.memref_squeeze %dma_wait3A_395 : memref<1x64x128xf32, #tpu.memory_space<vmem>> -> memref<64x128xf32, #tpu.memory_space<vmem>>
      %dma_wait3A_397 = arith.constant 0 : i32
      %dma_wait3A_398 = tpu.memref_slice %arg9[%add3A_40, %dma_wait3A_397] : memref<10240x128xf32, #tpu.memory_space<vmem_shared>> -> memref<64x128xf32, #tpu.memory_space<vmem_shared>>
      %dma_wait3A_399 = arith.constant 0 : i32
      %dma_wait3A_400 = tpu.memref_slice %arg9[%add3A_40, %dma_wait3A_399] : memref<10240x128xf32, #tpu.memory_space<vmem_shared>> -> memref<64x128xf32, #tpu.memory_space<vmem_shared>>
      %dma_wait3A_401 = arith.constant 0 : i32
      %dma_wait3A_402 = arith.constant 0 : i32
      %dma_wait3A_403 = tpu.memref_slice %arg8[%run_scoped3A_41, %dma_wait3A_401, %dma_wait3A_402] : memref<3x112x128xf32, #tpu.memory_space<vmem>> -> memref<1x64x128xf32, #tpu.memory_space<vmem>>
      %dma_wait3A_404 = tpu.memref_squeeze %dma_wait3A_403 : memref<1x64x128xf32, #tpu.memory_space<vmem>> -> memref<64x128xf32, #tpu.memory_space<vmem>>
      tpu.wait_dma2 semaphore(%run_scoped3A_380 : memref<!tpu.dma_semaphore, #tpu.memory_space<semaphore_mem>>) src(%dma_wait3A_404 : memref<64x128xf32, #tpu.memory_space<vmem>>) dst(%dma_wait3A_400 : memref<64x128xf32, #tpu.memory_space<vmem_shared>>)
      tpu.yield
    }) : () -> ()
    %mul3A_42 = arith.constant 640 : i32
    %mul3A_43 = arith.muli %arg1, %mul3A_42 : i32
    %add3A_44 = arith.constant 512 : i32
    %add3A_45 = arith.addi %mul3A_43, %add3A_44 : i32
    %run_scoped3A_46 = arith.constant 0 : i32
    "tpu.region"() ({
      %run_scoped3A_380 = tpu.sem_alloc : memref<!tpu.dma_semaphore, #tpu.memory_space<semaphore_mem>>
      %dma_start3A_381 = arith.constant 0 : i32
      %dma_start3A_382 = arith.constant 0 : i32
      %dma_start3A_383 = tpu.memref_slice %arg8[%run_scoped3A_46, %dma_start3A_381, %dma_start3A_382] : memref<3x112x128xf32, #tpu.memory_space<vmem>> -> memref<1x64x128xf32, #tpu.memory_space<vmem>>
      %dma_start3A_384 = tpu.memref_squeeze %dma_start3A_383 : memref<1x64x128xf32, #tpu.memory_space<vmem>> -> memref<64x128xf32, #tpu.memory_space<vmem>>
      %dma_start3A_385 = arith.constant 0 : i32
      %dma_start3A_386 = tpu.memref_slice %arg9[%add3A_45, %dma_start3A_385] : memref<10240x128xf32, #tpu.memory_space<vmem_shared>> -> memref<64x128xf32, #tpu.memory_space<vmem_shared>>
      %dma_start3A_387 = arith.constant 0 : i32
      %dma_start3A_388 = tpu.memref_slice %arg9[%add3A_45, %dma_start3A_387] : memref<10240x128xf32, #tpu.memory_space<vmem_shared>> -> memref<64x128xf32, #tpu.memory_space<vmem_shared>>
      %dma_start3A_389 = arith.constant 0 : i32
      %dma_start3A_390 = arith.constant 0 : i32
      %dma_start3A_391 = tpu.memref_slice %arg8[%run_scoped3A_46, %dma_start3A_389, %dma_start3A_390] : memref<3x112x128xf32, #tpu.memory_space<vmem>> -> memref<1x64x128xf32, #tpu.memory_space<vmem>>
      %dma_start3A_392 = tpu.memref_squeeze %dma_start3A_391 : memref<1x64x128xf32, #tpu.memory_space<vmem>> -> memref<64x128xf32, #tpu.memory_space<vmem>>
      tpu.enqueue_dma source(%dma_start3A_392 : memref<64x128xf32, #tpu.memory_space<vmem>>) target(%dma_start3A_388 : memref<64x128xf32, #tpu.memory_space<vmem_shared>>) target_semaphore(%run_scoped3A_380 : memref<!tpu.dma_semaphore, #tpu.memory_space<semaphore_mem>>)
      %dma_wait3A_393 = arith.constant 0 : i32
      %dma_wait3A_394 = arith.constant 0 : i32
      %dma_wait3A_395 = tpu.memref_slice %arg8[%run_scoped3A_46, %dma_wait3A_393, %dma_wait3A_394] : memref<3x112x128xf32, #tpu.memory_space<vmem>> -> memref<1x64x128xf32, #tpu.memory_space<vmem>>
      %dma_wait3A_396 = tpu.memref_squeeze %dma_wait3A_395 : memref<1x64x128xf32, #tpu.memory_space<vmem>> -> memref<64x128xf32, #tpu.memory_space<vmem>>
      %dma_wait3A_397 = arith.constant 0 : i32
      %dma_wait3A_398 = tpu.memref_slice %arg9[%add3A_45, %dma_wait3A_397] : memref<10240x128xf32, #tpu.memory_space<vmem_shared>> -> memref<64x128xf32, #tpu.memory_space<vmem_shared>>
      %dma_wait3A_399 = arith.constant 0 : i32
      %dma_wait3A_400 = tpu.memref_slice %arg9[%add3A_45, %dma_wait3A_399] : memref<10240x128xf32, #tpu.memory_space<vmem_shared>> -> memref<64x128xf32, #tpu.memory_space<vmem_shared>>
      %dma_wait3A_401 = arith.constant 0 : i32
      %dma_wait3A_402 = arith.constant 0 : i32
      %dma_wait3A_403 = tpu.memref_slice %arg8[%run_scoped3A_46, %dma_wait3A_401, %dma_wait3A_402] : memref<3x112x128xf32, #tpu.memory_space<vmem>> -> memref<1x64x128xf32, #tpu.memory_space<vmem>>
      %dma_wait3A_404 = tpu.memref_squeeze %dma_wait3A_403 : memref<1x64x128xf32, #tpu.memory_space<vmem>> -> memref<64x128xf32, #tpu.memory_space<vmem>>
      tpu.wait_dma2 semaphore(%run_scoped3A_380 : memref<!tpu.dma_semaphore, #tpu.memory_space<semaphore_mem>>) src(%dma_wait3A_404 : memref<64x128xf32, #tpu.memory_space<vmem>>) dst(%dma_wait3A_400 : memref<64x128xf32, #tpu.memory_space<vmem_shared>>)
      tpu.yield
    }) : () -> ()
    %mul3A_47 = arith.constant 640 : i32
    %mul3A_48 = arith.muli %arg1, %mul3A_47 : i32
    %add3A_49 = arith.constant 576 : i32
    %add3A_50 = arith.addi %mul3A_48, %add3A_49 : i32
    %run_scoped3A_51 = arith.constant 0 : i32
    "tpu.region"() ({
      %run_scoped3A_380 = tpu.sem_alloc : memref<!tpu.dma_semaphore, #tpu.memory_space<semaphore_mem>>
      %dma_start3A_381 = arith.constant 0 : i32
      %dma_start3A_382 = arith.constant 0 : i32
      %dma_start3A_383 = tpu.memref_slice %arg8[%run_scoped3A_51, %dma_start3A_381, %dma_start3A_382] : memref<3x112x128xf32, #tpu.memory_space<vmem>> -> memref<1x64x128xf32, #tpu.memory_space<vmem>>
      %dma_start3A_384 = tpu.memref_squeeze %dma_start3A_383 : memref<1x64x128xf32, #tpu.memory_space<vmem>> -> memref<64x128xf32, #tpu.memory_space<vmem>>
      %dma_start3A_385 = arith.constant 0 : i32
      %dma_start3A_386 = tpu.memref_slice %arg9[%add3A_50, %dma_start3A_385] : memref<10240x128xf32, #tpu.memory_space<vmem_shared>> -> memref<64x128xf32, #tpu.memory_space<vmem_shared>>
      %dma_start3A_387 = arith.constant 0 : i32
      %dma_start3A_388 = tpu.memref_slice %arg9[%add3A_50, %dma_start3A_387] : memref<10240x128xf32, #tpu.memory_space<vmem_shared>> -> memref<64x128xf32, #tpu.memory_space<vmem_shared>>
      %dma_start3A_389 = arith.constant 0 : i32
      %dma_start3A_390 = arith.constant 0 : i32
      %dma_start3A_391 = tpu.memref_slice %arg8[%run_scoped3A_51, %dma_start3A_389, %dma_start3A_390] : memref<3x112x128xf32, #tpu.memory_space<vmem>> -> memref<1x64x128xf32, #tpu.memory_space<vmem>>
      %dma_start3A_392 = tpu.memref_squeeze %dma_start3A_391 : memref<1x64x128xf32, #tpu.memory_space<vmem>> -> memref<64x128xf32, #tpu.memory_space<vmem>>
      tpu.enqueue_dma source(%dma_start3A_392 : memref<64x128xf32, #tpu.memory_space<vmem>>) target(%dma_start3A_388 : memref<64x128xf32, #tpu.memory_space<vmem_shared>>) target_semaphore(%run_scoped3A_380 : memref<!tpu.dma_semaphore, #tpu.memory_space<semaphore_mem>>)
      %dma_wait3A_393 = arith.constant 0 : i32
      %dma_wait3A_394 = arith.constant 0 : i32
      %dma_wait3A_395 = tpu.memref_slice %arg8[%run_scoped3A_51, %dma_wait3A_393, %dma_wait3A_394] : memref<3x112x128xf32, #tpu.memory_space<vmem>> -> memref<1x64x128xf32, #tpu.memory_space<vmem>>
      %dma_wait3A_396 = tpu.memref_squeeze %dma_wait3A_395 : memref<1x64x128xf32, #tpu.memory_space<vmem>> -> memref<64x128xf32, #tpu.memory_space<vmem>>
      %dma_wait3A_397 = arith.constant 0 : i32
      %dma_wait3A_398 = tpu.memref_slice %arg9[%add3A_50, %dma_wait3A_397] : memref<10240x128xf32, #tpu.memory_space<vmem_shared>> -> memref<64x128xf32, #tpu.memory_space<vmem_shared>>
      %dma_wait3A_399 = arith.constant 0 : i32
      %dma_wait3A_400 = tpu.memref_slice %arg9[%add3A_50, %dma_wait3A_399] : memref<10240x128xf32, #tpu.memory_space<vmem_shared>> -> memref<64x128xf32, #tpu.memory_space<vmem_shared>>
      %dma_wait3A_401 = arith.constant 0 : i32
      %dma_wait3A_402 = arith.constant 0 : i32
      %dma_wait3A_403 = tpu.memref_slice %arg8[%run_scoped3A_51, %dma_wait3A_401, %dma_wait3A_402] : memref<3x112x128xf32, #tpu.memory_space<vmem>> -> memref<1x64x128xf32, #tpu.memory_space<vmem>>
      %dma_wait3A_404 = tpu.memref_squeeze %dma_wait3A_403 : memref<1x64x128xf32, #tpu.memory_space<vmem>> -> memref<64x128xf32, #tpu.memory_space<vmem>>
      tpu.wait_dma2 semaphore(%run_scoped3A_380 : memref<!tpu.dma_semaphore, #tpu.memory_space<semaphore_mem>>) src(%dma_wait3A_404 : memref<64x128xf32, #tpu.memory_space<vmem>>) dst(%dma_wait3A_400 : memref<64x128xf32, #tpu.memory_space<vmem_shared>>)
      tpu.yield
    }) : () -> ()
    %broadcast_in_dim3A = arith.constant 10232 : i32
    %broadcast_in_dim3A_52 = vector.broadcast %broadcast_in_dim3A : i32 to vector<16xi32>
    %swap3A = arith.constant 0 : i32
    %swap3A_53 = arith.constant 0 : i32
    %swap3A_54 = arith.index_cast %swap3A : i32 to index
    %swap3A_55 = arith.index_cast %swap3A_53 : i32 to index
    %swap3A_56 = arith.constant 0 : index
    %swap3A_57 = tpu.vector_load %arg7[%swap3A_54, %swap3A_55, %swap3A_56] {strides = array<i32>} : memref<3x1x112xi32, #tpu.memory_space<vmem>>, vector<1x1x16xi32>,
    %swap3A_58 = vector.shape_cast %swap3A_57 : vector<1x1x16xi32> to vector<16xi32>
    %swap3A_59 = vector.shape_cast %broadcast_in_dim3A_52 : vector<16xi32> to vector<1x1x16xi32>
    tpu.vector_store %arg7[%swap3A_54, %swap3A_55, %swap3A_56], %swap3A_59 {strides = array<i32>} : memref<3x1x112xi32, #tpu.memory_space<vmem>>, vector<1x1x16xi32>,
    %broadcast_in_dim3A_60 = arith.constant 10232 : i32
    %broadcast_in_dim3A_61 = vector.broadcast %broadcast_in_dim3A_60 : i32 to vector<16xi32>
    %swap3A_62 = arith.constant 0 : i32
    %swap3A_63 = arith.constant 0 : i32
    %swap3A_64 = arith.index_cast %swap3A_62 : i32 to index
    %swap3A_65 = arith.index_cast %swap3A_63 : i32 to index
    %swap3A_66 = arith.constant 16 : index
    %swap3A_67 = tpu.vector_load %arg7[%swap3A_64, %swap3A_65, %swap3A_66] {strides = array<i32>} : memref<3x1x112xi32, #tpu.memory_space<vmem>>, vector<1x1x16xi32>,
    %swap3A_68 = vector.shape_cast %swap3A_67 : vector<1x1x16xi32> to vector<16xi32>
    %swap3A_69 = vector.shape_cast %broadcast_in_dim3A_61 : vector<16xi32> to vector<1x1x16xi32>
    tpu.vector_store %arg7[%swap3A_64, %swap3A_65, %swap3A_66], %swap3A_69 {strides = array<i32>} : memref<3x1x112xi32, #tpu.memory_space<vmem>>, vector<1x1x16xi32>,
    %broadcast_in_dim3A_70 = arith.constant 10232 : i32
    %broadcast_in_dim3A_71 = vector.broadcast %broadcast_in_dim3A_70 : i32 to vector<16xi32>
    %swap3A_72 = arith.constant 0 : i32
    %swap3A_73 = arith.constant 0 : i32
    %swap3A_74 = arith.index_cast %swap3A_72 : i32 to index
    %swap3A_75 = arith.index_cast %swap3A_73 : i32 to index
    %swap3A_76 = arith.constant 32 : index
    %swap3A_77 = tpu.vector_load %arg7[%swap3A_74, %swap3A_75, %swap3A_76] {strides = array<i32>} : memref<3x1x112xi32, #tpu.memory_space<vmem>>, vector<1x1x16xi32>,
    %swap3A_78 = vector.shape_cast %swap3A_77 : vector<1x1x16xi32> to vector<16xi32>
    %swap3A_79 = vector.shape_cast %broadcast_in_dim3A_71 : vector<16xi32> to vector<1x1x16xi32>
    tpu.vector_store %arg7[%swap3A_74, %swap3A_75, %swap3A_76], %swap3A_79 {strides = array<i32>} : memref<3x1x112xi32, #tpu.memory_space<vmem>>, vector<1x1x16xi32>,
    %broadcast_in_dim3A_80 = arith.constant 10232 : i32
    %broadcast_in_dim3A_81 = vector.broadcast %broadcast_in_dim3A_80 : i32 to vector<16xi32>
    %swap3A_82 = arith.constant 0 : i32
    %swap3A_83 = arith.constant 0 : i32
    %swap3A_84 = arith.index_cast %swap3A_82 : i32 to index
    %swap3A_85 = arith.index_cast %swap3A_83 : i32 to index
    %swap3A_86 = arith.constant 48 : index
    %swap3A_87 = tpu.vector_load %arg7[%swap3A_84, %swap3A_85, %swap3A_86] {strides = array<i32>} : memref<3x1x112xi32, #tpu.memory_space<vmem>>, vector<1x1x16xi32>,
    %swap3A_88 = vector.shape_cast %swap3A_87 : vector<1x1x16xi32> to vector<16xi32>
    %swap3A_89 = vector.shape_cast %broadcast_in_dim3A_81 : vector<16xi32> to vector<1x1x16xi32>
    tpu.vector_store %arg7[%swap3A_84, %swap3A_85, %swap3A_86], %swap3A_89 {strides = array<i32>} : memref<3x1x112xi32, #tpu.memory_space<vmem>>, vector<1x1x16xi32>,
    %broadcast_in_dim3A_90 = arith.constant 10232 : i32
    %broadcast_in_dim3A_91 = vector.broadcast %broadcast_in_dim3A_90 : i32 to vector<16xi32>
    %swap3A_92 = arith.constant 0 : i32
    %swap3A_93 = arith.constant 0 : i32
    %swap3A_94 = arith.index_cast %swap3A_92 : i32 to index
    %swap3A_95 = arith.index_cast %swap3A_93 : i32 to index
    %swap3A_96 = arith.constant 64 : index
    %swap3A_97 = tpu.vector_load %arg7[%swap3A_94, %swap3A_95, %swap3A_96] {strides = array<i32>} : memref<3x1x112xi32, #tpu.memory_space<vmem>>, vector<1x1x16xi32>,
    %swap3A_98 = vector.shape_cast %swap3A_97 : vector<1x1x16xi32> to vector<16xi32>
    %swap3A_99 = vector.shape_cast %broadcast_in_dim3A_91 : vector<16xi32> to vector<1x1x16xi32>
    tpu.vector_store %arg7[%swap3A_94, %swap3A_95, %swap3A_96], %swap3A_99 {strides = array<i32>} : memref<3x1x112xi32, #tpu.memory_space<vmem>>, vector<1x1x16xi32>,
    %broadcast_in_dim3A_100 = arith.constant 10232 : i32
    %broadcast_in_dim3A_101 = vector.broadcast %broadcast_in_dim3A_100 : i32 to vector<16xi32>
    %swap3A_102 = arith.constant 0 : i32
    %swap3A_103 = arith.constant 0 : i32
    %swap3A_104 = arith.index_cast %swap3A_102 : i32 to index
    %swap3A_105 = arith.index_cast %swap3A_103 : i32 to index
    %swap3A_106 = arith.constant 80 : index
    %swap3A_107 = tpu.vector_load %arg7[%swap3A_104, %swap3A_105, %swap3A_106] {strides = array<i32>} : memref<3x1x112xi32, #tpu.memory_space<vmem>>, vector<1x1x16xi32>,
    %swap3A_108 = vector.shape_cast %swap3A_107 : vector<1x1x16xi32> to vector<16xi32>
    %swap3A_109 = vector.shape_cast %broadcast_in_dim3A_101 : vector<16xi32> to vector<1x1x16xi32>
    tpu.vector_store %arg7[%swap3A_104, %swap3A_105, %swap3A_106], %swap3A_109 {strides = array<i32>} : memref<3x1x112xi32, #tpu.memory_space<vmem>>, vector<1x1x16xi32>,
    %broadcast_in_dim3A_110 = arith.constant 10232 : i32
    %broadcast_in_dim3A_111 = vector.broadcast %broadcast_in_dim3A_110 : i32 to vector<16xi32>
    %swap3A_112 = arith.constant 0 : i32
    %swap3A_113 = arith.constant 0 : i32
    %swap3A_114 = arith.index_cast %swap3A_112 : i32 to index
    %swap3A_115 = arith.index_cast %swap3A_113 : i32 to index
    %swap3A_116 = arith.constant 96 : index
    %swap3A_117 = tpu.vector_load %arg7[%swap3A_114, %swap3A_115, %swap3A_116] {strides = array<i32>} : memref<3x1x112xi32, #tpu.memory_space<vmem>>, vector<1x1x16xi32>,
    %swap3A_118 = vector.shape_cast %swap3A_117 : vector<1x1x16xi32> to vector<16xi32>
    %swap3A_119 = vector.shape_cast %broadcast_in_dim3A_111 : vector<16xi32> to vector<1x1x16xi32>
    tpu.vector_store %arg7[%swap3A_114, %swap3A_115, %swap3A_116], %swap3A_119 {strides = array<i32>} : memref<3x1x112xi32, #tpu.memory_space<vmem>>, vector<1x1x16xi32>,
    %broadcast_in_dim3A_120 = arith.constant 10232 : i32
    %broadcast_in_dim3A_121 = vector.broadcast %broadcast_in_dim3A_120 : i32 to vector<16xi32>
    %swap3A_122 = arith.constant 1 : i32
    %swap3A_123 = arith.constant 0 : i32
    %swap3A_124 = arith.index_cast %swap3A_122 : i32 to index
    %swap3A_125 = arith.index_cast %swap3A_123 : i32 to index
    %swap3A_126 = arith.constant 0 : index
    %swap3A_127 = tpu.vector_load %arg7[%swap3A_124, %swap3A_125, %swap3A_126] {strides = array<i32>} : memref<3x1x112xi32, #tpu.memory_space<vmem>>, vector<1x1x16xi32>,
    %swap3A_128 = vector.shape_cast %swap3A_127 : vector<1x1x16xi32> to vector<16xi32>
    %swap3A_129 = vector.shape_cast %broadcast_in_dim3A_121 : vector<16xi32> to vector<1x1x16xi32>
    tpu.vector_store %arg7[%swap3A_124, %swap3A_125, %swap3A_126], %swap3A_129 {strides = array<i32>} : memref<3x1x112xi32, #tpu.memory_space<vmem>>, vector<1x1x16xi32>,
    %broadcast_in_dim3A_130 = arith.constant 10232 : i32
    %broadcast_in_dim3A_131 = vector.broadcast %broadcast_in_dim3A_130 : i32 to vector<16xi32>
    %swap3A_132 = arith.constant 1 : i32
    %swap3A_133 = arith.constant 0 : i32
    %swap3A_134 = arith.index_cast %swap3A_132 : i32 to index
    %swap3A_135 = arith.index_cast %swap3A_133 : i32 to index
    %swap3A_136 = arith.constant 16 : index
    %swap3A_137 = tpu.vector_load %arg7[%swap3A_134, %swap3A_135, %swap3A_136] {strides = array<i32>} : memref<3x1x112xi32, #tpu.memory_space<vmem>>, vector<1x1x16xi32>,
    %swap3A_138 = vector.shape_cast %swap3A_137 : vector<1x1x16xi32> to vector<16xi32>
    %swap3A_139 = vector.shape_cast %broadcast_in_dim3A_131 : vector<16xi32> to vector<1x1x16xi32>
    tpu.vector_store %arg7[%swap3A_134, %swap3A_135, %swap3A_136], %swap3A_139 {strides = array<i32>} : memref<3x1x112xi32, #tpu.memory_space<vmem>>, vector<1x1x16xi32>,
    %broadcast_in_dim3A_140 = arith.constant 10232 : i32
    %broadcast_in_dim3A_141 = vector.broadcast %broadcast_in_dim3A_140 : i32 to vector<16xi32>
    %swap3A_142 = arith.constant 1 : i32
    %swap3A_143 = arith.constant 0 : i32
    %swap3A_144 = arith.index_cast %swap3A_142 : i32 to index
    %swap3A_145 = arith.index_cast %swap3A_143 : i32 to index
    %swap3A_146 = arith.constant 32 : index
    %swap3A_147 = tpu.vector_load %arg7[%swap3A_144, %swap3A_145, %swap3A_146] {strides = array<i32>} : memref<3x1x112xi32, #tpu.memory_space<vmem>>, vector<1x1x16xi32>,
    %swap3A_148 = vector.shape_cast %swap3A_147 : vector<1x1x16xi32> to vector<16xi32>
    %swap3A_149 = vector.shape_cast %broadcast_in_dim3A_141 : vector<16xi32> to vector<1x1x16xi32>
    tpu.vector_store %arg7[%swap3A_144, %swap3A_145, %swap3A_146], %swap3A_149 {strides = array<i32>} : memref<3x1x112xi32, #tpu.memory_space<vmem>>, vector<1x1x16xi32>,
    %broadcast_in_dim3A_150 = arith.constant 10232 : i32
    %broadcast_in_dim3A_151 = vector.broadcast %broadcast_in_dim3A_150 : i32 to vector<16xi32>
    %swap3A_152 = arith.constant 1 : i32
    %swap3A_153 = arith.constant 0 : i32
    %swap3A_154 = arith.index_cast %swap3A_152 : i32 to index
    %swap3A_155 = arith.index_cast %swap3A_153 : i32 to index
    %swap3A_156 = arith.constant 48 : index
    %swap3A_157 = tpu.vector_load %arg7[%swap3A_154, %swap3A_155, %swap3A_156] {strides = array<i32>} : memref<3x1x112xi32, #tpu.memory_space<vmem>>, vector<1x1x16xi32>,
    %swap3A_158 = vector.shape_cast %swap3A_157 : vector<1x1x16xi32> to vector<16xi32>
    %swap3A_159 = vector.shape_cast %broadcast_in_dim3A_151 : vector<16xi32> to vector<1x1x16xi32>
    tpu.vector_store %arg7[%swap3A_154, %swap3A_155, %swap3A_156], %swap3A_159 {strides = array<i32>} : memref<3x1x112xi32, #tpu.memory_space<vmem>>, vector<1x1x16xi32>,
    %broadcast_in_dim3A_160 = arith.constant 10232 : i32
    %broadcast_in_dim3A_161 = vector.broadcast %broadcast_in_dim3A_160 : i32 to vector<16xi32>
    %swap3A_162 = arith.constant 1 : i32
    %swap3A_163 = arith.constant 0 : i32
    %swap3A_164 = arith.index_cast %swap3A_162 : i32 to index
    %swap3A_165 = arith.index_cast %swap3A_163 : i32 to index
    %swap3A_166 = arith.constant 64 : index
    %swap3A_167 = tpu.vector_load %arg7[%swap3A_164, %swap3A_165, %swap3A_166] {strides = array<i32>} : memref<3x1x112xi32, #tpu.memory_space<vmem>>, vector<1x1x16xi32>,
    %swap3A_168 = vector.shape_cast %swap3A_167 : vector<1x1x16xi32> to vector<16xi32>
    %swap3A_169 = vector.shape_cast %broadcast_in_dim3A_161 : vector<16xi32> to vector<1x1x16xi32>
    tpu.vector_store %arg7[%swap3A_164, %swap3A_165, %swap3A_166], %swap3A_169 {strides = array<i32>} : memref<3x1x112xi32, #tpu.memory_space<vmem>>, vector<1x1x16xi32>,
    %broadcast_in_dim3A_170 = arith.constant 10232 : i32
    %broadcast_in_dim3A_171 = vector.broadcast %broadcast_in_dim3A_170 : i32 to vector<16xi32>
    %swap3A_172 = arith.constant 1 : i32
    %swap3A_173 = arith.constant 0 : i32
    %swap3A_174 = arith.index_cast %swap3A_172 : i32 to index
    %swap3A_175 = arith.index_cast %swap3A_173 : i32 to index
    %swap3A_176 = arith.constant 80 : index
    %swap3A_177 = tpu.vector_load %arg7[%swap3A_174, %swap3A_175, %swap3A_176] {strides = array<i32>} : memref<3x1x112xi32, #tpu.memory_space<vmem>>, vector<1x1x16xi32>,
    %swap3A_178 = vector.shape_cast %swap3A_177 : vector<1x1x16xi32> to vector<16xi32>
    %swap3A_179 = vector.shape_cast %broadcast_in_dim3A_171 : vector<16xi32> to vector<1x1x16xi32>
    tpu.vector_store %arg7[%swap3A_174, %swap3A_175, %swap3A_176], %swap3A_179 {strides = array<i32>} : memref<3x1x112xi32, #tpu.memory_space<vmem>>, vector<1x1x16xi32>,
    %broadcast_in_dim3A_180 = arith.constant 10232 : i32
    %broadcast_in_dim3A_181 = vector.broadcast %broadcast_in_dim3A_180 : i32 to vector<16xi32>
    %swap3A_182 = arith.constant 1 : i32
    %swap3A_183 = arith.constant 0 : i32
    %swap3A_184 = arith.index_cast %swap3A_182 : i32 to index
    %swap3A_185 = arith.index_cast %swap3A_183 : i32 to index
    %swap3A_186 = arith.constant 96 : index
    %swap3A_187 = tpu.vector_load %arg7[%swap3A_184, %swap3A_185, %swap3A_186] {strides = array<i32>} : memref<3x1x112xi32, #tpu.memory_space<vmem>>, vector<1x1x16xi32>,
    %swap3A_188 = vector.shape_cast %swap3A_187 : vector<1x1x16xi32> to vector<16xi32>
    %swap3A_189 = vector.shape_cast %broadcast_in_dim3A_181 : vector<16xi32> to vector<1x1x16xi32>
    tpu.vector_store %arg7[%swap3A_184, %swap3A_185, %swap3A_186], %swap3A_189 {strides = array<i32>} : memref<3x1x112xi32, #tpu.memory_space<vmem>>, vector<1x1x16xi32>,
    %broadcast_in_dim3A_190 = arith.constant 10232 : i32
    %broadcast_in_dim3A_191 = vector.broadcast %broadcast_in_dim3A_190 : i32 to vector<16xi32>
    %swap3A_192 = arith.constant 2 : i32
    %swap3A_193 = arith.constant 0 : i32
    %swap3A_194 = arith.index_cast %swap3A_192 : i32 to index
    %swap3A_195 = arith.index_cast %swap3A_193 : i32 to index
    %swap3A_196 = arith.constant 0 : index
    %swap3A_197 = tpu.vector_load %arg7[%swap3A_194, %swap3A_195, %swap3A_196] {strides = array<i32>} : memref<3x1x112xi32, #tpu.memory_space<vmem>>, vector<1x1x16xi32>,
    %swap3A_198 = vector.shape_cast %swap3A_197 : vector<1x1x16xi32> to vector<16xi32>
    %swap3A_199 = vector.shape_cast %broadcast_in_dim3A_191 : vector<16xi32> to vector<1x1x16xi32>
    tpu.vector_store %arg7[%swap3A_194, %swap3A_195, %swap3A_196], %swap3A_199 {strides = array<i32>} : memref<3x1x112xi32, #tpu.memory_space<vmem>>, vector<1x1x16xi32>,
    %broadcast_in_dim3A_200 = arith.constant 10232 : i32
    %broadcast_in_dim3A_201 = vector.broadcast %broadcast_in_dim3A_200 : i32 to vector<16xi32>
    %swap3A_202 = arith.constant 2 : i32
    %swap3A_203 = arith.constant 0 : i32
    %swap3A_204 = arith.index_cast %swap3A_202 : i32 to index
    %swap3A_205 = arith.index_cast %swap3A_203 : i32 to index
    %swap3A_206 = arith.constant 16 : index
    %swap3A_207 = tpu.vector_load %arg7[%swap3A_204, %swap3A_205, %swap3A_206] {strides = array<i32>} : memref<3x1x112xi32, #tpu.memory_space<vmem>>, vector<1x1x16xi32>,
    %swap3A_208 = vector.shape_cast %swap3A_207 : vector<1x1x16xi32> to vector<16xi32>
    %swap3A_209 = vector.shape_cast %broadcast_in_dim3A_201 : vector<16xi32> to vector<1x1x16xi32>
    tpu.vector_store %arg7[%swap3A_204, %swap3A_205, %swap3A_206], %swap3A_209 {strides = array<i32>} : memref<3x1x112xi32, #tpu.memory_space<vmem>>, vector<1x1x16xi32>,
    %broadcast_in_dim3A_210 = arith.constant 10232 : i32
    %broadcast_in_dim3A_211 = vector.broadcast %broadcast_in_dim3A_210 : i32 to vector<16xi32>
    %swap3A_212 = arith.constant 2 : i32
    %swap3A_213 = arith.constant 0 : i32
    %swap3A_214 = arith.index_cast %swap3A_212 : i32 to index
    %swap3A_215 = arith.index_cast %swap3A_213 : i32 to index
    %swap3A_216 = arith.constant 32 : index
    %swap3A_217 = tpu.vector_load %arg7[%swap3A_214, %swap3A_215, %swap3A_216] {strides = array<i32>} : memref<3x1x112xi32, #tpu.memory_space<vmem>>, vector<1x1x16xi32>,
    %swap3A_218 = vector.shape_cast %swap3A_217 : vector<1x1x16xi32> to vector<16xi32>
    %swap3A_219 = vector.shape_cast %broadcast_in_dim3A_211 : vector<16xi32> to vector<1x1x16xi32>
    tpu.vector_store %arg7[%swap3A_214, %swap3A_215, %swap3A_216], %swap3A_219 {strides = array<i32>} : memref<3x1x112xi32, #tpu.memory_space<vmem>>, vector<1x1x16xi32>,
    %broadcast_in_dim3A_220 = arith.constant 10232 : i32
    %broadcast_in_dim3A_221 = vector.broadcast %broadcast_in_dim3A_220 : i32 to vector<16xi32>
    %swap3A_222 = arith.constant 2 : i32
    %swap3A_223 = arith.constant 0 : i32
    %swap3A_224 = arith.index_cast %swap3A_222 : i32 to index
    %swap3A_225 = arith.index_cast %swap3A_223 : i32 to index
    %swap3A_226 = arith.constant 48 : index
    %swap3A_227 = tpu.vector_load %arg7[%swap3A_224, %swap3A_225, %swap3A_226] {strides = array<i32>} : memref<3x1x112xi32, #tpu.memory_space<vmem>>, vector<1x1x16xi32>,
    %swap3A_228 = vector.shape_cast %swap3A_227 : vector<1x1x16xi32> to vector<16xi32>
    %swap3A_229 = vector.shape_cast %broadcast_in_dim3A_221 : vector<16xi32> to vector<1x1x16xi32>
    tpu.vector_store %arg7[%swap3A_224, %swap3A_225, %swap3A_226], %swap3A_229 {strides = array<i32>} : memref<3x1x112xi32, #tpu.memory_space<vmem>>, vector<1x1x16xi32>,
    %broadcast_in_dim3A_230 = arith.constant 10232 : i32
    %broadcast_in_dim3A_231 = vector.broadcast %broadcast_in_dim3A_230 : i32 to vector<16xi32>
    %swap3A_232 = arith.constant 2 : i32
    %swap3A_233 = arith.constant 0 : i32
    %swap3A_234 = arith.index_cast %swap3A_232 : i32 to index
    %swap3A_235 = arith.index_cast %swap3A_233 : i32 to index
    %swap3A_236 = arith.constant 64 : index
    %swap3A_237 = tpu.vector_load %arg7[%swap3A_234, %swap3A_235, %swap3A_236] {strides = array<i32>} : memref<3x1x112xi32, #tpu.memory_space<vmem>>, vector<1x1x16xi32>,
    %swap3A_238 = vector.shape_cast %swap3A_237 : vector<1x1x16xi32> to vector<16xi32>
    %swap3A_239 = vector.shape_cast %broadcast_in_dim3A_231 : vector<16xi32> to vector<1x1x16xi32>
    tpu.vector_store %arg7[%swap3A_234, %swap3A_235, %swap3A_236], %swap3A_239 {strides = array<i32>} : memref<3x1x112xi32, #tpu.memory_space<vmem>>, vector<1x1x16xi32>,
    %broadcast_in_dim3A_240 = arith.constant 10232 : i32
    %broadcast_in_dim3A_241 = vector.broadcast %broadcast_in_dim3A_240 : i32 to vector<16xi32>
    %swap3A_242 = arith.constant 2 : i32
    %swap3A_243 = arith.constant 0 : i32
    %swap3A_244 = arith.index_cast %swap3A_242 : i32 to index
    %swap3A_245 = arith.index_cast %swap3A_243 : i32 to index
    %swap3A_246 = arith.constant 80 : index
    %swap3A_247 = tpu.vector_load %arg7[%swap3A_244, %swap3A_245, %swap3A_246] {strides = array<i32>} : memref<3x1x112xi32, #tpu.memory_space<vmem>>, vector<1x1x16xi32>,
    %swap3A_248 = vector.shape_cast %swap3A_247 : vector<1x1x16xi32> to vector<16xi32>
    %swap3A_249 = vector.shape_cast %broadcast_in_dim3A_241 : vector<16xi32> to vector<1x1x16xi32>
    tpu.vector_store %arg7[%swap3A_244, %swap3A_245, %swap3A_246], %swap3A_249 {strides = array<i32>} : memref<3x1x112xi32, #tpu.memory_space<vmem>>, vector<1x1x16xi32>,
    %broadcast_in_dim3A_250 = arith.constant 10232 : i32
    %broadcast_in_dim3A_251 = vector.broadcast %broadcast_in_dim3A_250 : i32 to vector<16xi32>
    %swap3A_252 = arith.constant 2 : i32
    %swap3A_253 = arith.constant 0 : i32
    %swap3A_254 = arith.index_cast %swap3A_252 : i32 to index
    %swap3A_255 = arith.index_cast %swap3A_253 : i32 to index
    %swap3A_256 = arith.constant 96 : index
    %swap3A_257 = tpu.vector_load %arg7[%swap3A_254, %swap3A_255, %swap3A_256] {strides = array<i32>} : memref<3x1x112xi32, #tpu.memory_space<vmem>>, vector<1x1x16xi32>,
    %swap3A_258 = vector.shape_cast %swap3A_257 : vector<1x1x16xi32> to vector<16xi32>
    %swap3A_259 = vector.shape_cast %broadcast_in_dim3A_251 : vector<16xi32> to vector<1x1x16xi32>
    tpu.vector_store %arg7[%swap3A_254, %swap3A_255, %swap3A_256], %swap3A_259 {strides = array<i32>} : memref<3x1x112xi32, #tpu.memory_space<vmem>>, vector<1x1x16xi32>,
    %dma_start3A = arith.constant 0 : i32
    %dma_start3A_260 = arith.constant 0 : i32
    %dma_start3A_261 = arith.constant 0 : i32
    %dma_start3A_262 = arith.constant 0 : i32
    %dma_start3A_263 = arith.constant 0 : i32
    %dma_start3A_264 = tpu.memref_slice %arg8[%dma_start3A, %dma_start3A_262, %dma_start3A_263] : memref<3x112x128xf32, #tpu.memory_space<vmem>> -> memref<1x112x128xf32, #tpu.memory_space<vmem>>
    %dma_start3A_265 = tpu.memref_squeeze %dma_start3A_264 : memref<1x112x128xf32, #tpu.memory_space<vmem>> -> memref<112x128xf32, #tpu.memory_space<vmem>>
    %dma_start3A_266 = arith.constant 0 : i32
    %dma_start3A_267 = tpu.memref_slice %arg7[%dma_start3A_260, %dma_start3A_261, %dma_start3A_266] : memref<3x1x112xi32, #tpu.memory_space<vmem>> -> memref<1x1x112xi32, #tpu.memory_space<vmem>>
    %dma_start3A_268 = tpu.memref_squeeze %dma_start3A_267 : memref<1x1x112xi32, #tpu.memory_space<vmem>> -> memref<112xi32, #tpu.memory_space<vmem>>
    %dma_start3A_269 = arith.constant 0 : i32
    %dma_start3A_270 = arith.constant 0 : i32
    %dma_start3A_271 = tpu.memref_slice %arg9[%dma_start3A_269, %dma_start3A_270] : memref<10240x128xf32, #tpu.memory_space<vmem_shared>> -> memref<10240x128xf32, #tpu.memory_space<vmem_shared>>
    tpu.enqueue_indirect_dma source(%dma_start3A_265 : memref<112x128xf32, #tpu.memory_space<vmem>>) target(%dma_start3A_271 : memref<10240x128xf32, #tpu.memory_space<vmem_shared>>) offsets(%dma_start3A_268 : memref<112xi32, #tpu.memory_space<vmem>>) semaphore(%arg13 : memref<!tpu.dma_semaphore, #tpu.memory_space<semaphore_mem>>) {add = true}
    %dma_start3A_272 = arith.constant 1 : i32
    %dma_start3A_273 = arith.constant 1 : i32
    %dma_start3A_274 = arith.constant 0 : i32
    %dma_start3A_275 = arith.constant 0 : i32
    %dma_start3A_276 = arith.constant 0 : i32
    %dma_start3A_277 = tpu.memref_slice %arg8[%dma_start3A_272, %dma_start3A_275, %dma_start3A_276] : memref<3x112x128xf32, #tpu.memory_space<vmem>> -> memref<1x112x128xf32, #tpu.memory_space<vmem>>
    %dma_start3A_278 = tpu.memref_squeeze %dma_start3A_277 : memref<1x112x128xf32, #tpu.memory_space<vmem>> -> memref<112x128xf32, #tpu.memory_space<vmem>>
    %dma_start3A_279 = arith.constant 0 : i32
    %dma_start3A_280 = tpu.memref_slice %arg7[%dma_start3A_273, %dma_start3A_274, %dma_start3A_279] : memref<3x1x112xi32, #tpu.memory_space<vmem>> -> memref<1x1x112xi32, #tpu.memory_space<vmem>>
    %dma_start3A_281 = tpu.memref_squeeze %dma_start3A_280 : memref<1x1x112xi32, #tpu.memory_space<vmem>> -> memref<112xi32, #tpu.memory_space<vmem>>
    %dma_start3A_282 = arith.constant 0 : i32
    %dma_start3A_283 = arith.constant 0 : i32
    %dma_start3A_284 = tpu.memref_slice %arg9[%dma_start3A_282, %dma_start3A_283] : memref<10240x128xf32, #tpu.memory_space<vmem_shared>> -> memref<10240x128xf32, #tpu.memory_space<vmem_shared>>
    tpu.enqueue_indirect_dma source(%dma_start3A_278 : memref<112x128xf32, #tpu.memory_space<vmem>>) target(%dma_start3A_284 : memref<10240x128xf32, #tpu.memory_space<vmem_shared>>) offsets(%dma_start3A_281 : memref<112xi32, #tpu.memory_space<vmem>>) semaphore(%arg14 : memref<!tpu.dma_semaphore, #tpu.memory_space<semaphore_mem>>) {add = true}
    %dma_start3A_285 = arith.constant 2 : i32
    %dma_start3A_286 = arith.constant 2 : i32
    %dma_start3A_287 = arith.constant 0 : i32
    %dma_start3A_288 = arith.constant 0 : i32
    %dma_start3A_289 = arith.constant 0 : i32
    %dma_start3A_290 = tpu.memref_slice %arg8[%dma_start3A_285, %dma_start3A_288, %dma_start3A_289] : memref<3x112x128xf32, #tpu.memory_space<vmem>> -> memref<1x112x128xf32, #tpu.memory_space<vmem>>
    %dma_start3A_291 = tpu.memref_squeeze %dma_start3A_290 : memref<1x112x128xf32, #tpu.memory_space<vmem>> -> memref<112x128xf32, #tpu.memory_space<vmem>>
    %dma_start3A_292 = arith.constant 0 : i32
    %dma_start3A_293 = tpu.memref_slice %arg7[%dma_start3A_286, %dma_start3A_287, %dma_start3A_292] : memref<3x1x112xi32, #tpu.memory_space<vmem>> -> memref<1x1x112xi32, #tpu.memory_space<vmem>>
    %dma_start3A_294 = tpu.memref_squeeze %dma_start3A_293 : memref<1x1x112xi32, #tpu.memory_space<vmem>> -> memref<112xi32, #tpu.memory_space<vmem>>
    %dma_start3A_295 = arith.constant 0 : i32
    %dma_start3A_296 = arith.constant 0 : i32
    %dma_start3A_297 = tpu.memref_slice %arg9[%dma_start3A_295, %dma_start3A_296] : memref<10240x128xf32, #tpu.memory_space<vmem_shared>> -> memref<10240x128xf32, #tpu.memory_space<vmem_shared>>
    tpu.enqueue_indirect_dma source(%dma_start3A_291 : memref<112x128xf32, #tpu.memory_space<vmem>>) target(%dma_start3A_297 : memref<10240x128xf32, #tpu.memory_space<vmem_shared>>) offsets(%dma_start3A_294 : memref<112xi32, #tpu.memory_space<vmem>>) semaphore(%arg15 : memref<!tpu.dma_semaphore, #tpu.memory_space<semaphore_mem>>) {add = true}
    %dma_wait3A = arith.constant 0 : i32
    %dma_wait3A_298 = arith.constant 0 : i32
    %dma_wait3A_299 = arith.constant 0 : i32
    %dma_wait3A_300 = arith.constant 0 : i32
    %dma_wait3A_301 = arith.constant 0 : i32
    %dma_wait3A_302 = tpu.memref_slice %arg8[%dma_wait3A, %dma_wait3A_300, %dma_wait3A_301] : memref<3x112x128xf32, #tpu.memory_space<vmem>> -> memref<1x112x128xf32, #tpu.memory_space<vmem>>
    %dma_wait3A_303 = tpu.memref_squeeze %dma_wait3A_302 : memref<1x112x128xf32, #tpu.memory_space<vmem>> -> memref<112x128xf32, #tpu.memory_space<vmem>>
    %dma_wait3A_304 = arith.constant 0 : i32
    %dma_wait3A_305 = tpu.memref_slice %arg7[%dma_wait3A_298, %dma_wait3A_299, %dma_wait3A_304] : memref<3x1x112xi32, #tpu.memory_space<vmem>> -> memref<1x1x112xi32, #tpu.memory_space<vmem>>
    %dma_wait3A_306 = tpu.memref_squeeze %dma_wait3A_305 : memref<1x1x112xi32, #tpu.memory_space<vmem>> -> memref<112xi32, #tpu.memory_space<vmem>>
    %dma_wait3A_307 = arith.constant 0 : i32
    %dma_wait3A_308 = arith.constant 0 : i32
    %dma_wait3A_309 = tpu.memref_slice %arg9[%dma_wait3A_307, %dma_wait3A_308] : memref<10240x128xf32, #tpu.memory_space<vmem_shared>> -> memref<10240x128xf32, #tpu.memory_space<vmem_shared>>
    tpu.wait_indirect_dma semaphore(%arg13 : memref<!tpu.dma_semaphore, #tpu.memory_space<semaphore_mem>>) src(%dma_wait3A_303 : memref<112x128xf32, #tpu.memory_space<vmem>>) dst(%dma_wait3A_309 : memref<10240x128xf32, #tpu.memory_space<vmem_shared>>)
    %mul3A_310 = arith.constant 2 : i32
    %mul3A_311 = arith.muli %arg1, %mul3A_310 : i32
    %add3A_312 = arith.addi %mul3A_311, %arg0 : i32
    %run_scoped3A_313 = arith.constant 0 : i32
    %run_scoped3A_314 = arith.constant 0 : i32
    "tpu.region"() ({
      %run_scoped3A_380 = tpu.sem_alloc : memref<!tpu.dma_semaphore, #tpu.memory_space<semaphore_mem>>
      %dma_start3A_381 = arith.constant 0 : i32
      %dma_start3A_382 = arith.constant 0 : i32
      %dma_start3A_383 = tpu.memref_slice %arg6[%run_scoped3A_314, %dma_start3A_381, %dma_start3A_382] : memref<3x1x112xi32, #tpu.memory_space<vmem>> -> memref<1x1x112xi32, #tpu.memory_space<vmem>>
      %dma_start3A_384 = tpu.memref_squeeze %dma_start3A_383 : memref<1x1x112xi32, #tpu.memory_space<vmem>> -> memref<1x112xi32, #tpu.memory_space<vmem>>
      %dma_start3A_385 = arith.constant 0 : i32
      %dma_start3A_386 = arith.constant 0 : i32
      %dma_start3A_387 = tpu.memref_slice %arg2[%add3A_312, %run_scoped3A_313, %dma_start3A_385, %dma_start3A_386] : memref<32x90x1x112xi32, #tpu.memory_space<hbm>> -> memref<1x1x1x112xi32, #tpu.memory_space<hbm>>
      %dma_start3A_388 = tpu.memref_squeeze %dma_start3A_387 : memref<1x1x1x112xi32, #tpu.memory_space<hbm>> -> memref<1x112xi32, #tpu.memory_space<hbm>>
      %dma_start3A_389 = arith.constant 0 : i32
      %dma_start3A_390 = arith.constant 0 : i32
      %dma_start3A_391 = tpu.memref_slice %arg6[%run_scoped3A_314, %dma_start3A_389, %dma_start3A_390] : memref<3x1x112xi32, #tpu.memory_space<vmem>> -> memref<1x1x112xi32, #tpu.memory_space<vmem>>
      %dma_start3A_392 = tpu.memref_squeeze %dma_start3A_391 : memref<1x1x112xi32, #tpu.memory_space<vmem>> -> memref<1x112xi32, #tpu.memory_space<vmem>>
      %dma_start3A_393 = arith.constant 0 : i32
      %dma_start3A_394 = arith.constant 0 : i32
      %dma_start3A_395 = tpu.memref_slice %arg2[%add3A_312, %run_scoped3A_313, %dma_start3A_393, %dma_start3A_394] : memref<32x90x1x112xi32, #tpu.memory_space<hbm>> -> memref<1x1x1x112xi32, #tpu.memory_space<hbm>>
      %dma_start3A_396 = tpu.memref_squeeze %dma_start3A_395 : memref<1x1x1x112xi32, #tpu.memory_space<hbm>> -> memref<1x112xi32, #tpu.memory_space<hbm>>
      tpu.enqueue_dma source(%dma_start3A_396 : memref<1x112xi32, #tpu.memory_space<hbm>>) target(%dma_start3A_392 : memref<1x112xi32, #tpu.memory_space<vmem>>) target_semaphore(%run_scoped3A_380 : memref<!tpu.dma_semaphore, #tpu.memory_space<semaphore_mem>>)
      %dma_wait3A_397 = arith.constant 0 : i32
      %dma_wait3A_398 = arith.constant 0 : i32
      %dma_wait3A_399 = tpu.memref_slice %arg6[%run_scoped3A_314, %dma_wait3A_397, %dma_wait3A_398] : memref<3x1x112xi32, #tpu.memory_space<vmem>> -> memref<1x1x112xi32, #tpu.memory_space<vmem>>
      %dma_wait3A_400 = tpu.memref_squeeze %dma_wait3A_399 : memref<1x1x112xi32, #tpu.memory_space<vmem>> -> memref<1x112xi32, #tpu.memory_space<vmem>>
      %dma_wait3A_401 = arith.constant 0 : i32
      %dma_wait3A_402 = arith.constant 0 : i32
      %dma_wait3A_403 = tpu.memref_slice %arg2[%add3A_312, %run_scoped3A_313, %dma_wait3A_401, %dma_wait3A_402] : memref<32x90x1x112xi32, #tpu.memory_space<hbm>> -> memref<1x1x1x112xi32, #tpu.memory_space<hbm>>
      %dma_wait3A_404 = tpu.memref_squeeze %dma_wait3A_403 : memref<1x1x1x112xi32, #tpu.memory_space<hbm>> -> memref<1x112xi32, #tpu.memory_space<hbm>>
      %dma_wait3A_405 = arith.constant 0 : i32
      %dma_wait3A_406 = arith.constant 0 : i32
      %dma_wait3A_407 = tpu.memref_slice %arg6[%run_scoped3A_314, %dma_wait3A_405, %dma_wait3A_406] : memref<3x1x112xi32, #tpu.memory_space<vmem>> -> memref<1x1x112xi32, #tpu.memory_space<vmem>>
      %dma_wait3A_408 = tpu.memref_squeeze %dma_wait3A_407 : memref<1x1x112xi32, #tpu.memory_space<vmem>> -> memref<1x112xi32, #tpu.memory_space<vmem>>
      %dma_wait3A_409 = arith.constant 0 : i32
      %dma_wait3A_410 = arith.constant 0 : i32
      %dma_wait3A_411 = tpu.memref_slice %arg2[%add3A_312, %run_scoped3A_313, %dma_wait3A_409, %dma_wait3A_410] : memref<32x90x1x112xi32, #tpu.memory_space<hbm>> -> memref<1x1x1x112xi32, #tpu.memory_space<hbm>>
      %dma_wait3A_412 = tpu.memref_squeeze %dma_wait3A_411 : memref<1x1x1x112xi32, #tpu.memory_space<hbm>> -> memref<1x112xi32, #tpu.memory_space<hbm>>
      tpu.wait_dma2 semaphore(%run_scoped3A_380 : memref<!tpu.dma_semaphore, #tpu.memory_space<semaphore_mem>>) src(%dma_wait3A_412 : memref<1x112xi32, #tpu.memory_space<hbm>>) dst(%dma_wait3A_408 : memref<1x112xi32, #tpu.memory_space<vmem>>)
      tpu.yield
    }) : () -> ()
    %run_scoped3A_315 = arith.constant 0 : i32
    %run_scoped3A_316 = arith.constant 0 : i32
    "tpu.region"() ({
      %run_scoped3A_380 = tpu.sem_alloc : memref<!tpu.dma_semaphore, #tpu.memory_space<semaphore_mem>>
      %dma_start3A_381 = arith.constant 0 : i32
      %dma_start3A_382 = arith.constant 0 : i32
      %dma_start3A_383 = tpu.memref_slice %arg7[%run_scoped3A_316, %dma_start3A_381, %dma_start3A_382] : memref<3x1x112xi32, #tpu.memory_space<vmem>> -> memref<1x1x112xi32, #tpu.memory_space<vmem>>
      %dma_start3A_384 = tpu.memref_squeeze %dma_start3A_383 : memref<1x1x112xi32, #tpu.memory_space<vmem>> -> memref<1x112xi32, #tpu.memory_space<vmem>>
      %dma_start3A_385 = arith.constant 0 : i32
      %dma_start3A_386 = arith.constant 0 : i32
      %dma_start3A_387 = tpu.memref_slice %arg3[%add3A_312, %run_scoped3A_315, %dma_start3A_385, %dma_start3A_386] : memref<32x90x1x112xi32, #tpu.memory_space<hbm>> -> memref<1x1x1x112xi32, #tpu.memory_space<hbm>>
      %dma_start3A_388 = tpu.memref_squeeze %dma_start3A_387 : memref<1x1x1x112xi32, #tpu.memory_space<hbm>> -> memref<1x112xi32, #tpu.memory_space<hbm>>
      %dma_start3A_389 = arith.constant 0 : i32
      %dma_start3A_390 = arith.constant 0 : i32
      %dma_start3A_391 = tpu.memref_slice %arg7[%run_scoped3A_316, %dma_start3A_389, %dma_start3A_390] : memref<3x1x112xi32, #tpu.memory_space<vmem>> -> memref<1x1x112xi32, #tpu.memory_space<vmem>>
      %dma_start3A_392 = tpu.memref_squeeze %dma_start3A_391 : memref<1x1x112xi32, #tpu.memory_space<vmem>> -> memref<1x112xi32, #tpu.memory_space<vmem>>
      %dma_start3A_393 = arith.constant 0 : i32
      %dma_start3A_394 = arith.constant 0 : i32
      %dma_start3A_395 = tpu.memref_slice %arg3[%add3A_312, %run_scoped3A_315, %dma_start3A_393, %dma_start3A_394] : memref<32x90x1x112xi32, #tpu.memory_space<hbm>> -> memref<1x1x1x112xi32, #tpu.memory_space<hbm>>
      %dma_start3A_396 = tpu.memref_squeeze %dma_start3A_395 : memref<1x1x1x112xi32, #tpu.memory_space<hbm>> -> memref<1x112xi32, #tpu.memory_space<hbm>>
      tpu.enqueue_dma source(%dma_start3A_396 : memref<1x112xi32, #tpu.memory_space<hbm>>) target(%dma_start3A_392 : memref<1x112xi32, #tpu.memory_space<vmem>>) target_semaphore(%run_scoped3A_380 : memref<!tpu.dma_semaphore, #tpu.memory_space<semaphore_mem>>)
      %dma_wait3A_397 = arith.constant 0 : i32
      %dma_wait3A_398 = arith.constant 0 : i32
      %dma_wait3A_399 = tpu.memref_slice %arg7[%run_scoped3A_316, %dma_wait3A_397, %dma_wait3A_398] : memref<3x1x112xi32, #tpu.memory_space<vmem>> -> memref<1x1x112xi32, #tpu.memory_space<vmem>>
      %dma_wait3A_400 = tpu.memref_squeeze %dma_wait3A_399 : memref<1x1x112xi32, #tpu.memory_space<vmem>> -> memref<1x112xi32, #tpu.memory_space<vmem>>
      %dma_wait3A_401 = arith.constant 0 : i32
      %dma_wait3A_402 = arith.constant 0 : i32
      %dma_wait3A_403 = tpu.memref_slice %arg3[%add3A_312, %run_scoped3A_315, %dma_wait3A_401, %dma_wait3A_402] : memref<32x90x1x112xi32, #tpu.memory_space<hbm>> -> memref<1x1x1x112xi32, #tpu.memory_space<hbm>>
      %dma_wait3A_404 = tpu.memref_squeeze %dma_wait3A_403 : memref<1x1x1x112xi32, #tpu.memory_space<hbm>> -> memref<1x112xi32, #tpu.memory_space<hbm>>
      %dma_wait3A_405 = arith.constant 0 : i32
      %dma_wait3A_406 = arith.constant 0 : i32
      %dma_wait3A_407 = tpu.memref_slice %arg7[%run_scoped3A_316, %dma_wait3A_405, %dma_wait3A_406] : memref<3x1x112xi32, #tpu.memory_space<vmem>> -> memref<1x1x112xi32, #tpu.memory_space<vmem>>
      %dma_wait3A_408 = tpu.memref_squeeze %dma_wait3A_407 : memref<1x1x112xi32, #tpu.memory_space<vmem>> -> memref<1x112xi32, #tpu.memory_space<vmem>>
      %dma_wait3A_409 = arith.constant 0 : i32
      %dma_wait3A_410 = arith.constant 0 : i32
      %dma_wait3A_411 = tpu.memref_slice %arg3[%add3A_312, %run_scoped3A_315, %dma_wait3A_409, %dma_wait3A_410] : memref<32x90x1x112xi32, #tpu.memory_space<hbm>> -> memref<1x1x1x112xi32, #tpu.memory_space<hbm>>
      %dma_wait3A_412 = tpu.memref_squeeze %dma_wait3A_411 : memref<1x1x1x112xi32, #tpu.memory_space<hbm>> -> memref<1x112xi32, #tpu.memory_space<hbm>>
      tpu.wait_dma2 semaphore(%run_scoped3A_380 : memref<!tpu.dma_semaphore, #tpu.memory_space<semaphore_mem>>) src(%dma_wait3A_412 : memref<1x112xi32, #tpu.memory_space<hbm>>) dst(%dma_wait3A_408 : memref<1x112xi32, #tpu.memory_space<vmem>>)
      tpu.yield
    }) : () -> ()
    %dma_start3A_317 = arith.constant 0 : i32
    %dma_start3A_318 = arith.constant 0 : i32
    %dma_start3A_319 = arith.constant 0 : i32
    %dma_start3A_320 = arith.constant 0 : i32
    %dma_start3A_321 = arith.constant 0 : i32
    %dma_start3A_322 = tpu.memref_slice %arg8[%dma_start3A_319, %dma_start3A_320, %dma_start3A_321] : memref<3x112x128xf32, #tpu.memory_space<vmem>> -> memref<1x112x128xf32, #tpu.memory_space<vmem>>
    %dma_start3A_323 = tpu.memref_squeeze %dma_start3A_322 : memref<1x112x128xf32, #tpu.memory_space<vmem>> -> memref<112x128xf32, #tpu.memory_space<vmem>>
    %dma_start3A_324 = arith.constant 0 : i32
    %dma_start3A_325 = tpu.memref_slice %arg6[%dma_start3A_317, %dma_start3A_318, %dma_start3A_324] : memref<3x1x112xi32, #tpu.memory_space<vmem>> -> memref<1x1x112xi32, #tpu.memory_space<vmem>>
    %dma_start3A_326 = tpu.memref_squeeze %dma_start3A_325 : memref<1x1x112xi32, #tpu.memory_space<vmem>> -> memref<112xi32, #tpu.memory_space<vmem>>
    %dma_start3A_327 = arith.constant 0 : i32
    %dma_start3A_328 = arith.constant 0 : i32
    %dma_start3A_329 = tpu.memref_slice %arg4[%dma_start3A_327, %dma_start3A_328] : memref<20000x128xf32, #tpu.memory_space<hbm>> -> memref<20000x128xf32, #tpu.memory_space<hbm>>
    tpu.enqueue_indirect_dma source(%dma_start3A_329 : memref<20000x128xf32, #tpu.memory_space<hbm>>) target(%dma_start3A_323 : memref<112x128xf32, #tpu.memory_space<vmem>>) offsets(%dma_start3A_326 : memref<112xi32, #tpu.memory_space<vmem>>) semaphore(%arg10 : memref<!tpu.dma_semaphore, #tpu.memory_space<semaphore_mem>>)
    %barrier3A = arith.constant 0 : index
    tpu.barrier barrier_id(%barrier3A)
    %scan3A_330 = arith.constant 0 : i32
    %scan3A_331 = arith.constant 0 : i32
    %scan3A_332 = arith.constant 30 : i32
    %scan3A_333 = arith.addi %scan3A_331, %scan3A_332 : i32
    %scan3A_334 = arith.constant 1 : i32
    scf.for %scan3A_380 = %scan3A_331 to %scan3A_333 step %scan3A_334  : i32 {
      %mul3A_381 = arith.constant 3 : i32
      %mul3A_382 = arith.muli %scan3A_380, %mul3A_381 : i32
      %add3A_383 = arith.constant 0 : i32
      %add3A_384 = arith.addi %mul3A_382, %add3A_383 : i32
      %add3A_385 = arith.constant 1 : i32
      %add3A_386 = arith.addi %add3A_384, %add3A_385 : i32
      %lt3A = arith.constant 90 : i32
      %lt3A_387 = arith.cmpi slt, %add3A_386, %lt3A : i32
      %convert_element_type3A = arith.extui %lt3A_387 : i1 to i32
      %cond3A = arith.constant 0 : i32
      %cond3A_388 = arith.cmpi ne, %convert_element_type3A, %cond3A : i32
      scf.if %cond3A_388 {
        %dma_wait3A_431 = arith.constant 1 : i32
        %dma_wait3A_432 = arith.constant 1 : i32
        %dma_wait3A_433 = arith.constant 0 : i32
        %dma_wait3A_434 = arith.constant 0 : i32
        %dma_wait3A_435 = arith.constant 0 : i32
        %dma_wait3A_436 = tpu.memref_slice %arg8[%dma_wait3A_431, %dma_wait3A_434, %dma_wait3A_435] : memref<3x112x128xf32, #tpu.memory_space<vmem>> -> memref<1x112x128xf32, #tpu.memory_space<vmem>>
        %dma_wait3A_437 = tpu.memref_squeeze %dma_wait3A_436 : memref<1x112x128xf32, #tpu.memory_space<vmem>> -> memref<112x128xf32, #tpu.memory_space<vmem>>
        %dma_wait3A_438 = arith.constant 0 : i32
        %dma_wait3A_439 = tpu.memref_slice %arg7[%dma_wait3A_432, %dma_wait3A_433, %dma_wait3A_438] : memref<3x1x112xi32, #tpu.memory_space<vmem>> -> memref<1x1x112xi32, #tpu.memory_space<vmem>>
        %dma_wait3A_440 = tpu.memref_squeeze %dma_wait3A_439 : memref<1x1x112xi32, #tpu.memory_space<vmem>> -> memref<112xi32, #tpu.memory_space<vmem>>
        %dma_wait3A_441 = arith.constant 0 : i32
        %dma_wait3A_442 = arith.constant 0 : i32
        %dma_wait3A_443 = tpu.memref_slice %arg9[%dma_wait3A_441, %dma_wait3A_442] : memref<10240x128xf32, #tpu.memory_space<vmem_shared>> -> memref<10240x128xf32, #tpu.memory_space<vmem_shared>>
        tpu.wait_indirect_dma semaphore(%arg14 : memref<!tpu.dma_semaphore, #tpu.memory_space<semaphore_mem>>) src(%dma_wait3A_437 : memref<112x128xf32, #tpu.memory_space<vmem>>) dst(%dma_wait3A_443 : memref<10240x128xf32, #tpu.memory_space<vmem_shared>>)
        %add3A_444 = arith.constant 1 : i32
        %add3A_445 = arith.addi %add3A_384, %add3A_444 : i32
        %mul3A_446 = arith.constant 2 : i32
        %mul3A_447 = arith.muli %arg1, %mul3A_446 : i32
        %add3A_448 = arith.addi %mul3A_447, %arg0 : i32
        %run_scoped3A_449 = arith.constant 1 : i32
        "tpu.region"() ({
          %run_scoped3A_490 = tpu.sem_alloc : memref<!tpu.dma_semaphore, #tpu.memory_space<semaphore_mem>>
          %dma_start3A_491 = arith.constant 0 : i32
          %dma_start3A_492 = arith.constant 0 : i32
          %dma_start3A_493 = tpu.memref_slice %arg6[%run_scoped3A_449, %dma_start3A_491, %dma_start3A_492] : memref<3x1x112xi32, #tpu.memory_space<vmem>> -> memref<1x1x112xi32, #tpu.memory_space<vmem>>
          %dma_start3A_494 = tpu.memref_squeeze %dma_start3A_493 : memref<1x1x112xi32, #tpu.memory_space<vmem>> -> memref<1x112xi32, #tpu.memory_space<vmem>>
          %dma_start3A_495 = arith.constant 0 : i32
          %dma_start3A_496 = arith.constant 0 : i32
          %dma_start3A_497 = tpu.memref_slice %arg2[%add3A_448, %add3A_445, %dma_start3A_495, %dma_start3A_496] : memref<32x90x1x112xi32, #tpu.memory_space<hbm>> -> memref<1x1x1x112xi32, #tpu.memory_space<hbm>>
          %dma_start3A_498 = tpu.memref_squeeze %dma_start3A_497 : memref<1x1x1x112xi32, #tpu.memory_space<hbm>> -> memref<1x112xi32, #tpu.memory_space<hbm>>
          %dma_start3A_499 = arith.constant 0 : i32
          %dma_start3A_500 = arith.constant 0 : i32
          %dma_start3A_501 = tpu.memref_slice %arg6[%run_scoped3A_449, %dma_start3A_499, %dma_start3A_500] : memref<3x1x112xi32, #tpu.memory_space<vmem>> -> memref<1x1x112xi32, #tpu.memory_space<vmem>>
          %dma_start3A_502 = tpu.memref_squeeze %dma_start3A_501 : memref<1x1x112xi32, #tpu.memory_space<vmem>> -> memref<1x112xi32, #tpu.memory_space<vmem>>
          %dma_start3A_503 = arith.constant 0 : i32
          %dma_start3A_504 = arith.constant 0 : i32
          %dma_start3A_505 = tpu.memref_slice %arg2[%add3A_448, %add3A_445, %dma_start3A_503, %dma_start3A_504] : memref<32x90x1x112xi32, #tpu.memory_space<hbm>> -> memref<1x1x1x112xi32, #tpu.memory_space<hbm>>
          %dma_start3A_506 = tpu.memref_squeeze %dma_start3A_505 : memref<1x1x1x112xi32, #tpu.memory_space<hbm>> -> memref<1x112xi32, #tpu.memory_space<hbm>>
          tpu.enqueue_dma source(%dma_start3A_506 : memref<1x112xi32, #tpu.memory_space<hbm>>) target(%dma_start3A_502 : memref<1x112xi32, #tpu.memory_space<vmem>>) target_semaphore(%run_scoped3A_490 : memref<!tpu.dma_semaphore, #tpu.memory_space<semaphore_mem>>)
          %dma_wait3A_507 = arith.constant 0 : i32
          %dma_wait3A_508 = arith.constant 0 : i32
          %dma_wait3A_509 = tpu.memref_slice %arg6[%run_scoped3A_449, %dma_wait3A_507, %dma_wait3A_508] : memref<3x1x112xi32, #tpu.memory_space<vmem>> -> memref<1x1x112xi32, #tpu.memory_space<vmem>>
          %dma_wait3A_510 = tpu.memref_squeeze %dma_wait3A_509 : memref<1x1x112xi32, #tpu.memory_space<vmem>> -> memref<1x112xi32, #tpu.memory_space<vmem>>
          %dma_wait3A_511 = arith.constant 0 : i32
          %dma_wait3A_512 = arith.constant 0 : i32
          %dma_wait3A_513 = tpu.memref_slice %arg2[%add3A_448, %add3A_445, %dma_wait3A_511, %dma_wait3A_512] : memref<32x90x1x112xi32, #tpu.memory_space<hbm>> -> memref<1x1x1x112xi32, #tpu.memory_space<hbm>>
          %dma_wait3A_514 = tpu.memref_squeeze %dma_wait3A_513 : memref<1x1x1x112xi32, #tpu.memory_space<hbm>> -> memref<1x112xi32, #tpu.memory_space<hbm>>
          %dma_wait3A_515 = arith.constant 0 : i32
          %dma_wait3A_516 = arith.constant 0 : i32
          %dma_wait3A_517 = tpu.memref_slice %arg6[%run_scoped3A_449, %dma_wait3A_515, %dma_wait3A_516] : memref<3x1x112xi32, #tpu.memory_space<vmem>> -> memref<1x1x112xi32, #tpu.memory_space<vmem>>
          %dma_wait3A_518 = tpu.memref_squeeze %dma_wait3A_517 : memref<1x1x112xi32, #tpu.memory_space<vmem>> -> memref<1x112xi32, #tpu.memory_space<vmem>>
          %dma_wait3A_519 = arith.constant 0 : i32
          %dma_wait3A_520 = arith.constant 0 : i32
          %dma_wait3A_521 = tpu.memref_slice %arg2[%add3A_448, %add3A_445, %dma_wait3A_519, %dma_wait3A_520] : memref<32x90x1x112xi32, #tpu.memory_space<hbm>> -> memref<1x1x1x112xi32, #tpu.memory_space<hbm>>
          %dma_wait3A_522 = tpu.memref_squeeze %dma_wait3A_521 : memref<1x1x1x112xi32, #tpu.memory_space<hbm>> -> memref<1x112xi32, #tpu.memory_space<hbm>>
          tpu.wait_dma2 semaphore(%run_scoped3A_490 : memref<!tpu.dma_semaphore, #tpu.memory_space<semaphore_mem>>) src(%dma_wait3A_522 : memref<1x112xi32, #tpu.memory_space<hbm>>) dst(%dma_wait3A_518 : memref<1x112xi32, #tpu.memory_space<vmem>>)
          tpu.yield
        }) : () -> ()
        %run_scoped3A_450 = arith.constant 1 : i32
        "tpu.region"() ({
          %run_scoped3A_490 = tpu.sem_alloc : memref<!tpu.dma_semaphore, #tpu.memory_space<semaphore_mem>>
          %dma_start3A_491 = arith.constant 0 : i32
          %dma_start3A_492 = arith.constant 0 : i32
          %dma_start3A_493 = tpu.memref_slice %arg7[%run_scoped3A_450, %dma_start3A_491, %dma_start3A_492] : memref<3x1x112xi32, #tpu.memory_space<vmem>> -> memref<1x1x112xi32, #tpu.memory_space<vmem>>
          %dma_start3A_494 = tpu.memref_squeeze %dma_start3A_493 : memref<1x1x112xi32, #tpu.memory_space<vmem>> -> memref<1x112xi32, #tpu.memory_space<vmem>>
          %dma_start3A_495 = arith.constant 0 : i32
          %dma_start3A_496 = arith.constant 0 : i32
          %dma_start3A_497 = tpu.memref_slice %arg3[%add3A_448, %add3A_445, %dma_start3A_495, %dma_start3A_496] : memref<32x90x1x112xi32, #tpu.memory_space<hbm>> -> memref<1x1x1x112xi32, #tpu.memory_space<hbm>>
          %dma_start3A_498 = tpu.memref_squeeze %dma_start3A_497 : memref<1x1x1x112xi32, #tpu.memory_space<hbm>> -> memref<1x112xi32, #tpu.memory_space<hbm>>
          %dma_start3A_499 = arith.constant 0 : i32
          %dma_start3A_500 = arith.constant 0 : i32
          %dma_start3A_501 = tpu.memref_slice %arg7[%run_scoped3A_450, %dma_start3A_499, %dma_start3A_500] : memref<3x1x112xi32, #tpu.memory_space<vmem>> -> memref<1x1x112xi32, #tpu.memory_space<vmem>>
          %dma_start3A_502 = tpu.memref_squeeze %dma_start3A_501 : memref<1x1x112xi32, #tpu.memory_space<vmem>> -> memref<1x112xi32, #tpu.memory_space<vmem>>
          %dma_start3A_503 = arith.constant 0 : i32
          %dma_start3A_504 = arith.constant 0 : i32
          %dma_start3A_505 = tpu.memref_slice %arg3[%add3A_448, %add3A_445, %dma_start3A_503, %dma_start3A_504] : memref<32x90x1x112xi32, #tpu.memory_space<hbm>> -> memref<1x1x1x112xi32, #tpu.memory_space<hbm>>
          %dma_start3A_506 = tpu.memref_squeeze %dma_start3A_505 : memref<1x1x1x112xi32, #tpu.memory_space<hbm>> -> memref<1x112xi32, #tpu.memory_space<hbm>>
          tpu.enqueue_dma source(%dma_start3A_506 : memref<1x112xi32, #tpu.memory_space<hbm>>) target(%dma_start3A_502 : memref<1x112xi32, #tpu.memory_space<vmem>>) target_semaphore(%run_scoped3A_490 : memref<!tpu.dma_semaphore, #tpu.memory_space<semaphore_mem>>)
          %dma_wait3A_507 = arith.constant 0 : i32
          %dma_wait3A_508 = arith.constant 0 : i32
          %dma_wait3A_509 = tpu.memref_slice %arg7[%run_scoped3A_450, %dma_wait3A_507, %dma_wait3A_508] : memref<3x1x112xi32, #tpu.memory_space<vmem>> -> memref<1x1x112xi32, #tpu.memory_space<vmem>>
          %dma_wait3A_510 = tpu.memref_squeeze %dma_wait3A_509 : memref<1x1x112xi32, #tpu.memory_space<vmem>> -> memref<1x112xi32, #tpu.memory_space<vmem>>
          %dma_wait3A_511 = arith.constant 0 : i32
          %dma_wait3A_512 = arith.constant 0 : i32
          %dma_wait3A_513 = tpu.memref_slice %arg3[%add3A_448, %add3A_445, %dma_wait3A_511, %dma_wait3A_512] : memref<32x90x1x112xi32, #tpu.memory_space<hbm>> -> memref<1x1x1x112xi32, #tpu.memory_space<hbm>>
          %dma_wait3A_514 = tpu.memref_squeeze %dma_wait3A_513 : memref<1x1x1x112xi32, #tpu.memory_space<hbm>> -> memref<1x112xi32, #tpu.memory_space<hbm>>
          %dma_wait3A_515 = arith.constant 0 : i32
          %dma_wait3A_516 = arith.constant 0 : i32
          %dma_wait3A_517 = tpu.memref_slice %arg7[%run_scoped3A_450, %dma_wait3A_515, %dma_wait3A_516] : memref<3x1x112xi32, #tpu.memory_space<vmem>> -> memref<1x1x112xi32, #tpu.memory_space<vmem>>
          %dma_wait3A_518 = tpu.memref_squeeze %dma_wait3A_517 : memref<1x1x112xi32, #tpu.memory_space<vmem>> -> memref<1x112xi32, #tpu.memory_space<vmem>>
          %dma_wait3A_519 = arith.constant 0 : i32
          %dma_wait3A_520 = arith.constant 0 : i32
          %dma_wait3A_521 = tpu.memref_slice %arg3[%add3A_448, %add3A_445, %dma_wait3A_519, %dma_wait3A_520] : memref<32x90x1x112xi32, #tpu.memory_space<hbm>> -> memref<1x1x1x112xi32, #tpu.memory_space<hbm>>
          %dma_wait3A_522 = tpu.memref_squeeze %dma_wait3A_521 : memref<1x1x1x112xi32, #tpu.memory_space<hbm>> -> memref<1x112xi32, #tpu.memory_space<hbm>>
          tpu.wait_dma2 semaphore(%run_scoped3A_490 : memref<!tpu.dma_semaphore, #tpu.memory_space<semaphore_mem>>) src(%dma_wait3A_522 : memref<1x112xi32, #tpu.memory_space<hbm>>) dst(%dma_wait3A_518 : memref<1x112xi32, #tpu.memory_space<vmem>>)
          tpu.yield
        }) : () -> ()
        %dma_start3A_451 = arith.constant 1 : i32
        %dma_start3A_452 = arith.constant 0 : i32
        %dma_start3A_453 = arith.constant 1 : i32
        %dma_start3A_454 = arith.constant 0 : i32
        %dma_start3A_455 = arith.constant 0 : i32
        %dma_start3A_456 = tpu.memref_slice %arg8[%dma_start3A_453, %dma_start3A_454, %dma_start3A_455] : memref<3x112x128xf32, #tpu.memory_space<vmem>> -> memref<1x112x128xf32, #tpu.memory_space<vmem>>
        %dma_start3A_457 = tpu.memref_squeeze %dma_start3A_456 : memref<1x112x128xf32, #tpu.memory_space<vmem>> -> memref<112x128xf32, #tpu.memory_space<vmem>>
        %dma_start3A_458 = arith.constant 0 : i32
        %dma_start3A_459 = tpu.memref_slice %arg6[%dma_start3A_451, %dma_start3A_452, %dma_start3A_458] : memref<3x1x112xi32, #tpu.memory_space<vmem>> -> memref<1x1x112xi32, #tpu.memory_space<vmem>>
        %dma_start3A_460 = tpu.memref_squeeze %dma_start3A_459 : memref<1x1x112xi32, #tpu.memory_space<vmem>> -> memref<112xi32, #tpu.memory_space<vmem>>
        %dma_start3A_461 = arith.constant 0 : i32
        %dma_start3A_462 = arith.constant 0 : i32
        %dma_start3A_463 = tpu.memref_slice %arg4[%dma_start3A_461, %dma_start3A_462] : memref<20000x128xf32, #tpu.memory_space<hbm>> -> memref<20000x128xf32, #tpu.memory_space<hbm>>
        tpu.enqueue_indirect_dma source(%dma_start3A_463 : memref<20000x128xf32, #tpu.memory_space<hbm>>) target(%dma_start3A_457 : memref<112x128xf32, #tpu.memory_space<vmem>>) offsets(%dma_start3A_460 : memref<112xi32, #tpu.memory_space<vmem>>) semaphore(%arg11 : memref<!tpu.dma_semaphore, #tpu.memory_space<semaphore_mem>>)
        %dma_wait3A_464 = arith.constant 0 : i32
        %dma_wait3A_465 = arith.constant 0 : i32
        %dma_wait3A_466 = arith.constant 0 : i32
        %dma_wait3A_467 = arith.constant 0 : i32
        %dma_wait3A_468 = arith.constant 0 : i32
        %dma_wait3A_469 = tpu.memref_slice %arg8[%dma_wait3A_466, %dma_wait3A_467, %dma_wait3A_468] : memref<3x112x128xf32, #tpu.memory_space<vmem>> -> memref<1x112x128xf32, #tpu.memory_space<vmem>>
        %dma_wait3A_470 = tpu.memref_squeeze %dma_wait3A_469 : memref<1x112x128xf32, #tpu.memory_space<vmem>> -> memref<112x128xf32, #tpu.memory_space<vmem>>
        %dma_wait3A_471 = arith.constant 0 : i32
        %dma_wait3A_472 = tpu.memref_slice %arg6[%dma_wait3A_464, %dma_wait3A_465, %dma_wait3A_471] : memref<3x1x112xi32, #tpu.memory_space<vmem>> -> memref<1x1x112xi32, #tpu.memory_space<vmem>>
        %dma_wait3A_473 = tpu.memref_squeeze %dma_wait3A_472 : memref<1x1x112xi32, #tpu.memory_space<vmem>> -> memref<112xi32, #tpu.memory_space<vmem>>
        %dma_wait3A_474 = arith.constant 0 : i32
        %dma_wait3A_475 = arith.constant 0 : i32
        %dma_wait3A_476 = tpu.memref_slice %arg4[%dma_wait3A_474, %dma_wait3A_475] : memref<20000x128xf32, #tpu.memory_space<hbm>> -> memref<20000x128xf32, #tpu.memory_space<hbm>>
        tpu.wait_indirect_dma semaphore(%arg10 : memref<!tpu.dma_semaphore, #tpu.memory_space<semaphore_mem>>) src(%dma_wait3A_476 : memref<20000x128xf32, #tpu.memory_space<hbm>>) dst(%dma_wait3A_470 : memref<112x128xf32, #tpu.memory_space<vmem>>)
        %dma_start3A_477 = arith.constant 0 : i32
        %dma_start3A_478 = arith.constant 0 : i32
        %dma_start3A_479 = arith.constant 0 : i32
        %dma_start3A_480 = arith.constant 0 : i32
        %dma_start3A_481 = arith.constant 0 : i32
        %dma_start3A_482 = tpu.memref_slice %arg8[%dma_start3A_477, %dma_start3A_480, %dma_start3A_481] : memref<3x112x128xf32, #tpu.memory_space<vmem>> -> memref<1x112x128xf32, #tpu.memory_space<vmem>>
        %dma_start3A_483 = tpu.memref_squeeze %dma_start3A_482 : memref<1x112x128xf32, #tpu.memory_space<vmem>> -> memref<112x128xf32, #tpu.memory_space<vmem>>
        %dma_start3A_484 = arith.constant 0 : i32
        %dma_start3A_485 = tpu.memref_slice %arg7[%dma_start3A_478, %dma_start3A_479, %dma_start3A_484] : memref<3x1x112xi32, #tpu.memory_space<vmem>> -> memref<1x1x112xi32, #tpu.memory_space<vmem>>
        %dma_start3A_486 = tpu.memref_squeeze %dma_start3A_485 : memref<1x1x112xi32, #tpu.memory_space<vmem>> -> memref<112xi32, #tpu.memory_space<vmem>>
        %dma_start3A_487 = arith.constant 0 : i32
        %dma_start3A_488 = arith.constant 0 : i32
        %dma_start3A_489 = tpu.memref_slice %arg9[%dma_start3A_487, %dma_start3A_488] : memref<10240x128xf32, #tpu.memory_space<vmem_shared>> -> memref<10240x128xf32, #tpu.memory_space<vmem_shared>>
        tpu.enqueue_indirect_dma source(%dma_start3A_483 : memref<112x128xf32, #tpu.memory_space<vmem>>) target(%dma_start3A_489 : memref<10240x128xf32, #tpu.memory_space<vmem_shared>>) offsets(%dma_start3A_486 : memref<112xi32, #tpu.memory_space<vmem>>) semaphore(%arg13 : memref<!tpu.dma_semaphore, #tpu.memory_space<semaphore_mem>>) {add = true}
      } else {
      }
      %add3A_389 = arith.constant 1 : i32
      %add3A_390 = arith.addi %add3A_384, %add3A_389 : i32
      %ge3A = arith.constant 90 : i32
      %ge3A_391 = arith.cmpi sge, %add3A_390, %ge3A : i32
      %convert_element_type3A_392 = arith.extui %ge3A_391 : i1 to i32
      %cond3A_393 = arith.constant 0 : i32
      %cond3A_394 = arith.cmpi ne, %convert_element_type3A_392, %cond3A_393 : i32
      scf.if %cond3A_394 {
        %dma_wait3A_431 = arith.constant 0 : i32
        %dma_wait3A_432 = arith.constant 0 : i32
        %dma_wait3A_433 = arith.constant 0 : i32
        %dma_wait3A_434 = arith.constant 0 : i32
        %dma_wait3A_435 = arith.constant 0 : i32
        %dma_wait3A_436 = tpu.memref_slice %arg8[%dma_wait3A_433, %dma_wait3A_434, %dma_wait3A_435] : memref<3x112x128xf32, #tpu.memory_space<vmem>> -> memref<1x112x128xf32, #tpu.memory_space<vmem>>
        %dma_wait3A_437 = tpu.memref_squeeze %dma_wait3A_436 : memref<1x112x128xf32, #tpu.memory_space<vmem>> -> memref<112x128xf32, #tpu.memory_space<vmem>>
        %dma_wait3A_438 = arith.constant 0 : i32
        %dma_wait3A_439 = tpu.memref_slice %arg6[%dma_wait3A_431, %dma_wait3A_432, %dma_wait3A_438] : memref<3x1x112xi32, #tpu.memory_space<vmem>> -> memref<1x1x112xi32, #tpu.memory_space<vmem>>
        %dma_wait3A_440 = tpu.memref_squeeze %dma_wait3A_439 : memref<1x1x112xi32, #tpu.memory_space<vmem>> -> memref<112xi32, #tpu.memory_space<vmem>>
        %dma_wait3A_441 = arith.constant 0 : i32
        %dma_wait3A_442 = arith.constant 0 : i32
        %dma_wait3A_443 = tpu.memref_slice %arg4[%dma_wait3A_441, %dma_wait3A_442] : memref<20000x128xf32, #tpu.memory_space<hbm>> -> memref<20000x128xf32, #tpu.memory_space<hbm>>
        tpu.wait_indirect_dma semaphore(%arg10 : memref<!tpu.dma_semaphore, #tpu.memory_space<semaphore_mem>>) src(%dma_wait3A_443 : memref<20000x128xf32, #tpu.memory_space<hbm>>) dst(%dma_wait3A_437 : memref<112x128xf32, #tpu.memory_space<vmem>>)
        %dma_start3A_444 = arith.constant 0 : i32
        %dma_start3A_445 = arith.constant 0 : i32
        %dma_start3A_446 = arith.constant 0 : i32
        %dma_start3A_447 = arith.constant 0 : i32
        %dma_start3A_448 = arith.constant 0 : i32
        %dma_start3A_449 = tpu.memref_slice %arg8[%dma_start3A_444, %dma_start3A_447, %dma_start3A_448] : memref<3x112x128xf32, #tpu.memory_space<vmem>> -> memref<1x112x128xf32, #tpu.memory_space<vmem>>
        %dma_start3A_450 = tpu.memref_squeeze %dma_start3A_449 : memref<1x112x128xf32, #tpu.memory_space<vmem>> -> memref<112x128xf32, #tpu.memory_space<vmem>>
        %dma_start3A_451 = arith.constant 0 : i32
        %dma_start3A_452 = tpu.memref_slice %arg7[%dma_start3A_445, %dma_start3A_446, %dma_start3A_451] : memref<3x1x112xi32, #tpu.memory_space<vmem>> -> memref<1x1x112xi32, #tpu.memory_space<vmem>>
        %dma_start3A_453 = tpu.memref_squeeze %dma_start3A_452 : memref<1x1x112xi32, #tpu.memory_space<vmem>> -> memref<112xi32, #tpu.memory_space<vmem>>
        %dma_start3A_454 = arith.constant 0 : i32
        %dma_start3A_455 = arith.constant 0 : i32
        %dma_start3A_456 = tpu.memref_slice %arg9[%dma_start3A_454, %dma_start3A_455] : memref<10240x128xf32, #tpu.memory_space<vmem_shared>> -> memref<10240x128xf32, #tpu.memory_space<vmem_shared>>
        tpu.enqueue_indirect_dma source(%dma_start3A_450 : memref<112x128xf32, #tpu.memory_space<vmem>>) target(%dma_start3A_456 : memref<10240x128xf32, #tpu.memory_space<vmem_shared>>) offsets(%dma_start3A_453 : memref<112xi32, #tpu.memory_space<vmem>>) semaphore(%arg13 : memref<!tpu.dma_semaphore, #tpu.memory_space<semaphore_mem>>) {add = true}
      } else {
      }
      %mul3A_395 = arith.constant 3 : i32
      %mul3A_396 = arith.muli %scan3A_380, %mul3A_395 : i32
      %add3A_397 = arith.constant 1 : i32
      %add3A_398 = arith.addi %mul3A_396, %add3A_397 : i32
      %add3A_399 = arith.constant 1 : i32
      %add3A_400 = arith.addi %add3A_398, %add3A_399 : i32
      %lt3A_401 = arith.constant 90 : i32
      %lt3A_402 = arith.cmpi slt, %add3A_400, %lt3A_401 : i32
      %convert_element_type3A_403 = arith.extui %lt3A_402 : i1 to i32
      %cond3A_404 = arith.constant 0 : i32
      %cond3A_405 = arith.cmpi ne, %convert_element_type3A_403, %cond3A_404 : i32
      scf.if %cond3A_405 {
        %dma_wait3A_431 = arith.constant 2 : i32
        %dma_wait3A_432 = arith.constant 2 : i32
        %dma_wait3A_433 = arith.constant 0 : i32
        %dma_wait3A_434 = arith.constant 0 : i32
        %dma_wait3A_435 = arith.constant 0 : i32
        %dma_wait3A_436 = tpu.memref_slice %arg8[%dma_wait3A_431, %dma_wait3A_434, %dma_wait3A_435] : memref<3x112x128xf32, #tpu.memory_space<vmem>> -> memref<1x112x128xf32, #tpu.memory_space<vmem>>
        %dma_wait3A_437 = tpu.memref_squeeze %dma_wait3A_436 : memref<1x112x128xf32, #tpu.memory_space<vmem>> -> memref<112x128xf32, #tpu.memory_space<vmem>>
        %dma_wait3A_438 = arith.constant 0 : i32
        %dma_wait3A_439 = tpu.memref_slice %arg7[%dma_wait3A_432, %dma_wait3A_433, %dma_wait3A_438] : memref<3x1x112xi32, #tpu.memory_space<vmem>> -> memref<1x1x112xi32, #tpu.memory_space<vmem>>
        %dma_wait3A_440 = tpu.memref_squeeze %dma_wait3A_439 : memref<1x1x112xi32, #tpu.memory_space<vmem>> -> memref<112xi32, #tpu.memory_space<vmem>>
        %dma_wait3A_441 = arith.constant 0 : i32
        %dma_wait3A_442 = arith.constant 0 : i32
        %dma_wait3A_443 = tpu.memref_slice %arg9[%dma_wait3A_441, %dma_wait3A_442] : memref<10240x128xf32, #tpu.memory_space<vmem_shared>> -> memref<10240x128xf32, #tpu.memory_space<vmem_shared>>
        tpu.wait_indirect_dma semaphore(%arg15 : memref<!tpu.dma_semaphore, #tpu.memory_space<semaphore_mem>>) src(%dma_wait3A_437 : memref<112x128xf32, #tpu.memory_space<vmem>>) dst(%dma_wait3A_443 : memref<10240x128xf32, #tpu.memory_space<vmem_shared>>)
        %add3A_444 = arith.constant 1 : i32
        %add3A_445 = arith.addi %add3A_398, %add3A_444 : i32
        %mul3A_446 = arith.constant 2 : i32
        %mul3A_447 = arith.muli %arg1, %mul3A_446 : i32
        %add3A_448 = arith.addi %mul3A_447, %arg0 : i32
        %run_scoped3A_449 = arith.constant 2 : i32
        "tpu.region"() ({
          %run_scoped3A_490 = tpu.sem_alloc : memref<!tpu.dma_semaphore, #tpu.memory_space<semaphore_mem>>
          %dma_start3A_491 = arith.constant 0 : i32
          %dma_start3A_492 = arith.constant 0 : i32
          %dma_start3A_493 = tpu.memref_slice %arg6[%run_scoped3A_449, %dma_start3A_491, %dma_start3A_492] : memref<3x1x112xi32, #tpu.memory_space<vmem>> -> memref<1x1x112xi32, #tpu.memory_space<vmem>>
          %dma_start3A_494 = tpu.memref_squeeze %dma_start3A_493 : memref<1x1x112xi32, #tpu.memory_space<vmem>> -> memref<1x112xi32, #tpu.memory_space<vmem>>
          %dma_start3A_495 = arith.constant 0 : i32
          %dma_start3A_496 = arith.constant 0 : i32
          %dma_start3A_497 = tpu.memref_slice %arg2[%add3A_448, %add3A_445, %dma_start3A_495, %dma_start3A_496] : memref<32x90x1x112xi32, #tpu.memory_space<hbm>> -> memref<1x1x1x112xi32, #tpu.memory_space<hbm>>
          %dma_start3A_498 = tpu.memref_squeeze %dma_start3A_497 : memref<1x1x1x112xi32, #tpu.memory_space<hbm>> -> memref<1x112xi32, #tpu.memory_space<hbm>>
          %dma_start3A_499 = arith.constant 0 : i32
          %dma_start3A_500 = arith.constant 0 : i32
          %dma_start3A_501 = tpu.memref_slice %arg6[%run_scoped3A_449, %dma_start3A_499, %dma_start3A_500] : memref<3x1x112xi32, #tpu.memory_space<vmem>> -> memref<1x1x112xi32, #tpu.memory_space<vmem>>
          %dma_start3A_502 = tpu.memref_squeeze %dma_start3A_501 : memref<1x1x112xi32, #tpu.memory_space<vmem>> -> memref<1x112xi32, #tpu.memory_space<vmem>>
          %dma_start3A_503 = arith.constant 0 : i32
          %dma_start3A_504 = arith.constant 0 : i32
          %dma_start3A_505 = tpu.memref_slice %arg2[%add3A_448, %add3A_445, %dma_start3A_503, %dma_start3A_504] : memref<32x90x1x112xi32, #tpu.memory_space<hbm>> -> memref<1x1x1x112xi32, #tpu.memory_space<hbm>>
          %dma_start3A_506 = tpu.memref_squeeze %dma_start3A_505 : memref<1x1x1x112xi32, #tpu.memory_space<hbm>> -> memref<1x112xi32, #tpu.memory_space<hbm>>
          tpu.enqueue_dma source(%dma_start3A_506 : memref<1x112xi32, #tpu.memory_space<hbm>>) target(%dma_start3A_502 : memref<1x112xi32, #tpu.memory_space<vmem>>) target_semaphore(%run_scoped3A_490 : memref<!tpu.dma_semaphore, #tpu.memory_space<semaphore_mem>>)
          %dma_wait3A_507 = arith.constant 0 : i32
          %dma_wait3A_508 = arith.constant 0 : i32
          %dma_wait3A_509 = tpu.memref_slice %arg6[%run_scoped3A_449, %dma_wait3A_507, %dma_wait3A_508] : memref<3x1x112xi32, #tpu.memory_space<vmem>> -> memref<1x1x112xi32, #tpu.memory_space<vmem>>
          %dma_wait3A_510 = tpu.memref_squeeze %dma_wait3A_509 : memref<1x1x112xi32, #tpu.memory_space<vmem>> -> memref<1x112xi32, #tpu.memory_space<vmem>>
          %dma_wait3A_511 = arith.constant 0 : i32
          %dma_wait3A_512 = arith.constant 0 : i32
          %dma_wait3A_513 = tpu.memref_slice %arg2[%add3A_448, %add3A_445, %dma_wait3A_511, %dma_wait3A_512] : memref<32x90x1x112xi32, #tpu.memory_space<hbm>> -> memref<1x1x1x112xi32, #tpu.memory_space<hbm>>
          %dma_wait3A_514 = tpu.memref_squeeze %dma_wait3A_513 : memref<1x1x1x112xi32, #tpu.memory_space<hbm>> -> memref<1x112xi32, #tpu.memory_space<hbm>>
          %dma_wait3A_515 = arith.constant 0 : i32
          %dma_wait3A_516 = arith.constant 0 : i32
          %dma_wait3A_517 = tpu.memref_slice %arg6[%run_scoped3A_449, %dma_wait3A_515, %dma_wait3A_516] : memref<3x1x112xi32, #tpu.memory_space<vmem>> -> memref<1x1x112xi32, #tpu.memory_space<vmem>>
          %dma_wait3A_518 = tpu.memref_squeeze %dma_wait3A_517 : memref<1x1x112xi32, #tpu.memory_space<vmem>> -> memref<1x112xi32, #tpu.memory_space<vmem>>
          %dma_wait3A_519 = arith.constant 0 : i32
          %dma_wait3A_520 = arith.constant 0 : i32
          %dma_wait3A_521 = tpu.memref_slice %arg2[%add3A_448, %add3A_445, %dma_wait3A_519, %dma_wait3A_520] : memref<32x90x1x112xi32, #tpu.memory_space<hbm>> -> memref<1x1x1x112xi32, #tpu.memory_space<hbm>>
          %dma_wait3A_522 = tpu.memref_squeeze %dma_wait3A_521 : memref<1x1x1x112xi32, #tpu.memory_space<hbm>> -> memref<1x112xi32, #tpu.memory_space<hbm>>
          tpu.wait_dma2 semaphore(%run_scoped3A_490 : memref<!tpu.dma_semaphore, #tpu.memory_space<semaphore_mem>>) src(%dma_wait3A_522 : memref<1x112xi32, #tpu.memory_space<hbm>>) dst(%dma_wait3A_518 : memref<1x112xi32, #tpu.memory_space<vmem>>)
          tpu.yield
        }) : () -> ()
        %run_scoped3A_450 = arith.constant 2 : i32
        "tpu.region"() ({
          %run_scoped3A_490 = tpu.sem_alloc : memref<!tpu.dma_semaphore, #tpu.memory_space<semaphore_mem>>
          %dma_start3A_491 = arith.constant 0 : i32
          %dma_start3A_492 = arith.constant 0 : i32
          %dma_start3A_493 = tpu.memref_slice %arg7[%run_scoped3A_450, %dma_start3A_491, %dma_start3A_492] : memref<3x1x112xi32, #tpu.memory_space<vmem>> -> memref<1x1x112xi32, #tpu.memory_space<vmem>>
          %dma_start3A_494 = tpu.memref_squeeze %dma_start3A_493 : memref<1x1x112xi32, #tpu.memory_space<vmem>> -> memref<1x112xi32, #tpu.memory_space<vmem>>
          %dma_start3A_495 = arith.constant 0 : i32
          %dma_start3A_496 = arith.constant 0 : i32
          %dma_start3A_497 = tpu.memref_slice %arg3[%add3A_448, %add3A_445, %dma_start3A_495, %dma_start3A_496] : memref<32x90x1x112xi32, #tpu.memory_space<hbm>> -> memref<1x1x1x112xi32, #tpu.memory_space<hbm>>
          %dma_start3A_498 = tpu.memref_squeeze %dma_start3A_497 : memref<1x1x1x112xi32, #tpu.memory_space<hbm>> -> memref<1x112xi32, #tpu.memory_space<hbm>>
          %dma_start3A_499 = arith.constant 0 : i32
          %dma_start3A_500 = arith.constant 0 : i32
          %dma_start3A_501 = tpu.memref_slice %arg7[%run_scoped3A_450, %dma_start3A_499, %dma_start3A_500] : memref<3x1x112xi32, #tpu.memory_space<vmem>> -> memref<1x1x112xi32, #tpu.memory_space<vmem>>
          %dma_start3A_502 = tpu.memref_squeeze %dma_start3A_501 : memref<1x1x112xi32, #tpu.memory_space<vmem>> -> memref<1x112xi32, #tpu.memory_space<vmem>>
          %dma_start3A_503 = arith.constant 0 : i32
          %dma_start3A_504 = arith.constant 0 : i32
          %dma_start3A_505 = tpu.memref_slice %arg3[%add3A_448, %add3A_445, %dma_start3A_503, %dma_start3A_504] : memref<32x90x1x112xi32, #tpu.memory_space<hbm>> -> memref<1x1x1x112xi32, #tpu.memory_space<hbm>>
          %dma_start3A_506 = tpu.memref_squeeze %dma_start3A_505 : memref<1x1x1x112xi32, #tpu.memory_space<hbm>> -> memref<1x112xi32, #tpu.memory_space<hbm>>
          tpu.enqueue_dma source(%dma_start3A_506 : memref<1x112xi32, #tpu.memory_space<hbm>>) target(%dma_start3A_502 : memref<1x112xi32, #tpu.memory_space<vmem>>) target_semaphore(%run_scoped3A_490 : memref<!tpu.dma_semaphore, #tpu.memory_space<semaphore_mem>>)
          %dma_wait3A_507 = arith.constant 0 : i32
          %dma_wait3A_508 = arith.constant 0 : i32
          %dma_wait3A_509 = tpu.memref_slice %arg7[%run_scoped3A_450, %dma_wait3A_507, %dma_wait3A_508] : memref<3x1x112xi32, #tpu.memory_space<vmem>> -> memref<1x1x112xi32, #tpu.memory_space<vmem>>
          %dma_wait3A_510 = tpu.memref_squeeze %dma_wait3A_509 : memref<1x1x112xi32, #tpu.memory_space<vmem>> -> memref<1x112xi32, #tpu.memory_space<vmem>>
          %dma_wait3A_511 = arith.constant 0 : i32
          %dma_wait3A_512 = arith.constant 0 : i32
          %dma_wait3A_513 = tpu.memref_slice %arg3[%add3A_448, %add3A_445, %dma_wait3A_511, %dma_wait3A_512] : memref<32x90x1x112xi32, #tpu.memory_space<hbm>> -> memref<1x1x1x112xi32, #tpu.memory_space<hbm>>
          %dma_wait3A_514 = tpu.memref_squeeze %dma_wait3A_513 : memref<1x1x1x112xi32, #tpu.memory_space<hbm>> -> memref<1x112xi32, #tpu.memory_space<hbm>>
          %dma_wait3A_515 = arith.constant 0 : i32
          %dma_wait3A_516 = arith.constant 0 : i32
          %dma_wait3A_517 = tpu.memref_slice %arg7[%run_scoped3A_450, %dma_wait3A_515, %dma_wait3A_516] : memref<3x1x112xi32, #tpu.memory_space<vmem>> -> memref<1x1x112xi32, #tpu.memory_space<vmem>>
          %dma_wait3A_518 = tpu.memref_squeeze %dma_wait3A_517 : memref<1x1x112xi32, #tpu.memory_space<vmem>> -> memref<1x112xi32, #tpu.memory_space<vmem>>
          %dma_wait3A_519 = arith.constant 0 : i32
          %dma_wait3A_520 = arith.constant 0 : i32
          %dma_wait3A_521 = tpu.memref_slice %arg3[%add3A_448, %add3A_445, %dma_wait3A_519, %dma_wait3A_520] : memref<32x90x1x112xi32, #tpu.memory_space<hbm>> -> memref<1x1x1x112xi32, #tpu.memory_space<hbm>>
          %dma_wait3A_522 = tpu.memref_squeeze %dma_wait3A_521 : memref<1x1x1x112xi32, #tpu.memory_space<hbm>> -> memref<1x112xi32, #tpu.memory_space<hbm>>
          tpu.wait_dma2 semaphore(%run_scoped3A_490 : memref<!tpu.dma_semaphore, #tpu.memory_space<semaphore_mem>>) src(%dma_wait3A_522 : memref<1x112xi32, #tpu.memory_space<hbm>>) dst(%dma_wait3A_518 : memref<1x112xi32, #tpu.memory_space<vmem>>)
          tpu.yield
        }) : () -> ()
        %dma_start3A_451 = arith.constant 2 : i32
        %dma_start3A_452 = arith.constant 0 : i32
        %dma_start3A_453 = arith.constant 2 : i32
        %dma_start3A_454 = arith.constant 0 : i32
        %dma_start3A_455 = arith.constant 0 : i32
        %dma_start3A_456 = tpu.memref_slice %arg8[%dma_start3A_453, %dma_start3A_454, %dma_start3A_455] : memref<3x112x128xf32, #tpu.memory_space<vmem>> -> memref<1x112x128xf32, #tpu.memory_space<vmem>>
        %dma_start3A_457 = tpu.memref_squeeze %dma_start3A_456 : memref<1x112x128xf32, #tpu.memory_space<vmem>> -> memref<112x128xf32, #tpu.memory_space<vmem>>
        %dma_start3A_458 = arith.constant 0 : i32
        %dma_start3A_459 = tpu.memref_slice %arg6[%dma_start3A_451, %dma_start3A_452, %dma_start3A_458] : memref<3x1x112xi32, #tpu.memory_space<vmem>> -> memref<1x1x112xi32, #tpu.memory_space<vmem>>
        %dma_start3A_460 = tpu.memref_squeeze %dma_start3A_459 : memref<1x1x112xi32, #tpu.memory_space<vmem>> -> memref<112xi32, #tpu.memory_space<vmem>>
        %dma_start3A_461 = arith.constant 0 : i32
        %dma_start3A_462 = arith.constant 0 : i32
        %dma_start3A_463 = tpu.memref_slice %arg4[%dma_start3A_461, %dma_start3A_462] : memref<20000x128xf32, #tpu.memory_space<hbm>> -> memref<20000x128xf32, #tpu.memory_space<hbm>>
        tpu.enqueue_indirect_dma source(%dma_start3A_463 : memref<20000x128xf32, #tpu.memory_space<hbm>>) target(%dma_start3A_457 : memref<112x128xf32, #tpu.memory_space<vmem>>) offsets(%dma_start3A_460 : memref<112xi32, #tpu.memory_space<vmem>>) semaphore(%arg12 : memref<!tpu.dma_semaphore, #tpu.memory_space<semaphore_mem>>)
        %dma_wait3A_464 = arith.constant 1 : i32
        %dma_wait3A_465 = arith.constant 0 : i32
        %dma_wait3A_466 = arith.constant 1 : i32
        %dma_wait3A_467 = arith.constant 0 : i32
        %dma_wait3A_468 = arith.constant 0 : i32
        %dma_wait3A_469 = tpu.memref_slice %arg8[%dma_wait3A_466, %dma_wait3A_467, %dma_wait3A_468] : memref<3x112x128xf32, #tpu.memory_space<vmem>> -> memref<1x112x128xf32, #tpu.memory_space<vmem>>
        %dma_wait3A_470 = tpu.memref_squeeze %dma_wait3A_469 : memref<1x112x128xf32, #tpu.memory_space<vmem>> -> memref<112x128xf32, #tpu.memory_space<vmem>>
        %dma_wait3A_471 = arith.constant 0 : i32
        %dma_wait3A_472 = tpu.memref_slice %arg6[%dma_wait3A_464, %dma_wait3A_465, %dma_wait3A_471] : memref<3x1x112xi32, #tpu.memory_space<vmem>> -> memref<1x1x112xi32, #tpu.memory_space<vmem>>
        %dma_wait3A_473 = tpu.memref_squeeze %dma_wait3A_472 : memref<1x1x112xi32, #tpu.memory_space<vmem>> -> memref<112xi32, #tpu.memory_space<vmem>>
        %dma_wait3A_474 = arith.constant 0 : i32
        %dma_wait3A_475 = arith.constant 0 : i32
        %dma_wait3A_476 = tpu.memref_slice %arg4[%dma_wait3A_474, %dma_wait3A_475] : memref<20000x128xf32, #tpu.memory_space<hbm>> -> memref<20000x128xf32, #tpu.memory_space<hbm>>
        tpu.wait_indirect_dma semaphore(%arg11 : memref<!tpu.dma_semaphore, #tpu.memory_space<semaphore_mem>>) src(%dma_wait3A_476 : memref<20000x128xf32, #tpu.memory_space<hbm>>) dst(%dma_wait3A_470 : memref<112x128xf32, #tpu.memory_space<vmem>>)
        %dma_start3A_477 = arith.constant 1 : i32
        %dma_start3A_478 = arith.constant 1 : i32
        %dma_start3A_479 = arith.constant 0 : i32
        %dma_start3A_480 = arith.constant 0 : i32
        %dma_start3A_481 = arith.constant 0 : i32
        %dma_start3A_482 = tpu.memref_slice %arg8[%dma_start3A_477, %dma_start3A_480, %dma_start3A_481] : memref<3x112x128xf32, #tpu.memory_space<vmem>> -> memref<1x112x128xf32, #tpu.memory_space<vmem>>
        %dma_start3A_483 = tpu.memref_squeeze %dma_start3A_482 : memref<1x112x128xf32, #tpu.memory_space<vmem>> -> memref<112x128xf32, #tpu.memory_space<vmem>>
        %dma_start3A_484 = arith.constant 0 : i32
        %dma_start3A_485 = tpu.memref_slice %arg7[%dma_start3A_478, %dma_start3A_479, %dma_start3A_484] : memref<3x1x112xi32, #tpu.memory_space<vmem>> -> memref<1x1x112xi32, #tpu.memory_space<vmem>>
        %dma_start3A_486 = tpu.memref_squeeze %dma_start3A_485 : memref<1x1x112xi32, #tpu.memory_space<vmem>> -> memref<112xi32, #tpu.memory_space<vmem>>
        %dma_start3A_487 = arith.constant 0 : i32
        %dma_start3A_488 = arith.constant 0 : i32
        %dma_start3A_489 = tpu.memref_slice %arg9[%dma_start3A_487, %dma_start3A_488] : memref<10240x128xf32, #tpu.memory_space<vmem_shared>> -> memref<10240x128xf32, #tpu.memory_space<vmem_shared>>
        tpu.enqueue_indirect_dma source(%dma_start3A_483 : memref<112x128xf32, #tpu.memory_space<vmem>>) target(%dma_start3A_489 : memref<10240x128xf32, #tpu.memory_space<vmem_shared>>) offsets(%dma_start3A_486 : memref<112xi32, #tpu.memory_space<vmem>>) semaphore(%arg14 : memref<!tpu.dma_semaphore, #tpu.memory_space<semaphore_mem>>) {add = true}
      } else {
      }
      %add3A_406 = arith.constant 1 : i32
      %add3A_407 = arith.addi %add3A_398, %add3A_406 : i32
      %ge3A_408 = arith.constant 90 : i32
      %ge3A_409 = arith.cmpi sge, %add3A_407, %ge3A_408 : i32
      %convert_element_type3A_410 = arith.extui %ge3A_409 : i1 to i32
      %cond3A_411 = arith.constant 0 : i32
      %cond3A_412 = arith.cmpi ne, %convert_element_type3A_410, %cond3A_411 : i32
      scf.if %cond3A_412 {
        %dma_wait3A_431 = arith.constant 1 : i32
        %dma_wait3A_432 = arith.constant 0 : i32
        %dma_wait3A_433 = arith.constant 1 : i32
        %dma_wait3A_434 = arith.constant 0 : i32
        %dma_wait3A_435 = arith.constant 0 : i32
        %dma_wait3A_436 = tpu.memref_slice %arg8[%dma_wait3A_433, %dma_wait3A_434, %dma_wait3A_435] : memref<3x112x128xf32, #tpu.memory_space<vmem>> -> memref<1x112x128xf32, #tpu.memory_space<vmem>>
        %dma_wait3A_437 = tpu.memref_squeeze %dma_wait3A_436 : memref<1x112x128xf32, #tpu.memory_space<vmem>> -> memref<112x128xf32, #tpu.memory_space<vmem>>
        %dma_wait3A_438 = arith.constant 0 : i32
        %dma_wait3A_439 = tpu.memref_slice %arg6[%dma_wait3A_431, %dma_wait3A_432, %dma_wait3A_438] : memref<3x1x112xi32, #tpu.memory_space<vmem>> -> memref<1x1x112xi32, #tpu.memory_space<vmem>>
        %dma_wait3A_440 = tpu.memref_squeeze %dma_wait3A_439 : memref<1x1x112xi32, #tpu.memory_space<vmem>> -> memref<112xi32, #tpu.memory_space<vmem>>
        %dma_wait3A_441 = arith.constant 0 : i32
        %dma_wait3A_442 = arith.constant 0 : i32
        %dma_wait3A_443 = tpu.memref_slice %arg4[%dma_wait3A_441, %dma_wait3A_442] : memref<20000x128xf32, #tpu.memory_space<hbm>> -> memref<20000x128xf32, #tpu.memory_space<hbm>>
        tpu.wait_indirect_dma semaphore(%arg11 : memref<!tpu.dma_semaphore, #tpu.memory_space<semaphore_mem>>) src(%dma_wait3A_443 : memref<20000x128xf32, #tpu.memory_space<hbm>>) dst(%dma_wait3A_437 : memref<112x128xf32, #tpu.memory_space<vmem>>)
        %dma_start3A_444 = arith.constant 1 : i32
        %dma_start3A_445 = arith.constant 1 : i32
        %dma_start3A_446 = arith.constant 0 : i32
        %dma_start3A_447 = arith.constant 0 : i32
        %dma_start3A_448 = arith.constant 0 : i32
        %dma_start3A_449 = tpu.memref_slice %arg8[%dma_start3A_444, %dma_start3A_447, %dma_start3A_448] : memref<3x112x128xf32, #tpu.memory_space<vmem>> -> memref<1x112x128xf32, #tpu.memory_space<vmem>>
        %dma_start3A_450 = tpu.memref_squeeze %dma_start3A_449 : memref<1x112x128xf32, #tpu.memory_space<vmem>> -> memref<112x128xf32, #tpu.memory_space<vmem>>
        %dma_start3A_451 = arith.constant 0 : i32
        %dma_start3A_452 = tpu.memref_slice %arg7[%dma_start3A_445, %dma_start3A_446, %dma_start3A_451] : memref<3x1x112xi32, #tpu.memory_space<vmem>> -> memref<1x1x112xi32, #tpu.memory_space<vmem>>
        %dma_start3A_453 = tpu.memref_squeeze %dma_start3A_452 : memref<1x1x112xi32, #tpu.memory_space<vmem>> -> memref<112xi32, #tpu.memory_space<vmem>>
        %dma_start3A_454 = arith.constant 0 : i32
        %dma_start3A_455 = arith.constant 0 : i32
        %dma_start3A_456 = tpu.memref_slice %arg9[%dma_start3A_454, %dma_start3A_455] : memref<10240x128xf32, #tpu.memory_space<vmem_shared>> -> memref<10240x128xf32, #tpu.memory_space<vmem_shared>>
        tpu.enqueue_indirect_dma source(%dma_start3A_450 : memref<112x128xf32, #tpu.memory_space<vmem>>) target(%dma_start3A_456 : memref<10240x128xf32, #tpu.memory_space<vmem_shared>>) offsets(%dma_start3A_453 : memref<112xi32, #tpu.memory_space<vmem>>) semaphore(%arg14 : memref<!tpu.dma_semaphore, #tpu.memory_space<semaphore_mem>>) {add = true}
      } else {
      }
      %mul3A_413 = arith.constant 3 : i32
      %mul3A_414 = arith.muli %scan3A_380, %mul3A_413 : i32
      %add3A_415 = arith.constant 2 : i32
      %add3A_416 = arith.addi %mul3A_414, %add3A_415 : i32
      %add3A_417 = arith.constant 1 : i32
      %add3A_418 = arith.addi %add3A_416, %add3A_417 : i32
      %lt3A_419 = arith.constant 90 : i32
      %lt3A_420 = arith.cmpi slt, %add3A_418, %lt3A_419 : i32
      %convert_element_type3A_421 = arith.extui %lt3A_420 : i1 to i32
      %cond3A_422 = arith.constant 0 : i32
      %cond3A_423 = arith.cmpi ne, %convert_element_type3A_421, %cond3A_422 : i32
      scf.if %cond3A_423 {
        %dma_wait3A_431 = arith.constant 0 : i32
        %dma_wait3A_432 = arith.constant 0 : i32
        %dma_wait3A_433 = arith.constant 0 : i32
        %dma_wait3A_434 = arith.constant 0 : i32
        %dma_wait3A_435 = arith.constant 0 : i32
        %dma_wait3A_436 = tpu.memref_slice %arg8[%dma_wait3A_431, %dma_wait3A_434, %dma_wait3A_435] : memref<3x112x128xf32, #tpu.memory_space<vmem>> -> memref<1x112x128xf32, #tpu.memory_space<vmem>>
        %dma_wait3A_437 = tpu.memref_squeeze %dma_wait3A_436 : memref<1x112x128xf32, #tpu.memory_space<vmem>> -> memref<112x128xf32, #tpu.memory_space<vmem>>
        %dma_wait3A_438 = arith.constant 0 : i32
        %dma_wait3A_439 = tpu.memref_slice %arg7[%dma_wait3A_432, %dma_wait3A_433, %dma_wait3A_438] : memref<3x1x112xi32, #tpu.memory_space<vmem>> -> memref<1x1x112xi32, #tpu.memory_space<vmem>>
        %dma_wait3A_440 = tpu.memref_squeeze %dma_wait3A_439 : memref<1x1x112xi32, #tpu.memory_space<vmem>> -> memref<112xi32, #tpu.memory_space<vmem>>
        %dma_wait3A_441 = arith.constant 0 : i32
        %dma_wait3A_442 = arith.constant 0 : i32
        %dma_wait3A_443 = tpu.memref_slice %arg9[%dma_wait3A_441, %dma_wait3A_442] : memref<10240x128xf32, #tpu.memory_space<vmem_shared>> -> memref<10240x128xf32, #tpu.memory_space<vmem_shared>>
        tpu.wait_indirect_dma semaphore(%arg13 : memref<!tpu.dma_semaphore, #tpu.memory_space<semaphore_mem>>) src(%dma_wait3A_437 : memref<112x128xf32, #tpu.memory_space<vmem>>) dst(%dma_wait3A_443 : memref<10240x128xf32, #tpu.memory_space<vmem_shared>>)
        %add3A_444 = arith.constant 1 : i32
        %add3A_445 = arith.addi %add3A_416, %add3A_444 : i32
        %mul3A_446 = arith.constant 2 : i32
        %mul3A_447 = arith.muli %arg1, %mul3A_446 : i32
        %add3A_448 = arith.addi %mul3A_447, %arg0 : i32
        %run_scoped3A_449 = arith.constant 0 : i32
        "tpu.region"() ({
          %run_scoped3A_490 = tpu.sem_alloc : memref<!tpu.dma_semaphore, #tpu.memory_space<semaphore_mem>>
          %dma_start3A_491 = arith.constant 0 : i32
          %dma_start3A_492 = arith.constant 0 : i32
          %dma_start3A_493 = tpu.memref_slice %arg6[%run_scoped3A_449, %dma_start3A_491, %dma_start3A_492] : memref<3x1x112xi32, #tpu.memory_space<vmem>> -> memref<1x1x112xi32, #tpu.memory_space<vmem>>
          %dma_start3A_494 = tpu.memref_squeeze %dma_start3A_493 : memref<1x1x112xi32, #tpu.memory_space<vmem>> -> memref<1x112xi32, #tpu.memory_space<vmem>>
          %dma_start3A_495 = arith.constant 0 : i32
          %dma_start3A_496 = arith.constant 0 : i32
          %dma_start3A_497 = tpu.memref_slice %arg2[%add3A_448, %add3A_445, %dma_start3A_495, %dma_start3A_496] : memref<32x90x1x112xi32, #tpu.memory_space<hbm>> -> memref<1x1x1x112xi32, #tpu.memory_space<hbm>>
          %dma_start3A_498 = tpu.memref_squeeze %dma_start3A_497 : memref<1x1x1x112xi32, #tpu.memory_space<hbm>> -> memref<1x112xi32, #tpu.memory_space<hbm>>
          %dma_start3A_499 = arith.constant 0 : i32
          %dma_start3A_500 = arith.constant 0 : i32
          %dma_start3A_501 = tpu.memref_slice %arg6[%run_scoped3A_449, %dma_start3A_499, %dma_start3A_500] : memref<3x1x112xi32, #tpu.memory_space<vmem>> -> memref<1x1x112xi32, #tpu.memory_space<vmem>>
          %dma_start3A_502 = tpu.memref_squeeze %dma_start3A_501 : memref<1x1x112xi32, #tpu.memory_space<vmem>> -> memref<1x112xi32, #tpu.memory_space<vmem>>
          %dma_start3A_503 = arith.constant 0 : i32
          %dma_start3A_504 = arith.constant 0 : i32
          %dma_start3A_505 = tpu.memref_slice %arg2[%add3A_448, %add3A_445, %dma_start3A_503, %dma_start3A_504] : memref<32x90x1x112xi32, #tpu.memory_space<hbm>> -> memref<1x1x1x112xi32, #tpu.memory_space<hbm>>
          %dma_start3A_506 = tpu.memref_squeeze %dma_start3A_505 : memref<1x1x1x112xi32, #tpu.memory_space<hbm>> -> memref<1x112xi32, #tpu.memory_space<hbm>>
          tpu.enqueue_dma source(%dma_start3A_506 : memref<1x112xi32, #tpu.memory_space<hbm>>) target(%dma_start3A_502 : memref<1x112xi32, #tpu.memory_space<vmem>>) target_semaphore(%run_scoped3A_490 : memref<!tpu.dma_semaphore, #tpu.memory_space<semaphore_mem>>)
          %dma_wait3A_507 = arith.constant 0 : i32
          %dma_wait3A_508 = arith.constant 0 : i32
          %dma_wait3A_509 = tpu.memref_slice %arg6[%run_scoped3A_449, %dma_wait3A_507, %dma_wait3A_508] : memref<3x1x112xi32, #tpu.memory_space<vmem>> -> memref<1x1x112xi32, #tpu.memory_space<vmem>>
          %dma_wait3A_510 = tpu.memref_squeeze %dma_wait3A_509 : memref<1x1x112xi32, #tpu.memory_space<vmem>> -> memref<1x112xi32, #tpu.memory_space<vmem>>
          %dma_wait3A_511 = arith.constant 0 : i32
          %dma_wait3A_512 = arith.constant 0 : i32
          %dma_wait3A_513 = tpu.memref_slice %arg2[%add3A_448, %add3A_445, %dma_wait3A_511, %dma_wait3A_512] : memref<32x90x1x112xi32, #tpu.memory_space<hbm>> -> memref<1x1x1x112xi32, #tpu.memory_space<hbm>>
          %dma_wait3A_514 = tpu.memref_squeeze %dma_wait3A_513 : memref<1x1x1x112xi32, #tpu.memory_space<hbm>> -> memref<1x112xi32, #tpu.memory_space<hbm>>
          %dma_wait3A_515 = arith.constant 0 : i32
          %dma_wait3A_516 = arith.constant 0 : i32
          %dma_wait3A_517 = tpu.memref_slice %arg6[%run_scoped3A_449, %dma_wait3A_515, %dma_wait3A_516] : memref<3x1x112xi32, #tpu.memory_space<vmem>> -> memref<1x1x112xi32, #tpu.memory_space<vmem>>
          %dma_wait3A_518 = tpu.memref_squeeze %dma_wait3A_517 : memref<1x1x112xi32, #tpu.memory_space<vmem>> -> memref<1x112xi32, #tpu.memory_space<vmem>>
          %dma_wait3A_519 = arith.constant 0 : i32
          %dma_wait3A_520 = arith.constant 0 : i32
          %dma_wait3A_521 = tpu.memref_slice %arg2[%add3A_448, %add3A_445, %dma_wait3A_519, %dma_wait3A_520] : memref<32x90x1x112xi32, #tpu.memory_space<hbm>> -> memref<1x1x1x112xi32, #tpu.memory_space<hbm>>
          %dma_wait3A_522 = tpu.memref_squeeze %dma_wait3A_521 : memref<1x1x1x112xi32, #tpu.memory_space<hbm>> -> memref<1x112xi32, #tpu.memory_space<hbm>>
          tpu.wait_dma2 semaphore(%run_scoped3A_490 : memref<!tpu.dma_semaphore, #tpu.memory_space<semaphore_mem>>) src(%dma_wait3A_522 : memref<1x112xi32, #tpu.memory_space<hbm>>) dst(%dma_wait3A_518 : memref<1x112xi32, #tpu.memory_space<vmem>>)
          tpu.yield
        }) : () -> ()
        %run_scoped3A_450 = arith.constant 0 : i32
        "tpu.region"() ({
          %run_scoped3A_490 = tpu.sem_alloc : memref<!tpu.dma_semaphore, #tpu.memory_space<semaphore_mem>>
          %dma_start3A_491 = arith.constant 0 : i32
          %dma_start3A_492 = arith.constant 0 : i32
          %dma_start3A_493 = tpu.memref_slice %arg7[%run_scoped3A_450, %dma_start3A_491, %dma_start3A_492] : memref<3x1x112xi32, #tpu.memory_space<vmem>> -> memref<1x1x112xi32, #tpu.memory_space<vmem>>
          %dma_start3A_494 = tpu.memref_squeeze %dma_start3A_493 : memref<1x1x112xi32, #tpu.memory_space<vmem>> -> memref<1x112xi32, #tpu.memory_space<vmem>>
          %dma_start3A_495 = arith.constant 0 : i32
          %dma_start3A_496 = arith.constant 0 : i32
          %dma_start3A_497 = tpu.memref_slice %arg3[%add3A_448, %add3A_445, %dma_start3A_495, %dma_start3A_496] : memref<32x90x1x112xi32, #tpu.memory_space<hbm>> -> memref<1x1x1x112xi32, #tpu.memory_space<hbm>>
          %dma_start3A_498 = tpu.memref_squeeze %dma_start3A_497 : memref<1x1x1x112xi32, #tpu.memory_space<hbm>> -> memref<1x112xi32, #tpu.memory_space<hbm>>
          %dma_start3A_499 = arith.constant 0 : i32
          %dma_start3A_500 = arith.constant 0 : i32
          %dma_start3A_501 = tpu.memref_slice %arg7[%run_scoped3A_450, %dma_start3A_499, %dma_start3A_500] : memref<3x1x112xi32, #tpu.memory_space<vmem>> -> memref<1x1x112xi32, #tpu.memory_space<vmem>>
          %dma_start3A_502 = tpu.memref_squeeze %dma_start3A_501 : memref<1x1x112xi32, #tpu.memory_space<vmem>> -> memref<1x112xi32, #tpu.memory_space<vmem>>
          %dma_start3A_503 = arith.constant 0 : i32
          %dma_start3A_504 = arith.constant 0 : i32
          %dma_start3A_505 = tpu.memref_slice %arg3[%add3A_448, %add3A_445, %dma_start3A_503, %dma_start3A_504] : memref<32x90x1x112xi32, #tpu.memory_space<hbm>> -> memref<1x1x1x112xi32, #tpu.memory_space<hbm>>
          %dma_start3A_506 = tpu.memref_squeeze %dma_start3A_505 : memref<1x1x1x112xi32, #tpu.memory_space<hbm>> -> memref<1x112xi32, #tpu.memory_space<hbm>>
          tpu.enqueue_dma source(%dma_start3A_506 : memref<1x112xi32, #tpu.memory_space<hbm>>) target(%dma_start3A_502 : memref<1x112xi32, #tpu.memory_space<vmem>>) target_semaphore(%run_scoped3A_490 : memref<!tpu.dma_semaphore, #tpu.memory_space<semaphore_mem>>)
          %dma_wait3A_507 = arith.constant 0 : i32
          %dma_wait3A_508 = arith.constant 0 : i32
          %dma_wait3A_509 = tpu.memref_slice %arg7[%run_scoped3A_450, %dma_wait3A_507, %dma_wait3A_508] : memref<3x1x112xi32, #tpu.memory_space<vmem>> -> memref<1x1x112xi32, #tpu.memory_space<vmem>>
          %dma_wait3A_510 = tpu.memref_squeeze %dma_wait3A_509 : memref<1x1x112xi32, #tpu.memory_space<vmem>> -> memref<1x112xi32, #tpu.memory_space<vmem>>
          %dma_wait3A_511 = arith.constant 0 : i32
          %dma_wait3A_512 = arith.constant 0 : i32
          %dma_wait3A_513 = tpu.memref_slice %arg3[%add3A_448, %add3A_445, %dma_wait3A_511, %dma_wait3A_512] : memref<32x90x1x112xi32, #tpu.memory_space<hbm>> -> memref<1x1x1x112xi32, #tpu.memory_space<hbm>>
          %dma_wait3A_514 = tpu.memref_squeeze %dma_wait3A_513 : memref<1x1x1x112xi32, #tpu.memory_space<hbm>> -> memref<1x112xi32, #tpu.memory_space<hbm>>
          %dma_wait3A_515 = arith.constant 0 : i32
          %dma_wait3A_516 = arith.constant 0 : i32
          %dma_wait3A_517 = tpu.memref_slice %arg7[%run_scoped3A_450, %dma_wait3A_515, %dma_wait3A_516] : memref<3x1x112xi32, #tpu.memory_space<vmem>> -> memref<1x1x112xi32, #tpu.memory_space<vmem>>
          %dma_wait3A_518 = tpu.memref_squeeze %dma_wait3A_517 : memref<1x1x112xi32, #tpu.memory_space<vmem>> -> memref<1x112xi32, #tpu.memory_space<vmem>>
          %dma_wait3A_519 = arith.constant 0 : i32
          %dma_wait3A_520 = arith.constant 0 : i32
          %dma_wait3A_521 = tpu.memref_slice %arg3[%add3A_448, %add3A_445, %dma_wait3A_519, %dma_wait3A_520] : memref<32x90x1x112xi32, #tpu.memory_space<hbm>> -> memref<1x1x1x112xi32, #tpu.memory_space<hbm>>
          %dma_wait3A_522 = tpu.memref_squeeze %dma_wait3A_521 : memref<1x1x1x112xi32, #tpu.memory_space<hbm>> -> memref<1x112xi32, #tpu.memory_space<hbm>>
          tpu.wait_dma2 semaphore(%run_scoped3A_490 : memref<!tpu.dma_semaphore, #tpu.memory_space<semaphore_mem>>) src(%dma_wait3A_522 : memref<1x112xi32, #tpu.memory_space<hbm>>) dst(%dma_wait3A_518 : memref<1x112xi32, #tpu.memory_space<vmem>>)
          tpu.yield
        }) : () -> ()
        %dma_start3A_451 = arith.constant 0 : i32
        %dma_start3A_452 = arith.constant 0 : i32
        %dma_start3A_453 = arith.constant 0 : i32
        %dma_start3A_454 = arith.constant 0 : i32
        %dma_start3A_455 = arith.constant 0 : i32
        %dma_start3A_456 = tpu.memref_slice %arg8[%dma_start3A_453, %dma_start3A_454, %dma_start3A_455] : memref<3x112x128xf32, #tpu.memory_space<vmem>> -> memref<1x112x128xf32, #tpu.memory_space<vmem>>
        %dma_start3A_457 = tpu.memref_squeeze %dma_start3A_456 : memref<1x112x128xf32, #tpu.memory_space<vmem>> -> memref<112x128xf32, #tpu.memory_space<vmem>>
        %dma_start3A_458 = arith.constant 0 : i32
        %dma_start3A_459 = tpu.memref_slice %arg6[%dma_start3A_451, %dma_start3A_452, %dma_start3A_458] : memref<3x1x112xi32, #tpu.memory_space<vmem>> -> memref<1x1x112xi32, #tpu.memory_space<vmem>>
        %dma_start3A_460 = tpu.memref_squeeze %dma_start3A_459 : memref<1x1x112xi32, #tpu.memory_space<vmem>> -> memref<112xi32, #tpu.memory_space<vmem>>
        %dma_start3A_461 = arith.constant 0 : i32
        %dma_start3A_462 = arith.constant 0 : i32
        %dma_start3A_463 = tpu.memref_slice %arg4[%dma_start3A_461, %dma_start3A_462] : memref<20000x128xf32, #tpu.memory_space<hbm>> -> memref<20000x128xf32, #tpu.memory_space<hbm>>
        tpu.enqueue_indirect_dma source(%dma_start3A_463 : memref<20000x128xf32, #tpu.memory_space<hbm>>) target(%dma_start3A_457 : memref<112x128xf32, #tpu.memory_space<vmem>>) offsets(%dma_start3A_460 : memref<112xi32, #tpu.memory_space<vmem>>) semaphore(%arg10 : memref<!tpu.dma_semaphore, #tpu.memory_space<semaphore_mem>>)
        %dma_wait3A_464 = arith.constant 2 : i32
        %dma_wait3A_465 = arith.constant 0 : i32
        %dma_wait3A_466 = arith.constant 2 : i32
        %dma_wait3A_467 = arith.constant 0 : i32
        %dma_wait3A_468 = arith.constant 0 : i32
        %dma_wait3A_469 = tpu.memref_slice %arg8[%dma_wait3A_466, %dma_wait3A_467, %dma_wait3A_468] : memref<3x112x128xf32, #tpu.memory_space<vmem>> -> memref<1x112x128xf32, #tpu.memory_space<vmem>>
        %dma_wait3A_470 = tpu.memref_squeeze %dma_wait3A_469 : memref<1x112x128xf32, #tpu.memory_space<vmem>> -> memref<112x128xf32, #tpu.memory_space<vmem>>
        %dma_wait3A_471 = arith.constant 0 : i32
        %dma_wait3A_472 = tpu.memref_slice %arg6[%dma_wait3A_464, %dma_wait3A_465, %dma_wait3A_471] : memref<3x1x112xi32, #tpu.memory_space<vmem>> -> memref<1x1x112xi32, #tpu.memory_space<vmem>>
        %dma_wait3A_473 = tpu.memref_squeeze %dma_wait3A_472 : memref<1x1x112xi32, #tpu.memory_space<vmem>> -> memref<112xi32, #tpu.memory_space<vmem>>
        %dma_wait3A_474 = arith.constant 0 : i32
        %dma_wait3A_475 = arith.constant 0 : i32
        %dma_wait3A_476 = tpu.memref_slice %arg4[%dma_wait3A_474, %dma_wait3A_475] : memref<20000x128xf32, #tpu.memory_space<hbm>> -> memref<20000x128xf32, #tpu.memory_space<hbm>>
        tpu.wait_indirect_dma semaphore(%arg12 : memref<!tpu.dma_semaphore, #tpu.memory_space<semaphore_mem>>) src(%dma_wait3A_476 : memref<20000x128xf32, #tpu.memory_space<hbm>>) dst(%dma_wait3A_470 : memref<112x128xf32, #tpu.memory_space<vmem>>)
        %dma_start3A_477 = arith.constant 2 : i32
        %dma_start3A_478 = arith.constant 2 : i32
        %dma_start3A_479 = arith.constant 0 : i32
        %dma_start3A_480 = arith.constant 0 : i32
        %dma_start3A_481 = arith.constant 0 : i32
        %dma_start3A_482 = tpu.memref_slice %arg8[%dma_start3A_477, %dma_start3A_480, %dma_start3A_481] : memref<3x112x128xf32, #tpu.memory_space<vmem>> -> memref<1x112x128xf32, #tpu.memory_space<vmem>>
        %dma_start3A_483 = tpu.memref_squeeze %dma_start3A_482 : memref<1x112x128xf32, #tpu.memory_space<vmem>> -> memref<112x128xf32, #tpu.memory_space<vmem>>
        %dma_start3A_484 = arith.constant 0 : i32
        %dma_start3A_485 = tpu.memref_slice %arg7[%dma_start3A_478, %dma_start3A_479, %dma_start3A_484] : memref<3x1x112xi32, #tpu.memory_space<vmem>> -> memref<1x1x112xi32, #tpu.memory_space<vmem>>
        %dma_start3A_486 = tpu.memref_squeeze %dma_start3A_485 : memref<1x1x112xi32, #tpu.memory_space<vmem>> -> memref<112xi32, #tpu.memory_space<vmem>>
        %dma_start3A_487 = arith.constant 0 : i32
        %dma_start3A_488 = arith.constant 0 : i32
        %dma_start3A_489 = tpu.memref_slice %arg9[%dma_start3A_487, %dma_start3A_488] : memref<10240x128xf32, #tpu.memory_space<vmem_shared>> -> memref<10240x128xf32, #tpu.memory_space<vmem_shared>>
        tpu.enqueue_indirect_dma source(%dma_start3A_483 : memref<112x128xf32, #tpu.memory_space<vmem>>) target(%dma_start3A_489 : memref<10240x128xf32, #tpu.memory_space<vmem_shared>>) offsets(%dma_start3A_486 : memref<112xi32, #tpu.memory_space<vmem>>) semaphore(%arg15 : memref<!tpu.dma_semaphore, #tpu.memory_space<semaphore_mem>>) {add = true}
      } else {
      }
      %add3A_424 = arith.constant 1 : i32
      %add3A_425 = arith.addi %add3A_416, %add3A_424 : i32
      %ge3A_426 = arith.constant 90 : i32
      %ge3A_427 = arith.cmpi sge, %add3A_425, %ge3A_426 : i32
      %convert_element_type3A_428 = arith.extui %ge3A_427 : i1 to i32
      %cond3A_429 = arith.constant 0 : i32
      %cond3A_430 = arith.cmpi ne, %convert_element_type3A_428, %cond3A_429 : i32
      scf.if %cond3A_430 {
        %dma_wait3A_431 = arith.constant 2 : i32
        %dma_wait3A_432 = arith.constant 0 : i32
        %dma_wait3A_433 = arith.constant 2 : i32
        %dma_wait3A_434 = arith.constant 0 : i32
        %dma_wait3A_435 = arith.constant 0 : i32
        %dma_wait3A_436 = tpu.memref_slice %arg8[%dma_wait3A_433, %dma_wait3A_434, %dma_wait3A_435] : memref<3x112x128xf32, #tpu.memory_space<vmem>> -> memref<1x112x128xf32, #tpu.memory_space<vmem>>
        %dma_wait3A_437 = tpu.memref_squeeze %dma_wait3A_436 : memref<1x112x128xf32, #tpu.memory_space<vmem>> -> memref<112x128xf32, #tpu.memory_space<vmem>>
        %dma_wait3A_438 = arith.constant 0 : i32
        %dma_wait3A_439 = tpu.memref_slice %arg6[%dma_wait3A_431, %dma_wait3A_432, %dma_wait3A_438] : memref<3x1x112xi32, #tpu.memory_space<vmem>> -> memref<1x1x112xi32, #tpu.memory_space<vmem>>
        %dma_wait3A_440 = tpu.memref_squeeze %dma_wait3A_439 : memref<1x1x112xi32, #tpu.memory_space<vmem>> -> memref<112xi32, #tpu.memory_space<vmem>>
        %dma_wait3A_441 = arith.constant 0 : i32
        %dma_wait3A_442 = arith.constant 0 : i32
        %dma_wait3A_443 = tpu.memref_slice %arg4[%dma_wait3A_441, %dma_wait3A_442] : memref<20000x128xf32, #tpu.memory_space<hbm>> -> memref<20000x128xf32, #tpu.memory_space<hbm>>
        tpu.wait_indirect_dma semaphore(%arg12 : memref<!tpu.dma_semaphore, #tpu.memory_space<semaphore_mem>>) src(%dma_wait3A_443 : memref<20000x128xf32, #tpu.memory_space<hbm>>) dst(%dma_wait3A_437 : memref<112x128xf32, #tpu.memory_space<vmem>>)
        %dma_start3A_444 = arith.constant 2 : i32
        %dma_start3A_445 = arith.constant 2 : i32
        %dma_start3A_446 = arith.constant 0 : i32
        %dma_start3A_447 = arith.constant 0 : i32
        %dma_start3A_448 = arith.constant 0 : i32
        %dma_start3A_449 = tpu.memref_slice %arg8[%dma_start3A_444, %dma_start3A_447, %dma_start3A_448] : memref<3x112x128xf32, #tpu.memory_space<vmem>> -> memref<1x112x128xf32, #tpu.memory_space<vmem>>
        %dma_start3A_450 = tpu.memref_squeeze %dma_start3A_449 : memref<1x112x128xf32, #tpu.memory_space<vmem>> -> memref<112x128xf32, #tpu.memory_space<vmem>>
        %dma_start3A_451 = arith.constant 0 : i32
        %dma_start3A_452 = tpu.memref_slice %arg7[%dma_start3A_445, %dma_start3A_446, %dma_start3A_451] : memref<3x1x112xi32, #tpu.memory_space<vmem>> -> memref<1x1x112xi32, #tpu.memory_space<vmem>>
        %dma_start3A_453 = tpu.memref_squeeze %dma_start3A_452 : memref<1x1x112xi32, #tpu.memory_space<vmem>> -> memref<112xi32, #tpu.memory_space<vmem>>
        %dma_start3A_454 = arith.constant 0 : i32
        %dma_start3A_455 = arith.constant 0 : i32
        %dma_start3A_456 = tpu.memref_slice %arg9[%dma_start3A_454, %dma_start3A_455] : memref<10240x128xf32, #tpu.memory_space<vmem_shared>> -> memref<10240x128xf32, #tpu.memory_space<vmem_shared>>
        tpu.enqueue_indirect_dma source(%dma_start3A_450 : memref<112x128xf32, #tpu.memory_space<vmem>>) target(%dma_start3A_456 : memref<10240x128xf32, #tpu.memory_space<vmem_shared>>) offsets(%dma_start3A_453 : memref<112xi32, #tpu.memory_space<vmem>>) semaphore(%arg15 : memref<!tpu.dma_semaphore, #tpu.memory_space<semaphore_mem>>) {add = true}
      } else {
      }
    }
    %scan3A_335 = arith.constant 30 : i32
    %dma_wait3A_336 = arith.constant 0 : i32
    %dma_wait3A_337 = arith.constant 0 : i32
    %dma_wait3A_338 = arith.constant 0 : i32
    %dma_wait3A_339 = arith.constant 0 : i32
    %dma_wait3A_340 = arith.constant 0 : i32
    %dma_wait3A_341 = tpu.memref_slice %arg8[%dma_wait3A_336, %dma_wait3A_339, %dma_wait3A_340] : memref<3x112x128xf32, #tpu.memory_space<vmem>> -> memref<1x112x128xf32, #tpu.memory_space<vmem>>
    %dma_wait3A_342 = tpu.memref_squeeze %dma_wait3A_341 : memref<1x112x128xf32, #tpu.memory_space<vmem>> -> memref<112x128xf32, #tpu.memory_space<vmem>>
    %dma_wait3A_343 = arith.constant 0 : i32
    %dma_wait3A_344 = tpu.memref_slice %arg7[%dma_wait3A_337, %dma_wait3A_338, %dma_wait3A_343] : memref<3x1x112xi32, #tpu.memory_space<vmem>> -> memref<1x1x112xi32, #tpu.memory_space<vmem>>
    %dma_wait3A_345 = tpu.memref_squeeze %dma_wait3A_344 : memref<1x1x112xi32, #tpu.memory_space<vmem>> -> memref<112xi32, #tpu.memory_space<vmem>>
    %dma_wait3A_346 = arith.constant 0 : i32
    %dma_wait3A_347 = arith.constant 0 : i32
    %dma_wait3A_348 = tpu.memref_slice %arg9[%dma_wait3A_346, %dma_wait3A_347] : memref<10240x128xf32, #tpu.memory_space<vmem_shared>> -> memref<10240x128xf32, #tpu.memory_space<vmem_shared>>
    tpu.wait_indirect_dma semaphore(%arg13 : memref<!tpu.dma_semaphore, #tpu.memory_space<semaphore_mem>>) src(%dma_wait3A_342 : memref<112x128xf32, #tpu.memory_space<vmem>>) dst(%dma_wait3A_348 : memref<10240x128xf32, #tpu.memory_space<vmem_shared>>)
    %dma_wait3A_349 = arith.constant 1 : i32
    %dma_wait3A_350 = arith.constant 1 : i32
    %dma_wait3A_351 = arith.constant 0 : i32
    %dma_wait3A_352 = arith.constant 0 : i32
    %dma_wait3A_353 = arith.constant 0 : i32
    %dma_wait3A_354 = tpu.memref_slice %arg8[%dma_wait3A_349, %dma_wait3A_352, %dma_wait3A_353] : memref<3x112x128xf32, #tpu.memory_space<vmem>> -> memref<1x112x128xf32, #tpu.memory_space<vmem>>
    %dma_wait3A_355 = tpu.memref_squeeze %dma_wait3A_354 : memref<1x112x128xf32, #tpu.memory_space<vmem>> -> memref<112x128xf32, #tpu.memory_space<vmem>>
    %dma_wait3A_356 = arith.constant 0 : i32
    %dma_wait3A_357 = tpu.memref_slice %arg7[%dma_wait3A_350, %dma_wait3A_351, %dma_wait3A_356] : memref<3x1x112xi32, #tpu.memory_space<vmem>> -> memref<1x1x112xi32, #tpu.memory_space<vmem>>
    %dma_wait3A_358 = tpu.memref_squeeze %dma_wait3A_357 : memref<1x1x112xi32, #tpu.memory_space<vmem>> -> memref<112xi32, #tpu.memory_space<vmem>>
    %dma_wait3A_359 = arith.constant 0 : i32
    %dma_wait3A_360 = arith.constant 0 : i32
    %dma_wait3A_361 = tpu.memref_slice %arg9[%dma_wait3A_359, %dma_wait3A_360] : memref<10240x128xf32, #tpu.memory_space<vmem_shared>> -> memref<10240x128xf32, #tpu.memory_space<vmem_shared>>
    tpu.wait_indirect_dma semaphore(%arg14 : memref<!tpu.dma_semaphore, #tpu.memory_space<semaphore_mem>>) src(%dma_wait3A_355 : memref<112x128xf32, #tpu.memory_space<vmem>>) dst(%dma_wait3A_361 : memref<10240x128xf32, #tpu.memory_space<vmem_shared>>)
    %dma_wait3A_362 = arith.constant 2 : i32
    %dma_wait3A_363 = arith.constant 2 : i32
    %dma_wait3A_364 = arith.constant 0 : i32
    %dma_wait3A_365 = arith.constant 0 : i32
    %dma_wait3A_366 = arith.constant 0 : i32
    %dma_wait3A_367 = tpu.memref_slice %arg8[%dma_wait3A_362, %dma_wait3A_365, %dma_wait3A_366] : memref<3x112x128xf32, #tpu.memory_space<vmem>> -> memref<1x112x128xf32, #tpu.memory_space<vmem>>
    %dma_wait3A_368 = tpu.memref_squeeze %dma_wait3A_367 : memref<1x112x128xf32, #tpu.memory_space<vmem>> -> memref<112x128xf32, #tpu.memory_space<vmem>>
    %dma_wait3A_369 = arith.constant 0 : i32
    %dma_wait3A_370 = tpu.memref_slice %arg7[%dma_wait3A_363, %dma_wait3A_364, %dma_wait3A_369] : memref<3x1x112xi32, #tpu.memory_space<vmem>> -> memref<1x1x112xi32, #tpu.memory_space<vmem>>
    %dma_wait3A_371 = tpu.memref_squeeze %dma_wait3A_370 : memref<1x1x112xi32, #tpu.memory_space<vmem>> -> memref<112xi32, #tpu.memory_space<vmem>>
    %dma_wait3A_372 = arith.constant 0 : i32
    %dma_wait3A_373 = arith.constant 0 : i32
    %dma_wait3A_374 = tpu.memref_slice %arg9[%dma_wait3A_372, %dma_wait3A_373] : memref<10240x128xf32, #tpu.memory_space<vmem_shared>> -> memref<10240x128xf32, #tpu.memory_space<vmem_shared>>
    tpu.wait_indirect_dma semaphore(%arg15 : memref<!tpu.dma_semaphore, #tpu.memory_space<semaphore_mem>>) src(%dma_wait3A_368 : memref<112x128xf32, #tpu.memory_space<vmem>>) dst(%dma_wait3A_374 : memref<10240x128xf32, #tpu.memory_space<vmem_shared>>)
    %barrier3A_375 = arith.constant 0 : index
    tpu.barrier barrier_id(%barrier3A_375)
    %mul3A_376 = arith.constant 640 : i32
    %mul3A_377 = arith.muli %arg1, %mul3A_376 : i32
    %mul3A_378 = arith.constant 640 : i32
    %mul3A_379 = arith.muli %arg1, %mul3A_378 : i32
    "tpu.region"() ({
      %run_scoped3A_380 = tpu.sem_alloc : memref<!tpu.dma_semaphore, #tpu.memory_space<semaphore_mem>>
      %dma_start3A_381 = arith.constant 0 : i32
      %dma_start3A_382 = tpu.memref_slice %arg5[%arg0, %mul3A_379, %dma_start3A_381] : memref<2x10240x128xf32, #tpu.memory_space<hbm>> -> memref<1x640x128xf32, #tpu.memory_space<hbm>>
      %dma_start3A_383 = tpu.memref_squeeze %dma_start3A_382 : memref<1x640x128xf32, #tpu.memory_space<hbm>> -> memref<640x128xf32, #tpu.memory_space<hbm>>
      %dma_start3A_384 = arith.constant 0 : i32
      %dma_start3A_385 = tpu.memref_slice %arg9[%mul3A_377, %dma_start3A_384] : memref<10240x128xf32, #tpu.memory_space<vmem_shared>> -> memref<640x128xf32, #tpu.memory_space<vmem_shared>>
      tpu.enqueue_dma source(%dma_start3A_385 : memref<640x128xf32, #tpu.memory_space<vmem_shared>>) target(%dma_start3A_383 : memref<640x128xf32, #tpu.memory_space<hbm>>) target_semaphore(%run_scoped3A_380 : memref<!tpu.dma_semaphore, #tpu.memory_space<semaphore_mem>>)
      %dma_wait3A_386 = arith.constant 0 : i32
      %dma_wait3A_387 = tpu.memref_slice %arg5[%arg0, %mul3A_379, %dma_wait3A_386] : memref<2x10240x128xf32, #tpu.memory_space<hbm>> -> memref<1x640x128xf32, #tpu.memory_space<hbm>>
      %dma_wait3A_388 = tpu.memref_squeeze %dma_wait3A_387 : memref<1x640x128xf32, #tpu.memory_space<hbm>> -> memref<640x128xf32, #tpu.memory_space<hbm>>
      %dma_wait3A_389 = arith.constant 0 : i32
      %dma_wait3A_390 = tpu.memref_slice %arg9[%mul3A_377, %dma_wait3A_389] : memref<10240x128xf32, #tpu.memory_space<vmem_shared>> -> memref<640x128xf32, #tpu.memory_space<vmem_shared>>
      tpu.wait_dma2 semaphore(%run_scoped3A_380 : memref<!tpu.dma_semaphore, #tpu.memory_space<semaphore_mem>>) src(%dma_wait3A_390 : memref<640x128xf32, #tpu.memory_space<vmem_shared>>) dst(%dma_wait3A_388 : memref<640x128xf32, #tpu.memory_space<hbm>>)
      tpu.yield
    }) : () -> ()
    return
  }
}

#map = affine_map<(d0, d1) -> (0, 0, 0, 0)>
#map1 = affine_map<(d0, d1) -> (0)>
module attributes {stable_mosaic.version = 14 : i64} {
  func.func @deg_kernel(%arg0: i32, %arg1: i32, %arg2: memref<32x90x1x112xi32, #tpu.memory_space<hbm>>, %arg3: memref<20480xf32, #tpu.memory_space<hbm>>, %arg4: memref<90x1x112xi32, #tpu.memory_space<vmem>>, %arg5: memref<112xf32, #tpu.memory_space<vmem>>, %arg6: memref<640xf32, #tpu.memory_space<vmem>>, %arg7: memref<10240xf32, #tpu.memory_space<vmem_shared>>) attributes {dimension_semantics = [#tpu.dimension_semantics<core_parallel>, #tpu.dimension_semantics<subcore_parallel>], iteration_bounds = array<i64: 2, 16>, scalar_prefetch = 0 : i64, scratch_operands = 4 : i64, tpu.core_type = #tpu.core_type<sc_vector_subcore>, window_params = [{transform_indices = #map}, {transform_indices = #map1}]} {
    %mul3A = arith.constant 2 : i32
    %mul3A_0 = arith.muli %arg1, %mul3A : i32
    %add3A = arith.addi %mul3A_0, %arg0 : i32
    %broadcast_in_dim3A = arith.constant 1.000000e+00 : f32
    %broadcast_in_dim3A_1 = vector.broadcast %broadcast_in_dim3A : f32 to vector<16xf32>
    %swap3A = arith.constant 0 : index
    %swap3A_2 = tpu.vector_load %arg5[%swap3A] {strides = array<i32>} : memref<112xf32, #tpu.memory_space<vmem>>, vector<16xf32>,
    %swap3A_3 = vector.shape_cast %swap3A_2 : vector<16xf32> to vector<16xf32>
    %swap3A_4 = vector.shape_cast %broadcast_in_dim3A_1 : vector<16xf32> to vector<16xf32>
    tpu.vector_store %arg5[%swap3A], %swap3A_4 {strides = array<i32>} : memref<112xf32, #tpu.memory_space<vmem>>, vector<16xf32>,
    %broadcast_in_dim3A_5 = arith.constant 1.000000e+00 : f32
    %broadcast_in_dim3A_6 = vector.broadcast %broadcast_in_dim3A_5 : f32 to vector<16xf32>
    %swap3A_7 = arith.constant 16 : index
    %swap3A_8 = tpu.vector_load %arg5[%swap3A_7] {strides = array<i32>} : memref<112xf32, #tpu.memory_space<vmem>>, vector<16xf32>,
    %swap3A_9 = vector.shape_cast %swap3A_8 : vector<16xf32> to vector<16xf32>
    %swap3A_10 = vector.shape_cast %broadcast_in_dim3A_6 : vector<16xf32> to vector<16xf32>
    tpu.vector_store %arg5[%swap3A_7], %swap3A_10 {strides = array<i32>} : memref<112xf32, #tpu.memory_space<vmem>>, vector<16xf32>,
    %broadcast_in_dim3A_11 = arith.constant 1.000000e+00 : f32
    %broadcast_in_dim3A_12 = vector.broadcast %broadcast_in_dim3A_11 : f32 to vector<16xf32>
    %swap3A_13 = arith.constant 32 : index
    %swap3A_14 = tpu.vector_load %arg5[%swap3A_13] {strides = array<i32>} : memref<112xf32, #tpu.memory_space<vmem>>, vector<16xf32>,
    %swap3A_15 = vector.shape_cast %swap3A_14 : vector<16xf32> to vector<16xf32>
    %swap3A_16 = vector.shape_cast %broadcast_in_dim3A_12 : vector<16xf32> to vector<16xf32>
    tpu.vector_store %arg5[%swap3A_13], %swap3A_16 {strides = array<i32>} : memref<112xf32, #tpu.memory_space<vmem>>, vector<16xf32>,
    %broadcast_in_dim3A_17 = arith.constant 1.000000e+00 : f32
    %broadcast_in_dim3A_18 = vector.broadcast %broadcast_in_dim3A_17 : f32 to vector<16xf32>
    %swap3A_19 = arith.constant 48 : index
    %swap3A_20 = tpu.vector_load %arg5[%swap3A_19] {strides = array<i32>} : memref<112xf32, #tpu.memory_space<vmem>>, vector<16xf32>,
    %swap3A_21 = vector.shape_cast %swap3A_20 : vector<16xf32> to vector<16xf32>
    %swap3A_22 = vector.shape_cast %broadcast_in_dim3A_18 : vector<16xf32> to vector<16xf32>
    tpu.vector_store %arg5[%swap3A_19], %swap3A_22 {strides = array<i32>} : memref<112xf32, #tpu.memory_space<vmem>>, vector<16xf32>,
    %broadcast_in_dim3A_23 = arith.constant 1.000000e+00 : f32
    %broadcast_in_dim3A_24 = vector.broadcast %broadcast_in_dim3A_23 : f32 to vector<16xf32>
    %swap3A_25 = arith.constant 64 : index
    %swap3A_26 = tpu.vector_load %arg5[%swap3A_25] {strides = array<i32>} : memref<112xf32, #tpu.memory_space<vmem>>, vector<16xf32>,
    %swap3A_27 = vector.shape_cast %swap3A_26 : vector<16xf32> to vector<16xf32>
    %swap3A_28 = vector.shape_cast %broadcast_in_dim3A_24 : vector<16xf32> to vector<16xf32>
    tpu.vector_store %arg5[%swap3A_25], %swap3A_28 {strides = array<i32>} : memref<112xf32, #tpu.memory_space<vmem>>, vector<16xf32>,
    %broadcast_in_dim3A_29 = arith.constant 1.000000e+00 : f32
    %broadcast_in_dim3A_30 = vector.broadcast %broadcast_in_dim3A_29 : f32 to vector<16xf32>
    %swap3A_31 = arith.constant 80 : index
    %swap3A_32 = tpu.vector_load %arg5[%swap3A_31] {strides = array<i32>} : memref<112xf32, #tpu.memory_space<vmem>>, vector<16xf32>,
    %swap3A_33 = vector.shape_cast %swap3A_32 : vector<16xf32> to vector<16xf32>
    %swap3A_34 = vector.shape_cast %broadcast_in_dim3A_30 : vector<16xf32> to vector<16xf32>
    tpu.vector_store %arg5[%swap3A_31], %swap3A_34 {strides = array<i32>} : memref<112xf32, #tpu.memory_space<vmem>>, vector<16xf32>,
    %broadcast_in_dim3A_35 = arith.constant 1.000000e+00 : f32
    %broadcast_in_dim3A_36 = vector.broadcast %broadcast_in_dim3A_35 : f32 to vector<16xf32>
    %swap3A_37 = arith.constant 96 : index
    %swap3A_38 = tpu.vector_load %arg5[%swap3A_37] {strides = array<i32>} : memref<112xf32, #tpu.memory_space<vmem>>, vector<16xf32>,
    %swap3A_39 = vector.shape_cast %swap3A_38 : vector<16xf32> to vector<16xf32>
    %swap3A_40 = vector.shape_cast %broadcast_in_dim3A_36 : vector<16xf32> to vector<16xf32>
    tpu.vector_store %arg5[%swap3A_37], %swap3A_40 {strides = array<i32>} : memref<112xf32, #tpu.memory_space<vmem>>, vector<16xf32>,
    %broadcast_in_dim3A_41 = arith.constant 0.000000e+00 : f32
    %broadcast_in_dim3A_42 = vector.broadcast %broadcast_in_dim3A_41 : f32 to vector<16xf32>
    %swap3A_43 = arith.constant 0 : index
    %swap3A_44 = tpu.vector_load %arg6[%swap3A_43] {strides = array<i32>} : memref<640xf32, #tpu.memory_space<vmem>>, vector<16xf32>,
    %swap3A_45 = vector.shape_cast %swap3A_44 : vector<16xf32> to vector<16xf32>
    %swap3A_46 = vector.shape_cast %broadcast_in_dim3A_42 : vector<16xf32> to vector<16xf32>
    tpu.vector_store %arg6[%swap3A_43], %swap3A_46 {strides = array<i32>} : memref<640xf32, #tpu.memory_space<vmem>>, vector<16xf32>,
    %broadcast_in_dim3A_47 = arith.constant 0.000000e+00 : f32
    %broadcast_in_dim3A_48 = vector.broadcast %broadcast_in_dim3A_47 : f32 to vector<16xf32>
    %swap3A_49 = arith.constant 16 : index
    %swap3A_50 = tpu.vector_load %arg6[%swap3A_49] {strides = array<i32>} : memref<640xf32, #tpu.memory_space<vmem>>, vector<16xf32>,
    %swap3A_51 = vector.shape_cast %swap3A_50 : vector<16xf32> to vector<16xf32>
    %swap3A_52 = vector.shape_cast %broadcast_in_dim3A_48 : vector<16xf32> to vector<16xf32>
    tpu.vector_store %arg6[%swap3A_49], %swap3A_52 {strides = array<i32>} : memref<640xf32, #tpu.memory_space<vmem>>, vector<16xf32>,
    %broadcast_in_dim3A_53 = arith.constant 0.000000e+00 : f32
    %broadcast_in_dim3A_54 = vector.broadcast %broadcast_in_dim3A_53 : f32 to vector<16xf32>
    %swap3A_55 = arith.constant 32 : index
    %swap3A_56 = tpu.vector_load %arg6[%swap3A_55] {strides = array<i32>} : memref<640xf32, #tpu.memory_space<vmem>>, vector<16xf32>,
    %swap3A_57 = vector.shape_cast %swap3A_56 : vector<16xf32> to vector<16xf32>
    %swap3A_58 = vector.shape_cast %broadcast_in_dim3A_54 : vector<16xf32> to vector<16xf32>
    tpu.vector_store %arg6[%swap3A_55], %swap3A_58 {strides = array<i32>} : memref<640xf32, #tpu.memory_space<vmem>>, vector<16xf32>,
    %broadcast_in_dim3A_59 = arith.constant 0.000000e+00 : f32
    %broadcast_in_dim3A_60 = vector.broadcast %broadcast_in_dim3A_59 : f32 to vector<16xf32>
    %swap3A_61 = arith.constant 48 : index
    %swap3A_62 = tpu.vector_load %arg6[%swap3A_61] {strides = array<i32>} : memref<640xf32, #tpu.memory_space<vmem>>, vector<16xf32>,
    %swap3A_63 = vector.shape_cast %swap3A_62 : vector<16xf32> to vector<16xf32>
    %swap3A_64 = vector.shape_cast %broadcast_in_dim3A_60 : vector<16xf32> to vector<16xf32>
    tpu.vector_store %arg6[%swap3A_61], %swap3A_64 {strides = array<i32>} : memref<640xf32, #tpu.memory_space<vmem>>, vector<16xf32>,
    %broadcast_in_dim3A_65 = arith.constant 0.000000e+00 : f32
    %broadcast_in_dim3A_66 = vector.broadcast %broadcast_in_dim3A_65 : f32 to vector<16xf32>
    %swap3A_67 = arith.constant 64 : index
    %swap3A_68 = tpu.vector_load %arg6[%swap3A_67] {strides = array<i32>} : memref<640xf32, #tpu.memory_space<vmem>>, vector<16xf32>,
    %swap3A_69 = vector.shape_cast %swap3A_68 : vector<16xf32> to vector<16xf32>
    %swap3A_70 = vector.shape_cast %broadcast_in_dim3A_66 : vector<16xf32> to vector<16xf32>
    tpu.vector_store %arg6[%swap3A_67], %swap3A_70 {strides = array<i32>} : memref<640xf32, #tpu.memory_space<vmem>>, vector<16xf32>,
    %broadcast_in_dim3A_71 = arith.constant 0.000000e+00 : f32
    %broadcast_in_dim3A_72 = vector.broadcast %broadcast_in_dim3A_71 : f32 to vector<16xf32>
    %swap3A_73 = arith.constant 80 : index
    %swap3A_74 = tpu.vector_load %arg6[%swap3A_73] {strides = array<i32>} : memref<640xf32, #tpu.memory_space<vmem>>, vector<16xf32>,
    %swap3A_75 = vector.shape_cast %swap3A_74 : vector<16xf32> to vector<16xf32>
    %swap3A_76 = vector.shape_cast %broadcast_in_dim3A_72 : vector<16xf32> to vector<16xf32>
    tpu.vector_store %arg6[%swap3A_73], %swap3A_76 {strides = array<i32>} : memref<640xf32, #tpu.memory_space<vmem>>, vector<16xf32>,
    %broadcast_in_dim3A_77 = arith.constant 0.000000e+00 : f32
    %broadcast_in_dim3A_78 = vector.broadcast %broadcast_in_dim3A_77 : f32 to vector<16xf32>
    %swap3A_79 = arith.constant 96 : index
    %swap3A_80 = tpu.vector_load %arg6[%swap3A_79] {strides = array<i32>} : memref<640xf32, #tpu.memory_space<vmem>>, vector<16xf32>,
    %swap3A_81 = vector.shape_cast %swap3A_80 : vector<16xf32> to vector<16xf32>
    %swap3A_82 = vector.shape_cast %broadcast_in_dim3A_78 : vector<16xf32> to vector<16xf32>
    tpu.vector_store %arg6[%swap3A_79], %swap3A_82 {strides = array<i32>} : memref<640xf32, #tpu.memory_space<vmem>>, vector<16xf32>,
    %broadcast_in_dim3A_83 = arith.constant 0.000000e+00 : f32
    %broadcast_in_dim3A_84 = vector.broadcast %broadcast_in_dim3A_83 : f32 to vector<16xf32>
    %swap3A_85 = arith.constant 112 : index
    %swap3A_86 = tpu.vector_load %arg6[%swap3A_85] {strides = array<i32>} : memref<640xf32, #tpu.memory_space<vmem>>, vector<16xf32>,
    %swap3A_87 = vector.shape_cast %swap3A_86 : vector<16xf32> to vector<16xf32>
    %swap3A_88 = vector.shape_cast %broadcast_in_dim3A_84 : vector<16xf32> to vector<16xf32>
    tpu.vector_store %arg6[%swap3A_85], %swap3A_88 {strides = array<i32>} : memref<640xf32, #tpu.memory_space<vmem>>, vector<16xf32>,
    %broadcast_in_dim3A_89 = arith.constant 0.000000e+00 : f32
    %broadcast_in_dim3A_90 = vector.broadcast %broadcast_in_dim3A_89 : f32 to vector<16xf32>
    %swap3A_91 = arith.constant 128 : index
    %swap3A_92 = tpu.vector_load %arg6[%swap3A_91] {strides = array<i32>} : memref<640xf32, #tpu.memory_space<vmem>>, vector<16xf32>,
    %swap3A_93 = vector.shape_cast %swap3A_92 : vector<16xf32> to vector<16xf32>
    %swap3A_94 = vector.shape_cast %broadcast_in_dim3A_90 : vector<16xf32> to vector<16xf32>
    tpu.vector_store %arg6[%swap3A_91], %swap3A_94 {strides = array<i32>} : memref<640xf32, #tpu.memory_space<vmem>>, vector<16xf32>,
    %broadcast_in_dim3A_95 = arith.constant 0.000000e+00 : f32
    %broadcast_in_dim3A_96 = vector.broadcast %broadcast_in_dim3A_95 : f32 to vector<16xf32>
    %swap3A_97 = arith.constant 144 : index
    %swap3A_98 = tpu.vector_load %arg6[%swap3A_97] {strides = array<i32>} : memref<640xf32, #tpu.memory_space<vmem>>, vector<16xf32>,
    %swap3A_99 = vector.shape_cast %swap3A_98 : vector<16xf32> to vector<16xf32>
    %swap3A_100 = vector.shape_cast %broadcast_in_dim3A_96 : vector<16xf32> to vector<16xf32>
    tpu.vector_store %arg6[%swap3A_97], %swap3A_100 {strides = array<i32>} : memref<640xf32, #tpu.memory_space<vmem>>, vector<16xf32>,
    %broadcast_in_dim3A_101 = arith.constant 0.000000e+00 : f32
    %broadcast_in_dim3A_102 = vector.broadcast %broadcast_in_dim3A_101 : f32 to vector<16xf32>
    %swap3A_103 = arith.constant 160 : index
    %swap3A_104 = tpu.vector_load %arg6[%swap3A_103] {strides = array<i32>} : memref<640xf32, #tpu.memory_space<vmem>>, vector<16xf32>,
    %swap3A_105 = vector.shape_cast %swap3A_104 : vector<16xf32> to vector<16xf32>
    %swap3A_106 = vector.shape_cast %broadcast_in_dim3A_102 : vector<16xf32> to vector<16xf32>
    tpu.vector_store %arg6[%swap3A_103], %swap3A_106 {strides = array<i32>} : memref<640xf32, #tpu.memory_space<vmem>>, vector<16xf32>,
    %broadcast_in_dim3A_107 = arith.constant 0.000000e+00 : f32
    %broadcast_in_dim3A_108 = vector.broadcast %broadcast_in_dim3A_107 : f32 to vector<16xf32>
    %swap3A_109 = arith.constant 176 : index
    %swap3A_110 = tpu.vector_load %arg6[%swap3A_109] {strides = array<i32>} : memref<640xf32, #tpu.memory_space<vmem>>, vector<16xf32>,
    %swap3A_111 = vector.shape_cast %swap3A_110 : vector<16xf32> to vector<16xf32>
    %swap3A_112 = vector.shape_cast %broadcast_in_dim3A_108 : vector<16xf32> to vector<16xf32>
    tpu.vector_store %arg6[%swap3A_109], %swap3A_112 {strides = array<i32>} : memref<640xf32, #tpu.memory_space<vmem>>, vector<16xf32>,
    %broadcast_in_dim3A_113 = arith.constant 0.000000e+00 : f32
    %broadcast_in_dim3A_114 = vector.broadcast %broadcast_in_dim3A_113 : f32 to vector<16xf32>
    %swap3A_115 = arith.constant 192 : index
    %swap3A_116 = tpu.vector_load %arg6[%swap3A_115] {strides = array<i32>} : memref<640xf32, #tpu.memory_space<vmem>>, vector<16xf32>,
    %swap3A_117 = vector.shape_cast %swap3A_116 : vector<16xf32> to vector<16xf32>
    %swap3A_118 = vector.shape_cast %broadcast_in_dim3A_114 : vector<16xf32> to vector<16xf32>
    tpu.vector_store %arg6[%swap3A_115], %swap3A_118 {strides = array<i32>} : memref<640xf32, #tpu.memory_space<vmem>>, vector<16xf32>,
    %broadcast_in_dim3A_119 = arith.constant 0.000000e+00 : f32
    %broadcast_in_dim3A_120 = vector.broadcast %broadcast_in_dim3A_119 : f32 to vector<16xf32>
    %swap3A_121 = arith.constant 208 : index
    %swap3A_122 = tpu.vector_load %arg6[%swap3A_121] {strides = array<i32>} : memref<640xf32, #tpu.memory_space<vmem>>, vector<16xf32>,
    %swap3A_123 = vector.shape_cast %swap3A_122 : vector<16xf32> to vector<16xf32>
    %swap3A_124 = vector.shape_cast %broadcast_in_dim3A_120 : vector<16xf32> to vector<16xf32>
    tpu.vector_store %arg6[%swap3A_121], %swap3A_124 {strides = array<i32>} : memref<640xf32, #tpu.memory_space<vmem>>, vector<16xf32>,
    %broadcast_in_dim3A_125 = arith.constant 0.000000e+00 : f32
    %broadcast_in_dim3A_126 = vector.broadcast %broadcast_in_dim3A_125 : f32 to vector<16xf32>
    %swap3A_127 = arith.constant 224 : index
    %swap3A_128 = tpu.vector_load %arg6[%swap3A_127] {strides = array<i32>} : memref<640xf32, #tpu.memory_space<vmem>>, vector<16xf32>,
    %swap3A_129 = vector.shape_cast %swap3A_128 : vector<16xf32> to vector<16xf32>
    %swap3A_130 = vector.shape_cast %broadcast_in_dim3A_126 : vector<16xf32> to vector<16xf32>
    tpu.vector_store %arg6[%swap3A_127], %swap3A_130 {strides = array<i32>} : memref<640xf32, #tpu.memory_space<vmem>>, vector<16xf32>,
    %broadcast_in_dim3A_131 = arith.constant 0.000000e+00 : f32
    %broadcast_in_dim3A_132 = vector.broadcast %broadcast_in_dim3A_131 : f32 to vector<16xf32>
    %swap3A_133 = arith.constant 240 : index
    %swap3A_134 = tpu.vector_load %arg6[%swap3A_133] {strides = array<i32>} : memref<640xf32, #tpu.memory_space<vmem>>, vector<16xf32>,
    %swap3A_135 = vector.shape_cast %swap3A_134 : vector<16xf32> to vector<16xf32>
    %swap3A_136 = vector.shape_cast %broadcast_in_dim3A_132 : vector<16xf32> to vector<16xf32>
    tpu.vector_store %arg6[%swap3A_133], %swap3A_136 {strides = array<i32>} : memref<640xf32, #tpu.memory_space<vmem>>, vector<16xf32>,
    %broadcast_in_dim3A_137 = arith.constant 0.000000e+00 : f32
    %broadcast_in_dim3A_138 = vector.broadcast %broadcast_in_dim3A_137 : f32 to vector<16xf32>
    %swap3A_139 = arith.constant 256 : index
    %swap3A_140 = tpu.vector_load %arg6[%swap3A_139] {strides = array<i32>} : memref<640xf32, #tpu.memory_space<vmem>>, vector<16xf32>,
    %swap3A_141 = vector.shape_cast %swap3A_140 : vector<16xf32> to vector<16xf32>
    %swap3A_142 = vector.shape_cast %broadcast_in_dim3A_138 : vector<16xf32> to vector<16xf32>
    tpu.vector_store %arg6[%swap3A_139], %swap3A_142 {strides = array<i32>} : memref<640xf32, #tpu.memory_space<vmem>>, vector<16xf32>,
    %broadcast_in_dim3A_143 = arith.constant 0.000000e+00 : f32
    %broadcast_in_dim3A_144 = vector.broadcast %broadcast_in_dim3A_143 : f32 to vector<16xf32>
    %swap3A_145 = arith.constant 272 : index
    %swap3A_146 = tpu.vector_load %arg6[%swap3A_145] {strides = array<i32>} : memref<640xf32, #tpu.memory_space<vmem>>, vector<16xf32>,
    %swap3A_147 = vector.shape_cast %swap3A_146 : vector<16xf32> to vector<16xf32>
    %swap3A_148 = vector.shape_cast %broadcast_in_dim3A_144 : vector<16xf32> to vector<16xf32>
    tpu.vector_store %arg6[%swap3A_145], %swap3A_148 {strides = array<i32>} : memref<640xf32, #tpu.memory_space<vmem>>, vector<16xf32>,
    %broadcast_in_dim3A_149 = arith.constant 0.000000e+00 : f32
    %broadcast_in_dim3A_150 = vector.broadcast %broadcast_in_dim3A_149 : f32 to vector<16xf32>
    %swap3A_151 = arith.constant 288 : index
    %swap3A_152 = tpu.vector_load %arg6[%swap3A_151] {strides = array<i32>} : memref<640xf32, #tpu.memory_space<vmem>>, vector<16xf32>,
    %swap3A_153 = vector.shape_cast %swap3A_152 : vector<16xf32> to vector<16xf32>
    %swap3A_154 = vector.shape_cast %broadcast_in_dim3A_150 : vector<16xf32> to vector<16xf32>
    tpu.vector_store %arg6[%swap3A_151], %swap3A_154 {strides = array<i32>} : memref<640xf32, #tpu.memory_space<vmem>>, vector<16xf32>,
    %broadcast_in_dim3A_155 = arith.constant 0.000000e+00 : f32
    %broadcast_in_dim3A_156 = vector.broadcast %broadcast_in_dim3A_155 : f32 to vector<16xf32>
    %swap3A_157 = arith.constant 304 : index
    %swap3A_158 = tpu.vector_load %arg6[%swap3A_157] {strides = array<i32>} : memref<640xf32, #tpu.memory_space<vmem>>, vector<16xf32>,
    %swap3A_159 = vector.shape_cast %swap3A_158 : vector<16xf32> to vector<16xf32>
    %swap3A_160 = vector.shape_cast %broadcast_in_dim3A_156 : vector<16xf32> to vector<16xf32>
    tpu.vector_store %arg6[%swap3A_157], %swap3A_160 {strides = array<i32>} : memref<640xf32, #tpu.memory_space<vmem>>, vector<16xf32>,
    %broadcast_in_dim3A_161 = arith.constant 0.000000e+00 : f32
    %broadcast_in_dim3A_162 = vector.broadcast %broadcast_in_dim3A_161 : f32 to vector<16xf32>
    %swap3A_163 = arith.constant 320 : index
    %swap3A_164 = tpu.vector_load %arg6[%swap3A_163] {strides = array<i32>} : memref<640xf32, #tpu.memory_space<vmem>>, vector<16xf32>,
    %swap3A_165 = vector.shape_cast %swap3A_164 : vector<16xf32> to vector<16xf32>
    %swap3A_166 = vector.shape_cast %broadcast_in_dim3A_162 : vector<16xf32> to vector<16xf32>
    tpu.vector_store %arg6[%swap3A_163], %swap3A_166 {strides = array<i32>} : memref<640xf32, #tpu.memory_space<vmem>>, vector<16xf32>,
    %broadcast_in_dim3A_167 = arith.constant 0.000000e+00 : f32
    %broadcast_in_dim3A_168 = vector.broadcast %broadcast_in_dim3A_167 : f32 to vector<16xf32>
    %swap3A_169 = arith.constant 336 : index
    %swap3A_170 = tpu.vector_load %arg6[%swap3A_169] {strides = array<i32>} : memref<640xf32, #tpu.memory_space<vmem>>, vector<16xf32>,
    %swap3A_171 = vector.shape_cast %swap3A_170 : vector<16xf32> to vector<16xf32>
    %swap3A_172 = vector.shape_cast %broadcast_in_dim3A_168 : vector<16xf32> to vector<16xf32>
    tpu.vector_store %arg6[%swap3A_169], %swap3A_172 {strides = array<i32>} : memref<640xf32, #tpu.memory_space<vmem>>, vector<16xf32>,
    %broadcast_in_dim3A_173 = arith.constant 0.000000e+00 : f32
    %broadcast_in_dim3A_174 = vector.broadcast %broadcast_in_dim3A_173 : f32 to vector<16xf32>
    %swap3A_175 = arith.constant 352 : index
    %swap3A_176 = tpu.vector_load %arg6[%swap3A_175] {strides = array<i32>} : memref<640xf32, #tpu.memory_space<vmem>>, vector<16xf32>,
    %swap3A_177 = vector.shape_cast %swap3A_176 : vector<16xf32> to vector<16xf32>
    %swap3A_178 = vector.shape_cast %broadcast_in_dim3A_174 : vector<16xf32> to vector<16xf32>
    tpu.vector_store %arg6[%swap3A_175], %swap3A_178 {strides = array<i32>} : memref<640xf32, #tpu.memory_space<vmem>>, vector<16xf32>,
    %broadcast_in_dim3A_179 = arith.constant 0.000000e+00 : f32
    %broadcast_in_dim3A_180 = vector.broadcast %broadcast_in_dim3A_179 : f32 to vector<16xf32>
    %swap3A_181 = arith.constant 368 : index
    %swap3A_182 = tpu.vector_load %arg6[%swap3A_181] {strides = array<i32>} : memref<640xf32, #tpu.memory_space<vmem>>, vector<16xf32>,
    %swap3A_183 = vector.shape_cast %swap3A_182 : vector<16xf32> to vector<16xf32>
    %swap3A_184 = vector.shape_cast %broadcast_in_dim3A_180 : vector<16xf32> to vector<16xf32>
    tpu.vector_store %arg6[%swap3A_181], %swap3A_184 {strides = array<i32>} : memref<640xf32, #tpu.memory_space<vmem>>, vector<16xf32>,
    %broadcast_in_dim3A_185 = arith.constant 0.000000e+00 : f32
    %broadcast_in_dim3A_186 = vector.broadcast %broadcast_in_dim3A_185 : f32 to vector<16xf32>
    %swap3A_187 = arith.constant 384 : index
    %swap3A_188 = tpu.vector_load %arg6[%swap3A_187] {strides = array<i32>} : memref<640xf32, #tpu.memory_space<vmem>>, vector<16xf32>,
    %swap3A_189 = vector.shape_cast %swap3A_188 : vector<16xf32> to vector<16xf32>
    %swap3A_190 = vector.shape_cast %broadcast_in_dim3A_186 : vector<16xf32> to vector<16xf32>
    tpu.vector_store %arg6[%swap3A_187], %swap3A_190 {strides = array<i32>} : memref<640xf32, #tpu.memory_space<vmem>>, vector<16xf32>,
    %broadcast_in_dim3A_191 = arith.constant 0.000000e+00 : f32
    %broadcast_in_dim3A_192 = vector.broadcast %broadcast_in_dim3A_191 : f32 to vector<16xf32>
    %swap3A_193 = arith.constant 400 : index
    %swap3A_194 = tpu.vector_load %arg6[%swap3A_193] {strides = array<i32>} : memref<640xf32, #tpu.memory_space<vmem>>, vector<16xf32>,
    %swap3A_195 = vector.shape_cast %swap3A_194 : vector<16xf32> to vector<16xf32>
    %swap3A_196 = vector.shape_cast %broadcast_in_dim3A_192 : vector<16xf32> to vector<16xf32>
    tpu.vector_store %arg6[%swap3A_193], %swap3A_196 {strides = array<i32>} : memref<640xf32, #tpu.memory_space<vmem>>, vector<16xf32>,
    %broadcast_in_dim3A_197 = arith.constant 0.000000e+00 : f32
    %broadcast_in_dim3A_198 = vector.broadcast %broadcast_in_dim3A_197 : f32 to vector<16xf32>
    %swap3A_199 = arith.constant 416 : index
    %swap3A_200 = tpu.vector_load %arg6[%swap3A_199] {strides = array<i32>} : memref<640xf32, #tpu.memory_space<vmem>>, vector<16xf32>,
    %swap3A_201 = vector.shape_cast %swap3A_200 : vector<16xf32> to vector<16xf32>
    %swap3A_202 = vector.shape_cast %broadcast_in_dim3A_198 : vector<16xf32> to vector<16xf32>
    tpu.vector_store %arg6[%swap3A_199], %swap3A_202 {strides = array<i32>} : memref<640xf32, #tpu.memory_space<vmem>>, vector<16xf32>,
    %broadcast_in_dim3A_203 = arith.constant 0.000000e+00 : f32
    %broadcast_in_dim3A_204 = vector.broadcast %broadcast_in_dim3A_203 : f32 to vector<16xf32>
    %swap3A_205 = arith.constant 432 : index
    %swap3A_206 = tpu.vector_load %arg6[%swap3A_205] {strides = array<i32>} : memref<640xf32, #tpu.memory_space<vmem>>, vector<16xf32>,
    %swap3A_207 = vector.shape_cast %swap3A_206 : vector<16xf32> to vector<16xf32>
    %swap3A_208 = vector.shape_cast %broadcast_in_dim3A_204 : vector<16xf32> to vector<16xf32>
    tpu.vector_store %arg6[%swap3A_205], %swap3A_208 {strides = array<i32>} : memref<640xf32, #tpu.memory_space<vmem>>, vector<16xf32>,
    %broadcast_in_dim3A_209 = arith.constant 0.000000e+00 : f32
    %broadcast_in_dim3A_210 = vector.broadcast %broadcast_in_dim3A_209 : f32 to vector<16xf32>
    %swap3A_211 = arith.constant 448 : index
    %swap3A_212 = tpu.vector_load %arg6[%swap3A_211] {strides = array<i32>} : memref<640xf32, #tpu.memory_space<vmem>>, vector<16xf32>,
    %swap3A_213 = vector.shape_cast %swap3A_212 : vector<16xf32> to vector<16xf32>
    %swap3A_214 = vector.shape_cast %broadcast_in_dim3A_210 : vector<16xf32> to vector<16xf32>
    tpu.vector_store %arg6[%swap3A_211], %swap3A_214 {strides = array<i32>} : memref<640xf32, #tpu.memory_space<vmem>>, vector<16xf32>,
    %broadcast_in_dim3A_215 = arith.constant 0.000000e+00 : f32
    %broadcast_in_dim3A_216 = vector.broadcast %broadcast_in_dim3A_215 : f32 to vector<16xf32>
    %swap3A_217 = arith.constant 464 : index
    %swap3A_218 = tpu.vector_load %arg6[%swap3A_217] {strides = array<i32>} : memref<640xf32, #tpu.memory_space<vmem>>, vector<16xf32>,
    %swap3A_219 = vector.shape_cast %swap3A_218 : vector<16xf32> to vector<16xf32>
    %swap3A_220 = vector.shape_cast %broadcast_in_dim3A_216 : vector<16xf32> to vector<16xf32>
    tpu.vector_store %arg6[%swap3A_217], %swap3A_220 {strides = array<i32>} : memref<640xf32, #tpu.memory_space<vmem>>, vector<16xf32>,
    %broadcast_in_dim3A_221 = arith.constant 0.000000e+00 : f32
    %broadcast_in_dim3A_222 = vector.broadcast %broadcast_in_dim3A_221 : f32 to vector<16xf32>
    %swap3A_223 = arith.constant 480 : index
    %swap3A_224 = tpu.vector_load %arg6[%swap3A_223] {strides = array<i32>} : memref<640xf32, #tpu.memory_space<vmem>>, vector<16xf32>,
    %swap3A_225 = vector.shape_cast %swap3A_224 : vector<16xf32> to vector<16xf32>
    %swap3A_226 = vector.shape_cast %broadcast_in_dim3A_222 : vector<16xf32> to vector<16xf32>
    tpu.vector_store %arg6[%swap3A_223], %swap3A_226 {strides = array<i32>} : memref<640xf32, #tpu.memory_space<vmem>>, vector<16xf32>,
    %broadcast_in_dim3A_227 = arith.constant 0.000000e+00 : f32
    %broadcast_in_dim3A_228 = vector.broadcast %broadcast_in_dim3A_227 : f32 to vector<16xf32>
    %swap3A_229 = arith.constant 496 : index
    %swap3A_230 = tpu.vector_load %arg6[%swap3A_229] {strides = array<i32>} : memref<640xf32, #tpu.memory_space<vmem>>, vector<16xf32>,
    %swap3A_231 = vector.shape_cast %swap3A_230 : vector<16xf32> to vector<16xf32>
    %swap3A_232 = vector.shape_cast %broadcast_in_dim3A_228 : vector<16xf32> to vector<16xf32>
    tpu.vector_store %arg6[%swap3A_229], %swap3A_232 {strides = array<i32>} : memref<640xf32, #tpu.memory_space<vmem>>, vector<16xf32>,
    %broadcast_in_dim3A_233 = arith.constant 0.000000e+00 : f32
    %broadcast_in_dim3A_234 = vector.broadcast %broadcast_in_dim3A_233 : f32 to vector<16xf32>
    %swap3A_235 = arith.constant 512 : index
    %swap3A_236 = tpu.vector_load %arg6[%swap3A_235] {strides = array<i32>} : memref<640xf32, #tpu.memory_space<vmem>>, vector<16xf32>,
    %swap3A_237 = vector.shape_cast %swap3A_236 : vector<16xf32> to vector<16xf32>
    %swap3A_238 = vector.shape_cast %broadcast_in_dim3A_234 : vector<16xf32> to vector<16xf32>
    tpu.vector_store %arg6[%swap3A_235], %swap3A_238 {strides = array<i32>} : memref<640xf32, #tpu.memory_space<vmem>>, vector<16xf32>,
    %broadcast_in_dim3A_239 = arith.constant 0.000000e+00 : f32
    %broadcast_in_dim3A_240 = vector.broadcast %broadcast_in_dim3A_239 : f32 to vector<16xf32>
    %swap3A_241 = arith.constant 528 : index
    %swap3A_242 = tpu.vector_load %arg6[%swap3A_241] {strides = array<i32>} : memref<640xf32, #tpu.memory_space<vmem>>, vector<16xf32>,
    %swap3A_243 = vector.shape_cast %swap3A_242 : vector<16xf32> to vector<16xf32>
    %swap3A_244 = vector.shape_cast %broadcast_in_dim3A_240 : vector<16xf32> to vector<16xf32>
    tpu.vector_store %arg6[%swap3A_241], %swap3A_244 {strides = array<i32>} : memref<640xf32, #tpu.memory_space<vmem>>, vector<16xf32>,
    %broadcast_in_dim3A_245 = arith.constant 0.000000e+00 : f32
    %broadcast_in_dim3A_246 = vector.broadcast %broadcast_in_dim3A_245 : f32 to vector<16xf32>
    %swap3A_247 = arith.constant 544 : index
    %swap3A_248 = tpu.vector_load %arg6[%swap3A_247] {strides = array<i32>} : memref<640xf32, #tpu.memory_space<vmem>>, vector<16xf32>,
    %swap3A_249 = vector.shape_cast %swap3A_248 : vector<16xf32> to vector<16xf32>
    %swap3A_250 = vector.shape_cast %broadcast_in_dim3A_246 : vector<16xf32> to vector<16xf32>
    tpu.vector_store %arg6[%swap3A_247], %swap3A_250 {strides = array<i32>} : memref<640xf32, #tpu.memory_space<vmem>>, vector<16xf32>,
    %broadcast_in_dim3A_251 = arith.constant 0.000000e+00 : f32
    %broadcast_in_dim3A_252 = vector.broadcast %broadcast_in_dim3A_251 : f32 to vector<16xf32>
    %swap3A_253 = arith.constant 560 : index
    %swap3A_254 = tpu.vector_load %arg6[%swap3A_253] {strides = array<i32>} : memref<640xf32, #tpu.memory_space<vmem>>, vector<16xf32>,
    %swap3A_255 = vector.shape_cast %swap3A_254 : vector<16xf32> to vector<16xf32>
    %swap3A_256 = vector.shape_cast %broadcast_in_dim3A_252 : vector<16xf32> to vector<16xf32>
    tpu.vector_store %arg6[%swap3A_253], %swap3A_256 {strides = array<i32>} : memref<640xf32, #tpu.memory_space<vmem>>, vector<16xf32>,
    %broadcast_in_dim3A_257 = arith.constant 0.000000e+00 : f32
    %broadcast_in_dim3A_258 = vector.broadcast %broadcast_in_dim3A_257 : f32 to vector<16xf32>
    %swap3A_259 = arith.constant 576 : index
    %swap3A_260 = tpu.vector_load %arg6[%swap3A_259] {strides = array<i32>} : memref<640xf32, #tpu.memory_space<vmem>>, vector<16xf32>,
    %swap3A_261 = vector.shape_cast %swap3A_260 : vector<16xf32> to vector<16xf32>
    %swap3A_262 = vector.shape_cast %broadcast_in_dim3A_258 : vector<16xf32> to vector<16xf32>
    tpu.vector_store %arg6[%swap3A_259], %swap3A_262 {strides = array<i32>} : memref<640xf32, #tpu.memory_space<vmem>>, vector<16xf32>,
    %broadcast_in_dim3A_263 = arith.constant 0.000000e+00 : f32
    %broadcast_in_dim3A_264 = vector.broadcast %broadcast_in_dim3A_263 : f32 to vector<16xf32>
    %swap3A_265 = arith.constant 592 : index
    %swap3A_266 = tpu.vector_load %arg6[%swap3A_265] {strides = array<i32>} : memref<640xf32, #tpu.memory_space<vmem>>, vector<16xf32>,
    %swap3A_267 = vector.shape_cast %swap3A_266 : vector<16xf32> to vector<16xf32>
    %swap3A_268 = vector.shape_cast %broadcast_in_dim3A_264 : vector<16xf32> to vector<16xf32>
    tpu.vector_store %arg6[%swap3A_265], %swap3A_268 {strides = array<i32>} : memref<640xf32, #tpu.memory_space<vmem>>, vector<16xf32>,
    %broadcast_in_dim3A_269 = arith.constant 0.000000e+00 : f32
    %broadcast_in_dim3A_270 = vector.broadcast %broadcast_in_dim3A_269 : f32 to vector<16xf32>
    %swap3A_271 = arith.constant 608 : index
    %swap3A_272 = tpu.vector_load %arg6[%swap3A_271] {strides = array<i32>} : memref<640xf32, #tpu.memory_space<vmem>>, vector<16xf32>,
    %swap3A_273 = vector.shape_cast %swap3A_272 : vector<16xf32> to vector<16xf32>
    %swap3A_274 = vector.shape_cast %broadcast_in_dim3A_270 : vector<16xf32> to vector<16xf32>
    tpu.vector_store %arg6[%swap3A_271], %swap3A_274 {strides = array<i32>} : memref<640xf32, #tpu.memory_space<vmem>>, vector<16xf32>,
    %broadcast_in_dim3A_275 = arith.constant 0.000000e+00 : f32
    %broadcast_in_dim3A_276 = vector.broadcast %broadcast_in_dim3A_275 : f32 to vector<16xf32>
    %swap3A_277 = arith.constant 624 : index
    %swap3A_278 = tpu.vector_load %arg6[%swap3A_277] {strides = array<i32>} : memref<640xf32, #tpu.memory_space<vmem>>, vector<16xf32>,
    %swap3A_279 = vector.shape_cast %swap3A_278 : vector<16xf32> to vector<16xf32>
    %swap3A_280 = vector.shape_cast %broadcast_in_dim3A_276 : vector<16xf32> to vector<16xf32>
    tpu.vector_store %arg6[%swap3A_277], %swap3A_280 {strides = array<i32>} : memref<640xf32, #tpu.memory_space<vmem>>, vector<16xf32>,
    %mul3A_281 = arith.constant 640 : i32
    %mul3A_282 = arith.muli %arg1, %mul3A_281 : i32
    "tpu.region"() ({
      %run_scoped3A = tpu.sem_alloc : memref<!tpu.dma_semaphore, #tpu.memory_space<semaphore_mem>>
      %dma_start3A = tpu.memref_slice %arg7[%mul3A_282] : memref<10240xf32, #tpu.memory_space<vmem_shared>> -> memref<640xf32, #tpu.memory_space<vmem_shared>>
      %dma_start3A_296 = tpu.memref_slice %arg7[%mul3A_282] : memref<10240xf32, #tpu.memory_space<vmem_shared>> -> memref<640xf32, #tpu.memory_space<vmem_shared>>
      tpu.enqueue_dma source(%arg6 : memref<640xf32, #tpu.memory_space<vmem>>) target(%dma_start3A_296 : memref<640xf32, #tpu.memory_space<vmem_shared>>) target_semaphore(%run_scoped3A : memref<!tpu.dma_semaphore, #tpu.memory_space<semaphore_mem>>)
      %dma_wait3A = tpu.memref_slice %arg7[%mul3A_282] : memref<10240xf32, #tpu.memory_space<vmem_shared>> -> memref<640xf32, #tpu.memory_space<vmem_shared>>
      %dma_wait3A_297 = tpu.memref_slice %arg7[%mul3A_282] : memref<10240xf32, #tpu.memory_space<vmem_shared>> -> memref<640xf32, #tpu.memory_space<vmem_shared>>
      tpu.wait_dma2 semaphore(%run_scoped3A : memref<!tpu.dma_semaphore, #tpu.memory_space<semaphore_mem>>) src(%arg6 : memref<640xf32, #tpu.memory_space<vmem>>) dst(%dma_wait3A_297 : memref<640xf32, #tpu.memory_space<vmem_shared>>)
      tpu.yield
    }) : () -> ()
    "tpu.region"() ({
      %run_scoped3A = tpu.sem_alloc : memref<!tpu.dma_semaphore, #tpu.memory_space<semaphore_mem>>
      %dma_start3A = arith.constant 0 : i32
      %dma_start3A_296 = arith.constant 0 : i32
      %dma_start3A_297 = arith.constant 0 : i32
      %dma_start3A_298 = tpu.memref_slice %arg2[%add3A, %dma_start3A, %dma_start3A_296, %dma_start3A_297] : memref<32x90x1x112xi32, #tpu.memory_space<hbm>> -> memref<1x90x1x112xi32, #tpu.memory_space<hbm>>
      %dma_start3A_299 = tpu.memref_squeeze %dma_start3A_298 : memref<1x90x1x112xi32, #tpu.memory_space<hbm>> -> memref<90x1x112xi32, #tpu.memory_space<hbm>>
      %dma_start3A_300 = arith.constant 0 : i32
      %dma_start3A_301 = arith.constant 0 : i32
      %dma_start3A_302 = arith.constant 0 : i32
      %dma_start3A_303 = tpu.memref_slice %arg2[%add3A, %dma_start3A_300, %dma_start3A_301, %dma_start3A_302] : memref<32x90x1x112xi32, #tpu.memory_space<hbm>> -> memref<1x90x1x112xi32, #tpu.memory_space<hbm>>
      %dma_start3A_304 = tpu.memref_squeeze %dma_start3A_303 : memref<1x90x1x112xi32, #tpu.memory_space<hbm>> -> memref<90x1x112xi32, #tpu.memory_space<hbm>>
      tpu.enqueue_dma source(%dma_start3A_304 : memref<90x1x112xi32, #tpu.memory_space<hbm>>) target(%arg4 : memref<90x1x112xi32, #tpu.memory_space<vmem>>) target_semaphore(%run_scoped3A : memref<!tpu.dma_semaphore, #tpu.memory_space<semaphore_mem>>)
      %dma_wait3A = arith.constant 0 : i32
      %dma_wait3A_305 = arith.constant 0 : i32
      %dma_wait3A_306 = arith.constant 0 : i32
      %dma_wait3A_307 = tpu.memref_slice %arg2[%add3A, %dma_wait3A, %dma_wait3A_305, %dma_wait3A_306] : memref<32x90x1x112xi32, #tpu.memory_space<hbm>> -> memref<1x90x1x112xi32, #tpu.memory_space<hbm>>
      %dma_wait3A_308 = tpu.memref_squeeze %dma_wait3A_307 : memref<1x90x1x112xi32, #tpu.memory_space<hbm>> -> memref<90x1x112xi32, #tpu.memory_space<hbm>>
      %dma_wait3A_309 = arith.constant 0 : i32
      %dma_wait3A_310 = arith.constant 0 : i32
      %dma_wait3A_311 = arith.constant 0 : i32
      %dma_wait3A_312 = tpu.memref_slice %arg2[%add3A, %dma_wait3A_309, %dma_wait3A_310, %dma_wait3A_311] : memref<32x90x1x112xi32, #tpu.memory_space<hbm>> -> memref<1x90x1x112xi32, #tpu.memory_space<hbm>>
      %dma_wait3A_313 = tpu.memref_squeeze %dma_wait3A_312 : memref<1x90x1x112xi32, #tpu.memory_space<hbm>> -> memref<90x1x112xi32, #tpu.memory_space<hbm>>
      tpu.wait_dma2 semaphore(%run_scoped3A : memref<!tpu.dma_semaphore, #tpu.memory_space<semaphore_mem>>) src(%dma_wait3A_313 : memref<90x1x112xi32, #tpu.memory_space<hbm>>) dst(%arg4 : memref<90x1x112xi32, #tpu.memory_space<vmem>>)
      tpu.yield
    }) : () -> ()
    %barrier3A = arith.constant 0 : index
    tpu.barrier barrier_id(%barrier3A)
    %scan3A = arith.constant 0 : i32
    %scan3A_283 = arith.constant 0 : i32
    %scan3A_284 = arith.constant 90 : i32
    %scan3A_285 = arith.addi %scan3A_283, %scan3A_284 : i32
    %scan3A_286 = arith.constant 1 : i32
    scf.for %scan3A_296 = %scan3A_283 to %scan3A_285 step %scan3A_286  : i32 {
      %run_scoped3A = arith.constant 0 : i32
      "tpu.region"() ({
        %run_scoped3A_297 = tpu.sem_alloc : memref<!tpu.dma_semaphore, #tpu.memory_space<semaphore_mem>>
        %dma_start3A = arith.constant 0 : i32
        %dma_start3A_298 = tpu.memref_slice %arg4[%scan3A_296, %run_scoped3A, %dma_start3A] : memref<90x1x112xi32, #tpu.memory_space<vmem>> -> memref<1x1x112xi32, #tpu.memory_space<vmem>>
        %dma_start3A_299 = tpu.memref_squeeze %dma_start3A_298 : memref<1x1x112xi32, #tpu.memory_space<vmem>> -> memref<112xi32, #tpu.memory_space<vmem>>
        %dma_start3A_300 = arith.constant 0 : i32
        %dma_start3A_301 = tpu.memref_slice %arg7[%dma_start3A_300] : memref<10240xf32, #tpu.memory_space<vmem_shared>> -> memref<10240xf32, #tpu.memory_space<vmem_shared>>
        tpu.enqueue_indirect_dma source(%arg5 : memref<112xf32, #tpu.memory_space<vmem>>) target(%dma_start3A_301 : memref<10240xf32, #tpu.memory_space<vmem_shared>>) offsets(%dma_start3A_299 : memref<112xi32, #tpu.memory_space<vmem>>) semaphore(%run_scoped3A_297 : memref<!tpu.dma_semaphore, #tpu.memory_space<semaphore_mem>>) {add = true}
        %dma_wait3A = arith.constant 0 : i32
        %dma_wait3A_302 = tpu.memref_slice %arg4[%scan3A_296, %run_scoped3A, %dma_wait3A] : memref<90x1x112xi32, #tpu.memory_space<vmem>> -> memref<1x1x112xi32, #tpu.memory_space<vmem>>
        %dma_wait3A_303 = tpu.memref_squeeze %dma_wait3A_302 : memref<1x1x112xi32, #tpu.memory_space<vmem>> -> memref<112xi32, #tpu.memory_space<vmem>>
        %dma_wait3A_304 = arith.constant 0 : i32
        %dma_wait3A_305 = tpu.memref_slice %arg7[%dma_wait3A_304] : memref<10240xf32, #tpu.memory_space<vmem_shared>> -> memref<10240xf32, #tpu.memory_space<vmem_shared>>
        tpu.wait_indirect_dma semaphore(%run_scoped3A_297 : memref<!tpu.dma_semaphore, #tpu.memory_space<semaphore_mem>>) src(%arg5 : memref<112xf32, #tpu.memory_space<vmem>>) dst(%dma_wait3A_305 : memref<10240xf32, #tpu.memory_space<vmem_shared>>)
        tpu.yield
      }) : () -> ()
    }
    %scan3A_287 = arith.constant 90 : i32
    %barrier3A_288 = arith.constant 0 : index
    tpu.barrier barrier_id(%barrier3A_288)
    %mul3A_289 = arith.constant 640 : i32
    %mul3A_290 = arith.muli %arg1, %mul3A_289 : i32
    %mul3A_291 = arith.constant 10240 : i32
    %mul3A_292 = arith.muli %arg0, %mul3A_291 : i32
    %mul3A_293 = arith.constant 640 : i32
    %mul3A_294 = arith.muli %arg1, %mul3A_293 : i32
    %add3A_295 = arith.addi %mul3A_292, %mul3A_294 : i32
    "tpu.region"() ({
      %run_scoped3A = tpu.sem_alloc : memref<!tpu.dma_semaphore, #tpu.memory_space<semaphore_mem>>
      %dma_start3A = tpu.memref_slice %arg3[%add3A_295] : memref<20480xf32, #tpu.memory_space<hbm>> -> memref<640xf32, #tpu.memory_space<hbm>>
      %dma_start3A_296 = tpu.memref_slice %arg7[%mul3A_290] : memref<10240xf32, #tpu.memory_space<vmem_shared>> -> memref<640xf32, #tpu.memory_space<vmem_shared>>
      tpu.enqueue_dma source(%dma_start3A_296 : memref<640xf32, #tpu.memory_space<vmem_shared>>) target(%dma_start3A : memref<640xf32, #tpu.memory_space<hbm>>) target_semaphore(%run_scoped3A : memref<!tpu.dma_semaphore, #tpu.memory_space<semaphore_mem>>)
      %dma_wait3A = tpu.memref_slice %arg3[%add3A_295] : memref<20480xf32, #tpu.memory_space<hbm>> -> memref<640xf32, #tpu.memory_space<hbm>>
      %dma_wait3A_297 = tpu.memref_slice %arg7[%mul3A_290] : memref<10240xf32, #tpu.memory_space<vmem_shared>> -> memref<640xf32, #tpu.memory_space<vmem_shared>>
      tpu.wait_dma2 semaphore(%run_scoped3A : memref<!tpu.dma_semaphore, #tpu.memory_space<semaphore_mem>>) src(%dma_wait3A_297 : memref<640xf32, #tpu.memory_space<vmem_shared>>) dst(%dma_wait3A : memref<640xf32, #tpu.memory_space<hbm>>)
      tpu.yield
    }) : () -> ()
    return
  }
}

#map = affine_map<(d0, d1) -> (0, 0, 0, 0, 0)>
#map1 = affine_map<(d0, d1) -> (0, 0, 0, 0)>
#map2 = affine_map<(d0, d1) -> (0, 0)>
#map3 = affine_map<(d0, d1) -> (0, 0, 0)>
module attributes {stable_mosaic.version = 14 : i64} {
  func.func @scat_kernel(%arg0: i32, %arg1: i32, %arg2: memref<2x16x180x1x112xi32, #tpu.memory_space<hbm>>, %arg3: memref<16x180x1x112xi32, #tpu.memory_space<hbm>>, %arg4: memref<20000x128xf32, #tpu.memory_space<hbm>>, %arg5: memref<2x10240x128xf32, #tpu.memory_space<hbm>>, %arg6: memref<3x1x112xi32, #tpu.memory_space<vmem>>, %arg7: memref<3x1x112xi32, #tpu.memory_space<vmem>>, %arg8: memref<3x112x128xf32, #tpu.memory_space<vmem>>, %arg9: memref<10240x128xf32, #tpu.memory_space<vmem_shared>>, %arg10: memref<!tpu.dma_semaphore, #tpu.memory_space<semaphore_mem>>, %arg11: memref<!tpu.dma_semaphore, #tpu.memory_space<semaphore_mem>>, %arg12: memref<!tpu.dma_semaphore, #tpu.memory_space<semaphore_mem>>, %arg13: memref<!tpu.dma_semaphore, #tpu.memory_space<semaphore_mem>>, %arg14: memref<!tpu.dma_semaphore, #tpu.memory_space<semaphore_mem>>, %arg15: memref<!tpu.dma_semaphore, #tpu.memory_space<semaphore_mem>>) attributes {dimension_semantics = [#tpu.dimension_semantics<core_parallel>, #tpu.dimension_semantics<subcore_parallel>], iteration_bounds = array<i64: 2, 16>, scalar_prefetch = 0 : i64, scratch_operands = 10 : i64, tpu.core_type = #tpu.core_type<sc_vector_subcore>, window_params = [{transform_indices = #map}, {transform_indices = #map1}, {transform_indices = #map2}, {transform_indices = #map3}]} {
    %scan3A = arith.constant 0 : i32
    %scan3A_0 = arith.constant 0 : i32
    %scan3A_1 = arith.constant 64 : i32
    %scan3A_2 = arith.addi %scan3A_0, %scan3A_1 : i32
    %scan3A_3 = arith.constant 1 : i32
    scf.for %scan3A_377 = %scan3A_0 to %scan3A_2 step %scan3A_3  : i32 {
      %broadcast_in_dim3A_378 = arith.constant 0.000000e+00 : f32
      %broadcast_in_dim3A_379 = vector.broadcast %broadcast_in_dim3A_378 : f32 to vector<16xf32>
      %swap3A_380 = arith.constant 0 : i32
      %swap3A_381 = arith.index_cast %swap3A_380 : i32 to index
      %swap3A_382 = arith.index_cast %scan3A_377 : i32 to index
      %swap3A_383 = arith.constant 0 : index
      %swap3A_384 = tpu.vector_load %arg8[%swap3A_381, %swap3A_382, %swap3A_383] {strides = array<i32>} : memref<3x112x128xf32, #tpu.memory_space<vmem>>, vector<1x1x16xf32>,
      %swap3A_385 = vector.shape_cast %swap3A_384 : vector<1x1x16xf32> to vector<16xf32>
      %swap3A_386 = vector.shape_cast %broadcast_in_dim3A_379 : vector<16xf32> to vector<1x1x16xf32>
      tpu.vector_store %arg8[%swap3A_381, %swap3A_382, %swap3A_383], %swap3A_386 {strides = array<i32>} : memref<3x112x128xf32, #tpu.memory_space<vmem>>, vector<1x1x16xf32>,
      %broadcast_in_dim3A_387 = arith.constant 0.000000e+00 : f32
      %broadcast_in_dim3A_388 = vector.broadcast %broadcast_in_dim3A_387 : f32 to vector<16xf32>
      %swap3A_389 = arith.constant 0 : i32
      %swap3A_390 = arith.index_cast %swap3A_389 : i32 to index
      %swap3A_391 = arith.index_cast %scan3A_377 : i32 to index
      %swap3A_392 = arith.constant 16 : index
      %swap3A_393 = tpu.vector_load %arg8[%swap3A_390, %swap3A_391, %swap3A_392] {strides = array<i32>} : memref<3x112x128xf32, #tpu.memory_space<vmem>>, vector<1x1x16xf32>,
      %swap3A_394 = vector.shape_cast %swap3A_393 : vector<1x1x16xf32> to vector<16xf32>
      %swap3A_395 = vector.shape_cast %broadcast_in_dim3A_388 : vector<16xf32> to vector<1x1x16xf32>
      tpu.vector_store %arg8[%swap3A_390, %swap3A_391, %swap3A_392], %swap3A_395 {strides = array<i32>} : memref<3x112x128xf32, #tpu.memory_space<vmem>>, vector<1x1x16xf32>,
      %broadcast_in_dim3A_396 = arith.constant 0.000000e+00 : f32
      %broadcast_in_dim3A_397 = vector.broadcast %broadcast_in_dim3A_396 : f32 to vector<16xf32>
      %swap3A_398 = arith.constant 0 : i32
      %swap3A_399 = arith.index_cast %swap3A_398 : i32 to index
      %swap3A_400 = arith.index_cast %scan3A_377 : i32 to index
      %swap3A_401 = arith.constant 32 : index
      %swap3A_402 = tpu.vector_load %arg8[%swap3A_399, %swap3A_400, %swap3A_401] {strides = array<i32>} : memref<3x112x128xf32, #tpu.memory_space<vmem>>, vector<1x1x16xf32>,
      %swap3A_403 = vector.shape_cast %swap3A_402 : vector<1x1x16xf32> to vector<16xf32>
      %swap3A_404 = vector.shape_cast %broadcast_in_dim3A_397 : vector<16xf32> to vector<1x1x16xf32>
      tpu.vector_store %arg8[%swap3A_399, %swap3A_400, %swap3A_401], %swap3A_404 {strides = array<i32>} : memref<3x112x128xf32, #tpu.memory_space<vmem>>, vector<1x1x16xf32>,
      %broadcast_in_dim3A_405 = arith.constant 0.000000e+00 : f32
      %broadcast_in_dim3A_406 = vector.broadcast %broadcast_in_dim3A_405 : f32 to vector<16xf32>
      %swap3A_407 = arith.constant 0 : i32
      %swap3A_408 = arith.index_cast %swap3A_407 : i32 to index
      %swap3A_409 = arith.index_cast %scan3A_377 : i32 to index
      %swap3A_410 = arith.constant 48 : index
      %swap3A_411 = tpu.vector_load %arg8[%swap3A_408, %swap3A_409, %swap3A_410] {strides = array<i32>} : memref<3x112x128xf32, #tpu.memory_space<vmem>>, vector<1x1x16xf32>,
      %swap3A_412 = vector.shape_cast %swap3A_411 : vector<1x1x16xf32> to vector<16xf32>
      %swap3A_413 = vector.shape_cast %broadcast_in_dim3A_406 : vector<16xf32> to vector<1x1x16xf32>
      tpu.vector_store %arg8[%swap3A_408, %swap3A_409, %swap3A_410], %swap3A_413 {strides = array<i32>} : memref<3x112x128xf32, #tpu.memory_space<vmem>>, vector<1x1x16xf32>,
      %broadcast_in_dim3A_414 = arith.constant 0.000000e+00 : f32
      %broadcast_in_dim3A_415 = vector.broadcast %broadcast_in_dim3A_414 : f32 to vector<16xf32>
      %swap3A_416 = arith.constant 0 : i32
      %swap3A_417 = arith.index_cast %swap3A_416 : i32 to index
      %swap3A_418 = arith.index_cast %scan3A_377 : i32 to index
      %swap3A_419 = arith.constant 64 : index
      %swap3A_420 = tpu.vector_load %arg8[%swap3A_417, %swap3A_418, %swap3A_419] {strides = array<i32>} : memref<3x112x128xf32, #tpu.memory_space<vmem>>, vector<1x1x16xf32>,
      %swap3A_421 = vector.shape_cast %swap3A_420 : vector<1x1x16xf32> to vector<16xf32>
      %swap3A_422 = vector.shape_cast %broadcast_in_dim3A_415 : vector<16xf32> to vector<1x1x16xf32>
      tpu.vector_store %arg8[%swap3A_417, %swap3A_418, %swap3A_419], %swap3A_422 {strides = array<i32>} : memref<3x112x128xf32, #tpu.memory_space<vmem>>, vector<1x1x16xf32>,
      %broadcast_in_dim3A_423 = arith.constant 0.000000e+00 : f32
      %broadcast_in_dim3A_424 = vector.broadcast %broadcast_in_dim3A_423 : f32 to vector<16xf32>
      %swap3A_425 = arith.constant 0 : i32
      %swap3A_426 = arith.index_cast %swap3A_425 : i32 to index
      %swap3A_427 = arith.index_cast %scan3A_377 : i32 to index
      %swap3A_428 = arith.constant 80 : index
      %swap3A_429 = tpu.vector_load %arg8[%swap3A_426, %swap3A_427, %swap3A_428] {strides = array<i32>} : memref<3x112x128xf32, #tpu.memory_space<vmem>>, vector<1x1x16xf32>,
      %swap3A_430 = vector.shape_cast %swap3A_429 : vector<1x1x16xf32> to vector<16xf32>
      %swap3A_431 = vector.shape_cast %broadcast_in_dim3A_424 : vector<16xf32> to vector<1x1x16xf32>
      tpu.vector_store %arg8[%swap3A_426, %swap3A_427, %swap3A_428], %swap3A_431 {strides = array<i32>} : memref<3x112x128xf32, #tpu.memory_space<vmem>>, vector<1x1x16xf32>,
      %broadcast_in_dim3A_432 = arith.constant 0.000000e+00 : f32
      %broadcast_in_dim3A_433 = vector.broadcast %broadcast_in_dim3A_432 : f32 to vector<16xf32>
      %swap3A_434 = arith.constant 0 : i32
      %swap3A_435 = arith.index_cast %swap3A_434 : i32 to index
      %swap3A_436 = arith.index_cast %scan3A_377 : i32 to index
      %swap3A_437 = arith.constant 96 : index
      %swap3A_438 = tpu.vector_load %arg8[%swap3A_435, %swap3A_436, %swap3A_437] {strides = array<i32>} : memref<3x112x128xf32, #tpu.memory_space<vmem>>, vector<1x1x16xf32>,
      %swap3A_439 = vector.shape_cast %swap3A_438 : vector<1x1x16xf32> to vector<16xf32>
      %swap3A_440 = vector.shape_cast %broadcast_in_dim3A_433 : vector<16xf32> to vector<1x1x16xf32>
      tpu.vector_store %arg8[%swap3A_435, %swap3A_436, %swap3A_437], %swap3A_440 {strides = array<i32>} : memref<3x112x128xf32, #tpu.memory_space<vmem>>, vector<1x1x16xf32>,
      %broadcast_in_dim3A_441 = arith.constant 0.000000e+00 : f32
      %broadcast_in_dim3A_442 = vector.broadcast %broadcast_in_dim3A_441 : f32 to vector<16xf32>
      %swap3A_443 = arith.constant 0 : i32
      %swap3A_444 = arith.index_cast %swap3A_443 : i32 to index
      %swap3A_445 = arith.index_cast %scan3A_377 : i32 to index
      %swap3A_446 = arith.constant 112 : index
      %swap3A_447 = tpu.vector_load %arg8[%swap3A_444, %swap3A_445, %swap3A_446] {strides = array<i32>} : memref<3x112x128xf32, #tpu.memory_space<vmem>>, vector<1x1x16xf32>,
      %swap3A_448 = vector.shape_cast %swap3A_447 : vector<1x1x16xf32> to vector<16xf32>
      %swap3A_449 = vector.shape_cast %broadcast_in_dim3A_442 : vector<16xf32> to vector<1x1x16xf32>
      tpu.vector_store %arg8[%swap3A_444, %swap3A_445, %swap3A_446], %swap3A_449 {strides = array<i32>} : memref<3x112x128xf32, #tpu.memory_space<vmem>>, vector<1x1x16xf32>,
    }
    %scan3A_4 = arith.constant 64 : i32
    %mul3A = arith.constant 640 : i32
    %mul3A_5 = arith.muli %arg1, %mul3A : i32
    %add3A = arith.constant 0 : i32
    %add3A_6 = arith.addi %mul3A_5, %add3A : i32
    %run_scoped3A = arith.constant 0 : i32
    "tpu.region"() ({
      %run_scoped3A_377 = tpu.sem_alloc : memref<!tpu.dma_semaphore, #tpu.memory_space<semaphore_mem>>
      %dma_start3A_378 = arith.constant 0 : i32
      %dma_start3A_379 = arith.constant 0 : i32
      %dma_start3A_380 = tpu.memref_slice %arg8[%run_scoped3A, %dma_start3A_378, %dma_start3A_379] : memref<3x112x128xf32, #tpu.memory_space<vmem>> -> memref<1x64x128xf32, #tpu.memory_space<vmem>>
      %dma_start3A_381 = tpu.memref_squeeze %dma_start3A_380 : memref<1x64x128xf32, #tpu.memory_space<vmem>> -> memref<64x128xf32, #tpu.memory_space<vmem>>
      %dma_start3A_382 = arith.constant 0 : i32
      %dma_start3A_383 = tpu.memref_slice %arg9[%add3A_6, %dma_start3A_382] : memref<10240x128xf32, #tpu.memory_space<vmem_shared>> -> memref<64x128xf32, #tpu.memory_space<vmem_shared>>
      %dma_start3A_384 = arith.constant 0 : i32
      %dma_start3A_385 = tpu.memref_slice %arg9[%add3A_6, %dma_start3A_384] : memref<10240x128xf32, #tpu.memory_space<vmem_shared>> -> memref<64x128xf32, #tpu.memory_space<vmem_shared>>
      %dma_start3A_386 = arith.constant 0 : i32
      %dma_start3A_387 = arith.constant 0 : i32
      %dma_start3A_388 = tpu.memref_slice %arg8[%run_scoped3A, %dma_start3A_386, %dma_start3A_387] : memref<3x112x128xf32, #tpu.memory_space<vmem>> -> memref<1x64x128xf32, #tpu.memory_space<vmem>>
      %dma_start3A_389 = tpu.memref_squeeze %dma_start3A_388 : memref<1x64x128xf32, #tpu.memory_space<vmem>> -> memref<64x128xf32, #tpu.memory_space<vmem>>
      tpu.enqueue_dma source(%dma_start3A_389 : memref<64x128xf32, #tpu.memory_space<vmem>>) target(%dma_start3A_385 : memref<64x128xf32, #tpu.memory_space<vmem_shared>>) target_semaphore(%run_scoped3A_377 : memref<!tpu.dma_semaphore, #tpu.memory_space<semaphore_mem>>)
      %dma_wait3A_390 = arith.constant 0 : i32
      %dma_wait3A_391 = arith.constant 0 : i32
      %dma_wait3A_392 = tpu.memref_slice %arg8[%run_scoped3A, %dma_wait3A_390, %dma_wait3A_391] : memref<3x112x128xf32, #tpu.memory_space<vmem>> -> memref<1x64x128xf32, #tpu.memory_space<vmem>>
      %dma_wait3A_393 = tpu.memref_squeeze %dma_wait3A_392 : memref<1x64x128xf32, #tpu.memory_space<vmem>> -> memref<64x128xf32, #tpu.memory_space<vmem>>
      %dma_wait3A_394 = arith.constant 0 : i32
      %dma_wait3A_395 = tpu.memref_slice %arg9[%add3A_6, %dma_wait3A_394] : memref<10240x128xf32, #tpu.memory_space<vmem_shared>> -> memref<64x128xf32, #tpu.memory_space<vmem_shared>>
      %dma_wait3A_396 = arith.constant 0 : i32
      %dma_wait3A_397 = tpu.memref_slice %arg9[%add3A_6, %dma_wait3A_396] : memref<10240x128xf32, #tpu.memory_space<vmem_shared>> -> memref<64x128xf32, #tpu.memory_space<vmem_shared>>
      %dma_wait3A_398 = arith.constant 0 : i32
      %dma_wait3A_399 = arith.constant 0 : i32
      %dma_wait3A_400 = tpu.memref_slice %arg8[%run_scoped3A, %dma_wait3A_398, %dma_wait3A_399] : memref<3x112x128xf32, #tpu.memory_space<vmem>> -> memref<1x64x128xf32, #tpu.memory_space<vmem>>
      %dma_wait3A_401 = tpu.memref_squeeze %dma_wait3A_400 : memref<1x64x128xf32, #tpu.memory_space<vmem>> -> memref<64x128xf32, #tpu.memory_space<vmem>>
      tpu.wait_dma2 semaphore(%run_scoped3A_377 : memref<!tpu.dma_semaphore, #tpu.memory_space<semaphore_mem>>) src(%dma_wait3A_401 : memref<64x128xf32, #tpu.memory_space<vmem>>) dst(%dma_wait3A_397 : memref<64x128xf32, #tpu.memory_space<vmem_shared>>)
      tpu.yield
    }) : () -> ()
    %mul3A_7 = arith.constant 640 : i32
    %mul3A_8 = arith.muli %arg1, %mul3A_7 : i32
    %add3A_9 = arith.constant 64 : i32
    %add3A_10 = arith.addi %mul3A_8, %add3A_9 : i32
    %run_scoped3A_11 = arith.constant 0 : i32
    "tpu.region"() ({
      %run_scoped3A_377 = tpu.sem_alloc : memref<!tpu.dma_semaphore, #tpu.memory_space<semaphore_mem>>
      %dma_start3A_378 = arith.constant 0 : i32
      %dma_start3A_379 = arith.constant 0 : i32
      %dma_start3A_380 = tpu.memref_slice %arg8[%run_scoped3A_11, %dma_start3A_378, %dma_start3A_379] : memref<3x112x128xf32, #tpu.memory_space<vmem>> -> memref<1x64x128xf32, #tpu.memory_space<vmem>>
      %dma_start3A_381 = tpu.memref_squeeze %dma_start3A_380 : memref<1x64x128xf32, #tpu.memory_space<vmem>> -> memref<64x128xf32, #tpu.memory_space<vmem>>
      %dma_start3A_382 = arith.constant 0 : i32
      %dma_start3A_383 = tpu.memref_slice %arg9[%add3A_10, %dma_start3A_382] : memref<10240x128xf32, #tpu.memory_space<vmem_shared>> -> memref<64x128xf32, #tpu.memory_space<vmem_shared>>
      %dma_start3A_384 = arith.constant 0 : i32
      %dma_start3A_385 = tpu.memref_slice %arg9[%add3A_10, %dma_start3A_384] : memref<10240x128xf32, #tpu.memory_space<vmem_shared>> -> memref<64x128xf32, #tpu.memory_space<vmem_shared>>
      %dma_start3A_386 = arith.constant 0 : i32
      %dma_start3A_387 = arith.constant 0 : i32
      %dma_start3A_388 = tpu.memref_slice %arg8[%run_scoped3A_11, %dma_start3A_386, %dma_start3A_387] : memref<3x112x128xf32, #tpu.memory_space<vmem>> -> memref<1x64x128xf32, #tpu.memory_space<vmem>>
      %dma_start3A_389 = tpu.memref_squeeze %dma_start3A_388 : memref<1x64x128xf32, #tpu.memory_space<vmem>> -> memref<64x128xf32, #tpu.memory_space<vmem>>
      tpu.enqueue_dma source(%dma_start3A_389 : memref<64x128xf32, #tpu.memory_space<vmem>>) target(%dma_start3A_385 : memref<64x128xf32, #tpu.memory_space<vmem_shared>>) target_semaphore(%run_scoped3A_377 : memref<!tpu.dma_semaphore, #tpu.memory_space<semaphore_mem>>)
      %dma_wait3A_390 = arith.constant 0 : i32
      %dma_wait3A_391 = arith.constant 0 : i32
      %dma_wait3A_392 = tpu.memref_slice %arg8[%run_scoped3A_11, %dma_wait3A_390, %dma_wait3A_391] : memref<3x112x128xf32, #tpu.memory_space<vmem>> -> memref<1x64x128xf32, #tpu.memory_space<vmem>>
      %dma_wait3A_393 = tpu.memref_squeeze %dma_wait3A_392 : memref<1x64x128xf32, #tpu.memory_space<vmem>> -> memref<64x128xf32, #tpu.memory_space<vmem>>
      %dma_wait3A_394 = arith.constant 0 : i32
      %dma_wait3A_395 = tpu.memref_slice %arg9[%add3A_10, %dma_wait3A_394] : memref<10240x128xf32, #tpu.memory_space<vmem_shared>> -> memref<64x128xf32, #tpu.memory_space<vmem_shared>>
      %dma_wait3A_396 = arith.constant 0 : i32
      %dma_wait3A_397 = tpu.memref_slice %arg9[%add3A_10, %dma_wait3A_396] : memref<10240x128xf32, #tpu.memory_space<vmem_shared>> -> memref<64x128xf32, #tpu.memory_space<vmem_shared>>
      %dma_wait3A_398 = arith.constant 0 : i32
      %dma_wait3A_399 = arith.constant 0 : i32
      %dma_wait3A_400 = tpu.memref_slice %arg8[%run_scoped3A_11, %dma_wait3A_398, %dma_wait3A_399] : memref<3x112x128xf32, #tpu.memory_space<vmem>> -> memref<1x64x128xf32, #tpu.memory_space<vmem>>
      %dma_wait3A_401 = tpu.memref_squeeze %dma_wait3A_400 : memref<1x64x128xf32, #tpu.memory_space<vmem>> -> memref<64x128xf32, #tpu.memory_space<vmem>>
      tpu.wait_dma2 semaphore(%run_scoped3A_377 : memref<!tpu.dma_semaphore, #tpu.memory_space<semaphore_mem>>) src(%dma_wait3A_401 : memref<64x128xf32, #tpu.memory_space<vmem>>) dst(%dma_wait3A_397 : memref<64x128xf32, #tpu.memory_space<vmem_shared>>)
      tpu.yield
    }) : () -> ()
    %mul3A_12 = arith.constant 640 : i32
    %mul3A_13 = arith.muli %arg1, %mul3A_12 : i32
    %add3A_14 = arith.constant 128 : i32
    %add3A_15 = arith.addi %mul3A_13, %add3A_14 : i32
    %run_scoped3A_16 = arith.constant 0 : i32
    "tpu.region"() ({
      %run_scoped3A_377 = tpu.sem_alloc : memref<!tpu.dma_semaphore, #tpu.memory_space<semaphore_mem>>
      %dma_start3A_378 = arith.constant 0 : i32
      %dma_start3A_379 = arith.constant 0 : i32
      %dma_start3A_380 = tpu.memref_slice %arg8[%run_scoped3A_16, %dma_start3A_378, %dma_start3A_379] : memref<3x112x128xf32, #tpu.memory_space<vmem>> -> memref<1x64x128xf32, #tpu.memory_space<vmem>>
      %dma_start3A_381 = tpu.memref_squeeze %dma_start3A_380 : memref<1x64x128xf32, #tpu.memory_space<vmem>> -> memref<64x128xf32, #tpu.memory_space<vmem>>
      %dma_start3A_382 = arith.constant 0 : i32
      %dma_start3A_383 = tpu.memref_slice %arg9[%add3A_15, %dma_start3A_382] : memref<10240x128xf32, #tpu.memory_space<vmem_shared>> -> memref<64x128xf32, #tpu.memory_space<vmem_shared>>
      %dma_start3A_384 = arith.constant 0 : i32
      %dma_start3A_385 = tpu.memref_slice %arg9[%add3A_15, %dma_start3A_384] : memref<10240x128xf32, #tpu.memory_space<vmem_shared>> -> memref<64x128xf32, #tpu.memory_space<vmem_shared>>
      %dma_start3A_386 = arith.constant 0 : i32
      %dma_start3A_387 = arith.constant 0 : i32
      %dma_start3A_388 = tpu.memref_slice %arg8[%run_scoped3A_16, %dma_start3A_386, %dma_start3A_387] : memref<3x112x128xf32, #tpu.memory_space<vmem>> -> memref<1x64x128xf32, #tpu.memory_space<vmem>>
      %dma_start3A_389 = tpu.memref_squeeze %dma_start3A_388 : memref<1x64x128xf32, #tpu.memory_space<vmem>> -> memref<64x128xf32, #tpu.memory_space<vmem>>
      tpu.enqueue_dma source(%dma_start3A_389 : memref<64x128xf32, #tpu.memory_space<vmem>>) target(%dma_start3A_385 : memref<64x128xf32, #tpu.memory_space<vmem_shared>>) target_semaphore(%run_scoped3A_377 : memref<!tpu.dma_semaphore, #tpu.memory_space<semaphore_mem>>)
      %dma_wait3A_390 = arith.constant 0 : i32
      %dma_wait3A_391 = arith.constant 0 : i32
      %dma_wait3A_392 = tpu.memref_slice %arg8[%run_scoped3A_16, %dma_wait3A_390, %dma_wait3A_391] : memref<3x112x128xf32, #tpu.memory_space<vmem>> -> memref<1x64x128xf32, #tpu.memory_space<vmem>>
      %dma_wait3A_393 = tpu.memref_squeeze %dma_wait3A_392 : memref<1x64x128xf32, #tpu.memory_space<vmem>> -> memref<64x128xf32, #tpu.memory_space<vmem>>
      %dma_wait3A_394 = arith.constant 0 : i32
      %dma_wait3A_395 = tpu.memref_slice %arg9[%add3A_15, %dma_wait3A_394] : memref<10240x128xf32, #tpu.memory_space<vmem_shared>> -> memref<64x128xf32, #tpu.memory_space<vmem_shared>>
      %dma_wait3A_396 = arith.constant 0 : i32
      %dma_wait3A_397 = tpu.memref_slice %arg9[%add3A_15, %dma_wait3A_396] : memref<10240x128xf32, #tpu.memory_space<vmem_shared>> -> memref<64x128xf32, #tpu.memory_space<vmem_shared>>
      %dma_wait3A_398 = arith.constant 0 : i32
      %dma_wait3A_399 = arith.constant 0 : i32
      %dma_wait3A_400 = tpu.memref_slice %arg8[%run_scoped3A_16, %dma_wait3A_398, %dma_wait3A_399] : memref<3x112x128xf32, #tpu.memory_space<vmem>> -> memref<1x64x128xf32, #tpu.memory_space<vmem>>
      %dma_wait3A_401 = tpu.memref_squeeze %dma_wait3A_400 : memref<1x64x128xf32, #tpu.memory_space<vmem>> -> memref<64x128xf32, #tpu.memory_space<vmem>>
      tpu.wait_dma2 semaphore(%run_scoped3A_377 : memref<!tpu.dma_semaphore, #tpu.memory_space<semaphore_mem>>) src(%dma_wait3A_401 : memref<64x128xf32, #tpu.memory_space<vmem>>) dst(%dma_wait3A_397 : memref<64x128xf32, #tpu.memory_space<vmem_shared>>)
      tpu.yield
    }) : () -> ()
    %mul3A_17 = arith.constant 640 : i32
    %mul3A_18 = arith.muli %arg1, %mul3A_17 : i32
    %add3A_19 = arith.constant 192 : i32
    %add3A_20 = arith.addi %mul3A_18, %add3A_19 : i32
    %run_scoped3A_21 = arith.constant 0 : i32
    "tpu.region"() ({
      %run_scoped3A_377 = tpu.sem_alloc : memref<!tpu.dma_semaphore, #tpu.memory_space<semaphore_mem>>
      %dma_start3A_378 = arith.constant 0 : i32
      %dma_start3A_379 = arith.constant 0 : i32
      %dma_start3A_380 = tpu.memref_slice %arg8[%run_scoped3A_21, %dma_start3A_378, %dma_start3A_379] : memref<3x112x128xf32, #tpu.memory_space<vmem>> -> memref<1x64x128xf32, #tpu.memory_space<vmem>>
      %dma_start3A_381 = tpu.memref_squeeze %dma_start3A_380 : memref<1x64x128xf32, #tpu.memory_space<vmem>> -> memref<64x128xf32, #tpu.memory_space<vmem>>
      %dma_start3A_382 = arith.constant 0 : i32
      %dma_start3A_383 = tpu.memref_slice %arg9[%add3A_20, %dma_start3A_382] : memref<10240x128xf32, #tpu.memory_space<vmem_shared>> -> memref<64x128xf32, #tpu.memory_space<vmem_shared>>
      %dma_start3A_384 = arith.constant 0 : i32
      %dma_start3A_385 = tpu.memref_slice %arg9[%add3A_20, %dma_start3A_384] : memref<10240x128xf32, #tpu.memory_space<vmem_shared>> -> memref<64x128xf32, #tpu.memory_space<vmem_shared>>
      %dma_start3A_386 = arith.constant 0 : i32
      %dma_start3A_387 = arith.constant 0 : i32
      %dma_start3A_388 = tpu.memref_slice %arg8[%run_scoped3A_21, %dma_start3A_386, %dma_start3A_387] : memref<3x112x128xf32, #tpu.memory_space<vmem>> -> memref<1x64x128xf32, #tpu.memory_space<vmem>>
      %dma_start3A_389 = tpu.memref_squeeze %dma_start3A_388 : memref<1x64x128xf32, #tpu.memory_space<vmem>> -> memref<64x128xf32, #tpu.memory_space<vmem>>
      tpu.enqueue_dma source(%dma_start3A_389 : memref<64x128xf32, #tpu.memory_space<vmem>>) target(%dma_start3A_385 : memref<64x128xf32, #tpu.memory_space<vmem_shared>>) target_semaphore(%run_scoped3A_377 : memref<!tpu.dma_semaphore, #tpu.memory_space<semaphore_mem>>)
      %dma_wait3A_390 = arith.constant 0 : i32
      %dma_wait3A_391 = arith.constant 0 : i32
      %dma_wait3A_392 = tpu.memref_slice %arg8[%run_scoped3A_21, %dma_wait3A_390, %dma_wait3A_391] : memref<3x112x128xf32, #tpu.memory_space<vmem>> -> memref<1x64x128xf32, #tpu.memory_space<vmem>>
      %dma_wait3A_393 = tpu.memref_squeeze %dma_wait3A_392 : memref<1x64x128xf32, #tpu.memory_space<vmem>> -> memref<64x128xf32, #tpu.memory_space<vmem>>
      %dma_wait3A_394 = arith.constant 0 : i32
      %dma_wait3A_395 = tpu.memref_slice %arg9[%add3A_20, %dma_wait3A_394] : memref<10240x128xf32, #tpu.memory_space<vmem_shared>> -> memref<64x128xf32, #tpu.memory_space<vmem_shared>>
      %dma_wait3A_396 = arith.constant 0 : i32
      %dma_wait3A_397 = tpu.memref_slice %arg9[%add3A_20, %dma_wait3A_396] : memref<10240x128xf32, #tpu.memory_space<vmem_shared>> -> memref<64x128xf32, #tpu.memory_space<vmem_shared>>
      %dma_wait3A_398 = arith.constant 0 : i32
      %dma_wait3A_399 = arith.constant 0 : i32
      %dma_wait3A_400 = tpu.memref_slice %arg8[%run_scoped3A_21, %dma_wait3A_398, %dma_wait3A_399] : memref<3x112x128xf32, #tpu.memory_space<vmem>> -> memref<1x64x128xf32, #tpu.memory_space<vmem>>
      %dma_wait3A_401 = tpu.memref_squeeze %dma_wait3A_400 : memref<1x64x128xf32, #tpu.memory_space<vmem>> -> memref<64x128xf32, #tpu.memory_space<vmem>>
      tpu.wait_dma2 semaphore(%run_scoped3A_377 : memref<!tpu.dma_semaphore, #tpu.memory_space<semaphore_mem>>) src(%dma_wait3A_401 : memref<64x128xf32, #tpu.memory_space<vmem>>) dst(%dma_wait3A_397 : memref<64x128xf32, #tpu.memory_space<vmem_shared>>)
      tpu.yield
    }) : () -> ()
    %mul3A_22 = arith.constant 640 : i32
    %mul3A_23 = arith.muli %arg1, %mul3A_22 : i32
    %add3A_24 = arith.constant 256 : i32
    %add3A_25 = arith.addi %mul3A_23, %add3A_24 : i32
    %run_scoped3A_26 = arith.constant 0 : i32
    "tpu.region"() ({
      %run_scoped3A_377 = tpu.sem_alloc : memref<!tpu.dma_semaphore, #tpu.memory_space<semaphore_mem>>
      %dma_start3A_378 = arith.constant 0 : i32
      %dma_start3A_379 = arith.constant 0 : i32
      %dma_start3A_380 = tpu.memref_slice %arg8[%run_scoped3A_26, %dma_start3A_378, %dma_start3A_379] : memref<3x112x128xf32, #tpu.memory_space<vmem>> -> memref<1x64x128xf32, #tpu.memory_space<vmem>>
      %dma_start3A_381 = tpu.memref_squeeze %dma_start3A_380 : memref<1x64x128xf32, #tpu.memory_space<vmem>> -> memref<64x128xf32, #tpu.memory_space<vmem>>
      %dma_start3A_382 = arith.constant 0 : i32
      %dma_start3A_383 = tpu.memref_slice %arg9[%add3A_25, %dma_start3A_382] : memref<10240x128xf32, #tpu.memory_space<vmem_shared>> -> memref<64x128xf32, #tpu.memory_space<vmem_shared>>
      %dma_start3A_384 = arith.constant 0 : i32
      %dma_start3A_385 = tpu.memref_slice %arg9[%add3A_25, %dma_start3A_384] : memref<10240x128xf32, #tpu.memory_space<vmem_shared>> -> memref<64x128xf32, #tpu.memory_space<vmem_shared>>
      %dma_start3A_386 = arith.constant 0 : i32
      %dma_start3A_387 = arith.constant 0 : i32
      %dma_start3A_388 = tpu.memref_slice %arg8[%run_scoped3A_26, %dma_start3A_386, %dma_start3A_387] : memref<3x112x128xf32, #tpu.memory_space<vmem>> -> memref<1x64x128xf32, #tpu.memory_space<vmem>>
      %dma_start3A_389 = tpu.memref_squeeze %dma_start3A_388 : memref<1x64x128xf32, #tpu.memory_space<vmem>> -> memref<64x128xf32, #tpu.memory_space<vmem>>
      tpu.enqueue_dma source(%dma_start3A_389 : memref<64x128xf32, #tpu.memory_space<vmem>>) target(%dma_start3A_385 : memref<64x128xf32, #tpu.memory_space<vmem_shared>>) target_semaphore(%run_scoped3A_377 : memref<!tpu.dma_semaphore, #tpu.memory_space<semaphore_mem>>)
      %dma_wait3A_390 = arith.constant 0 : i32
      %dma_wait3A_391 = arith.constant 0 : i32
      %dma_wait3A_392 = tpu.memref_slice %arg8[%run_scoped3A_26, %dma_wait3A_390, %dma_wait3A_391] : memref<3x112x128xf32, #tpu.memory_space<vmem>> -> memref<1x64x128xf32, #tpu.memory_space<vmem>>
      %dma_wait3A_393 = tpu.memref_squeeze %dma_wait3A_392 : memref<1x64x128xf32, #tpu.memory_space<vmem>> -> memref<64x128xf32, #tpu.memory_space<vmem>>
      %dma_wait3A_394 = arith.constant 0 : i32
      %dma_wait3A_395 = tpu.memref_slice %arg9[%add3A_25, %dma_wait3A_394] : memref<10240x128xf32, #tpu.memory_space<vmem_shared>> -> memref<64x128xf32, #tpu.memory_space<vmem_shared>>
      %dma_wait3A_396 = arith.constant 0 : i32
      %dma_wait3A_397 = tpu.memref_slice %arg9[%add3A_25, %dma_wait3A_396] : memref<10240x128xf32, #tpu.memory_space<vmem_shared>> -> memref<64x128xf32, #tpu.memory_space<vmem_shared>>
      %dma_wait3A_398 = arith.constant 0 : i32
      %dma_wait3A_399 = arith.constant 0 : i32
      %dma_wait3A_400 = tpu.memref_slice %arg8[%run_scoped3A_26, %dma_wait3A_398, %dma_wait3A_399] : memref<3x112x128xf32, #tpu.memory_space<vmem>> -> memref<1x64x128xf32, #tpu.memory_space<vmem>>
      %dma_wait3A_401 = tpu.memref_squeeze %dma_wait3A_400 : memref<1x64x128xf32, #tpu.memory_space<vmem>> -> memref<64x128xf32, #tpu.memory_space<vmem>>
      tpu.wait_dma2 semaphore(%run_scoped3A_377 : memref<!tpu.dma_semaphore, #tpu.memory_space<semaphore_mem>>) src(%dma_wait3A_401 : memref<64x128xf32, #tpu.memory_space<vmem>>) dst(%dma_wait3A_397 : memref<64x128xf32, #tpu.memory_space<vmem_shared>>)
      tpu.yield
    }) : () -> ()
    %mul3A_27 = arith.constant 640 : i32
    %mul3A_28 = arith.muli %arg1, %mul3A_27 : i32
    %add3A_29 = arith.constant 320 : i32
    %add3A_30 = arith.addi %mul3A_28, %add3A_29 : i32
    %run_scoped3A_31 = arith.constant 0 : i32
    "tpu.region"() ({
      %run_scoped3A_377 = tpu.sem_alloc : memref<!tpu.dma_semaphore, #tpu.memory_space<semaphore_mem>>
      %dma_start3A_378 = arith.constant 0 : i32
      %dma_start3A_379 = arith.constant 0 : i32
      %dma_start3A_380 = tpu.memref_slice %arg8[%run_scoped3A_31, %dma_start3A_378, %dma_start3A_379] : memref<3x112x128xf32, #tpu.memory_space<vmem>> -> memref<1x64x128xf32, #tpu.memory_space<vmem>>
      %dma_start3A_381 = tpu.memref_squeeze %dma_start3A_380 : memref<1x64x128xf32, #tpu.memory_space<vmem>> -> memref<64x128xf32, #tpu.memory_space<vmem>>
      %dma_start3A_382 = arith.constant 0 : i32
      %dma_start3A_383 = tpu.memref_slice %arg9[%add3A_30, %dma_start3A_382] : memref<10240x128xf32, #tpu.memory_space<vmem_shared>> -> memref<64x128xf32, #tpu.memory_space<vmem_shared>>
      %dma_start3A_384 = arith.constant 0 : i32
      %dma_start3A_385 = tpu.memref_slice %arg9[%add3A_30, %dma_start3A_384] : memref<10240x128xf32, #tpu.memory_space<vmem_shared>> -> memref<64x128xf32, #tpu.memory_space<vmem_shared>>
      %dma_start3A_386 = arith.constant 0 : i32
      %dma_start3A_387 = arith.constant 0 : i32
      %dma_start3A_388 = tpu.memref_slice %arg8[%run_scoped3A_31, %dma_start3A_386, %dma_start3A_387] : memref<3x112x128xf32, #tpu.memory_space<vmem>> -> memref<1x64x128xf32, #tpu.memory_space<vmem>>
      %dma_start3A_389 = tpu.memref_squeeze %dma_start3A_388 : memref<1x64x128xf32, #tpu.memory_space<vmem>> -> memref<64x128xf32, #tpu.memory_space<vmem>>
      tpu.enqueue_dma source(%dma_start3A_389 : memref<64x128xf32, #tpu.memory_space<vmem>>) target(%dma_start3A_385 : memref<64x128xf32, #tpu.memory_space<vmem_shared>>) target_semaphore(%run_scoped3A_377 : memref<!tpu.dma_semaphore, #tpu.memory_space<semaphore_mem>>)
      %dma_wait3A_390 = arith.constant 0 : i32
      %dma_wait3A_391 = arith.constant 0 : i32
      %dma_wait3A_392 = tpu.memref_slice %arg8[%run_scoped3A_31, %dma_wait3A_390, %dma_wait3A_391] : memref<3x112x128xf32, #tpu.memory_space<vmem>> -> memref<1x64x128xf32, #tpu.memory_space<vmem>>
      %dma_wait3A_393 = tpu.memref_squeeze %dma_wait3A_392 : memref<1x64x128xf32, #tpu.memory_space<vmem>> -> memref<64x128xf32, #tpu.memory_space<vmem>>
      %dma_wait3A_394 = arith.constant 0 : i32
      %dma_wait3A_395 = tpu.memref_slice %arg9[%add3A_30, %dma_wait3A_394] : memref<10240x128xf32, #tpu.memory_space<vmem_shared>> -> memref<64x128xf32, #tpu.memory_space<vmem_shared>>
      %dma_wait3A_396 = arith.constant 0 : i32
      %dma_wait3A_397 = tpu.memref_slice %arg9[%add3A_30, %dma_wait3A_396] : memref<10240x128xf32, #tpu.memory_space<vmem_shared>> -> memref<64x128xf32, #tpu.memory_space<vmem_shared>>
      %dma_wait3A_398 = arith.constant 0 : i32
      %dma_wait3A_399 = arith.constant 0 : i32
      %dma_wait3A_400 = tpu.memref_slice %arg8[%run_scoped3A_31, %dma_wait3A_398, %dma_wait3A_399] : memref<3x112x128xf32, #tpu.memory_space<vmem>> -> memref<1x64x128xf32, #tpu.memory_space<vmem>>
      %dma_wait3A_401 = tpu.memref_squeeze %dma_wait3A_400 : memref<1x64x128xf32, #tpu.memory_space<vmem>> -> memref<64x128xf32, #tpu.memory_space<vmem>>
      tpu.wait_dma2 semaphore(%run_scoped3A_377 : memref<!tpu.dma_semaphore, #tpu.memory_space<semaphore_mem>>) src(%dma_wait3A_401 : memref<64x128xf32, #tpu.memory_space<vmem>>) dst(%dma_wait3A_397 : memref<64x128xf32, #tpu.memory_space<vmem_shared>>)
      tpu.yield
    }) : () -> ()
    %mul3A_32 = arith.constant 640 : i32
    %mul3A_33 = arith.muli %arg1, %mul3A_32 : i32
    %add3A_34 = arith.constant 384 : i32
    %add3A_35 = arith.addi %mul3A_33, %add3A_34 : i32
    %run_scoped3A_36 = arith.constant 0 : i32
    "tpu.region"() ({
      %run_scoped3A_377 = tpu.sem_alloc : memref<!tpu.dma_semaphore, #tpu.memory_space<semaphore_mem>>
      %dma_start3A_378 = arith.constant 0 : i32
      %dma_start3A_379 = arith.constant 0 : i32
      %dma_start3A_380 = tpu.memref_slice %arg8[%run_scoped3A_36, %dma_start3A_378, %dma_start3A_379] : memref<3x112x128xf32, #tpu.memory_space<vmem>> -> memref<1x64x128xf32, #tpu.memory_space<vmem>>
      %dma_start3A_381 = tpu.memref_squeeze %dma_start3A_380 : memref<1x64x128xf32, #tpu.memory_space<vmem>> -> memref<64x128xf32, #tpu.memory_space<vmem>>
      %dma_start3A_382 = arith.constant 0 : i32
      %dma_start3A_383 = tpu.memref_slice %arg9[%add3A_35, %dma_start3A_382] : memref<10240x128xf32, #tpu.memory_space<vmem_shared>> -> memref<64x128xf32, #tpu.memory_space<vmem_shared>>
      %dma_start3A_384 = arith.constant 0 : i32
      %dma_start3A_385 = tpu.memref_slice %arg9[%add3A_35, %dma_start3A_384] : memref<10240x128xf32, #tpu.memory_space<vmem_shared>> -> memref<64x128xf32, #tpu.memory_space<vmem_shared>>
      %dma_start3A_386 = arith.constant 0 : i32
      %dma_start3A_387 = arith.constant 0 : i32
      %dma_start3A_388 = tpu.memref_slice %arg8[%run_scoped3A_36, %dma_start3A_386, %dma_start3A_387] : memref<3x112x128xf32, #tpu.memory_space<vmem>> -> memref<1x64x128xf32, #tpu.memory_space<vmem>>
      %dma_start3A_389 = tpu.memref_squeeze %dma_start3A_388 : memref<1x64x128xf32, #tpu.memory_space<vmem>> -> memref<64x128xf32, #tpu.memory_space<vmem>>
      tpu.enqueue_dma source(%dma_start3A_389 : memref<64x128xf32, #tpu.memory_space<vmem>>) target(%dma_start3A_385 : memref<64x128xf32, #tpu.memory_space<vmem_shared>>) target_semaphore(%run_scoped3A_377 : memref<!tpu.dma_semaphore, #tpu.memory_space<semaphore_mem>>)
      %dma_wait3A_390 = arith.constant 0 : i32
      %dma_wait3A_391 = arith.constant 0 : i32
      %dma_wait3A_392 = tpu.memref_slice %arg8[%run_scoped3A_36, %dma_wait3A_390, %dma_wait3A_391] : memref<3x112x128xf32, #tpu.memory_space<vmem>> -> memref<1x64x128xf32, #tpu.memory_space<vmem>>
      %dma_wait3A_393 = tpu.memref_squeeze %dma_wait3A_392 : memref<1x64x128xf32, #tpu.memory_space<vmem>> -> memref<64x128xf32, #tpu.memory_space<vmem>>
      %dma_wait3A_394 = arith.constant 0 : i32
      %dma_wait3A_395 = tpu.memref_slice %arg9[%add3A_35, %dma_wait3A_394] : memref<10240x128xf32, #tpu.memory_space<vmem_shared>> -> memref<64x128xf32, #tpu.memory_space<vmem_shared>>
      %dma_wait3A_396 = arith.constant 0 : i32
      %dma_wait3A_397 = tpu.memref_slice %arg9[%add3A_35, %dma_wait3A_396] : memref<10240x128xf32, #tpu.memory_space<vmem_shared>> -> memref<64x128xf32, #tpu.memory_space<vmem_shared>>
      %dma_wait3A_398 = arith.constant 0 : i32
      %dma_wait3A_399 = arith.constant 0 : i32
      %dma_wait3A_400 = tpu.memref_slice %arg8[%run_scoped3A_36, %dma_wait3A_398, %dma_wait3A_399] : memref<3x112x128xf32, #tpu.memory_space<vmem>> -> memref<1x64x128xf32, #tpu.memory_space<vmem>>
      %dma_wait3A_401 = tpu.memref_squeeze %dma_wait3A_400 : memref<1x64x128xf32, #tpu.memory_space<vmem>> -> memref<64x128xf32, #tpu.memory_space<vmem>>
      tpu.wait_dma2 semaphore(%run_scoped3A_377 : memref<!tpu.dma_semaphore, #tpu.memory_space<semaphore_mem>>) src(%dma_wait3A_401 : memref<64x128xf32, #tpu.memory_space<vmem>>) dst(%dma_wait3A_397 : memref<64x128xf32, #tpu.memory_space<vmem_shared>>)
      tpu.yield
    }) : () -> ()
    %mul3A_37 = arith.constant 640 : i32
    %mul3A_38 = arith.muli %arg1, %mul3A_37 : i32
    %add3A_39 = arith.constant 448 : i32
    %add3A_40 = arith.addi %mul3A_38, %add3A_39 : i32
    %run_scoped3A_41 = arith.constant 0 : i32
    "tpu.region"() ({
      %run_scoped3A_377 = tpu.sem_alloc : memref<!tpu.dma_semaphore, #tpu.memory_space<semaphore_mem>>
      %dma_start3A_378 = arith.constant 0 : i32
      %dma_start3A_379 = arith.constant 0 : i32
      %dma_start3A_380 = tpu.memref_slice %arg8[%run_scoped3A_41, %dma_start3A_378, %dma_start3A_379] : memref<3x112x128xf32, #tpu.memory_space<vmem>> -> memref<1x64x128xf32, #tpu.memory_space<vmem>>
      %dma_start3A_381 = tpu.memref_squeeze %dma_start3A_380 : memref<1x64x128xf32, #tpu.memory_space<vmem>> -> memref<64x128xf32, #tpu.memory_space<vmem>>
      %dma_start3A_382 = arith.constant 0 : i32
      %dma_start3A_383 = tpu.memref_slice %arg9[%add3A_40, %dma_start3A_382] : memref<10240x128xf32, #tpu.memory_space<vmem_shared>> -> memref<64x128xf32, #tpu.memory_space<vmem_shared>>
      %dma_start3A_384 = arith.constant 0 : i32
      %dma_start3A_385 = tpu.memref_slice %arg9[%add3A_40, %dma_start3A_384] : memref<10240x128xf32, #tpu.memory_space<vmem_shared>> -> memref<64x128xf32, #tpu.memory_space<vmem_shared>>
      %dma_start3A_386 = arith.constant 0 : i32
      %dma_start3A_387 = arith.constant 0 : i32
      %dma_start3A_388 = tpu.memref_slice %arg8[%run_scoped3A_41, %dma_start3A_386, %dma_start3A_387] : memref<3x112x128xf32, #tpu.memory_space<vmem>> -> memref<1x64x128xf32, #tpu.memory_space<vmem>>
      %dma_start3A_389 = tpu.memref_squeeze %dma_start3A_388 : memref<1x64x128xf32, #tpu.memory_space<vmem>> -> memref<64x128xf32, #tpu.memory_space<vmem>>
      tpu.enqueue_dma source(%dma_start3A_389 : memref<64x128xf32, #tpu.memory_space<vmem>>) target(%dma_start3A_385 : memref<64x128xf32, #tpu.memory_space<vmem_shared>>) target_semaphore(%run_scoped3A_377 : memref<!tpu.dma_semaphore, #tpu.memory_space<semaphore_mem>>)
      %dma_wait3A_390 = arith.constant 0 : i32
      %dma_wait3A_391 = arith.constant 0 : i32
      %dma_wait3A_392 = tpu.memref_slice %arg8[%run_scoped3A_41, %dma_wait3A_390, %dma_wait3A_391] : memref<3x112x128xf32, #tpu.memory_space<vmem>> -> memref<1x64x128xf32, #tpu.memory_space<vmem>>
      %dma_wait3A_393 = tpu.memref_squeeze %dma_wait3A_392 : memref<1x64x128xf32, #tpu.memory_space<vmem>> -> memref<64x128xf32, #tpu.memory_space<vmem>>
      %dma_wait3A_394 = arith.constant 0 : i32
      %dma_wait3A_395 = tpu.memref_slice %arg9[%add3A_40, %dma_wait3A_394] : memref<10240x128xf32, #tpu.memory_space<vmem_shared>> -> memref<64x128xf32, #tpu.memory_space<vmem_shared>>
      %dma_wait3A_396 = arith.constant 0 : i32
      %dma_wait3A_397 = tpu.memref_slice %arg9[%add3A_40, %dma_wait3A_396] : memref<10240x128xf32, #tpu.memory_space<vmem_shared>> -> memref<64x128xf32, #tpu.memory_space<vmem_shared>>
      %dma_wait3A_398 = arith.constant 0 : i32
      %dma_wait3A_399 = arith.constant 0 : i32
      %dma_wait3A_400 = tpu.memref_slice %arg8[%run_scoped3A_41, %dma_wait3A_398, %dma_wait3A_399] : memref<3x112x128xf32, #tpu.memory_space<vmem>> -> memref<1x64x128xf32, #tpu.memory_space<vmem>>
      %dma_wait3A_401 = tpu.memref_squeeze %dma_wait3A_400 : memref<1x64x128xf32, #tpu.memory_space<vmem>> -> memref<64x128xf32, #tpu.memory_space<vmem>>
      tpu.wait_dma2 semaphore(%run_scoped3A_377 : memref<!tpu.dma_semaphore, #tpu.memory_space<semaphore_mem>>) src(%dma_wait3A_401 : memref<64x128xf32, #tpu.memory_space<vmem>>) dst(%dma_wait3A_397 : memref<64x128xf32, #tpu.memory_space<vmem_shared>>)
      tpu.yield
    }) : () -> ()
    %mul3A_42 = arith.constant 640 : i32
    %mul3A_43 = arith.muli %arg1, %mul3A_42 : i32
    %add3A_44 = arith.constant 512 : i32
    %add3A_45 = arith.addi %mul3A_43, %add3A_44 : i32
    %run_scoped3A_46 = arith.constant 0 : i32
    "tpu.region"() ({
      %run_scoped3A_377 = tpu.sem_alloc : memref<!tpu.dma_semaphore, #tpu.memory_space<semaphore_mem>>
      %dma_start3A_378 = arith.constant 0 : i32
      %dma_start3A_379 = arith.constant 0 : i32
      %dma_start3A_380 = tpu.memref_slice %arg8[%run_scoped3A_46, %dma_start3A_378, %dma_start3A_379] : memref<3x112x128xf32, #tpu.memory_space<vmem>> -> memref<1x64x128xf32, #tpu.memory_space<vmem>>
      %dma_start3A_381 = tpu.memref_squeeze %dma_start3A_380 : memref<1x64x128xf32, #tpu.memory_space<vmem>> -> memref<64x128xf32, #tpu.memory_space<vmem>>
      %dma_start3A_382 = arith.constant 0 : i32
      %dma_start3A_383 = tpu.memref_slice %arg9[%add3A_45, %dma_start3A_382] : memref<10240x128xf32, #tpu.memory_space<vmem_shared>> -> memref<64x128xf32, #tpu.memory_space<vmem_shared>>
      %dma_start3A_384 = arith.constant 0 : i32
      %dma_start3A_385 = tpu.memref_slice %arg9[%add3A_45, %dma_start3A_384] : memref<10240x128xf32, #tpu.memory_space<vmem_shared>> -> memref<64x128xf32, #tpu.memory_space<vmem_shared>>
      %dma_start3A_386 = arith.constant 0 : i32
      %dma_start3A_387 = arith.constant 0 : i32
      %dma_start3A_388 = tpu.memref_slice %arg8[%run_scoped3A_46, %dma_start3A_386, %dma_start3A_387] : memref<3x112x128xf32, #tpu.memory_space<vmem>> -> memref<1x64x128xf32, #tpu.memory_space<vmem>>
      %dma_start3A_389 = tpu.memref_squeeze %dma_start3A_388 : memref<1x64x128xf32, #tpu.memory_space<vmem>> -> memref<64x128xf32, #tpu.memory_space<vmem>>
      tpu.enqueue_dma source(%dma_start3A_389 : memref<64x128xf32, #tpu.memory_space<vmem>>) target(%dma_start3A_385 : memref<64x128xf32, #tpu.memory_space<vmem_shared>>) target_semaphore(%run_scoped3A_377 : memref<!tpu.dma_semaphore, #tpu.memory_space<semaphore_mem>>)
      %dma_wait3A_390 = arith.constant 0 : i32
      %dma_wait3A_391 = arith.constant 0 : i32
      %dma_wait3A_392 = tpu.memref_slice %arg8[%run_scoped3A_46, %dma_wait3A_390, %dma_wait3A_391] : memref<3x112x128xf32, #tpu.memory_space<vmem>> -> memref<1x64x128xf32, #tpu.memory_space<vmem>>
      %dma_wait3A_393 = tpu.memref_squeeze %dma_wait3A_392 : memref<1x64x128xf32, #tpu.memory_space<vmem>> -> memref<64x128xf32, #tpu.memory_space<vmem>>
      %dma_wait3A_394 = arith.constant 0 : i32
      %dma_wait3A_395 = tpu.memref_slice %arg9[%add3A_45, %dma_wait3A_394] : memref<10240x128xf32, #tpu.memory_space<vmem_shared>> -> memref<64x128xf32, #tpu.memory_space<vmem_shared>>
      %dma_wait3A_396 = arith.constant 0 : i32
      %dma_wait3A_397 = tpu.memref_slice %arg9[%add3A_45, %dma_wait3A_396] : memref<10240x128xf32, #tpu.memory_space<vmem_shared>> -> memref<64x128xf32, #tpu.memory_space<vmem_shared>>
      %dma_wait3A_398 = arith.constant 0 : i32
      %dma_wait3A_399 = arith.constant 0 : i32
      %dma_wait3A_400 = tpu.memref_slice %arg8[%run_scoped3A_46, %dma_wait3A_398, %dma_wait3A_399] : memref<3x112x128xf32, #tpu.memory_space<vmem>> -> memref<1x64x128xf32, #tpu.memory_space<vmem>>
      %dma_wait3A_401 = tpu.memref_squeeze %dma_wait3A_400 : memref<1x64x128xf32, #tpu.memory_space<vmem>> -> memref<64x128xf32, #tpu.memory_space<vmem>>
      tpu.wait_dma2 semaphore(%run_scoped3A_377 : memref<!tpu.dma_semaphore, #tpu.memory_space<semaphore_mem>>) src(%dma_wait3A_401 : memref<64x128xf32, #tpu.memory_space<vmem>>) dst(%dma_wait3A_397 : memref<64x128xf32, #tpu.memory_space<vmem_shared>>)
      tpu.yield
    }) : () -> ()
    %mul3A_47 = arith.constant 640 : i32
    %mul3A_48 = arith.muli %arg1, %mul3A_47 : i32
    %add3A_49 = arith.constant 576 : i32
    %add3A_50 = arith.addi %mul3A_48, %add3A_49 : i32
    %run_scoped3A_51 = arith.constant 0 : i32
    "tpu.region"() ({
      %run_scoped3A_377 = tpu.sem_alloc : memref<!tpu.dma_semaphore, #tpu.memory_space<semaphore_mem>>
      %dma_start3A_378 = arith.constant 0 : i32
      %dma_start3A_379 = arith.constant 0 : i32
      %dma_start3A_380 = tpu.memref_slice %arg8[%run_scoped3A_51, %dma_start3A_378, %dma_start3A_379] : memref<3x112x128xf32, #tpu.memory_space<vmem>> -> memref<1x64x128xf32, #tpu.memory_space<vmem>>
      %dma_start3A_381 = tpu.memref_squeeze %dma_start3A_380 : memref<1x64x128xf32, #tpu.memory_space<vmem>> -> memref<64x128xf32, #tpu.memory_space<vmem>>
      %dma_start3A_382 = arith.constant 0 : i32
      %dma_start3A_383 = tpu.memref_slice %arg9[%add3A_50, %dma_start3A_382] : memref<10240x128xf32, #tpu.memory_space<vmem_shared>> -> memref<64x128xf32, #tpu.memory_space<vmem_shared>>
      %dma_start3A_384 = arith.constant 0 : i32
      %dma_start3A_385 = tpu.memref_slice %arg9[%add3A_50, %dma_start3A_384] : memref<10240x128xf32, #tpu.memory_space<vmem_shared>> -> memref<64x128xf32, #tpu.memory_space<vmem_shared>>
      %dma_start3A_386 = arith.constant 0 : i32
      %dma_start3A_387 = arith.constant 0 : i32
      %dma_start3A_388 = tpu.memref_slice %arg8[%run_scoped3A_51, %dma_start3A_386, %dma_start3A_387] : memref<3x112x128xf32, #tpu.memory_space<vmem>> -> memref<1x64x128xf32, #tpu.memory_space<vmem>>
      %dma_start3A_389 = tpu.memref_squeeze %dma_start3A_388 : memref<1x64x128xf32, #tpu.memory_space<vmem>> -> memref<64x128xf32, #tpu.memory_space<vmem>>
      tpu.enqueue_dma source(%dma_start3A_389 : memref<64x128xf32, #tpu.memory_space<vmem>>) target(%dma_start3A_385 : memref<64x128xf32, #tpu.memory_space<vmem_shared>>) target_semaphore(%run_scoped3A_377 : memref<!tpu.dma_semaphore, #tpu.memory_space<semaphore_mem>>)
      %dma_wait3A_390 = arith.constant 0 : i32
      %dma_wait3A_391 = arith.constant 0 : i32
      %dma_wait3A_392 = tpu.memref_slice %arg8[%run_scoped3A_51, %dma_wait3A_390, %dma_wait3A_391] : memref<3x112x128xf32, #tpu.memory_space<vmem>> -> memref<1x64x128xf32, #tpu.memory_space<vmem>>
      %dma_wait3A_393 = tpu.memref_squeeze %dma_wait3A_392 : memref<1x64x128xf32, #tpu.memory_space<vmem>> -> memref<64x128xf32, #tpu.memory_space<vmem>>
      %dma_wait3A_394 = arith.constant 0 : i32
      %dma_wait3A_395 = tpu.memref_slice %arg9[%add3A_50, %dma_wait3A_394] : memref<10240x128xf32, #tpu.memory_space<vmem_shared>> -> memref<64x128xf32, #tpu.memory_space<vmem_shared>>
      %dma_wait3A_396 = arith.constant 0 : i32
      %dma_wait3A_397 = tpu.memref_slice %arg9[%add3A_50, %dma_wait3A_396] : memref<10240x128xf32, #tpu.memory_space<vmem_shared>> -> memref<64x128xf32, #tpu.memory_space<vmem_shared>>
      %dma_wait3A_398 = arith.constant 0 : i32
      %dma_wait3A_399 = arith.constant 0 : i32
      %dma_wait3A_400 = tpu.memref_slice %arg8[%run_scoped3A_51, %dma_wait3A_398, %dma_wait3A_399] : memref<3x112x128xf32, #tpu.memory_space<vmem>> -> memref<1x64x128xf32, #tpu.memory_space<vmem>>
      %dma_wait3A_401 = tpu.memref_squeeze %dma_wait3A_400 : memref<1x64x128xf32, #tpu.memory_space<vmem>> -> memref<64x128xf32, #tpu.memory_space<vmem>>
      tpu.wait_dma2 semaphore(%run_scoped3A_377 : memref<!tpu.dma_semaphore, #tpu.memory_space<semaphore_mem>>) src(%dma_wait3A_401 : memref<64x128xf32, #tpu.memory_space<vmem>>) dst(%dma_wait3A_397 : memref<64x128xf32, #tpu.memory_space<vmem_shared>>)
      tpu.yield
    }) : () -> ()
    %broadcast_in_dim3A = arith.constant 10232 : i32
    %broadcast_in_dim3A_52 = vector.broadcast %broadcast_in_dim3A : i32 to vector<16xi32>
    %swap3A = arith.constant 0 : i32
    %swap3A_53 = arith.constant 0 : i32
    %swap3A_54 = arith.index_cast %swap3A : i32 to index
    %swap3A_55 = arith.index_cast %swap3A_53 : i32 to index
    %swap3A_56 = arith.constant 0 : index
    %swap3A_57 = tpu.vector_load %arg7[%swap3A_54, %swap3A_55, %swap3A_56] {strides = array<i32>} : memref<3x1x112xi32, #tpu.memory_space<vmem>>, vector<1x1x16xi32>,
    %swap3A_58 = vector.shape_cast %swap3A_57 : vector<1x1x16xi32> to vector<16xi32>
    %swap3A_59 = vector.shape_cast %broadcast_in_dim3A_52 : vector<16xi32> to vector<1x1x16xi32>
    tpu.vector_store %arg7[%swap3A_54, %swap3A_55, %swap3A_56], %swap3A_59 {strides = array<i32>} : memref<3x1x112xi32, #tpu.memory_space<vmem>>, vector<1x1x16xi32>,
    %broadcast_in_dim3A_60 = arith.constant 10232 : i32
    %broadcast_in_dim3A_61 = vector.broadcast %broadcast_in_dim3A_60 : i32 to vector<16xi32>
    %swap3A_62 = arith.constant 0 : i32
    %swap3A_63 = arith.constant 0 : i32
    %swap3A_64 = arith.index_cast %swap3A_62 : i32 to index
    %swap3A_65 = arith.index_cast %swap3A_63 : i32 to index
    %swap3A_66 = arith.constant 16 : index
    %swap3A_67 = tpu.vector_load %arg7[%swap3A_64, %swap3A_65, %swap3A_66] {strides = array<i32>} : memref<3x1x112xi32, #tpu.memory_space<vmem>>, vector<1x1x16xi32>,
    %swap3A_68 = vector.shape_cast %swap3A_67 : vector<1x1x16xi32> to vector<16xi32>
    %swap3A_69 = vector.shape_cast %broadcast_in_dim3A_61 : vector<16xi32> to vector<1x1x16xi32>
    tpu.vector_store %arg7[%swap3A_64, %swap3A_65, %swap3A_66], %swap3A_69 {strides = array<i32>} : memref<3x1x112xi32, #tpu.memory_space<vmem>>, vector<1x1x16xi32>,
    %broadcast_in_dim3A_70 = arith.constant 10232 : i32
    %broadcast_in_dim3A_71 = vector.broadcast %broadcast_in_dim3A_70 : i32 to vector<16xi32>
    %swap3A_72 = arith.constant 0 : i32
    %swap3A_73 = arith.constant 0 : i32
    %swap3A_74 = arith.index_cast %swap3A_72 : i32 to index
    %swap3A_75 = arith.index_cast %swap3A_73 : i32 to index
    %swap3A_76 = arith.constant 32 : index
    %swap3A_77 = tpu.vector_load %arg7[%swap3A_74, %swap3A_75, %swap3A_76] {strides = array<i32>} : memref<3x1x112xi32, #tpu.memory_space<vmem>>, vector<1x1x16xi32>,
    %swap3A_78 = vector.shape_cast %swap3A_77 : vector<1x1x16xi32> to vector<16xi32>
    %swap3A_79 = vector.shape_cast %broadcast_in_dim3A_71 : vector<16xi32> to vector<1x1x16xi32>
    tpu.vector_store %arg7[%swap3A_74, %swap3A_75, %swap3A_76], %swap3A_79 {strides = array<i32>} : memref<3x1x112xi32, #tpu.memory_space<vmem>>, vector<1x1x16xi32>,
    %broadcast_in_dim3A_80 = arith.constant 10232 : i32
    %broadcast_in_dim3A_81 = vector.broadcast %broadcast_in_dim3A_80 : i32 to vector<16xi32>
    %swap3A_82 = arith.constant 0 : i32
    %swap3A_83 = arith.constant 0 : i32
    %swap3A_84 = arith.index_cast %swap3A_82 : i32 to index
    %swap3A_85 = arith.index_cast %swap3A_83 : i32 to index
    %swap3A_86 = arith.constant 48 : index
    %swap3A_87 = tpu.vector_load %arg7[%swap3A_84, %swap3A_85, %swap3A_86] {strides = array<i32>} : memref<3x1x112xi32, #tpu.memory_space<vmem>>, vector<1x1x16xi32>,
    %swap3A_88 = vector.shape_cast %swap3A_87 : vector<1x1x16xi32> to vector<16xi32>
    %swap3A_89 = vector.shape_cast %broadcast_in_dim3A_81 : vector<16xi32> to vector<1x1x16xi32>
    tpu.vector_store %arg7[%swap3A_84, %swap3A_85, %swap3A_86], %swap3A_89 {strides = array<i32>} : memref<3x1x112xi32, #tpu.memory_space<vmem>>, vector<1x1x16xi32>,
    %broadcast_in_dim3A_90 = arith.constant 10232 : i32
    %broadcast_in_dim3A_91 = vector.broadcast %broadcast_in_dim3A_90 : i32 to vector<16xi32>
    %swap3A_92 = arith.constant 0 : i32
    %swap3A_93 = arith.constant 0 : i32
    %swap3A_94 = arith.index_cast %swap3A_92 : i32 to index
    %swap3A_95 = arith.index_cast %swap3A_93 : i32 to index
    %swap3A_96 = arith.constant 64 : index
    %swap3A_97 = tpu.vector_load %arg7[%swap3A_94, %swap3A_95, %swap3A_96] {strides = array<i32>} : memref<3x1x112xi32, #tpu.memory_space<vmem>>, vector<1x1x16xi32>,
    %swap3A_98 = vector.shape_cast %swap3A_97 : vector<1x1x16xi32> to vector<16xi32>
    %swap3A_99 = vector.shape_cast %broadcast_in_dim3A_91 : vector<16xi32> to vector<1x1x16xi32>
    tpu.vector_store %arg7[%swap3A_94, %swap3A_95, %swap3A_96], %swap3A_99 {strides = array<i32>} : memref<3x1x112xi32, #tpu.memory_space<vmem>>, vector<1x1x16xi32>,
    %broadcast_in_dim3A_100 = arith.constant 10232 : i32
    %broadcast_in_dim3A_101 = vector.broadcast %broadcast_in_dim3A_100 : i32 to vector<16xi32>
    %swap3A_102 = arith.constant 0 : i32
    %swap3A_103 = arith.constant 0 : i32
    %swap3A_104 = arith.index_cast %swap3A_102 : i32 to index
    %swap3A_105 = arith.index_cast %swap3A_103 : i32 to index
    %swap3A_106 = arith.constant 80 : index
    %swap3A_107 = tpu.vector_load %arg7[%swap3A_104, %swap3A_105, %swap3A_106] {strides = array<i32>} : memref<3x1x112xi32, #tpu.memory_space<vmem>>, vector<1x1x16xi32>,
    %swap3A_108 = vector.shape_cast %swap3A_107 : vector<1x1x16xi32> to vector<16xi32>
    %swap3A_109 = vector.shape_cast %broadcast_in_dim3A_101 : vector<16xi32> to vector<1x1x16xi32>
    tpu.vector_store %arg7[%swap3A_104, %swap3A_105, %swap3A_106], %swap3A_109 {strides = array<i32>} : memref<3x1x112xi32, #tpu.memory_space<vmem>>, vector<1x1x16xi32>,
    %broadcast_in_dim3A_110 = arith.constant 10232 : i32
    %broadcast_in_dim3A_111 = vector.broadcast %broadcast_in_dim3A_110 : i32 to vector<16xi32>
    %swap3A_112 = arith.constant 0 : i32
    %swap3A_113 = arith.constant 0 : i32
    %swap3A_114 = arith.index_cast %swap3A_112 : i32 to index
    %swap3A_115 = arith.index_cast %swap3A_113 : i32 to index
    %swap3A_116 = arith.constant 96 : index
    %swap3A_117 = tpu.vector_load %arg7[%swap3A_114, %swap3A_115, %swap3A_116] {strides = array<i32>} : memref<3x1x112xi32, #tpu.memory_space<vmem>>, vector<1x1x16xi32>,
    %swap3A_118 = vector.shape_cast %swap3A_117 : vector<1x1x16xi32> to vector<16xi32>
    %swap3A_119 = vector.shape_cast %broadcast_in_dim3A_111 : vector<16xi32> to vector<1x1x16xi32>
    tpu.vector_store %arg7[%swap3A_114, %swap3A_115, %swap3A_116], %swap3A_119 {strides = array<i32>} : memref<3x1x112xi32, #tpu.memory_space<vmem>>, vector<1x1x16xi32>,
    %broadcast_in_dim3A_120 = arith.constant 10232 : i32
    %broadcast_in_dim3A_121 = vector.broadcast %broadcast_in_dim3A_120 : i32 to vector<16xi32>
    %swap3A_122 = arith.constant 1 : i32
    %swap3A_123 = arith.constant 0 : i32
    %swap3A_124 = arith.index_cast %swap3A_122 : i32 to index
    %swap3A_125 = arith.index_cast %swap3A_123 : i32 to index
    %swap3A_126 = arith.constant 0 : index
    %swap3A_127 = tpu.vector_load %arg7[%swap3A_124, %swap3A_125, %swap3A_126] {strides = array<i32>} : memref<3x1x112xi32, #tpu.memory_space<vmem>>, vector<1x1x16xi32>,
    %swap3A_128 = vector.shape_cast %swap3A_127 : vector<1x1x16xi32> to vector<16xi32>
    %swap3A_129 = vector.shape_cast %broadcast_in_dim3A_121 : vector<16xi32> to vector<1x1x16xi32>
    tpu.vector_store %arg7[%swap3A_124, %swap3A_125, %swap3A_126], %swap3A_129 {strides = array<i32>} : memref<3x1x112xi32, #tpu.memory_space<vmem>>, vector<1x1x16xi32>,
    %broadcast_in_dim3A_130 = arith.constant 10232 : i32
    %broadcast_in_dim3A_131 = vector.broadcast %broadcast_in_dim3A_130 : i32 to vector<16xi32>
    %swap3A_132 = arith.constant 1 : i32
    %swap3A_133 = arith.constant 0 : i32
    %swap3A_134 = arith.index_cast %swap3A_132 : i32 to index
    %swap3A_135 = arith.index_cast %swap3A_133 : i32 to index
    %swap3A_136 = arith.constant 16 : index
    %swap3A_137 = tpu.vector_load %arg7[%swap3A_134, %swap3A_135, %swap3A_136] {strides = array<i32>} : memref<3x1x112xi32, #tpu.memory_space<vmem>>, vector<1x1x16xi32>,
    %swap3A_138 = vector.shape_cast %swap3A_137 : vector<1x1x16xi32> to vector<16xi32>
    %swap3A_139 = vector.shape_cast %broadcast_in_dim3A_131 : vector<16xi32> to vector<1x1x16xi32>
    tpu.vector_store %arg7[%swap3A_134, %swap3A_135, %swap3A_136], %swap3A_139 {strides = array<i32>} : memref<3x1x112xi32, #tpu.memory_space<vmem>>, vector<1x1x16xi32>,
    %broadcast_in_dim3A_140 = arith.constant 10232 : i32
    %broadcast_in_dim3A_141 = vector.broadcast %broadcast_in_dim3A_140 : i32 to vector<16xi32>
    %swap3A_142 = arith.constant 1 : i32
    %swap3A_143 = arith.constant 0 : i32
    %swap3A_144 = arith.index_cast %swap3A_142 : i32 to index
    %swap3A_145 = arith.index_cast %swap3A_143 : i32 to index
    %swap3A_146 = arith.constant 32 : index
    %swap3A_147 = tpu.vector_load %arg7[%swap3A_144, %swap3A_145, %swap3A_146] {strides = array<i32>} : memref<3x1x112xi32, #tpu.memory_space<vmem>>, vector<1x1x16xi32>,
    %swap3A_148 = vector.shape_cast %swap3A_147 : vector<1x1x16xi32> to vector<16xi32>
    %swap3A_149 = vector.shape_cast %broadcast_in_dim3A_141 : vector<16xi32> to vector<1x1x16xi32>
    tpu.vector_store %arg7[%swap3A_144, %swap3A_145, %swap3A_146], %swap3A_149 {strides = array<i32>} : memref<3x1x112xi32, #tpu.memory_space<vmem>>, vector<1x1x16xi32>,
    %broadcast_in_dim3A_150 = arith.constant 10232 : i32
    %broadcast_in_dim3A_151 = vector.broadcast %broadcast_in_dim3A_150 : i32 to vector<16xi32>
    %swap3A_152 = arith.constant 1 : i32
    %swap3A_153 = arith.constant 0 : i32
    %swap3A_154 = arith.index_cast %swap3A_152 : i32 to index
    %swap3A_155 = arith.index_cast %swap3A_153 : i32 to index
    %swap3A_156 = arith.constant 48 : index
    %swap3A_157 = tpu.vector_load %arg7[%swap3A_154, %swap3A_155, %swap3A_156] {strides = array<i32>} : memref<3x1x112xi32, #tpu.memory_space<vmem>>, vector<1x1x16xi32>,
    %swap3A_158 = vector.shape_cast %swap3A_157 : vector<1x1x16xi32> to vector<16xi32>
    %swap3A_159 = vector.shape_cast %broadcast_in_dim3A_151 : vector<16xi32> to vector<1x1x16xi32>
    tpu.vector_store %arg7[%swap3A_154, %swap3A_155, %swap3A_156], %swap3A_159 {strides = array<i32>} : memref<3x1x112xi32, #tpu.memory_space<vmem>>, vector<1x1x16xi32>,
    %broadcast_in_dim3A_160 = arith.constant 10232 : i32
    %broadcast_in_dim3A_161 = vector.broadcast %broadcast_in_dim3A_160 : i32 to vector<16xi32>
    %swap3A_162 = arith.constant 1 : i32
    %swap3A_163 = arith.constant 0 : i32
    %swap3A_164 = arith.index_cast %swap3A_162 : i32 to index
    %swap3A_165 = arith.index_cast %swap3A_163 : i32 to index
    %swap3A_166 = arith.constant 64 : index
    %swap3A_167 = tpu.vector_load %arg7[%swap3A_164, %swap3A_165, %swap3A_166] {strides = array<i32>} : memref<3x1x112xi32, #tpu.memory_space<vmem>>, vector<1x1x16xi32>,
    %swap3A_168 = vector.shape_cast %swap3A_167 : vector<1x1x16xi32> to vector<16xi32>
    %swap3A_169 = vector.shape_cast %broadcast_in_dim3A_161 : vector<16xi32> to vector<1x1x16xi32>
    tpu.vector_store %arg7[%swap3A_164, %swap3A_165, %swap3A_166], %swap3A_169 {strides = array<i32>} : memref<3x1x112xi32, #tpu.memory_space<vmem>>, vector<1x1x16xi32>,
    %broadcast_in_dim3A_170 = arith.constant 10232 : i32
    %broadcast_in_dim3A_171 = vector.broadcast %broadcast_in_dim3A_170 : i32 to vector<16xi32>
    %swap3A_172 = arith.constant 1 : i32
    %swap3A_173 = arith.constant 0 : i32
    %swap3A_174 = arith.index_cast %swap3A_172 : i32 to index
    %swap3A_175 = arith.index_cast %swap3A_173 : i32 to index
    %swap3A_176 = arith.constant 80 : index
    %swap3A_177 = tpu.vector_load %arg7[%swap3A_174, %swap3A_175, %swap3A_176] {strides = array<i32>} : memref<3x1x112xi32, #tpu.memory_space<vmem>>, vector<1x1x16xi32>,
    %swap3A_178 = vector.shape_cast %swap3A_177 : vector<1x1x16xi32> to vector<16xi32>
    %swap3A_179 = vector.shape_cast %broadcast_in_dim3A_171 : vector<16xi32> to vector<1x1x16xi32>
    tpu.vector_store %arg7[%swap3A_174, %swap3A_175, %swap3A_176], %swap3A_179 {strides = array<i32>} : memref<3x1x112xi32, #tpu.memory_space<vmem>>, vector<1x1x16xi32>,
    %broadcast_in_dim3A_180 = arith.constant 10232 : i32
    %broadcast_in_dim3A_181 = vector.broadcast %broadcast_in_dim3A_180 : i32 to vector<16xi32>
    %swap3A_182 = arith.constant 1 : i32
    %swap3A_183 = arith.constant 0 : i32
    %swap3A_184 = arith.index_cast %swap3A_182 : i32 to index
    %swap3A_185 = arith.index_cast %swap3A_183 : i32 to index
    %swap3A_186 = arith.constant 96 : index
    %swap3A_187 = tpu.vector_load %arg7[%swap3A_184, %swap3A_185, %swap3A_186] {strides = array<i32>} : memref<3x1x112xi32, #tpu.memory_space<vmem>>, vector<1x1x16xi32>,
    %swap3A_188 = vector.shape_cast %swap3A_187 : vector<1x1x16xi32> to vector<16xi32>
    %swap3A_189 = vector.shape_cast %broadcast_in_dim3A_181 : vector<16xi32> to vector<1x1x16xi32>
    tpu.vector_store %arg7[%swap3A_184, %swap3A_185, %swap3A_186], %swap3A_189 {strides = array<i32>} : memref<3x1x112xi32, #tpu.memory_space<vmem>>, vector<1x1x16xi32>,
    %broadcast_in_dim3A_190 = arith.constant 10232 : i32
    %broadcast_in_dim3A_191 = vector.broadcast %broadcast_in_dim3A_190 : i32 to vector<16xi32>
    %swap3A_192 = arith.constant 2 : i32
    %swap3A_193 = arith.constant 0 : i32
    %swap3A_194 = arith.index_cast %swap3A_192 : i32 to index
    %swap3A_195 = arith.index_cast %swap3A_193 : i32 to index
    %swap3A_196 = arith.constant 0 : index
    %swap3A_197 = tpu.vector_load %arg7[%swap3A_194, %swap3A_195, %swap3A_196] {strides = array<i32>} : memref<3x1x112xi32, #tpu.memory_space<vmem>>, vector<1x1x16xi32>,
    %swap3A_198 = vector.shape_cast %swap3A_197 : vector<1x1x16xi32> to vector<16xi32>
    %swap3A_199 = vector.shape_cast %broadcast_in_dim3A_191 : vector<16xi32> to vector<1x1x16xi32>
    tpu.vector_store %arg7[%swap3A_194, %swap3A_195, %swap3A_196], %swap3A_199 {strides = array<i32>} : memref<3x1x112xi32, #tpu.memory_space<vmem>>, vector<1x1x16xi32>,
    %broadcast_in_dim3A_200 = arith.constant 10232 : i32
    %broadcast_in_dim3A_201 = vector.broadcast %broadcast_in_dim3A_200 : i32 to vector<16xi32>
    %swap3A_202 = arith.constant 2 : i32
    %swap3A_203 = arith.constant 0 : i32
    %swap3A_204 = arith.index_cast %swap3A_202 : i32 to index
    %swap3A_205 = arith.index_cast %swap3A_203 : i32 to index
    %swap3A_206 = arith.constant 16 : index
    %swap3A_207 = tpu.vector_load %arg7[%swap3A_204, %swap3A_205, %swap3A_206] {strides = array<i32>} : memref<3x1x112xi32, #tpu.memory_space<vmem>>, vector<1x1x16xi32>,
    %swap3A_208 = vector.shape_cast %swap3A_207 : vector<1x1x16xi32> to vector<16xi32>
    %swap3A_209 = vector.shape_cast %broadcast_in_dim3A_201 : vector<16xi32> to vector<1x1x16xi32>
    tpu.vector_store %arg7[%swap3A_204, %swap3A_205, %swap3A_206], %swap3A_209 {strides = array<i32>} : memref<3x1x112xi32, #tpu.memory_space<vmem>>, vector<1x1x16xi32>,
    %broadcast_in_dim3A_210 = arith.constant 10232 : i32
    %broadcast_in_dim3A_211 = vector.broadcast %broadcast_in_dim3A_210 : i32 to vector<16xi32>
    %swap3A_212 = arith.constant 2 : i32
    %swap3A_213 = arith.constant 0 : i32
    %swap3A_214 = arith.index_cast %swap3A_212 : i32 to index
    %swap3A_215 = arith.index_cast %swap3A_213 : i32 to index
    %swap3A_216 = arith.constant 32 : index
    %swap3A_217 = tpu.vector_load %arg7[%swap3A_214, %swap3A_215, %swap3A_216] {strides = array<i32>} : memref<3x1x112xi32, #tpu.memory_space<vmem>>, vector<1x1x16xi32>,
    %swap3A_218 = vector.shape_cast %swap3A_217 : vector<1x1x16xi32> to vector<16xi32>
    %swap3A_219 = vector.shape_cast %broadcast_in_dim3A_211 : vector<16xi32> to vector<1x1x16xi32>
    tpu.vector_store %arg7[%swap3A_214, %swap3A_215, %swap3A_216], %swap3A_219 {strides = array<i32>} : memref<3x1x112xi32, #tpu.memory_space<vmem>>, vector<1x1x16xi32>,
    %broadcast_in_dim3A_220 = arith.constant 10232 : i32
    %broadcast_in_dim3A_221 = vector.broadcast %broadcast_in_dim3A_220 : i32 to vector<16xi32>
    %swap3A_222 = arith.constant 2 : i32
    %swap3A_223 = arith.constant 0 : i32
    %swap3A_224 = arith.index_cast %swap3A_222 : i32 to index
    %swap3A_225 = arith.index_cast %swap3A_223 : i32 to index
    %swap3A_226 = arith.constant 48 : index
    %swap3A_227 = tpu.vector_load %arg7[%swap3A_224, %swap3A_225, %swap3A_226] {strides = array<i32>} : memref<3x1x112xi32, #tpu.memory_space<vmem>>, vector<1x1x16xi32>,
    %swap3A_228 = vector.shape_cast %swap3A_227 : vector<1x1x16xi32> to vector<16xi32>
    %swap3A_229 = vector.shape_cast %broadcast_in_dim3A_221 : vector<16xi32> to vector<1x1x16xi32>
    tpu.vector_store %arg7[%swap3A_224, %swap3A_225, %swap3A_226], %swap3A_229 {strides = array<i32>} : memref<3x1x112xi32, #tpu.memory_space<vmem>>, vector<1x1x16xi32>,
    %broadcast_in_dim3A_230 = arith.constant 10232 : i32
    %broadcast_in_dim3A_231 = vector.broadcast %broadcast_in_dim3A_230 : i32 to vector<16xi32>
    %swap3A_232 = arith.constant 2 : i32
    %swap3A_233 = arith.constant 0 : i32
    %swap3A_234 = arith.index_cast %swap3A_232 : i32 to index
    %swap3A_235 = arith.index_cast %swap3A_233 : i32 to index
    %swap3A_236 = arith.constant 64 : index
    %swap3A_237 = tpu.vector_load %arg7[%swap3A_234, %swap3A_235, %swap3A_236] {strides = array<i32>} : memref<3x1x112xi32, #tpu.memory_space<vmem>>, vector<1x1x16xi32>,
    %swap3A_238 = vector.shape_cast %swap3A_237 : vector<1x1x16xi32> to vector<16xi32>
    %swap3A_239 = vector.shape_cast %broadcast_in_dim3A_231 : vector<16xi32> to vector<1x1x16xi32>
    tpu.vector_store %arg7[%swap3A_234, %swap3A_235, %swap3A_236], %swap3A_239 {strides = array<i32>} : memref<3x1x112xi32, #tpu.memory_space<vmem>>, vector<1x1x16xi32>,
    %broadcast_in_dim3A_240 = arith.constant 10232 : i32
    %broadcast_in_dim3A_241 = vector.broadcast %broadcast_in_dim3A_240 : i32 to vector<16xi32>
    %swap3A_242 = arith.constant 2 : i32
    %swap3A_243 = arith.constant 0 : i32
    %swap3A_244 = arith.index_cast %swap3A_242 : i32 to index
    %swap3A_245 = arith.index_cast %swap3A_243 : i32 to index
    %swap3A_246 = arith.constant 80 : index
    %swap3A_247 = tpu.vector_load %arg7[%swap3A_244, %swap3A_245, %swap3A_246] {strides = array<i32>} : memref<3x1x112xi32, #tpu.memory_space<vmem>>, vector<1x1x16xi32>,
    %swap3A_248 = vector.shape_cast %swap3A_247 : vector<1x1x16xi32> to vector<16xi32>
    %swap3A_249 = vector.shape_cast %broadcast_in_dim3A_241 : vector<16xi32> to vector<1x1x16xi32>
    tpu.vector_store %arg7[%swap3A_244, %swap3A_245, %swap3A_246], %swap3A_249 {strides = array<i32>} : memref<3x1x112xi32, #tpu.memory_space<vmem>>, vector<1x1x16xi32>,
    %broadcast_in_dim3A_250 = arith.constant 10232 : i32
    %broadcast_in_dim3A_251 = vector.broadcast %broadcast_in_dim3A_250 : i32 to vector<16xi32>
    %swap3A_252 = arith.constant 2 : i32
    %swap3A_253 = arith.constant 0 : i32
    %swap3A_254 = arith.index_cast %swap3A_252 : i32 to index
    %swap3A_255 = arith.index_cast %swap3A_253 : i32 to index
    %swap3A_256 = arith.constant 96 : index
    %swap3A_257 = tpu.vector_load %arg7[%swap3A_254, %swap3A_255, %swap3A_256] {strides = array<i32>} : memref<3x1x112xi32, #tpu.memory_space<vmem>>, vector<1x1x16xi32>,
    %swap3A_258 = vector.shape_cast %swap3A_257 : vector<1x1x16xi32> to vector<16xi32>
    %swap3A_259 = vector.shape_cast %broadcast_in_dim3A_251 : vector<16xi32> to vector<1x1x16xi32>
    tpu.vector_store %arg7[%swap3A_254, %swap3A_255, %swap3A_256], %swap3A_259 {strides = array<i32>} : memref<3x1x112xi32, #tpu.memory_space<vmem>>, vector<1x1x16xi32>,
    %dma_start3A = arith.constant 0 : i32
    %dma_start3A_260 = arith.constant 0 : i32
    %dma_start3A_261 = arith.constant 0 : i32
    %dma_start3A_262 = arith.constant 0 : i32
    %dma_start3A_263 = arith.constant 0 : i32
    %dma_start3A_264 = tpu.memref_slice %arg8[%dma_start3A, %dma_start3A_262, %dma_start3A_263] : memref<3x112x128xf32, #tpu.memory_space<vmem>> -> memref<1x112x128xf32, #tpu.memory_space<vmem>>
    %dma_start3A_265 = tpu.memref_squeeze %dma_start3A_264 : memref<1x112x128xf32, #tpu.memory_space<vmem>> -> memref<112x128xf32, #tpu.memory_space<vmem>>
    %dma_start3A_266 = arith.constant 0 : i32
    %dma_start3A_267 = tpu.memref_slice %arg7[%dma_start3A_260, %dma_start3A_261, %dma_start3A_266] : memref<3x1x112xi32, #tpu.memory_space<vmem>> -> memref<1x1x112xi32, #tpu.memory_space<vmem>>
    %dma_start3A_268 = tpu.memref_squeeze %dma_start3A_267 : memref<1x1x112xi32, #tpu.memory_space<vmem>> -> memref<112xi32, #tpu.memory_space<vmem>>
    %dma_start3A_269 = arith.constant 0 : i32
    %dma_start3A_270 = arith.constant 0 : i32
    %dma_start3A_271 = tpu.memref_slice %arg9[%dma_start3A_269, %dma_start3A_270] : memref<10240x128xf32, #tpu.memory_space<vmem_shared>> -> memref<10240x128xf32, #tpu.memory_space<vmem_shared>>
    tpu.enqueue_indirect_dma source(%dma_start3A_265 : memref<112x128xf32, #tpu.memory_space<vmem>>) target(%dma_start3A_271 : memref<10240x128xf32, #tpu.memory_space<vmem_shared>>) offsets(%dma_start3A_268 : memref<112xi32, #tpu.memory_space<vmem>>) semaphore(%arg13 : memref<!tpu.dma_semaphore, #tpu.memory_space<semaphore_mem>>) {add = true}
    %dma_start3A_272 = arith.constant 1 : i32
    %dma_start3A_273 = arith.constant 1 : i32
    %dma_start3A_274 = arith.constant 0 : i32
    %dma_start3A_275 = arith.constant 0 : i32
    %dma_start3A_276 = arith.constant 0 : i32
    %dma_start3A_277 = tpu.memref_slice %arg8[%dma_start3A_272, %dma_start3A_275, %dma_start3A_276] : memref<3x112x128xf32, #tpu.memory_space<vmem>> -> memref<1x112x128xf32, #tpu.memory_space<vmem>>
    %dma_start3A_278 = tpu.memref_squeeze %dma_start3A_277 : memref<1x112x128xf32, #tpu.memory_space<vmem>> -> memref<112x128xf32, #tpu.memory_space<vmem>>
    %dma_start3A_279 = arith.constant 0 : i32
    %dma_start3A_280 = tpu.memref_slice %arg7[%dma_start3A_273, %dma_start3A_274, %dma_start3A_279] : memref<3x1x112xi32, #tpu.memory_space<vmem>> -> memref<1x1x112xi32, #tpu.memory_space<vmem>>
    %dma_start3A_281 = tpu.memref_squeeze %dma_start3A_280 : memref<1x1x112xi32, #tpu.memory_space<vmem>> -> memref<112xi32, #tpu.memory_space<vmem>>
    %dma_start3A_282 = arith.constant 0 : i32
    %dma_start3A_283 = arith.constant 0 : i32
    %dma_start3A_284 = tpu.memref_slice %arg9[%dma_start3A_282, %dma_start3A_283] : memref<10240x128xf32, #tpu.memory_space<vmem_shared>> -> memref<10240x128xf32, #tpu.memory_space<vmem_shared>>
    tpu.enqueue_indirect_dma source(%dma_start3A_278 : memref<112x128xf32, #tpu.memory_space<vmem>>) target(%dma_start3A_284 : memref<10240x128xf32, #tpu.memory_space<vmem_shared>>) offsets(%dma_start3A_281 : memref<112xi32, #tpu.memory_space<vmem>>) semaphore(%arg14 : memref<!tpu.dma_semaphore, #tpu.memory_space<semaphore_mem>>) {add = true}
    %dma_start3A_285 = arith.constant 2 : i32
    %dma_start3A_286 = arith.constant 2 : i32
    %dma_start3A_287 = arith.constant 0 : i32
    %dma_start3A_288 = arith.constant 0 : i32
    %dma_start3A_289 = arith.constant 0 : i32
    %dma_start3A_290 = tpu.memref_slice %arg8[%dma_start3A_285, %dma_start3A_288, %dma_start3A_289] : memref<3x112x128xf32, #tpu.memory_space<vmem>> -> memref<1x112x128xf32, #tpu.memory_space<vmem>>
    %dma_start3A_291 = tpu.memref_squeeze %dma_start3A_290 : memref<1x112x128xf32, #tpu.memory_space<vmem>> -> memref<112x128xf32, #tpu.memory_space<vmem>>
    %dma_start3A_292 = arith.constant 0 : i32
    %dma_start3A_293 = tpu.memref_slice %arg7[%dma_start3A_286, %dma_start3A_287, %dma_start3A_292] : memref<3x1x112xi32, #tpu.memory_space<vmem>> -> memref<1x1x112xi32, #tpu.memory_space<vmem>>
    %dma_start3A_294 = tpu.memref_squeeze %dma_start3A_293 : memref<1x1x112xi32, #tpu.memory_space<vmem>> -> memref<112xi32, #tpu.memory_space<vmem>>
    %dma_start3A_295 = arith.constant 0 : i32
    %dma_start3A_296 = arith.constant 0 : i32
    %dma_start3A_297 = tpu.memref_slice %arg9[%dma_start3A_295, %dma_start3A_296] : memref<10240x128xf32, #tpu.memory_space<vmem_shared>> -> memref<10240x128xf32, #tpu.memory_space<vmem_shared>>
    tpu.enqueue_indirect_dma source(%dma_start3A_291 : memref<112x128xf32, #tpu.memory_space<vmem>>) target(%dma_start3A_297 : memref<10240x128xf32, #tpu.memory_space<vmem_shared>>) offsets(%dma_start3A_294 : memref<112xi32, #tpu.memory_space<vmem>>) semaphore(%arg15 : memref<!tpu.dma_semaphore, #tpu.memory_space<semaphore_mem>>) {add = true}
    %dma_wait3A = arith.constant 0 : i32
    %dma_wait3A_298 = arith.constant 0 : i32
    %dma_wait3A_299 = arith.constant 0 : i32
    %dma_wait3A_300 = arith.constant 0 : i32
    %dma_wait3A_301 = arith.constant 0 : i32
    %dma_wait3A_302 = tpu.memref_slice %arg8[%dma_wait3A, %dma_wait3A_300, %dma_wait3A_301] : memref<3x112x128xf32, #tpu.memory_space<vmem>> -> memref<1x112x128xf32, #tpu.memory_space<vmem>>
    %dma_wait3A_303 = tpu.memref_squeeze %dma_wait3A_302 : memref<1x112x128xf32, #tpu.memory_space<vmem>> -> memref<112x128xf32, #tpu.memory_space<vmem>>
    %dma_wait3A_304 = arith.constant 0 : i32
    %dma_wait3A_305 = tpu.memref_slice %arg7[%dma_wait3A_298, %dma_wait3A_299, %dma_wait3A_304] : memref<3x1x112xi32, #tpu.memory_space<vmem>> -> memref<1x1x112xi32, #tpu.memory_space<vmem>>
    %dma_wait3A_306 = tpu.memref_squeeze %dma_wait3A_305 : memref<1x1x112xi32, #tpu.memory_space<vmem>> -> memref<112xi32, #tpu.memory_space<vmem>>
    %dma_wait3A_307 = arith.constant 0 : i32
    %dma_wait3A_308 = arith.constant 0 : i32
    %dma_wait3A_309 = tpu.memref_slice %arg9[%dma_wait3A_307, %dma_wait3A_308] : memref<10240x128xf32, #tpu.memory_space<vmem_shared>> -> memref<10240x128xf32, #tpu.memory_space<vmem_shared>>
    tpu.wait_indirect_dma semaphore(%arg13 : memref<!tpu.dma_semaphore, #tpu.memory_space<semaphore_mem>>) src(%dma_wait3A_303 : memref<112x128xf32, #tpu.memory_space<vmem>>) dst(%dma_wait3A_309 : memref<10240x128xf32, #tpu.memory_space<vmem_shared>>)
    %run_scoped3A_310 = arith.constant 0 : i32
    %run_scoped3A_311 = arith.constant 0 : i32
    "tpu.region"() ({
      %run_scoped3A_377 = tpu.sem_alloc : memref<!tpu.dma_semaphore, #tpu.memory_space<semaphore_mem>>
      %dma_start3A_378 = arith.constant 0 : i32
      %dma_start3A_379 = arith.constant 0 : i32
      %dma_start3A_380 = tpu.memref_slice %arg6[%run_scoped3A_311, %dma_start3A_378, %dma_start3A_379] : memref<3x1x112xi32, #tpu.memory_space<vmem>> -> memref<1x1x112xi32, #tpu.memory_space<vmem>>
      %dma_start3A_381 = tpu.memref_squeeze %dma_start3A_380 : memref<1x1x112xi32, #tpu.memory_space<vmem>> -> memref<1x112xi32, #tpu.memory_space<vmem>>
      %dma_start3A_382 = arith.constant 0 : i32
      %dma_start3A_383 = arith.constant 0 : i32
      %dma_start3A_384 = tpu.memref_slice %arg2[%arg0, %arg1, %run_scoped3A_310, %dma_start3A_382, %dma_start3A_383] : memref<2x16x180x1x112xi32, #tpu.memory_space<hbm>> -> memref<1x1x1x1x112xi32, #tpu.memory_space<hbm>>
      %dma_start3A_385 = tpu.memref_squeeze %dma_start3A_384 : memref<1x1x1x1x112xi32, #tpu.memory_space<hbm>> -> memref<1x112xi32, #tpu.memory_space<hbm>>
      %dma_start3A_386 = arith.constant 0 : i32
      %dma_start3A_387 = arith.constant 0 : i32
      %dma_start3A_388 = tpu.memref_slice %arg6[%run_scoped3A_311, %dma_start3A_386, %dma_start3A_387] : memref<3x1x112xi32, #tpu.memory_space<vmem>> -> memref<1x1x112xi32, #tpu.memory_space<vmem>>
      %dma_start3A_389 = tpu.memref_squeeze %dma_start3A_388 : memref<1x1x112xi32, #tpu.memory_space<vmem>> -> memref<1x112xi32, #tpu.memory_space<vmem>>
      %dma_start3A_390 = arith.constant 0 : i32
      %dma_start3A_391 = arith.constant 0 : i32
      %dma_start3A_392 = tpu.memref_slice %arg2[%arg0, %arg1, %run_scoped3A_310, %dma_start3A_390, %dma_start3A_391] : memref<2x16x180x1x112xi32, #tpu.memory_space<hbm>> -> memref<1x1x1x1x112xi32, #tpu.memory_space<hbm>>
      %dma_start3A_393 = tpu.memref_squeeze %dma_start3A_392 : memref<1x1x1x1x112xi32, #tpu.memory_space<hbm>> -> memref<1x112xi32, #tpu.memory_space<hbm>>
      tpu.enqueue_dma source(%dma_start3A_393 : memref<1x112xi32, #tpu.memory_space<hbm>>) target(%dma_start3A_389 : memref<1x112xi32, #tpu.memory_space<vmem>>) target_semaphore(%run_scoped3A_377 : memref<!tpu.dma_semaphore, #tpu.memory_space<semaphore_mem>>)
      %dma_wait3A_394 = arith.constant 0 : i32
      %dma_wait3A_395 = arith.constant 0 : i32
      %dma_wait3A_396 = tpu.memref_slice %arg6[%run_scoped3A_311, %dma_wait3A_394, %dma_wait3A_395] : memref<3x1x112xi32, #tpu.memory_space<vmem>> -> memref<1x1x112xi32, #tpu.memory_space<vmem>>
      %dma_wait3A_397 = tpu.memref_squeeze %dma_wait3A_396 : memref<1x1x112xi32, #tpu.memory_space<vmem>> -> memref<1x112xi32, #tpu.memory_space<vmem>>
      %dma_wait3A_398 = arith.constant 0 : i32
      %dma_wait3A_399 = arith.constant 0 : i32
      %dma_wait3A_400 = tpu.memref_slice %arg2[%arg0, %arg1, %run_scoped3A_310, %dma_wait3A_398, %dma_wait3A_399] : memref<2x16x180x1x112xi32, #tpu.memory_space<hbm>> -> memref<1x1x1x1x112xi32, #tpu.memory_space<hbm>>
      %dma_wait3A_401 = tpu.memref_squeeze %dma_wait3A_400 : memref<1x1x1x1x112xi32, #tpu.memory_space<hbm>> -> memref<1x112xi32, #tpu.memory_space<hbm>>
      %dma_wait3A_402 = arith.constant 0 : i32
      %dma_wait3A_403 = arith.constant 0 : i32
      %dma_wait3A_404 = tpu.memref_slice %arg6[%run_scoped3A_311, %dma_wait3A_402, %dma_wait3A_403] : memref<3x1x112xi32, #tpu.memory_space<vmem>> -> memref<1x1x112xi32, #tpu.memory_space<vmem>>
      %dma_wait3A_405 = tpu.memref_squeeze %dma_wait3A_404 : memref<1x1x112xi32, #tpu.memory_space<vmem>> -> memref<1x112xi32, #tpu.memory_space<vmem>>
      %dma_wait3A_406 = arith.constant 0 : i32
      %dma_wait3A_407 = arith.constant 0 : i32
      %dma_wait3A_408 = tpu.memref_slice %arg2[%arg0, %arg1, %run_scoped3A_310, %dma_wait3A_406, %dma_wait3A_407] : memref<2x16x180x1x112xi32, #tpu.memory_space<hbm>> -> memref<1x1x1x1x112xi32, #tpu.memory_space<hbm>>
      %dma_wait3A_409 = tpu.memref_squeeze %dma_wait3A_408 : memref<1x1x1x1x112xi32, #tpu.memory_space<hbm>> -> memref<1x112xi32, #tpu.memory_space<hbm>>
      tpu.wait_dma2 semaphore(%run_scoped3A_377 : memref<!tpu.dma_semaphore, #tpu.memory_space<semaphore_mem>>) src(%dma_wait3A_409 : memref<1x112xi32, #tpu.memory_space<hbm>>) dst(%dma_wait3A_405 : memref<1x112xi32, #tpu.memory_space<vmem>>)
      tpu.yield
    }) : () -> ()
    %run_scoped3A_312 = arith.constant 0 : i32
    %run_scoped3A_313 = arith.constant 0 : i32
    "tpu.region"() ({
      %run_scoped3A_377 = tpu.sem_alloc : memref<!tpu.dma_semaphore, #tpu.memory_space<semaphore_mem>>
      %dma_start3A_378 = arith.constant 0 : i32
      %dma_start3A_379 = arith.constant 0 : i32
      %dma_start3A_380 = tpu.memref_slice %arg7[%run_scoped3A_313, %dma_start3A_378, %dma_start3A_379] : memref<3x1x112xi32, #tpu.memory_space<vmem>> -> memref<1x1x112xi32, #tpu.memory_space<vmem>>
      %dma_start3A_381 = tpu.memref_squeeze %dma_start3A_380 : memref<1x1x112xi32, #tpu.memory_space<vmem>> -> memref<1x112xi32, #tpu.memory_space<vmem>>
      %dma_start3A_382 = arith.constant 0 : i32
      %dma_start3A_383 = arith.constant 0 : i32
      %dma_start3A_384 = tpu.memref_slice %arg3[%arg1, %run_scoped3A_312, %dma_start3A_382, %dma_start3A_383] : memref<16x180x1x112xi32, #tpu.memory_space<hbm>> -> memref<1x1x1x112xi32, #tpu.memory_space<hbm>>
      %dma_start3A_385 = tpu.memref_squeeze %dma_start3A_384 : memref<1x1x1x112xi32, #tpu.memory_space<hbm>> -> memref<1x112xi32, #tpu.memory_space<hbm>>
      %dma_start3A_386 = arith.constant 0 : i32
      %dma_start3A_387 = arith.constant 0 : i32
      %dma_start3A_388 = tpu.memref_slice %arg7[%run_scoped3A_313, %dma_start3A_386, %dma_start3A_387] : memref<3x1x112xi32, #tpu.memory_space<vmem>> -> memref<1x1x112xi32, #tpu.memory_space<vmem>>
      %dma_start3A_389 = tpu.memref_squeeze %dma_start3A_388 : memref<1x1x112xi32, #tpu.memory_space<vmem>> -> memref<1x112xi32, #tpu.memory_space<vmem>>
      %dma_start3A_390 = arith.constant 0 : i32
      %dma_start3A_391 = arith.constant 0 : i32
      %dma_start3A_392 = tpu.memref_slice %arg3[%arg1, %run_scoped3A_312, %dma_start3A_390, %dma_start3A_391] : memref<16x180x1x112xi32, #tpu.memory_space<hbm>> -> memref<1x1x1x112xi32, #tpu.memory_space<hbm>>
      %dma_start3A_393 = tpu.memref_squeeze %dma_start3A_392 : memref<1x1x1x112xi32, #tpu.memory_space<hbm>> -> memref<1x112xi32, #tpu.memory_space<hbm>>
      tpu.enqueue_dma source(%dma_start3A_393 : memref<1x112xi32, #tpu.memory_space<hbm>>) target(%dma_start3A_389 : memref<1x112xi32, #tpu.memory_space<vmem>>) target_semaphore(%run_scoped3A_377 : memref<!tpu.dma_semaphore, #tpu.memory_space<semaphore_mem>>)
      %dma_wait3A_394 = arith.constant 0 : i32
      %dma_wait3A_395 = arith.constant 0 : i32
      %dma_wait3A_396 = tpu.memref_slice %arg7[%run_scoped3A_313, %dma_wait3A_394, %dma_wait3A_395] : memref<3x1x112xi32, #tpu.memory_space<vmem>> -> memref<1x1x112xi32, #tpu.memory_space<vmem>>
      %dma_wait3A_397 = tpu.memref_squeeze %dma_wait3A_396 : memref<1x1x112xi32, #tpu.memory_space<vmem>> -> memref<1x112xi32, #tpu.memory_space<vmem>>
      %dma_wait3A_398 = arith.constant 0 : i32
      %dma_wait3A_399 = arith.constant 0 : i32
      %dma_wait3A_400 = tpu.memref_slice %arg3[%arg1, %run_scoped3A_312, %dma_wait3A_398, %dma_wait3A_399] : memref<16x180x1x112xi32, #tpu.memory_space<hbm>> -> memref<1x1x1x112xi32, #tpu.memory_space<hbm>>
      %dma_wait3A_401 = tpu.memref_squeeze %dma_wait3A_400 : memref<1x1x1x112xi32, #tpu.memory_space<hbm>> -> memref<1x112xi32, #tpu.memory_space<hbm>>
      %dma_wait3A_402 = arith.constant 0 : i32
      %dma_wait3A_403 = arith.constant 0 : i32
      %dma_wait3A_404 = tpu.memref_slice %arg7[%run_scoped3A_313, %dma_wait3A_402, %dma_wait3A_403] : memref<3x1x112xi32, #tpu.memory_space<vmem>> -> memref<1x1x112xi32, #tpu.memory_space<vmem>>
      %dma_wait3A_405 = tpu.memref_squeeze %dma_wait3A_404 : memref<1x1x112xi32, #tpu.memory_space<vmem>> -> memref<1x112xi32, #tpu.memory_space<vmem>>
      %dma_wait3A_406 = arith.constant 0 : i32
      %dma_wait3A_407 = arith.constant 0 : i32
      %dma_wait3A_408 = tpu.memref_slice %arg3[%arg1, %run_scoped3A_312, %dma_wait3A_406, %dma_wait3A_407] : memref<16x180x1x112xi32, #tpu.memory_space<hbm>> -> memref<1x1x1x112xi32, #tpu.memory_space<hbm>>
      %dma_wait3A_409 = tpu.memref_squeeze %dma_wait3A_408 : memref<1x1x1x112xi32, #tpu.memory_space<hbm>> -> memref<1x112xi32, #tpu.memory_space<hbm>>
      tpu.wait_dma2 semaphore(%run_scoped3A_377 : memref<!tpu.dma_semaphore, #tpu.memory_space<semaphore_mem>>) src(%dma_wait3A_409 : memref<1x112xi32, #tpu.memory_space<hbm>>) dst(%dma_wait3A_405 : memref<1x112xi32, #tpu.memory_space<vmem>>)
      tpu.yield
    }) : () -> ()
    %dma_start3A_314 = arith.constant 0 : i32
    %dma_start3A_315 = arith.constant 0 : i32
    %dma_start3A_316 = arith.constant 0 : i32
    %dma_start3A_317 = arith.constant 0 : i32
    %dma_start3A_318 = arith.constant 0 : i32
    %dma_start3A_319 = tpu.memref_slice %arg8[%dma_start3A_316, %dma_start3A_317, %dma_start3A_318] : memref<3x112x128xf32, #tpu.memory_space<vmem>> -> memref<1x112x128xf32, #tpu.memory_space<vmem>>
    %dma_start3A_320 = tpu.memref_squeeze %dma_start3A_319 : memref<1x112x128xf32, #tpu.memory_space<vmem>> -> memref<112x128xf32, #tpu.memory_space<vmem>>
    %dma_start3A_321 = arith.constant 0 : i32
    %dma_start3A_322 = tpu.memref_slice %arg6[%dma_start3A_314, %dma_start3A_315, %dma_start3A_321] : memref<3x1x112xi32, #tpu.memory_space<vmem>> -> memref<1x1x112xi32, #tpu.memory_space<vmem>>
    %dma_start3A_323 = tpu.memref_squeeze %dma_start3A_322 : memref<1x1x112xi32, #tpu.memory_space<vmem>> -> memref<112xi32, #tpu.memory_space<vmem>>
    %dma_start3A_324 = arith.constant 0 : i32
    %dma_start3A_325 = arith.constant 0 : i32
    %dma_start3A_326 = tpu.memref_slice %arg4[%dma_start3A_324, %dma_start3A_325] : memref<20000x128xf32, #tpu.memory_space<hbm>> -> memref<20000x128xf32, #tpu.memory_space<hbm>>
    tpu.enqueue_indirect_dma source(%dma_start3A_326 : memref<20000x128xf32, #tpu.memory_space<hbm>>) target(%dma_start3A_320 : memref<112x128xf32, #tpu.memory_space<vmem>>) offsets(%dma_start3A_323 : memref<112xi32, #tpu.memory_space<vmem>>) semaphore(%arg10 : memref<!tpu.dma_semaphore, #tpu.memory_space<semaphore_mem>>)
    %barrier3A = arith.constant 0 : index
    tpu.barrier barrier_id(%barrier3A)
    %scan3A_327 = arith.constant 0 : i32
    %scan3A_328 = arith.constant 0 : i32
    %scan3A_329 = arith.constant 60 : i32
    %scan3A_330 = arith.addi %scan3A_328, %scan3A_329 : i32
    %scan3A_331 = arith.constant 1 : i32
    scf.for %scan3A_377 = %scan3A_328 to %scan3A_330 step %scan3A_331  : i32 {
      %mul3A_378 = arith.constant 3 : i32
      %mul3A_379 = arith.muli %scan3A_377, %mul3A_378 : i32
      %add3A_380 = arith.constant 0 : i32
      %add3A_381 = arith.addi %mul3A_379, %add3A_380 : i32
      %add3A_382 = arith.constant 1 : i32
      %add3A_383 = arith.addi %add3A_381, %add3A_382 : i32
      %lt3A = arith.constant 180 : i32
      %lt3A_384 = arith.cmpi slt, %add3A_383, %lt3A : i32
      %convert_element_type3A = arith.extui %lt3A_384 : i1 to i32
      %cond3A = arith.constant 0 : i32
      %cond3A_385 = arith.cmpi ne, %convert_element_type3A, %cond3A : i32
      scf.if %cond3A_385 {
        %dma_wait3A_428 = arith.constant 1 : i32
        %dma_wait3A_429 = arith.constant 1 : i32
        %dma_wait3A_430 = arith.constant 0 : i32
        %dma_wait3A_431 = arith.constant 0 : i32
        %dma_wait3A_432 = arith.constant 0 : i32
        %dma_wait3A_433 = tpu.memref_slice %arg8[%dma_wait3A_428, %dma_wait3A_431, %dma_wait3A_432] : memref<3x112x128xf32, #tpu.memory_space<vmem>> -> memref<1x112x128xf32, #tpu.memory_space<vmem>>
        %dma_wait3A_434 = tpu.memref_squeeze %dma_wait3A_433 : memref<1x112x128xf32, #tpu.memory_space<vmem>> -> memref<112x128xf32, #tpu.memory_space<vmem>>
        %dma_wait3A_435 = arith.constant 0 : i32
        %dma_wait3A_436 = tpu.memref_slice %arg7[%dma_wait3A_429, %dma_wait3A_430, %dma_wait3A_435] : memref<3x1x112xi32, #tpu.memory_space<vmem>> -> memref<1x1x112xi32, #tpu.memory_space<vmem>>
        %dma_wait3A_437 = tpu.memref_squeeze %dma_wait3A_436 : memref<1x1x112xi32, #tpu.memory_space<vmem>> -> memref<112xi32, #tpu.memory_space<vmem>>
        %dma_wait3A_438 = arith.constant 0 : i32
        %dma_wait3A_439 = arith.constant 0 : i32
        %dma_wait3A_440 = tpu.memref_slice %arg9[%dma_wait3A_438, %dma_wait3A_439] : memref<10240x128xf32, #tpu.memory_space<vmem_shared>> -> memref<10240x128xf32, #tpu.memory_space<vmem_shared>>
        tpu.wait_indirect_dma semaphore(%arg14 : memref<!tpu.dma_semaphore, #tpu.memory_space<semaphore_mem>>) src(%dma_wait3A_434 : memref<112x128xf32, #tpu.memory_space<vmem>>) dst(%dma_wait3A_440 : memref<10240x128xf32, #tpu.memory_space<vmem_shared>>)
        %add3A_441 = arith.constant 1 : i32
        %add3A_442 = arith.addi %add3A_381, %add3A_441 : i32
        %run_scoped3A_443 = arith.constant 1 : i32
        "tpu.region"() ({
          %run_scoped3A_484 = tpu.sem_alloc : memref<!tpu.dma_semaphore, #tpu.memory_space<semaphore_mem>>
          %dma_start3A_485 = arith.constant 0 : i32
          %dma_start3A_486 = arith.constant 0 : i32
          %dma_start3A_487 = tpu.memref_slice %arg6[%run_scoped3A_443, %dma_start3A_485, %dma_start3A_486] : memref<3x1x112xi32, #tpu.memory_space<vmem>> -> memref<1x1x112xi32, #tpu.memory_space<vmem>>
          %dma_start3A_488 = tpu.memref_squeeze %dma_start3A_487 : memref<1x1x112xi32, #tpu.memory_space<vmem>> -> memref<1x112xi32, #tpu.memory_space<vmem>>
          %dma_start3A_489 = arith.constant 0 : i32
          %dma_start3A_490 = arith.constant 0 : i32
          %dma_start3A_491 = tpu.memref_slice %arg2[%arg0, %arg1, %add3A_442, %dma_start3A_489, %dma_start3A_490] : memref<2x16x180x1x112xi32, #tpu.memory_space<hbm>> -> memref<1x1x1x1x112xi32, #tpu.memory_space<hbm>>
          %dma_start3A_492 = tpu.memref_squeeze %dma_start3A_491 : memref<1x1x1x1x112xi32, #tpu.memory_space<hbm>> -> memref<1x112xi32, #tpu.memory_space<hbm>>
          %dma_start3A_493 = arith.constant 0 : i32
          %dma_start3A_494 = arith.constant 0 : i32
          %dma_start3A_495 = tpu.memref_slice %arg6[%run_scoped3A_443, %dma_start3A_493, %dma_start3A_494] : memref<3x1x112xi32, #tpu.memory_space<vmem>> -> memref<1x1x112xi32, #tpu.memory_space<vmem>>
          %dma_start3A_496 = tpu.memref_squeeze %dma_start3A_495 : memref<1x1x112xi32, #tpu.memory_space<vmem>> -> memref<1x112xi32, #tpu.memory_space<vmem>>
          %dma_start3A_497 = arith.constant 0 : i32
          %dma_start3A_498 = arith.constant 0 : i32
          %dma_start3A_499 = tpu.memref_slice %arg2[%arg0, %arg1, %add3A_442, %dma_start3A_497, %dma_start3A_498] : memref<2x16x180x1x112xi32, #tpu.memory_space<hbm>> -> memref<1x1x1x1x112xi32, #tpu.memory_space<hbm>>
          %dma_start3A_500 = tpu.memref_squeeze %dma_start3A_499 : memref<1x1x1x1x112xi32, #tpu.memory_space<hbm>> -> memref<1x112xi32, #tpu.memory_space<hbm>>
          tpu.enqueue_dma source(%dma_start3A_500 : memref<1x112xi32, #tpu.memory_space<hbm>>) target(%dma_start3A_496 : memref<1x112xi32, #tpu.memory_space<vmem>>) target_semaphore(%run_scoped3A_484 : memref<!tpu.dma_semaphore, #tpu.memory_space<semaphore_mem>>)
          %dma_wait3A_501 = arith.constant 0 : i32
          %dma_wait3A_502 = arith.constant 0 : i32
          %dma_wait3A_503 = tpu.memref_slice %arg6[%run_scoped3A_443, %dma_wait3A_501, %dma_wait3A_502] : memref<3x1x112xi32, #tpu.memory_space<vmem>> -> memref<1x1x112xi32, #tpu.memory_space<vmem>>
          %dma_wait3A_504 = tpu.memref_squeeze %dma_wait3A_503 : memref<1x1x112xi32, #tpu.memory_space<vmem>> -> memref<1x112xi32, #tpu.memory_space<vmem>>
          %dma_wait3A_505 = arith.constant 0 : i32
          %dma_wait3A_506 = arith.constant 0 : i32
          %dma_wait3A_507 = tpu.memref_slice %arg2[%arg0, %arg1, %add3A_442, %dma_wait3A_505, %dma_wait3A_506] : memref<2x16x180x1x112xi32, #tpu.memory_space<hbm>> -> memref<1x1x1x1x112xi32, #tpu.memory_space<hbm>>
          %dma_wait3A_508 = tpu.memref_squeeze %dma_wait3A_507 : memref<1x1x1x1x112xi32, #tpu.memory_space<hbm>> -> memref<1x112xi32, #tpu.memory_space<hbm>>
          %dma_wait3A_509 = arith.constant 0 : i32
          %dma_wait3A_510 = arith.constant 0 : i32
          %dma_wait3A_511 = tpu.memref_slice %arg6[%run_scoped3A_443, %dma_wait3A_509, %dma_wait3A_510] : memref<3x1x112xi32, #tpu.memory_space<vmem>> -> memref<1x1x112xi32, #tpu.memory_space<vmem>>
          %dma_wait3A_512 = tpu.memref_squeeze %dma_wait3A_511 : memref<1x1x112xi32, #tpu.memory_space<vmem>> -> memref<1x112xi32, #tpu.memory_space<vmem>>
          %dma_wait3A_513 = arith.constant 0 : i32
          %dma_wait3A_514 = arith.constant 0 : i32
          %dma_wait3A_515 = tpu.memref_slice %arg2[%arg0, %arg1, %add3A_442, %dma_wait3A_513, %dma_wait3A_514] : memref<2x16x180x1x112xi32, #tpu.memory_space<hbm>> -> memref<1x1x1x1x112xi32, #tpu.memory_space<hbm>>
          %dma_wait3A_516 = tpu.memref_squeeze %dma_wait3A_515 : memref<1x1x1x1x112xi32, #tpu.memory_space<hbm>> -> memref<1x112xi32, #tpu.memory_space<hbm>>
          tpu.wait_dma2 semaphore(%run_scoped3A_484 : memref<!tpu.dma_semaphore, #tpu.memory_space<semaphore_mem>>) src(%dma_wait3A_516 : memref<1x112xi32, #tpu.memory_space<hbm>>) dst(%dma_wait3A_512 : memref<1x112xi32, #tpu.memory_space<vmem>>)
          tpu.yield
        }) : () -> ()
        %run_scoped3A_444 = arith.constant 1 : i32
        "tpu.region"() ({
          %run_scoped3A_484 = tpu.sem_alloc : memref<!tpu.dma_semaphore, #tpu.memory_space<semaphore_mem>>
          %dma_start3A_485 = arith.constant 0 : i32
          %dma_start3A_486 = arith.constant 0 : i32
          %dma_start3A_487 = tpu.memref_slice %arg7[%run_scoped3A_444, %dma_start3A_485, %dma_start3A_486] : memref<3x1x112xi32, #tpu.memory_space<vmem>> -> memref<1x1x112xi32, #tpu.memory_space<vmem>>
          %dma_start3A_488 = tpu.memref_squeeze %dma_start3A_487 : memref<1x1x112xi32, #tpu.memory_space<vmem>> -> memref<1x112xi32, #tpu.memory_space<vmem>>
          %dma_start3A_489 = arith.constant 0 : i32
          %dma_start3A_490 = arith.constant 0 : i32
          %dma_start3A_491 = tpu.memref_slice %arg3[%arg1, %add3A_442, %dma_start3A_489, %dma_start3A_490] : memref<16x180x1x112xi32, #tpu.memory_space<hbm>> -> memref<1x1x1x112xi32, #tpu.memory_space<hbm>>
          %dma_start3A_492 = tpu.memref_squeeze %dma_start3A_491 : memref<1x1x1x112xi32, #tpu.memory_space<hbm>> -> memref<1x112xi32, #tpu.memory_space<hbm>>
          %dma_start3A_493 = arith.constant 0 : i32
          %dma_start3A_494 = arith.constant 0 : i32
          %dma_start3A_495 = tpu.memref_slice %arg7[%run_scoped3A_444, %dma_start3A_493, %dma_start3A_494] : memref<3x1x112xi32, #tpu.memory_space<vmem>> -> memref<1x1x112xi32, #tpu.memory_space<vmem>>
          %dma_start3A_496 = tpu.memref_squeeze %dma_start3A_495 : memref<1x1x112xi32, #tpu.memory_space<vmem>> -> memref<1x112xi32, #tpu.memory_space<vmem>>
          %dma_start3A_497 = arith.constant 0 : i32
          %dma_start3A_498 = arith.constant 0 : i32
          %dma_start3A_499 = tpu.memref_slice %arg3[%arg1, %add3A_442, %dma_start3A_497, %dma_start3A_498] : memref<16x180x1x112xi32, #tpu.memory_space<hbm>> -> memref<1x1x1x112xi32, #tpu.memory_space<hbm>>
          %dma_start3A_500 = tpu.memref_squeeze %dma_start3A_499 : memref<1x1x1x112xi32, #tpu.memory_space<hbm>> -> memref<1x112xi32, #tpu.memory_space<hbm>>
          tpu.enqueue_dma source(%dma_start3A_500 : memref<1x112xi32, #tpu.memory_space<hbm>>) target(%dma_start3A_496 : memref<1x112xi32, #tpu.memory_space<vmem>>) target_semaphore(%run_scoped3A_484 : memref<!tpu.dma_semaphore, #tpu.memory_space<semaphore_mem>>)
          %dma_wait3A_501 = arith.constant 0 : i32
          %dma_wait3A_502 = arith.constant 0 : i32
          %dma_wait3A_503 = tpu.memref_slice %arg7[%run_scoped3A_444, %dma_wait3A_501, %dma_wait3A_502] : memref<3x1x112xi32, #tpu.memory_space<vmem>> -> memref<1x1x112xi32, #tpu.memory_space<vmem>>
          %dma_wait3A_504 = tpu.memref_squeeze %dma_wait3A_503 : memref<1x1x112xi32, #tpu.memory_space<vmem>> -> memref<1x112xi32, #tpu.memory_space<vmem>>
          %dma_wait3A_505 = arith.constant 0 : i32
          %dma_wait3A_506 = arith.constant 0 : i32
          %dma_wait3A_507 = tpu.memref_slice %arg3[%arg1, %add3A_442, %dma_wait3A_505, %dma_wait3A_506] : memref<16x180x1x112xi32, #tpu.memory_space<hbm>> -> memref<1x1x1x112xi32, #tpu.memory_space<hbm>>
          %dma_wait3A_508 = tpu.memref_squeeze %dma_wait3A_507 : memref<1x1x1x112xi32, #tpu.memory_space<hbm>> -> memref<1x112xi32, #tpu.memory_space<hbm>>
          %dma_wait3A_509 = arith.constant 0 : i32
          %dma_wait3A_510 = arith.constant 0 : i32
          %dma_wait3A_511 = tpu.memref_slice %arg7[%run_scoped3A_444, %dma_wait3A_509, %dma_wait3A_510] : memref<3x1x112xi32, #tpu.memory_space<vmem>> -> memref<1x1x112xi32, #tpu.memory_space<vmem>>
          %dma_wait3A_512 = tpu.memref_squeeze %dma_wait3A_511 : memref<1x1x112xi32, #tpu.memory_space<vmem>> -> memref<1x112xi32, #tpu.memory_space<vmem>>
          %dma_wait3A_513 = arith.constant 0 : i32
          %dma_wait3A_514 = arith.constant 0 : i32
          %dma_wait3A_515 = tpu.memref_slice %arg3[%arg1, %add3A_442, %dma_wait3A_513, %dma_wait3A_514] : memref<16x180x1x112xi32, #tpu.memory_space<hbm>> -> memref<1x1x1x112xi32, #tpu.memory_space<hbm>>
          %dma_wait3A_516 = tpu.memref_squeeze %dma_wait3A_515 : memref<1x1x1x112xi32, #tpu.memory_space<hbm>> -> memref<1x112xi32, #tpu.memory_space<hbm>>
          tpu.wait_dma2 semaphore(%run_scoped3A_484 : memref<!tpu.dma_semaphore, #tpu.memory_space<semaphore_mem>>) src(%dma_wait3A_516 : memref<1x112xi32, #tpu.memory_space<hbm>>) dst(%dma_wait3A_512 : memref<1x112xi32, #tpu.memory_space<vmem>>)
          tpu.yield
        }) : () -> ()
        %dma_start3A_445 = arith.constant 1 : i32
        %dma_start3A_446 = arith.constant 0 : i32
        %dma_start3A_447 = arith.constant 1 : i32
        %dma_start3A_448 = arith.constant 0 : i32
        %dma_start3A_449 = arith.constant 0 : i32
        %dma_start3A_450 = tpu.memref_slice %arg8[%dma_start3A_447, %dma_start3A_448, %dma_start3A_449] : memref<3x112x128xf32, #tpu.memory_space<vmem>> -> memref<1x112x128xf32, #tpu.memory_space<vmem>>
        %dma_start3A_451 = tpu.memref_squeeze %dma_start3A_450 : memref<1x112x128xf32, #tpu.memory_space<vmem>> -> memref<112x128xf32, #tpu.memory_space<vmem>>
        %dma_start3A_452 = arith.constant 0 : i32
        %dma_start3A_453 = tpu.memref_slice %arg6[%dma_start3A_445, %dma_start3A_446, %dma_start3A_452] : memref<3x1x112xi32, #tpu.memory_space<vmem>> -> memref<1x1x112xi32, #tpu.memory_space<vmem>>
        %dma_start3A_454 = tpu.memref_squeeze %dma_start3A_453 : memref<1x1x112xi32, #tpu.memory_space<vmem>> -> memref<112xi32, #tpu.memory_space<vmem>>
        %dma_start3A_455 = arith.constant 0 : i32
        %dma_start3A_456 = arith.constant 0 : i32
        %dma_start3A_457 = tpu.memref_slice %arg4[%dma_start3A_455, %dma_start3A_456] : memref<20000x128xf32, #tpu.memory_space<hbm>> -> memref<20000x128xf32, #tpu.memory_space<hbm>>
        tpu.enqueue_indirect_dma source(%dma_start3A_457 : memref<20000x128xf32, #tpu.memory_space<hbm>>) target(%dma_start3A_451 : memref<112x128xf32, #tpu.memory_space<vmem>>) offsets(%dma_start3A_454 : memref<112xi32, #tpu.memory_space<vmem>>) semaphore(%arg11 : memref<!tpu.dma_semaphore, #tpu.memory_space<semaphore_mem>>)
        %dma_wait3A_458 = arith.constant 0 : i32
        %dma_wait3A_459 = arith.constant 0 : i32
        %dma_wait3A_460 = arith.constant 0 : i32
        %dma_wait3A_461 = arith.constant 0 : i32
        %dma_wait3A_462 = arith.constant 0 : i32
        %dma_wait3A_463 = tpu.memref_slice %arg8[%dma_wait3A_460, %dma_wait3A_461, %dma_wait3A_462] : memref<3x112x128xf32, #tpu.memory_space<vmem>> -> memref<1x112x128xf32, #tpu.memory_space<vmem>>
        %dma_wait3A_464 = tpu.memref_squeeze %dma_wait3A_463 : memref<1x112x128xf32, #tpu.memory_space<vmem>> -> memref<112x128xf32, #tpu.memory_space<vmem>>
        %dma_wait3A_465 = arith.constant 0 : i32
        %dma_wait3A_466 = tpu.memref_slice %arg6[%dma_wait3A_458, %dma_wait3A_459, %dma_wait3A_465] : memref<3x1x112xi32, #tpu.memory_space<vmem>> -> memref<1x1x112xi32, #tpu.memory_space<vmem>>
        %dma_wait3A_467 = tpu.memref_squeeze %dma_wait3A_466 : memref<1x1x112xi32, #tpu.memory_space<vmem>> -> memref<112xi32, #tpu.memory_space<vmem>>
        %dma_wait3A_468 = arith.constant 0 : i32
        %dma_wait3A_469 = arith.constant 0 : i32
        %dma_wait3A_470 = tpu.memref_slice %arg4[%dma_wait3A_468, %dma_wait3A_469] : memref<20000x128xf32, #tpu.memory_space<hbm>> -> memref<20000x128xf32, #tpu.memory_space<hbm>>
        tpu.wait_indirect_dma semaphore(%arg10 : memref<!tpu.dma_semaphore, #tpu.memory_space<semaphore_mem>>) src(%dma_wait3A_470 : memref<20000x128xf32, #tpu.memory_space<hbm>>) dst(%dma_wait3A_464 : memref<112x128xf32, #tpu.memory_space<vmem>>)
        %dma_start3A_471 = arith.constant 0 : i32
        %dma_start3A_472 = arith.constant 0 : i32
        %dma_start3A_473 = arith.constant 0 : i32
        %dma_start3A_474 = arith.constant 0 : i32
        %dma_start3A_475 = arith.constant 0 : i32
        %dma_start3A_476 = tpu.memref_slice %arg8[%dma_start3A_471, %dma_start3A_474, %dma_start3A_475] : memref<3x112x128xf32, #tpu.memory_space<vmem>> -> memref<1x112x128xf32, #tpu.memory_space<vmem>>
        %dma_start3A_477 = tpu.memref_squeeze %dma_start3A_476 : memref<1x112x128xf32, #tpu.memory_space<vmem>> -> memref<112x128xf32, #tpu.memory_space<vmem>>
        %dma_start3A_478 = arith.constant 0 : i32
        %dma_start3A_479 = tpu.memref_slice %arg7[%dma_start3A_472, %dma_start3A_473, %dma_start3A_478] : memref<3x1x112xi32, #tpu.memory_space<vmem>> -> memref<1x1x112xi32, #tpu.memory_space<vmem>>
        %dma_start3A_480 = tpu.memref_squeeze %dma_start3A_479 : memref<1x1x112xi32, #tpu.memory_space<vmem>> -> memref<112xi32, #tpu.memory_space<vmem>>
        %dma_start3A_481 = arith.constant 0 : i32
        %dma_start3A_482 = arith.constant 0 : i32
        %dma_start3A_483 = tpu.memref_slice %arg9[%dma_start3A_481, %dma_start3A_482] : memref<10240x128xf32, #tpu.memory_space<vmem_shared>> -> memref<10240x128xf32, #tpu.memory_space<vmem_shared>>
        tpu.enqueue_indirect_dma source(%dma_start3A_477 : memref<112x128xf32, #tpu.memory_space<vmem>>) target(%dma_start3A_483 : memref<10240x128xf32, #tpu.memory_space<vmem_shared>>) offsets(%dma_start3A_480 : memref<112xi32, #tpu.memory_space<vmem>>) semaphore(%arg13 : memref<!tpu.dma_semaphore, #tpu.memory_space<semaphore_mem>>) {add = true}
      } else {
      }
      %add3A_386 = arith.constant 1 : i32
      %add3A_387 = arith.addi %add3A_381, %add3A_386 : i32
      %ge3A = arith.constant 180 : i32
      %ge3A_388 = arith.cmpi sge, %add3A_387, %ge3A : i32
      %convert_element_type3A_389 = arith.extui %ge3A_388 : i1 to i32
      %cond3A_390 = arith.constant 0 : i32
      %cond3A_391 = arith.cmpi ne, %convert_element_type3A_389, %cond3A_390 : i32
      scf.if %cond3A_391 {
        %dma_wait3A_428 = arith.constant 0 : i32
        %dma_wait3A_429 = arith.constant 0 : i32
        %dma_wait3A_430 = arith.constant 0 : i32
        %dma_wait3A_431 = arith.constant 0 : i32
        %dma_wait3A_432 = arith.constant 0 : i32
        %dma_wait3A_433 = tpu.memref_slice %arg8[%dma_wait3A_430, %dma_wait3A_431, %dma_wait3A_432] : memref<3x112x128xf32, #tpu.memory_space<vmem>> -> memref<1x112x128xf32, #tpu.memory_space<vmem>>
        %dma_wait3A_434 = tpu.memref_squeeze %dma_wait3A_433 : memref<1x112x128xf32, #tpu.memory_space<vmem>> -> memref<112x128xf32, #tpu.memory_space<vmem>>
        %dma_wait3A_435 = arith.constant 0 : i32
        %dma_wait3A_436 = tpu.memref_slice %arg6[%dma_wait3A_428, %dma_wait3A_429, %dma_wait3A_435] : memref<3x1x112xi32, #tpu.memory_space<vmem>> -> memref<1x1x112xi32, #tpu.memory_space<vmem>>
        %dma_wait3A_437 = tpu.memref_squeeze %dma_wait3A_436 : memref<1x1x112xi32, #tpu.memory_space<vmem>> -> memref<112xi32, #tpu.memory_space<vmem>>
        %dma_wait3A_438 = arith.constant 0 : i32
        %dma_wait3A_439 = arith.constant 0 : i32
        %dma_wait3A_440 = tpu.memref_slice %arg4[%dma_wait3A_438, %dma_wait3A_439] : memref<20000x128xf32, #tpu.memory_space<hbm>> -> memref<20000x128xf32, #tpu.memory_space<hbm>>
        tpu.wait_indirect_dma semaphore(%arg10 : memref<!tpu.dma_semaphore, #tpu.memory_space<semaphore_mem>>) src(%dma_wait3A_440 : memref<20000x128xf32, #tpu.memory_space<hbm>>) dst(%dma_wait3A_434 : memref<112x128xf32, #tpu.memory_space<vmem>>)
        %dma_start3A_441 = arith.constant 0 : i32
        %dma_start3A_442 = arith.constant 0 : i32
        %dma_start3A_443 = arith.constant 0 : i32
        %dma_start3A_444 = arith.constant 0 : i32
        %dma_start3A_445 = arith.constant 0 : i32
        %dma_start3A_446 = tpu.memref_slice %arg8[%dma_start3A_441, %dma_start3A_444, %dma_start3A_445] : memref<3x112x128xf32, #tpu.memory_space<vmem>> -> memref<1x112x128xf32, #tpu.memory_space<vmem>>
        %dma_start3A_447 = tpu.memref_squeeze %dma_start3A_446 : memref<1x112x128xf32, #tpu.memory_space<vmem>> -> memref<112x128xf32, #tpu.memory_space<vmem>>
        %dma_start3A_448 = arith.constant 0 : i32
        %dma_start3A_449 = tpu.memref_slice %arg7[%dma_start3A_442, %dma_start3A_443, %dma_start3A_448] : memref<3x1x112xi32, #tpu.memory_space<vmem>> -> memref<1x1x112xi32, #tpu.memory_space<vmem>>
        %dma_start3A_450 = tpu.memref_squeeze %dma_start3A_449 : memref<1x1x112xi32, #tpu.memory_space<vmem>> -> memref<112xi32, #tpu.memory_space<vmem>>
        %dma_start3A_451 = arith.constant 0 : i32
        %dma_start3A_452 = arith.constant 0 : i32
        %dma_start3A_453 = tpu.memref_slice %arg9[%dma_start3A_451, %dma_start3A_452] : memref<10240x128xf32, #tpu.memory_space<vmem_shared>> -> memref<10240x128xf32, #tpu.memory_space<vmem_shared>>
        tpu.enqueue_indirect_dma source(%dma_start3A_447 : memref<112x128xf32, #tpu.memory_space<vmem>>) target(%dma_start3A_453 : memref<10240x128xf32, #tpu.memory_space<vmem_shared>>) offsets(%dma_start3A_450 : memref<112xi32, #tpu.memory_space<vmem>>) semaphore(%arg13 : memref<!tpu.dma_semaphore, #tpu.memory_space<semaphore_mem>>) {add = true}
      } else {
      }
      %mul3A_392 = arith.constant 3 : i32
      %mul3A_393 = arith.muli %scan3A_377, %mul3A_392 : i32
      %add3A_394 = arith.constant 1 : i32
      %add3A_395 = arith.addi %mul3A_393, %add3A_394 : i32
      %add3A_396 = arith.constant 1 : i32
      %add3A_397 = arith.addi %add3A_395, %add3A_396 : i32
      %lt3A_398 = arith.constant 180 : i32
      %lt3A_399 = arith.cmpi slt, %add3A_397, %lt3A_398 : i32
      %convert_element_type3A_400 = arith.extui %lt3A_399 : i1 to i32
      %cond3A_401 = arith.constant 0 : i32
      %cond3A_402 = arith.cmpi ne, %convert_element_type3A_400, %cond3A_401 : i32
      scf.if %cond3A_402 {
        %dma_wait3A_428 = arith.constant 2 : i32
        %dma_wait3A_429 = arith.constant 2 : i32
        %dma_wait3A_430 = arith.constant 0 : i32
        %dma_wait3A_431 = arith.constant 0 : i32
        %dma_wait3A_432 = arith.constant 0 : i32
        %dma_wait3A_433 = tpu.memref_slice %arg8[%dma_wait3A_428, %dma_wait3A_431, %dma_wait3A_432] : memref<3x112x128xf32, #tpu.memory_space<vmem>> -> memref<1x112x128xf32, #tpu.memory_space<vmem>>
        %dma_wait3A_434 = tpu.memref_squeeze %dma_wait3A_433 : memref<1x112x128xf32, #tpu.memory_space<vmem>> -> memref<112x128xf32, #tpu.memory_space<vmem>>
        %dma_wait3A_435 = arith.constant 0 : i32
        %dma_wait3A_436 = tpu.memref_slice %arg7[%dma_wait3A_429, %dma_wait3A_430, %dma_wait3A_435] : memref<3x1x112xi32, #tpu.memory_space<vmem>> -> memref<1x1x112xi32, #tpu.memory_space<vmem>>
        %dma_wait3A_437 = tpu.memref_squeeze %dma_wait3A_436 : memref<1x1x112xi32, #tpu.memory_space<vmem>> -> memref<112xi32, #tpu.memory_space<vmem>>
        %dma_wait3A_438 = arith.constant 0 : i32
        %dma_wait3A_439 = arith.constant 0 : i32
        %dma_wait3A_440 = tpu.memref_slice %arg9[%dma_wait3A_438, %dma_wait3A_439] : memref<10240x128xf32, #tpu.memory_space<vmem_shared>> -> memref<10240x128xf32, #tpu.memory_space<vmem_shared>>
        tpu.wait_indirect_dma semaphore(%arg15 : memref<!tpu.dma_semaphore, #tpu.memory_space<semaphore_mem>>) src(%dma_wait3A_434 : memref<112x128xf32, #tpu.memory_space<vmem>>) dst(%dma_wait3A_440 : memref<10240x128xf32, #tpu.memory_space<vmem_shared>>)
        %add3A_441 = arith.constant 1 : i32
        %add3A_442 = arith.addi %add3A_395, %add3A_441 : i32
        %run_scoped3A_443 = arith.constant 2 : i32
        "tpu.region"() ({
          %run_scoped3A_484 = tpu.sem_alloc : memref<!tpu.dma_semaphore, #tpu.memory_space<semaphore_mem>>
          %dma_start3A_485 = arith.constant 0 : i32
          %dma_start3A_486 = arith.constant 0 : i32
          %dma_start3A_487 = tpu.memref_slice %arg6[%run_scoped3A_443, %dma_start3A_485, %dma_start3A_486] : memref<3x1x112xi32, #tpu.memory_space<vmem>> -> memref<1x1x112xi32, #tpu.memory_space<vmem>>
          %dma_start3A_488 = tpu.memref_squeeze %dma_start3A_487 : memref<1x1x112xi32, #tpu.memory_space<vmem>> -> memref<1x112xi32, #tpu.memory_space<vmem>>
          %dma_start3A_489 = arith.constant 0 : i32
          %dma_start3A_490 = arith.constant 0 : i32
          %dma_start3A_491 = tpu.memref_slice %arg2[%arg0, %arg1, %add3A_442, %dma_start3A_489, %dma_start3A_490] : memref<2x16x180x1x112xi32, #tpu.memory_space<hbm>> -> memref<1x1x1x1x112xi32, #tpu.memory_space<hbm>>
          %dma_start3A_492 = tpu.memref_squeeze %dma_start3A_491 : memref<1x1x1x1x112xi32, #tpu.memory_space<hbm>> -> memref<1x112xi32, #tpu.memory_space<hbm>>
          %dma_start3A_493 = arith.constant 0 : i32
          %dma_start3A_494 = arith.constant 0 : i32
          %dma_start3A_495 = tpu.memref_slice %arg6[%run_scoped3A_443, %dma_start3A_493, %dma_start3A_494] : memref<3x1x112xi32, #tpu.memory_space<vmem>> -> memref<1x1x112xi32, #tpu.memory_space<vmem>>
          %dma_start3A_496 = tpu.memref_squeeze %dma_start3A_495 : memref<1x1x112xi32, #tpu.memory_space<vmem>> -> memref<1x112xi32, #tpu.memory_space<vmem>>
          %dma_start3A_497 = arith.constant 0 : i32
          %dma_start3A_498 = arith.constant 0 : i32
          %dma_start3A_499 = tpu.memref_slice %arg2[%arg0, %arg1, %add3A_442, %dma_start3A_497, %dma_start3A_498] : memref<2x16x180x1x112xi32, #tpu.memory_space<hbm>> -> memref<1x1x1x1x112xi32, #tpu.memory_space<hbm>>
          %dma_start3A_500 = tpu.memref_squeeze %dma_start3A_499 : memref<1x1x1x1x112xi32, #tpu.memory_space<hbm>> -> memref<1x112xi32, #tpu.memory_space<hbm>>
          tpu.enqueue_dma source(%dma_start3A_500 : memref<1x112xi32, #tpu.memory_space<hbm>>) target(%dma_start3A_496 : memref<1x112xi32, #tpu.memory_space<vmem>>) target_semaphore(%run_scoped3A_484 : memref<!tpu.dma_semaphore, #tpu.memory_space<semaphore_mem>>)
          %dma_wait3A_501 = arith.constant 0 : i32
          %dma_wait3A_502 = arith.constant 0 : i32
          %dma_wait3A_503 = tpu.memref_slice %arg6[%run_scoped3A_443, %dma_wait3A_501, %dma_wait3A_502] : memref<3x1x112xi32, #tpu.memory_space<vmem>> -> memref<1x1x112xi32, #tpu.memory_space<vmem>>
          %dma_wait3A_504 = tpu.memref_squeeze %dma_wait3A_503 : memref<1x1x112xi32, #tpu.memory_space<vmem>> -> memref<1x112xi32, #tpu.memory_space<vmem>>
          %dma_wait3A_505 = arith.constant 0 : i32
          %dma_wait3A_506 = arith.constant 0 : i32
          %dma_wait3A_507 = tpu.memref_slice %arg2[%arg0, %arg1, %add3A_442, %dma_wait3A_505, %dma_wait3A_506] : memref<2x16x180x1x112xi32, #tpu.memory_space<hbm>> -> memref<1x1x1x1x112xi32, #tpu.memory_space<hbm>>
          %dma_wait3A_508 = tpu.memref_squeeze %dma_wait3A_507 : memref<1x1x1x1x112xi32, #tpu.memory_space<hbm>> -> memref<1x112xi32, #tpu.memory_space<hbm>>
          %dma_wait3A_509 = arith.constant 0 : i32
          %dma_wait3A_510 = arith.constant 0 : i32
          %dma_wait3A_511 = tpu.memref_slice %arg6[%run_scoped3A_443, %dma_wait3A_509, %dma_wait3A_510] : memref<3x1x112xi32, #tpu.memory_space<vmem>> -> memref<1x1x112xi32, #tpu.memory_space<vmem>>
          %dma_wait3A_512 = tpu.memref_squeeze %dma_wait3A_511 : memref<1x1x112xi32, #tpu.memory_space<vmem>> -> memref<1x112xi32, #tpu.memory_space<vmem>>
          %dma_wait3A_513 = arith.constant 0 : i32
          %dma_wait3A_514 = arith.constant 0 : i32
          %dma_wait3A_515 = tpu.memref_slice %arg2[%arg0, %arg1, %add3A_442, %dma_wait3A_513, %dma_wait3A_514] : memref<2x16x180x1x112xi32, #tpu.memory_space<hbm>> -> memref<1x1x1x1x112xi32, #tpu.memory_space<hbm>>
          %dma_wait3A_516 = tpu.memref_squeeze %dma_wait3A_515 : memref<1x1x1x1x112xi32, #tpu.memory_space<hbm>> -> memref<1x112xi32, #tpu.memory_space<hbm>>
          tpu.wait_dma2 semaphore(%run_scoped3A_484 : memref<!tpu.dma_semaphore, #tpu.memory_space<semaphore_mem>>) src(%dma_wait3A_516 : memref<1x112xi32, #tpu.memory_space<hbm>>) dst(%dma_wait3A_512 : memref<1x112xi32, #tpu.memory_space<vmem>>)
          tpu.yield
        }) : () -> ()
        %run_scoped3A_444 = arith.constant 2 : i32
        "tpu.region"() ({
          %run_scoped3A_484 = tpu.sem_alloc : memref<!tpu.dma_semaphore, #tpu.memory_space<semaphore_mem>>
          %dma_start3A_485 = arith.constant 0 : i32
          %dma_start3A_486 = arith.constant 0 : i32
          %dma_start3A_487 = tpu.memref_slice %arg7[%run_scoped3A_444, %dma_start3A_485, %dma_start3A_486] : memref<3x1x112xi32, #tpu.memory_space<vmem>> -> memref<1x1x112xi32, #tpu.memory_space<vmem>>
          %dma_start3A_488 = tpu.memref_squeeze %dma_start3A_487 : memref<1x1x112xi32, #tpu.memory_space<vmem>> -> memref<1x112xi32, #tpu.memory_space<vmem>>
          %dma_start3A_489 = arith.constant 0 : i32
          %dma_start3A_490 = arith.constant 0 : i32
          %dma_start3A_491 = tpu.memref_slice %arg3[%arg1, %add3A_442, %dma_start3A_489, %dma_start3A_490] : memref<16x180x1x112xi32, #tpu.memory_space<hbm>> -> memref<1x1x1x112xi32, #tpu.memory_space<hbm>>
          %dma_start3A_492 = tpu.memref_squeeze %dma_start3A_491 : memref<1x1x1x112xi32, #tpu.memory_space<hbm>> -> memref<1x112xi32, #tpu.memory_space<hbm>>
          %dma_start3A_493 = arith.constant 0 : i32
          %dma_start3A_494 = arith.constant 0 : i32
          %dma_start3A_495 = tpu.memref_slice %arg7[%run_scoped3A_444, %dma_start3A_493, %dma_start3A_494] : memref<3x1x112xi32, #tpu.memory_space<vmem>> -> memref<1x1x112xi32, #tpu.memory_space<vmem>>
          %dma_start3A_496 = tpu.memref_squeeze %dma_start3A_495 : memref<1x1x112xi32, #tpu.memory_space<vmem>> -> memref<1x112xi32, #tpu.memory_space<vmem>>
          %dma_start3A_497 = arith.constant 0 : i32
          %dma_start3A_498 = arith.constant 0 : i32
          %dma_start3A_499 = tpu.memref_slice %arg3[%arg1, %add3A_442, %dma_start3A_497, %dma_start3A_498] : memref<16x180x1x112xi32, #tpu.memory_space<hbm>> -> memref<1x1x1x112xi32, #tpu.memory_space<hbm>>
          %dma_start3A_500 = tpu.memref_squeeze %dma_start3A_499 : memref<1x1x1x112xi32, #tpu.memory_space<hbm>> -> memref<1x112xi32, #tpu.memory_space<hbm>>
          tpu.enqueue_dma source(%dma_start3A_500 : memref<1x112xi32, #tpu.memory_space<hbm>>) target(%dma_start3A_496 : memref<1x112xi32, #tpu.memory_space<vmem>>) target_semaphore(%run_scoped3A_484 : memref<!tpu.dma_semaphore, #tpu.memory_space<semaphore_mem>>)
          %dma_wait3A_501 = arith.constant 0 : i32
          %dma_wait3A_502 = arith.constant 0 : i32
          %dma_wait3A_503 = tpu.memref_slice %arg7[%run_scoped3A_444, %dma_wait3A_501, %dma_wait3A_502] : memref<3x1x112xi32, #tpu.memory_space<vmem>> -> memref<1x1x112xi32, #tpu.memory_space<vmem>>
          %dma_wait3A_504 = tpu.memref_squeeze %dma_wait3A_503 : memref<1x1x112xi32, #tpu.memory_space<vmem>> -> memref<1x112xi32, #tpu.memory_space<vmem>>
          %dma_wait3A_505 = arith.constant 0 : i32
          %dma_wait3A_506 = arith.constant 0 : i32
          %dma_wait3A_507 = tpu.memref_slice %arg3[%arg1, %add3A_442, %dma_wait3A_505, %dma_wait3A_506] : memref<16x180x1x112xi32, #tpu.memory_space<hbm>> -> memref<1x1x1x112xi32, #tpu.memory_space<hbm>>
          %dma_wait3A_508 = tpu.memref_squeeze %dma_wait3A_507 : memref<1x1x1x112xi32, #tpu.memory_space<hbm>> -> memref<1x112xi32, #tpu.memory_space<hbm>>
          %dma_wait3A_509 = arith.constant 0 : i32
          %dma_wait3A_510 = arith.constant 0 : i32
          %dma_wait3A_511 = tpu.memref_slice %arg7[%run_scoped3A_444, %dma_wait3A_509, %dma_wait3A_510] : memref<3x1x112xi32, #tpu.memory_space<vmem>> -> memref<1x1x112xi32, #tpu.memory_space<vmem>>
          %dma_wait3A_512 = tpu.memref_squeeze %dma_wait3A_511 : memref<1x1x112xi32, #tpu.memory_space<vmem>> -> memref<1x112xi32, #tpu.memory_space<vmem>>
          %dma_wait3A_513 = arith.constant 0 : i32
          %dma_wait3A_514 = arith.constant 0 : i32
          %dma_wait3A_515 = tpu.memref_slice %arg3[%arg1, %add3A_442, %dma_wait3A_513, %dma_wait3A_514] : memref<16x180x1x112xi32, #tpu.memory_space<hbm>> -> memref<1x1x1x112xi32, #tpu.memory_space<hbm>>
          %dma_wait3A_516 = tpu.memref_squeeze %dma_wait3A_515 : memref<1x1x1x112xi32, #tpu.memory_space<hbm>> -> memref<1x112xi32, #tpu.memory_space<hbm>>
          tpu.wait_dma2 semaphore(%run_scoped3A_484 : memref<!tpu.dma_semaphore, #tpu.memory_space<semaphore_mem>>) src(%dma_wait3A_516 : memref<1x112xi32, #tpu.memory_space<hbm>>) dst(%dma_wait3A_512 : memref<1x112xi32, #tpu.memory_space<vmem>>)
          tpu.yield
        }) : () -> ()
        %dma_start3A_445 = arith.constant 2 : i32
        %dma_start3A_446 = arith.constant 0 : i32
        %dma_start3A_447 = arith.constant 2 : i32
        %dma_start3A_448 = arith.constant 0 : i32
        %dma_start3A_449 = arith.constant 0 : i32
        %dma_start3A_450 = tpu.memref_slice %arg8[%dma_start3A_447, %dma_start3A_448, %dma_start3A_449] : memref<3x112x128xf32, #tpu.memory_space<vmem>> -> memref<1x112x128xf32, #tpu.memory_space<vmem>>
        %dma_start3A_451 = tpu.memref_squeeze %dma_start3A_450 : memref<1x112x128xf32, #tpu.memory_space<vmem>> -> memref<112x128xf32, #tpu.memory_space<vmem>>
        %dma_start3A_452 = arith.constant 0 : i32
        %dma_start3A_453 = tpu.memref_slice %arg6[%dma_start3A_445, %dma_start3A_446, %dma_start3A_452] : memref<3x1x112xi32, #tpu.memory_space<vmem>> -> memref<1x1x112xi32, #tpu.memory_space<vmem>>
        %dma_start3A_454 = tpu.memref_squeeze %dma_start3A_453 : memref<1x1x112xi32, #tpu.memory_space<vmem>> -> memref<112xi32, #tpu.memory_space<vmem>>
        %dma_start3A_455 = arith.constant 0 : i32
        %dma_start3A_456 = arith.constant 0 : i32
        %dma_start3A_457 = tpu.memref_slice %arg4[%dma_start3A_455, %dma_start3A_456] : memref<20000x128xf32, #tpu.memory_space<hbm>> -> memref<20000x128xf32, #tpu.memory_space<hbm>>
        tpu.enqueue_indirect_dma source(%dma_start3A_457 : memref<20000x128xf32, #tpu.memory_space<hbm>>) target(%dma_start3A_451 : memref<112x128xf32, #tpu.memory_space<vmem>>) offsets(%dma_start3A_454 : memref<112xi32, #tpu.memory_space<vmem>>) semaphore(%arg12 : memref<!tpu.dma_semaphore, #tpu.memory_space<semaphore_mem>>)
        %dma_wait3A_458 = arith.constant 1 : i32
        %dma_wait3A_459 = arith.constant 0 : i32
        %dma_wait3A_460 = arith.constant 1 : i32
        %dma_wait3A_461 = arith.constant 0 : i32
        %dma_wait3A_462 = arith.constant 0 : i32
        %dma_wait3A_463 = tpu.memref_slice %arg8[%dma_wait3A_460, %dma_wait3A_461, %dma_wait3A_462] : memref<3x112x128xf32, #tpu.memory_space<vmem>> -> memref<1x112x128xf32, #tpu.memory_space<vmem>>
        %dma_wait3A_464 = tpu.memref_squeeze %dma_wait3A_463 : memref<1x112x128xf32, #tpu.memory_space<vmem>> -> memref<112x128xf32, #tpu.memory_space<vmem>>
        %dma_wait3A_465 = arith.constant 0 : i32
        %dma_wait3A_466 = tpu.memref_slice %arg6[%dma_wait3A_458, %dma_wait3A_459, %dma_wait3A_465] : memref<3x1x112xi32, #tpu.memory_space<vmem>> -> memref<1x1x112xi32, #tpu.memory_space<vmem>>
        %dma_wait3A_467 = tpu.memref_squeeze %dma_wait3A_466 : memref<1x1x112xi32, #tpu.memory_space<vmem>> -> memref<112xi32, #tpu.memory_space<vmem>>
        %dma_wait3A_468 = arith.constant 0 : i32
        %dma_wait3A_469 = arith.constant 0 : i32
        %dma_wait3A_470 = tpu.memref_slice %arg4[%dma_wait3A_468, %dma_wait3A_469] : memref<20000x128xf32, #tpu.memory_space<hbm>> -> memref<20000x128xf32, #tpu.memory_space<hbm>>
        tpu.wait_indirect_dma semaphore(%arg11 : memref<!tpu.dma_semaphore, #tpu.memory_space<semaphore_mem>>) src(%dma_wait3A_470 : memref<20000x128xf32, #tpu.memory_space<hbm>>) dst(%dma_wait3A_464 : memref<112x128xf32, #tpu.memory_space<vmem>>)
        %dma_start3A_471 = arith.constant 1 : i32
        %dma_start3A_472 = arith.constant 1 : i32
        %dma_start3A_473 = arith.constant 0 : i32
        %dma_start3A_474 = arith.constant 0 : i32
        %dma_start3A_475 = arith.constant 0 : i32
        %dma_start3A_476 = tpu.memref_slice %arg8[%dma_start3A_471, %dma_start3A_474, %dma_start3A_475] : memref<3x112x128xf32, #tpu.memory_space<vmem>> -> memref<1x112x128xf32, #tpu.memory_space<vmem>>
        %dma_start3A_477 = tpu.memref_squeeze %dma_start3A_476 : memref<1x112x128xf32, #tpu.memory_space<vmem>> -> memref<112x128xf32, #tpu.memory_space<vmem>>
        %dma_start3A_478 = arith.constant 0 : i32
        %dma_start3A_479 = tpu.memref_slice %arg7[%dma_start3A_472, %dma_start3A_473, %dma_start3A_478] : memref<3x1x112xi32, #tpu.memory_space<vmem>> -> memref<1x1x112xi32, #tpu.memory_space<vmem>>
        %dma_start3A_480 = tpu.memref_squeeze %dma_start3A_479 : memref<1x1x112xi32, #tpu.memory_space<vmem>> -> memref<112xi32, #tpu.memory_space<vmem>>
        %dma_start3A_481 = arith.constant 0 : i32
        %dma_start3A_482 = arith.constant 0 : i32
        %dma_start3A_483 = tpu.memref_slice %arg9[%dma_start3A_481, %dma_start3A_482] : memref<10240x128xf32, #tpu.memory_space<vmem_shared>> -> memref<10240x128xf32, #tpu.memory_space<vmem_shared>>
        tpu.enqueue_indirect_dma source(%dma_start3A_477 : memref<112x128xf32, #tpu.memory_space<vmem>>) target(%dma_start3A_483 : memref<10240x128xf32, #tpu.memory_space<vmem_shared>>) offsets(%dma_start3A_480 : memref<112xi32, #tpu.memory_space<vmem>>) semaphore(%arg14 : memref<!tpu.dma_semaphore, #tpu.memory_space<semaphore_mem>>) {add = true}
      } else {
      }
      %add3A_403 = arith.constant 1 : i32
      %add3A_404 = arith.addi %add3A_395, %add3A_403 : i32
      %ge3A_405 = arith.constant 180 : i32
      %ge3A_406 = arith.cmpi sge, %add3A_404, %ge3A_405 : i32
      %convert_element_type3A_407 = arith.extui %ge3A_406 : i1 to i32
      %cond3A_408 = arith.constant 0 : i32
      %cond3A_409 = arith.cmpi ne, %convert_element_type3A_407, %cond3A_408 : i32
      scf.if %cond3A_409 {
        %dma_wait3A_428 = arith.constant 1 : i32
        %dma_wait3A_429 = arith.constant 0 : i32
        %dma_wait3A_430 = arith.constant 1 : i32
        %dma_wait3A_431 = arith.constant 0 : i32
        %dma_wait3A_432 = arith.constant 0 : i32
        %dma_wait3A_433 = tpu.memref_slice %arg8[%dma_wait3A_430, %dma_wait3A_431, %dma_wait3A_432] : memref<3x112x128xf32, #tpu.memory_space<vmem>> -> memref<1x112x128xf32, #tpu.memory_space<vmem>>
        %dma_wait3A_434 = tpu.memref_squeeze %dma_wait3A_433 : memref<1x112x128xf32, #tpu.memory_space<vmem>> -> memref<112x128xf32, #tpu.memory_space<vmem>>
        %dma_wait3A_435 = arith.constant 0 : i32
        %dma_wait3A_436 = tpu.memref_slice %arg6[%dma_wait3A_428, %dma_wait3A_429, %dma_wait3A_435] : memref<3x1x112xi32, #tpu.memory_space<vmem>> -> memref<1x1x112xi32, #tpu.memory_space<vmem>>
        %dma_wait3A_437 = tpu.memref_squeeze %dma_wait3A_436 : memref<1x1x112xi32, #tpu.memory_space<vmem>> -> memref<112xi32, #tpu.memory_space<vmem>>
        %dma_wait3A_438 = arith.constant 0 : i32
        %dma_wait3A_439 = arith.constant 0 : i32
        %dma_wait3A_440 = tpu.memref_slice %arg4[%dma_wait3A_438, %dma_wait3A_439] : memref<20000x128xf32, #tpu.memory_space<hbm>> -> memref<20000x128xf32, #tpu.memory_space<hbm>>
        tpu.wait_indirect_dma semaphore(%arg11 : memref<!tpu.dma_semaphore, #tpu.memory_space<semaphore_mem>>) src(%dma_wait3A_440 : memref<20000x128xf32, #tpu.memory_space<hbm>>) dst(%dma_wait3A_434 : memref<112x128xf32, #tpu.memory_space<vmem>>)
        %dma_start3A_441 = arith.constant 1 : i32
        %dma_start3A_442 = arith.constant 1 : i32
        %dma_start3A_443 = arith.constant 0 : i32
        %dma_start3A_444 = arith.constant 0 : i32
        %dma_start3A_445 = arith.constant 0 : i32
        %dma_start3A_446 = tpu.memref_slice %arg8[%dma_start3A_441, %dma_start3A_444, %dma_start3A_445] : memref<3x112x128xf32, #tpu.memory_space<vmem>> -> memref<1x112x128xf32, #tpu.memory_space<vmem>>
        %dma_start3A_447 = tpu.memref_squeeze %dma_start3A_446 : memref<1x112x128xf32, #tpu.memory_space<vmem>> -> memref<112x128xf32, #tpu.memory_space<vmem>>
        %dma_start3A_448 = arith.constant 0 : i32
        %dma_start3A_449 = tpu.memref_slice %arg7[%dma_start3A_442, %dma_start3A_443, %dma_start3A_448] : memref<3x1x112xi32, #tpu.memory_space<vmem>> -> memref<1x1x112xi32, #tpu.memory_space<vmem>>
        %dma_start3A_450 = tpu.memref_squeeze %dma_start3A_449 : memref<1x1x112xi32, #tpu.memory_space<vmem>> -> memref<112xi32, #tpu.memory_space<vmem>>
        %dma_start3A_451 = arith.constant 0 : i32
        %dma_start3A_452 = arith.constant 0 : i32
        %dma_start3A_453 = tpu.memref_slice %arg9[%dma_start3A_451, %dma_start3A_452] : memref<10240x128xf32, #tpu.memory_space<vmem_shared>> -> memref<10240x128xf32, #tpu.memory_space<vmem_shared>>
        tpu.enqueue_indirect_dma source(%dma_start3A_447 : memref<112x128xf32, #tpu.memory_space<vmem>>) target(%dma_start3A_453 : memref<10240x128xf32, #tpu.memory_space<vmem_shared>>) offsets(%dma_start3A_450 : memref<112xi32, #tpu.memory_space<vmem>>) semaphore(%arg14 : memref<!tpu.dma_semaphore, #tpu.memory_space<semaphore_mem>>) {add = true}
      } else {
      }
      %mul3A_410 = arith.constant 3 : i32
      %mul3A_411 = arith.muli %scan3A_377, %mul3A_410 : i32
      %add3A_412 = arith.constant 2 : i32
      %add3A_413 = arith.addi %mul3A_411, %add3A_412 : i32
      %add3A_414 = arith.constant 1 : i32
      %add3A_415 = arith.addi %add3A_413, %add3A_414 : i32
      %lt3A_416 = arith.constant 180 : i32
      %lt3A_417 = arith.cmpi slt, %add3A_415, %lt3A_416 : i32
      %convert_element_type3A_418 = arith.extui %lt3A_417 : i1 to i32
      %cond3A_419 = arith.constant 0 : i32
      %cond3A_420 = arith.cmpi ne, %convert_element_type3A_418, %cond3A_419 : i32
      scf.if %cond3A_420 {
        %dma_wait3A_428 = arith.constant 0 : i32
        %dma_wait3A_429 = arith.constant 0 : i32
        %dma_wait3A_430 = arith.constant 0 : i32
        %dma_wait3A_431 = arith.constant 0 : i32
        %dma_wait3A_432 = arith.constant 0 : i32
        %dma_wait3A_433 = tpu.memref_slice %arg8[%dma_wait3A_428, %dma_wait3A_431, %dma_wait3A_432] : memref<3x112x128xf32, #tpu.memory_space<vmem>> -> memref<1x112x128xf32, #tpu.memory_space<vmem>>
        %dma_wait3A_434 = tpu.memref_squeeze %dma_wait3A_433 : memref<1x112x128xf32, #tpu.memory_space<vmem>> -> memref<112x128xf32, #tpu.memory_space<vmem>>
        %dma_wait3A_435 = arith.constant 0 : i32
        %dma_wait3A_436 = tpu.memref_slice %arg7[%dma_wait3A_429, %dma_wait3A_430, %dma_wait3A_435] : memref<3x1x112xi32, #tpu.memory_space<vmem>> -> memref<1x1x112xi32, #tpu.memory_space<vmem>>
        %dma_wait3A_437 = tpu.memref_squeeze %dma_wait3A_436 : memref<1x1x112xi32, #tpu.memory_space<vmem>> -> memref<112xi32, #tpu.memory_space<vmem>>
        %dma_wait3A_438 = arith.constant 0 : i32
        %dma_wait3A_439 = arith.constant 0 : i32
        %dma_wait3A_440 = tpu.memref_slice %arg9[%dma_wait3A_438, %dma_wait3A_439] : memref<10240x128xf32, #tpu.memory_space<vmem_shared>> -> memref<10240x128xf32, #tpu.memory_space<vmem_shared>>
        tpu.wait_indirect_dma semaphore(%arg13 : memref<!tpu.dma_semaphore, #tpu.memory_space<semaphore_mem>>) src(%dma_wait3A_434 : memref<112x128xf32, #tpu.memory_space<vmem>>) dst(%dma_wait3A_440 : memref<10240x128xf32, #tpu.memory_space<vmem_shared>>)
        %add3A_441 = arith.constant 1 : i32
        %add3A_442 = arith.addi %add3A_413, %add3A_441 : i32
        %run_scoped3A_443 = arith.constant 0 : i32
        "tpu.region"() ({
          %run_scoped3A_484 = tpu.sem_alloc : memref<!tpu.dma_semaphore, #tpu.memory_space<semaphore_mem>>
          %dma_start3A_485 = arith.constant 0 : i32
          %dma_start3A_486 = arith.constant 0 : i32
          %dma_start3A_487 = tpu.memref_slice %arg6[%run_scoped3A_443, %dma_start3A_485, %dma_start3A_486] : memref<3x1x112xi32, #tpu.memory_space<vmem>> -> memref<1x1x112xi32, #tpu.memory_space<vmem>>
          %dma_start3A_488 = tpu.memref_squeeze %dma_start3A_487 : memref<1x1x112xi32, #tpu.memory_space<vmem>> -> memref<1x112xi32, #tpu.memory_space<vmem>>
          %dma_start3A_489 = arith.constant 0 : i32
          %dma_start3A_490 = arith.constant 0 : i32
          %dma_start3A_491 = tpu.memref_slice %arg2[%arg0, %arg1, %add3A_442, %dma_start3A_489, %dma_start3A_490] : memref<2x16x180x1x112xi32, #tpu.memory_space<hbm>> -> memref<1x1x1x1x112xi32, #tpu.memory_space<hbm>>
          %dma_start3A_492 = tpu.memref_squeeze %dma_start3A_491 : memref<1x1x1x1x112xi32, #tpu.memory_space<hbm>> -> memref<1x112xi32, #tpu.memory_space<hbm>>
          %dma_start3A_493 = arith.constant 0 : i32
          %dma_start3A_494 = arith.constant 0 : i32
          %dma_start3A_495 = tpu.memref_slice %arg6[%run_scoped3A_443, %dma_start3A_493, %dma_start3A_494] : memref<3x1x112xi32, #tpu.memory_space<vmem>> -> memref<1x1x112xi32, #tpu.memory_space<vmem>>
          %dma_start3A_496 = tpu.memref_squeeze %dma_start3A_495 : memref<1x1x112xi32, #tpu.memory_space<vmem>> -> memref<1x112xi32, #tpu.memory_space<vmem>>
          %dma_start3A_497 = arith.constant 0 : i32
          %dma_start3A_498 = arith.constant 0 : i32
          %dma_start3A_499 = tpu.memref_slice %arg2[%arg0, %arg1, %add3A_442, %dma_start3A_497, %dma_start3A_498] : memref<2x16x180x1x112xi32, #tpu.memory_space<hbm>> -> memref<1x1x1x1x112xi32, #tpu.memory_space<hbm>>
          %dma_start3A_500 = tpu.memref_squeeze %dma_start3A_499 : memref<1x1x1x1x112xi32, #tpu.memory_space<hbm>> -> memref<1x112xi32, #tpu.memory_space<hbm>>
          tpu.enqueue_dma source(%dma_start3A_500 : memref<1x112xi32, #tpu.memory_space<hbm>>) target(%dma_start3A_496 : memref<1x112xi32, #tpu.memory_space<vmem>>) target_semaphore(%run_scoped3A_484 : memref<!tpu.dma_semaphore, #tpu.memory_space<semaphore_mem>>)
          %dma_wait3A_501 = arith.constant 0 : i32
          %dma_wait3A_502 = arith.constant 0 : i32
          %dma_wait3A_503 = tpu.memref_slice %arg6[%run_scoped3A_443, %dma_wait3A_501, %dma_wait3A_502] : memref<3x1x112xi32, #tpu.memory_space<vmem>> -> memref<1x1x112xi32, #tpu.memory_space<vmem>>
          %dma_wait3A_504 = tpu.memref_squeeze %dma_wait3A_503 : memref<1x1x112xi32, #tpu.memory_space<vmem>> -> memref<1x112xi32, #tpu.memory_space<vmem>>
          %dma_wait3A_505 = arith.constant 0 : i32
          %dma_wait3A_506 = arith.constant 0 : i32
          %dma_wait3A_507 = tpu.memref_slice %arg2[%arg0, %arg1, %add3A_442, %dma_wait3A_505, %dma_wait3A_506] : memref<2x16x180x1x112xi32, #tpu.memory_space<hbm>> -> memref<1x1x1x1x112xi32, #tpu.memory_space<hbm>>
          %dma_wait3A_508 = tpu.memref_squeeze %dma_wait3A_507 : memref<1x1x1x1x112xi32, #tpu.memory_space<hbm>> -> memref<1x112xi32, #tpu.memory_space<hbm>>
          %dma_wait3A_509 = arith.constant 0 : i32
          %dma_wait3A_510 = arith.constant 0 : i32
          %dma_wait3A_511 = tpu.memref_slice %arg6[%run_scoped3A_443, %dma_wait3A_509, %dma_wait3A_510] : memref<3x1x112xi32, #tpu.memory_space<vmem>> -> memref<1x1x112xi32, #tpu.memory_space<vmem>>
          %dma_wait3A_512 = tpu.memref_squeeze %dma_wait3A_511 : memref<1x1x112xi32, #tpu.memory_space<vmem>> -> memref<1x112xi32, #tpu.memory_space<vmem>>
          %dma_wait3A_513 = arith.constant 0 : i32
          %dma_wait3A_514 = arith.constant 0 : i32
          %dma_wait3A_515 = tpu.memref_slice %arg2[%arg0, %arg1, %add3A_442, %dma_wait3A_513, %dma_wait3A_514] : memref<2x16x180x1x112xi32, #tpu.memory_space<hbm>> -> memref<1x1x1x1x112xi32, #tpu.memory_space<hbm>>
          %dma_wait3A_516 = tpu.memref_squeeze %dma_wait3A_515 : memref<1x1x1x1x112xi32, #tpu.memory_space<hbm>> -> memref<1x112xi32, #tpu.memory_space<hbm>>
          tpu.wait_dma2 semaphore(%run_scoped3A_484 : memref<!tpu.dma_semaphore, #tpu.memory_space<semaphore_mem>>) src(%dma_wait3A_516 : memref<1x112xi32, #tpu.memory_space<hbm>>) dst(%dma_wait3A_512 : memref<1x112xi32, #tpu.memory_space<vmem>>)
          tpu.yield
        }) : () -> ()
        %run_scoped3A_444 = arith.constant 0 : i32
        "tpu.region"() ({
          %run_scoped3A_484 = tpu.sem_alloc : memref<!tpu.dma_semaphore, #tpu.memory_space<semaphore_mem>>
          %dma_start3A_485 = arith.constant 0 : i32
          %dma_start3A_486 = arith.constant 0 : i32
          %dma_start3A_487 = tpu.memref_slice %arg7[%run_scoped3A_444, %dma_start3A_485, %dma_start3A_486] : memref<3x1x112xi32, #tpu.memory_space<vmem>> -> memref<1x1x112xi32, #tpu.memory_space<vmem>>
          %dma_start3A_488 = tpu.memref_squeeze %dma_start3A_487 : memref<1x1x112xi32, #tpu.memory_space<vmem>> -> memref<1x112xi32, #tpu.memory_space<vmem>>
          %dma_start3A_489 = arith.constant 0 : i32
          %dma_start3A_490 = arith.constant 0 : i32
          %dma_start3A_491 = tpu.memref_slice %arg3[%arg1, %add3A_442, %dma_start3A_489, %dma_start3A_490] : memref<16x180x1x112xi32, #tpu.memory_space<hbm>> -> memref<1x1x1x112xi32, #tpu.memory_space<hbm>>
          %dma_start3A_492 = tpu.memref_squeeze %dma_start3A_491 : memref<1x1x1x112xi32, #tpu.memory_space<hbm>> -> memref<1x112xi32, #tpu.memory_space<hbm>>
          %dma_start3A_493 = arith.constant 0 : i32
          %dma_start3A_494 = arith.constant 0 : i32
          %dma_start3A_495 = tpu.memref_slice %arg7[%run_scoped3A_444, %dma_start3A_493, %dma_start3A_494] : memref<3x1x112xi32, #tpu.memory_space<vmem>> -> memref<1x1x112xi32, #tpu.memory_space<vmem>>
          %dma_start3A_496 = tpu.memref_squeeze %dma_start3A_495 : memref<1x1x112xi32, #tpu.memory_space<vmem>> -> memref<1x112xi32, #tpu.memory_space<vmem>>
          %dma_start3A_497 = arith.constant 0 : i32
          %dma_start3A_498 = arith.constant 0 : i32
          %dma_start3A_499 = tpu.memref_slice %arg3[%arg1, %add3A_442, %dma_start3A_497, %dma_start3A_498] : memref<16x180x1x112xi32, #tpu.memory_space<hbm>> -> memref<1x1x1x112xi32, #tpu.memory_space<hbm>>
          %dma_start3A_500 = tpu.memref_squeeze %dma_start3A_499 : memref<1x1x1x112xi32, #tpu.memory_space<hbm>> -> memref<1x112xi32, #tpu.memory_space<hbm>>
          tpu.enqueue_dma source(%dma_start3A_500 : memref<1x112xi32, #tpu.memory_space<hbm>>) target(%dma_start3A_496 : memref<1x112xi32, #tpu.memory_space<vmem>>) target_semaphore(%run_scoped3A_484 : memref<!tpu.dma_semaphore, #tpu.memory_space<semaphore_mem>>)
          %dma_wait3A_501 = arith.constant 0 : i32
          %dma_wait3A_502 = arith.constant 0 : i32
          %dma_wait3A_503 = tpu.memref_slice %arg7[%run_scoped3A_444, %dma_wait3A_501, %dma_wait3A_502] : memref<3x1x112xi32, #tpu.memory_space<vmem>> -> memref<1x1x112xi32, #tpu.memory_space<vmem>>
          %dma_wait3A_504 = tpu.memref_squeeze %dma_wait3A_503 : memref<1x1x112xi32, #tpu.memory_space<vmem>> -> memref<1x112xi32, #tpu.memory_space<vmem>>
          %dma_wait3A_505 = arith.constant 0 : i32
          %dma_wait3A_506 = arith.constant 0 : i32
          %dma_wait3A_507 = tpu.memref_slice %arg3[%arg1, %add3A_442, %dma_wait3A_505, %dma_wait3A_506] : memref<16x180x1x112xi32, #tpu.memory_space<hbm>> -> memref<1x1x1x112xi32, #tpu.memory_space<hbm>>
          %dma_wait3A_508 = tpu.memref_squeeze %dma_wait3A_507 : memref<1x1x1x112xi32, #tpu.memory_space<hbm>> -> memref<1x112xi32, #tpu.memory_space<hbm>>
          %dma_wait3A_509 = arith.constant 0 : i32
          %dma_wait3A_510 = arith.constant 0 : i32
          %dma_wait3A_511 = tpu.memref_slice %arg7[%run_scoped3A_444, %dma_wait3A_509, %dma_wait3A_510] : memref<3x1x112xi32, #tpu.memory_space<vmem>> -> memref<1x1x112xi32, #tpu.memory_space<vmem>>
          %dma_wait3A_512 = tpu.memref_squeeze %dma_wait3A_511 : memref<1x1x112xi32, #tpu.memory_space<vmem>> -> memref<1x112xi32, #tpu.memory_space<vmem>>
          %dma_wait3A_513 = arith.constant 0 : i32
          %dma_wait3A_514 = arith.constant 0 : i32
          %dma_wait3A_515 = tpu.memref_slice %arg3[%arg1, %add3A_442, %dma_wait3A_513, %dma_wait3A_514] : memref<16x180x1x112xi32, #tpu.memory_space<hbm>> -> memref<1x1x1x112xi32, #tpu.memory_space<hbm>>
          %dma_wait3A_516 = tpu.memref_squeeze %dma_wait3A_515 : memref<1x1x1x112xi32, #tpu.memory_space<hbm>> -> memref<1x112xi32, #tpu.memory_space<hbm>>
          tpu.wait_dma2 semaphore(%run_scoped3A_484 : memref<!tpu.dma_semaphore, #tpu.memory_space<semaphore_mem>>) src(%dma_wait3A_516 : memref<1x112xi32, #tpu.memory_space<hbm>>) dst(%dma_wait3A_512 : memref<1x112xi32, #tpu.memory_space<vmem>>)
          tpu.yield
        }) : () -> ()
        %dma_start3A_445 = arith.constant 0 : i32
        %dma_start3A_446 = arith.constant 0 : i32
        %dma_start3A_447 = arith.constant 0 : i32
        %dma_start3A_448 = arith.constant 0 : i32
        %dma_start3A_449 = arith.constant 0 : i32
        %dma_start3A_450 = tpu.memref_slice %arg8[%dma_start3A_447, %dma_start3A_448, %dma_start3A_449] : memref<3x112x128xf32, #tpu.memory_space<vmem>> -> memref<1x112x128xf32, #tpu.memory_space<vmem>>
        %dma_start3A_451 = tpu.memref_squeeze %dma_start3A_450 : memref<1x112x128xf32, #tpu.memory_space<vmem>> -> memref<112x128xf32, #tpu.memory_space<vmem>>
        %dma_start3A_452 = arith.constant 0 : i32
        %dma_start3A_453 = tpu.memref_slice %arg6[%dma_start3A_445, %dma_start3A_446, %dma_start3A_452] : memref<3x1x112xi32, #tpu.memory_space<vmem>> -> memref<1x1x112xi32, #tpu.memory_space<vmem>>
        %dma_start3A_454 = tpu.memref_squeeze %dma_start3A_453 : memref<1x1x112xi32, #tpu.memory_space<vmem>> -> memref<112xi32, #tpu.memory_space<vmem>>
        %dma_start3A_455 = arith.constant 0 : i32
        %dma_start3A_456 = arith.constant 0 : i32
        %dma_start3A_457 = tpu.memref_slice %arg4[%dma_start3A_455, %dma_start3A_456] : memref<20000x128xf32, #tpu.memory_space<hbm>> -> memref<20000x128xf32, #tpu.memory_space<hbm>>
        tpu.enqueue_indirect_dma source(%dma_start3A_457 : memref<20000x128xf32, #tpu.memory_space<hbm>>) target(%dma_start3A_451 : memref<112x128xf32, #tpu.memory_space<vmem>>) offsets(%dma_start3A_454 : memref<112xi32, #tpu.memory_space<vmem>>) semaphore(%arg10 : memref<!tpu.dma_semaphore, #tpu.memory_space<semaphore_mem>>)
        %dma_wait3A_458 = arith.constant 2 : i32
        %dma_wait3A_459 = arith.constant 0 : i32
        %dma_wait3A_460 = arith.constant 2 : i32
        %dma_wait3A_461 = arith.constant 0 : i32
        %dma_wait3A_462 = arith.constant 0 : i32
        %dma_wait3A_463 = tpu.memref_slice %arg8[%dma_wait3A_460, %dma_wait3A_461, %dma_wait3A_462] : memref<3x112x128xf32, #tpu.memory_space<vmem>> -> memref<1x112x128xf32, #tpu.memory_space<vmem>>
        %dma_wait3A_464 = tpu.memref_squeeze %dma_wait3A_463 : memref<1x112x128xf32, #tpu.memory_space<vmem>> -> memref<112x128xf32, #tpu.memory_space<vmem>>
        %dma_wait3A_465 = arith.constant 0 : i32
        %dma_wait3A_466 = tpu.memref_slice %arg6[%dma_wait3A_458, %dma_wait3A_459, %dma_wait3A_465] : memref<3x1x112xi32, #tpu.memory_space<vmem>> -> memref<1x1x112xi32, #tpu.memory_space<vmem>>
        %dma_wait3A_467 = tpu.memref_squeeze %dma_wait3A_466 : memref<1x1x112xi32, #tpu.memory_space<vmem>> -> memref<112xi32, #tpu.memory_space<vmem>>
        %dma_wait3A_468 = arith.constant 0 : i32
        %dma_wait3A_469 = arith.constant 0 : i32
        %dma_wait3A_470 = tpu.memref_slice %arg4[%dma_wait3A_468, %dma_wait3A_469] : memref<20000x128xf32, #tpu.memory_space<hbm>> -> memref<20000x128xf32, #tpu.memory_space<hbm>>
        tpu.wait_indirect_dma semaphore(%arg12 : memref<!tpu.dma_semaphore, #tpu.memory_space<semaphore_mem>>) src(%dma_wait3A_470 : memref<20000x128xf32, #tpu.memory_space<hbm>>) dst(%dma_wait3A_464 : memref<112x128xf32, #tpu.memory_space<vmem>>)
        %dma_start3A_471 = arith.constant 2 : i32
        %dma_start3A_472 = arith.constant 2 : i32
        %dma_start3A_473 = arith.constant 0 : i32
        %dma_start3A_474 = arith.constant 0 : i32
        %dma_start3A_475 = arith.constant 0 : i32
        %dma_start3A_476 = tpu.memref_slice %arg8[%dma_start3A_471, %dma_start3A_474, %dma_start3A_475] : memref<3x112x128xf32, #tpu.memory_space<vmem>> -> memref<1x112x128xf32, #tpu.memory_space<vmem>>
        %dma_start3A_477 = tpu.memref_squeeze %dma_start3A_476 : memref<1x112x128xf32, #tpu.memory_space<vmem>> -> memref<112x128xf32, #tpu.memory_space<vmem>>
        %dma_start3A_478 = arith.constant 0 : i32
        %dma_start3A_479 = tpu.memref_slice %arg7[%dma_start3A_472, %dma_start3A_473, %dma_start3A_478] : memref<3x1x112xi32, #tpu.memory_space<vmem>> -> memref<1x1x112xi32, #tpu.memory_space<vmem>>
        %dma_start3A_480 = tpu.memref_squeeze %dma_start3A_479 : memref<1x1x112xi32, #tpu.memory_space<vmem>> -> memref<112xi32, #tpu.memory_space<vmem>>
        %dma_start3A_481 = arith.constant 0 : i32
        %dma_start3A_482 = arith.constant 0 : i32
        %dma_start3A_483 = tpu.memref_slice %arg9[%dma_start3A_481, %dma_start3A_482] : memref<10240x128xf32, #tpu.memory_space<vmem_shared>> -> memref<10240x128xf32, #tpu.memory_space<vmem_shared>>
        tpu.enqueue_indirect_dma source(%dma_start3A_477 : memref<112x128xf32, #tpu.memory_space<vmem>>) target(%dma_start3A_483 : memref<10240x128xf32, #tpu.memory_space<vmem_shared>>) offsets(%dma_start3A_480 : memref<112xi32, #tpu.memory_space<vmem>>) semaphore(%arg15 : memref<!tpu.dma_semaphore, #tpu.memory_space<semaphore_mem>>) {add = true}
      } else {
      }
      %add3A_421 = arith.constant 1 : i32
      %add3A_422 = arith.addi %add3A_413, %add3A_421 : i32
      %ge3A_423 = arith.constant 180 : i32
      %ge3A_424 = arith.cmpi sge, %add3A_422, %ge3A_423 : i32
      %convert_element_type3A_425 = arith.extui %ge3A_424 : i1 to i32
      %cond3A_426 = arith.constant 0 : i32
      %cond3A_427 = arith.cmpi ne, %convert_element_type3A_425, %cond3A_426 : i32
      scf.if %cond3A_427 {
        %dma_wait3A_428 = arith.constant 2 : i32
        %dma_wait3A_429 = arith.constant 0 : i32
        %dma_wait3A_430 = arith.constant 2 : i32
        %dma_wait3A_431 = arith.constant 0 : i32
        %dma_wait3A_432 = arith.constant 0 : i32
        %dma_wait3A_433 = tpu.memref_slice %arg8[%dma_wait3A_430, %dma_wait3A_431, %dma_wait3A_432] : memref<3x112x128xf32, #tpu.memory_space<vmem>> -> memref<1x112x128xf32, #tpu.memory_space<vmem>>
        %dma_wait3A_434 = tpu.memref_squeeze %dma_wait3A_433 : memref<1x112x128xf32, #tpu.memory_space<vmem>> -> memref<112x128xf32, #tpu.memory_space<vmem>>
        %dma_wait3A_435 = arith.constant 0 : i32
        %dma_wait3A_436 = tpu.memref_slice %arg6[%dma_wait3A_428, %dma_wait3A_429, %dma_wait3A_435] : memref<3x1x112xi32, #tpu.memory_space<vmem>> -> memref<1x1x112xi32, #tpu.memory_space<vmem>>
        %dma_wait3A_437 = tpu.memref_squeeze %dma_wait3A_436 : memref<1x1x112xi32, #tpu.memory_space<vmem>> -> memref<112xi32, #tpu.memory_space<vmem>>
        %dma_wait3A_438 = arith.constant 0 : i32
        %dma_wait3A_439 = arith.constant 0 : i32
        %dma_wait3A_440 = tpu.memref_slice %arg4[%dma_wait3A_438, %dma_wait3A_439] : memref<20000x128xf32, #tpu.memory_space<hbm>> -> memref<20000x128xf32, #tpu.memory_space<hbm>>
        tpu.wait_indirect_dma semaphore(%arg12 : memref<!tpu.dma_semaphore, #tpu.memory_space<semaphore_mem>>) src(%dma_wait3A_440 : memref<20000x128xf32, #tpu.memory_space<hbm>>) dst(%dma_wait3A_434 : memref<112x128xf32, #tpu.memory_space<vmem>>)
        %dma_start3A_441 = arith.constant 2 : i32
        %dma_start3A_442 = arith.constant 2 : i32
        %dma_start3A_443 = arith.constant 0 : i32
        %dma_start3A_444 = arith.constant 0 : i32
        %dma_start3A_445 = arith.constant 0 : i32
        %dma_start3A_446 = tpu.memref_slice %arg8[%dma_start3A_441, %dma_start3A_444, %dma_start3A_445] : memref<3x112x128xf32, #tpu.memory_space<vmem>> -> memref<1x112x128xf32, #tpu.memory_space<vmem>>
        %dma_start3A_447 = tpu.memref_squeeze %dma_start3A_446 : memref<1x112x128xf32, #tpu.memory_space<vmem>> -> memref<112x128xf32, #tpu.memory_space<vmem>>
        %dma_start3A_448 = arith.constant 0 : i32
        %dma_start3A_449 = tpu.memref_slice %arg7[%dma_start3A_442, %dma_start3A_443, %dma_start3A_448] : memref<3x1x112xi32, #tpu.memory_space<vmem>> -> memref<1x1x112xi32, #tpu.memory_space<vmem>>
        %dma_start3A_450 = tpu.memref_squeeze %dma_start3A_449 : memref<1x1x112xi32, #tpu.memory_space<vmem>> -> memref<112xi32, #tpu.memory_space<vmem>>
        %dma_start3A_451 = arith.constant 0 : i32
        %dma_start3A_452 = arith.constant 0 : i32
        %dma_start3A_453 = tpu.memref_slice %arg9[%dma_start3A_451, %dma_start3A_452] : memref<10240x128xf32, #tpu.memory_space<vmem_shared>> -> memref<10240x128xf32, #tpu.memory_space<vmem_shared>>
        tpu.enqueue_indirect_dma source(%dma_start3A_447 : memref<112x128xf32, #tpu.memory_space<vmem>>) target(%dma_start3A_453 : memref<10240x128xf32, #tpu.memory_space<vmem_shared>>) offsets(%dma_start3A_450 : memref<112xi32, #tpu.memory_space<vmem>>) semaphore(%arg15 : memref<!tpu.dma_semaphore, #tpu.memory_space<semaphore_mem>>) {add = true}
      } else {
      }
    }
    %scan3A_332 = arith.constant 60 : i32
    %dma_wait3A_333 = arith.constant 0 : i32
    %dma_wait3A_334 = arith.constant 0 : i32
    %dma_wait3A_335 = arith.constant 0 : i32
    %dma_wait3A_336 = arith.constant 0 : i32
    %dma_wait3A_337 = arith.constant 0 : i32
    %dma_wait3A_338 = tpu.memref_slice %arg8[%dma_wait3A_333, %dma_wait3A_336, %dma_wait3A_337] : memref<3x112x128xf32, #tpu.memory_space<vmem>> -> memref<1x112x128xf32, #tpu.memory_space<vmem>>
    %dma_wait3A_339 = tpu.memref_squeeze %dma_wait3A_338 : memref<1x112x128xf32, #tpu.memory_space<vmem>> -> memref<112x128xf32, #tpu.memory_space<vmem>>
    %dma_wait3A_340 = arith.constant 0 : i32
    %dma_wait3A_341 = tpu.memref_slice %arg7[%dma_wait3A_334, %dma_wait3A_335, %dma_wait3A_340] : memref<3x1x112xi32, #tpu.memory_space<vmem>> -> memref<1x1x112xi32, #tpu.memory_space<vmem>>
    %dma_wait3A_342 = tpu.memref_squeeze %dma_wait3A_341 : memref<1x1x112xi32, #tpu.memory_space<vmem>> -> memref<112xi32, #tpu.memory_space<vmem>>
    %dma_wait3A_343 = arith.constant 0 : i32
    %dma_wait3A_344 = arith.constant 0 : i32
    %dma_wait3A_345 = tpu.memref_slice %arg9[%dma_wait3A_343, %dma_wait3A_344] : memref<10240x128xf32, #tpu.memory_space<vmem_shared>> -> memref<10240x128xf32, #tpu.memory_space<vmem_shared>>
    tpu.wait_indirect_dma semaphore(%arg13 : memref<!tpu.dma_semaphore, #tpu.memory_space<semaphore_mem>>) src(%dma_wait3A_339 : memref<112x128xf32, #tpu.memory_space<vmem>>) dst(%dma_wait3A_345 : memref<10240x128xf32, #tpu.memory_space<vmem_shared>>)
    %dma_wait3A_346 = arith.constant 1 : i32
    %dma_wait3A_347 = arith.constant 1 : i32
    %dma_wait3A_348 = arith.constant 0 : i32
    %dma_wait3A_349 = arith.constant 0 : i32
    %dma_wait3A_350 = arith.constant 0 : i32
    %dma_wait3A_351 = tpu.memref_slice %arg8[%dma_wait3A_346, %dma_wait3A_349, %dma_wait3A_350] : memref<3x112x128xf32, #tpu.memory_space<vmem>> -> memref<1x112x128xf32, #tpu.memory_space<vmem>>
    %dma_wait3A_352 = tpu.memref_squeeze %dma_wait3A_351 : memref<1x112x128xf32, #tpu.memory_space<vmem>> -> memref<112x128xf32, #tpu.memory_space<vmem>>
    %dma_wait3A_353 = arith.constant 0 : i32
    %dma_wait3A_354 = tpu.memref_slice %arg7[%dma_wait3A_347, %dma_wait3A_348, %dma_wait3A_353] : memref<3x1x112xi32, #tpu.memory_space<vmem>> -> memref<1x1x112xi32, #tpu.memory_space<vmem>>
    %dma_wait3A_355 = tpu.memref_squeeze %dma_wait3A_354 : memref<1x1x112xi32, #tpu.memory_space<vmem>> -> memref<112xi32, #tpu.memory_space<vmem>>
    %dma_wait3A_356 = arith.constant 0 : i32
    %dma_wait3A_357 = arith.constant 0 : i32
    %dma_wait3A_358 = tpu.memref_slice %arg9[%dma_wait3A_356, %dma_wait3A_357] : memref<10240x128xf32, #tpu.memory_space<vmem_shared>> -> memref<10240x128xf32, #tpu.memory_space<vmem_shared>>
    tpu.wait_indirect_dma semaphore(%arg14 : memref<!tpu.dma_semaphore, #tpu.memory_space<semaphore_mem>>) src(%dma_wait3A_352 : memref<112x128xf32, #tpu.memory_space<vmem>>) dst(%dma_wait3A_358 : memref<10240x128xf32, #tpu.memory_space<vmem_shared>>)
    %dma_wait3A_359 = arith.constant 2 : i32
    %dma_wait3A_360 = arith.constant 2 : i32
    %dma_wait3A_361 = arith.constant 0 : i32
    %dma_wait3A_362 = arith.constant 0 : i32
    %dma_wait3A_363 = arith.constant 0 : i32
    %dma_wait3A_364 = tpu.memref_slice %arg8[%dma_wait3A_359, %dma_wait3A_362, %dma_wait3A_363] : memref<3x112x128xf32, #tpu.memory_space<vmem>> -> memref<1x112x128xf32, #tpu.memory_space<vmem>>
    %dma_wait3A_365 = tpu.memref_squeeze %dma_wait3A_364 : memref<1x112x128xf32, #tpu.memory_space<vmem>> -> memref<112x128xf32, #tpu.memory_space<vmem>>
    %dma_wait3A_366 = arith.constant 0 : i32
    %dma_wait3A_367 = tpu.memref_slice %arg7[%dma_wait3A_360, %dma_wait3A_361, %dma_wait3A_366] : memref<3x1x112xi32, #tpu.memory_space<vmem>> -> memref<1x1x112xi32, #tpu.memory_space<vmem>>
    %dma_wait3A_368 = tpu.memref_squeeze %dma_wait3A_367 : memref<1x1x112xi32, #tpu.memory_space<vmem>> -> memref<112xi32, #tpu.memory_space<vmem>>
    %dma_wait3A_369 = arith.constant 0 : i32
    %dma_wait3A_370 = arith.constant 0 : i32
    %dma_wait3A_371 = tpu.memref_slice %arg9[%dma_wait3A_369, %dma_wait3A_370] : memref<10240x128xf32, #tpu.memory_space<vmem_shared>> -> memref<10240x128xf32, #tpu.memory_space<vmem_shared>>
    tpu.wait_indirect_dma semaphore(%arg15 : memref<!tpu.dma_semaphore, #tpu.memory_space<semaphore_mem>>) src(%dma_wait3A_365 : memref<112x128xf32, #tpu.memory_space<vmem>>) dst(%dma_wait3A_371 : memref<10240x128xf32, #tpu.memory_space<vmem_shared>>)
    %barrier3A_372 = arith.constant 0 : index
    tpu.barrier barrier_id(%barrier3A_372)
    %mul3A_373 = arith.constant 640 : i32
    %mul3A_374 = arith.muli %arg1, %mul3A_373 : i32
    %mul3A_375 = arith.constant 640 : i32
    %mul3A_376 = arith.muli %arg1, %mul3A_375 : i32
    "tpu.region"() ({
      %run_scoped3A_377 = tpu.sem_alloc : memref<!tpu.dma_semaphore, #tpu.memory_space<semaphore_mem>>
      %dma_start3A_378 = arith.constant 0 : i32
      %dma_start3A_379 = tpu.memref_slice %arg5[%arg0, %mul3A_376, %dma_start3A_378] : memref<2x10240x128xf32, #tpu.memory_space<hbm>> -> memref<1x640x128xf32, #tpu.memory_space<hbm>>
      %dma_start3A_380 = tpu.memref_squeeze %dma_start3A_379 : memref<1x640x128xf32, #tpu.memory_space<hbm>> -> memref<640x128xf32, #tpu.memory_space<hbm>>
      %dma_start3A_381 = arith.constant 0 : i32
      %dma_start3A_382 = tpu.memref_slice %arg9[%mul3A_374, %dma_start3A_381] : memref<10240x128xf32, #tpu.memory_space<vmem_shared>> -> memref<640x128xf32, #tpu.memory_space<vmem_shared>>
      tpu.enqueue_dma source(%dma_start3A_382 : memref<640x128xf32, #tpu.memory_space<vmem_shared>>) target(%dma_start3A_380 : memref<640x128xf32, #tpu.memory_space<hbm>>) target_semaphore(%run_scoped3A_377 : memref<!tpu.dma_semaphore, #tpu.memory_space<semaphore_mem>>)
      %dma_wait3A_383 = arith.constant 0 : i32
      %dma_wait3A_384 = tpu.memref_slice %arg5[%arg0, %mul3A_376, %dma_wait3A_383] : memref<2x10240x128xf32, #tpu.memory_space<hbm>> -> memref<1x640x128xf32, #tpu.memory_space<hbm>>
      %dma_wait3A_385 = tpu.memref_squeeze %dma_wait3A_384 : memref<1x640x128xf32, #tpu.memory_space<hbm>> -> memref<640x128xf32, #tpu.memory_space<hbm>>
      %dma_wait3A_386 = arith.constant 0 : i32
      %dma_wait3A_387 = tpu.memref_slice %arg9[%mul3A_374, %dma_wait3A_386] : memref<10240x128xf32, #tpu.memory_space<vmem_shared>> -> memref<640x128xf32, #tpu.memory_space<vmem_shared>>
      tpu.wait_dma2 semaphore(%run_scoped3A_377 : memref<!tpu.dma_semaphore, #tpu.memory_space<semaphore_mem>>) src(%dma_wait3A_387 : memref<640x128xf32, #tpu.memory_space<vmem_shared>>) dst(%dma_wait3A_385 : memref<640x128xf32, #tpu.memory_space<hbm>>)
      tpu.yield
    }) : () -> ()
    return
  }
}

module attributes {stable_mosaic.version = 14 : i64} {
  func.func @_tc_a_body(%arg0: i32, %arg1: memref<1000x128xf32, #tpu.memory_space<vmem>>, %arg2: memref<128x256xf32, #tpu.memory_space<vmem>>, %arg3: memref<1000x2xf32, #tpu.memory_space<vmem>>, %arg4: memref<2x1000x128xf32, #tpu.memory_space<vmem>>, %arg5: memref<1000x1xf32, #tpu.memory_space<vmem>>) attributes {dimension_semantics = [#tpu.dimension_semantics<arbitrary>], iteration_bounds = array<i64: 10>, scalar_prefetch = 0 : i64, scratch_operands = 0 : i64, tpu.core_type = #tpu.core_type<tc>, window_params = [{transform_indices = @transform_0, window_bounds = array<i64: 1000, 128>}, {pipeline_mode = #tpu.pipeline_mode<synchronous>, transform_indices = @transform_1, window_bounds = array<i64: 128, 256>}, {transform_indices = @transform_2, window_bounds = array<i64: 1000, 2>}, {transform_indices = @transform_3, window_bounds = array<i64: 2, 1000, 128>}, {transform_indices = @transform_4, window_bounds = array<i64: 1000, 1>}]} {
    %get3A = arith.constant 0 : index
    %get3A_0 = arith.constant 0 : index
    %get3A_1 = vector.load %arg3[%get3A, %get3A_0] : memref<1000x2xf32, #tpu.memory_space<vmem>>, vector<1000x1xf32>
    %get3A_2 = vector.shape_cast %get3A_1 : vector<1000x1xf32> to vector<1000xf32>
    %get3A_3 = arith.constant 0 : index
    %get3A_4 = arith.constant 1 : index
    %get3A_5 = vector.load %arg3[%get3A_3, %get3A_4] : memref<1000x2xf32, #tpu.memory_space<vmem>>, vector<1000x1xf32>
    %get3A_6 = vector.shape_cast %get3A_5 : vector<1000x1xf32> to vector<1000xf32>
    %add3A = arith.addf %get3A_2, %get3A_6 : vector<1000xf32>
    %add3A_7 = arith.constant 1.000000e+00 : f32
    %add3A_8 = vector.broadcast %add3A_7 : f32 to vector<1000xf32>
    %add3A_9 = arith.addf %add3A, %add3A_8 : vector<1000xf32>
    %rsqrt3A = math.rsqrt %add3A_9 : vector<1000xf32>
    %broadcast_in_dim3A = vector.shape_cast %rsqrt3A : vector<1000xf32> to vector<1000x1xf32>
    %get3A_10 = arith.constant 0 : index
    %get3A_11 = arith.constant 0 : index
    %get3A_12 = vector.load %arg1[%get3A_10, %get3A_11] : memref<1000x128xf32, #tpu.memory_space<vmem>>, vector<1000x128xf32>
    %get3A_13 = arith.constant 0 : index
    %get3A_14 = arith.constant 0 : index
    %get3A_15 = vector.load %arg2[%get3A_13, %get3A_14] : memref<128x256xf32, #tpu.memory_space<vmem>>, vector<128x256xf32>
    %dot_general3A = arith.constant dense<0.000000e+00> : vector<1000x256xf32>
    %dot_general3A_16 = tpu.matmul %get3A_12, %get3A_15, %dot_general3A {dimension_numbers = #tpu.dot_dimension_numbers<[1], [0], [0], [1], [0, 0, 1, 1], [], []>, transpose_lhs_hint = false} : vector<1000x128xf32>, vector<128x256xf32>, vector<1000x256xf32> -> vector<1000x256xf32>
    %mul3A = vector.broadcast %broadcast_in_dim3A : vector<1000x1xf32> to vector<1000x256xf32>
    %mul3A_17 = arith.mulf %dot_general3A_16, %mul3A : vector<1000x256xf32>
    %slice3A = vector.extract_strided_slice %mul3A_17 {offsets = [0, 0], sizes = [1000, 128], strides = [1, 1]} : vector<1000x256xf32> to vector<1000x128xf32>
    %swap3A = arith.constant 0 : index
    %swap3A_18 = arith.constant 0 : index
    %swap3A_19 = arith.constant 0 : index
    %swap3A_20 = vector.load %arg4[%swap3A, %swap3A_18, %swap3A_19] : memref<2x1000x128xf32, #tpu.memory_space<vmem>>, vector<1x1000x128xf32>
    %swap3A_21 = vector.shape_cast %swap3A_20 : vector<1x1000x128xf32> to vector<1000x128xf32>
    %swap3A_22 = vector.shape_cast %slice3A : vector<1000x128xf32> to vector<1x1000x128xf32>
    tpu.vector_store %arg4[%swap3A, %swap3A_18, %swap3A_19], %swap3A_22 {strides = array<i32>} : memref<2x1000x128xf32, #tpu.memory_space<vmem>>, vector<1x1000x128xf32>,
    %slice3A_23 = vector.extract_strided_slice %mul3A_17 {offsets = [0, 128], sizes = [1000, 128], strides = [1, 1]} : vector<1000x256xf32> to vector<1000x128xf32>
    %swap3A_24 = arith.constant 1 : index
    %swap3A_25 = arith.constant 0 : index
    %swap3A_26 = arith.constant 0 : index
    %swap3A_27 = vector.load %arg4[%swap3A_24, %swap3A_25, %swap3A_26] : memref<2x1000x128xf32, #tpu.memory_space<vmem>>, vector<1x1000x128xf32>
    %swap3A_28 = vector.shape_cast %swap3A_27 : vector<1x1000x128xf32> to vector<1000x128xf32>
    %swap3A_29 = vector.shape_cast %slice3A_23 : vector<1000x128xf32> to vector<1x1000x128xf32>
    tpu.vector_store %arg4[%swap3A_24, %swap3A_25, %swap3A_26], %swap3A_29 {strides = array<i32>} : memref<2x1000x128xf32, #tpu.memory_space<vmem>>, vector<1x1000x128xf32>,
    %swap3A_30 = arith.constant 0 : index
    %swap3A_31 = arith.constant 0 : index
    %swap3A_32 = vector.load %arg5[%swap3A_30, %swap3A_31] : memref<1000x1xf32, #tpu.memory_space<vmem>>, vector<1000x1xf32>
    tpu.vector_store %arg5[%swap3A_30, %swap3A_31], %broadcast_in_dim3A {strides = array<i32>} : memref<1000x1xf32, #tpu.memory_space<vmem>>, vector<1000x1xf32>,
    return
  }
  func.func @transform_0(%arg0: i32) -> (i32, i32) {
    %c0_i32 = arith.constant 0 : i32
    %c0_i32_0 = arith.constant 0 : i32
    return %arg0, %c0_i32 : i32, i32
  }
  func.func @transform_1(%arg0: i32) -> (i32, i32) {
    %c0_i32 = arith.constant 0 : i32
    %c0_i32_0 = arith.constant 0 : i32
    %c0_i32_1 = arith.constant 0 : i32
    return %c0_i32, %c0_i32_0 : i32, i32
  }
  func.func @transform_2(%arg0: i32) -> (i32, i32) {
    %c0_i32 = arith.constant 0 : i32
    %c0_i32_0 = arith.constant 0 : i32
    return %arg0, %c0_i32 : i32, i32
  }
  func.func @transform_3(%arg0: i32) -> (i32, i32, i32) {
    %c0_i32 = arith.constant 0 : i32
    %c0_i32_0 = arith.constant 0 : i32
    %c0_i32_1 = arith.constant 0 : i32
    return %c0_i32, %arg0, %c0_i32_0 : i32, i32, i32
  }
  func.func @transform_4(%arg0: i32) -> (i32, i32) {
    %c0_i32 = arith.constant 0 : i32
    %c0_i32_0 = arith.constant 0 : i32
    return %arg0, %c0_i32 : i32, i32
  }
}

module attributes {stable_mosaic.version = 14 : i64} {
  func.func @_tc_d_body(%arg0: i32, %arg1: memref<2x1000x128xf32, #tpu.memory_space<vmem>>, %arg2: memref<2x1000x128xf32, #tpu.memory_space<vmem>>, %arg3: memref<1000x1xf32, #tpu.memory_space<vmem>>, %arg4: memref<1x256xf32, #tpu.memory_space<vmem>>, %arg5: memref<256x128xf32, #tpu.memory_space<vmem>>, %arg6: memref<1x1xf32, #tpu.memory_space<vmem>>, %arg7: memref<1000x128xf32, #tpu.memory_space<vmem>>) attributes {dimension_semantics = [#tpu.dimension_semantics<arbitrary>], iteration_bounds = array<i64: 10>, scalar_prefetch = 0 : i64, scratch_operands = 0 : i64, tpu.core_type = #tpu.core_type<tc>, window_params = [{transform_indices = @transform_0, window_bounds = array<i64: 2, 1000, 128>}, {transform_indices = @transform_1, window_bounds = array<i64: 2, 1000, 128>}, {transform_indices = @transform_2, window_bounds = array<i64: 1000, 1>}, {pipeline_mode = #tpu.pipeline_mode<synchronous>, transform_indices = @transform_3, window_bounds = array<i64: 1, 256>}, {pipeline_mode = #tpu.pipeline_mode<synchronous>, transform_indices = @transform_4, window_bounds = array<i64: 256, 128>}, {pipeline_mode = #tpu.pipeline_mode<synchronous>, transform_indices = @transform_5, window_bounds = array<i64: 1, 1>}, {transform_indices = @transform_6, window_bounds = array<i64: 1000, 128>}]} {
    %get3A = arith.constant 0 : index
    %get3A_0 = arith.constant 0 : index
    %get3A_1 = vector.load %arg6[%get3A, %get3A_0] : memref<1x1xf32, #tpu.memory_space<vmem>>, vector<1x1xf32>
    %get3A_2 = vector.extract %get3A_1[0, 0] : f32 from vector<1x1xf32>
    %get3A_3 = arith.constant 0 : index
    %get3A_4 = arith.constant 0 : index
    %get3A_5 = vector.load %arg3[%get3A_3, %get3A_4] : memref<1000x1xf32, #tpu.memory_space<vmem>>, vector<1000x1xf32>
    %get3A_6 = arith.constant 0 : index
    %get3A_7 = arith.constant 0 : index
    %get3A_8 = arith.constant 0 : index
    %get3A_9 = vector.load %arg1[%get3A_6, %get3A_7, %get3A_8] : memref<2x1000x128xf32, #tpu.memory_space<vmem>>, vector<1x1000x128xf32>
    %get3A_10 = vector.shape_cast %get3A_9 : vector<1x1000x128xf32> to vector<1000x128xf32>
    %get3A_11 = arith.constant 0 : index
    %get3A_12 = arith.constant 0 : index
    %get3A_13 = arith.constant 0 : index
    %get3A_14 = vector.load %arg2[%get3A_11, %get3A_12, %get3A_13] : memref<2x1000x128xf32, #tpu.memory_space<vmem>>, vector<1x1000x128xf32>
    %get3A_15 = vector.shape_cast %get3A_14 : vector<1x1000x128xf32> to vector<1000x128xf32>
    %add3A = arith.addf %get3A_10, %get3A_15 : vector<1000x128xf32>
    %mul3A = vector.broadcast %get3A_5 : vector<1000x1xf32> to vector<1000x128xf32>
    %mul3A_16 = arith.mulf %mul3A, %add3A : vector<1000x128xf32>
    %get3A_17 = arith.constant 0 : index
    %get3A_18 = arith.constant 0 : index
    %get3A_19 = vector.load %arg4[%get3A_17, %get3A_18] : memref<1x256xf32, #tpu.memory_space<vmem>>, vector<1x128xf32>
    %get3A_20 = vector.shape_cast %get3A_19 : vector<1x128xf32> to vector<128xf32>
    %broadcast_in_dim3A = vector.shape_cast %get3A_20 : vector<128xf32> to vector<1x128xf32>
    %add3A_21 = vector.broadcast %broadcast_in_dim3A : vector<1x128xf32> to vector<1000x128xf32>
    %add3A_22 = arith.addf %mul3A_16, %add3A_21 : vector<1000x128xf32>
    %ge3A = arith.constant 0.000000e+00 : f32
    %ge3A_23 = vector.broadcast %ge3A : f32 to vector<1000x128xf32>
    %ge3A_24 = arith.cmpf oge, %add3A_22, %ge3A_23 : vector<1000x128xf32>
    %mul3A_25 = vector.broadcast %get3A_2 : f32 to vector<1000x128xf32>
    %mul3A_26 = arith.mulf %mul3A_25, %add3A_22 : vector<1000x128xf32>
    %select_n3A = arith.select %ge3A_24, %add3A_22, %mul3A_26 : vector<1000x128xi1>, vector<1000x128xf32>
    %get3A_27 = arith.constant 1 : index
    %get3A_28 = arith.constant 0 : index
    %get3A_29 = arith.constant 0 : index
    %get3A_30 = vector.load %arg1[%get3A_27, %get3A_28, %get3A_29] : memref<2x1000x128xf32, #tpu.memory_space<vmem>>, vector<1x1000x128xf32>
    %get3A_31 = vector.shape_cast %get3A_30 : vector<1x1000x128xf32> to vector<1000x128xf32>
    %get3A_32 = arith.constant 1 : index
    %get3A_33 = arith.constant 0 : index
    %get3A_34 = arith.constant 0 : index
    %get3A_35 = vector.load %arg2[%get3A_32, %get3A_33, %get3A_34] : memref<2x1000x128xf32, #tpu.memory_space<vmem>>, vector<1x1000x128xf32>
    %get3A_36 = vector.shape_cast %get3A_35 : vector<1x1000x128xf32> to vector<1000x128xf32>
    %add3A_37 = arith.addf %get3A_31, %get3A_36 : vector<1000x128xf32>
    %mul3A_38 = vector.broadcast %get3A_5 : vector<1000x1xf32> to vector<1000x128xf32>
    %mul3A_39 = arith.mulf %mul3A_38, %add3A_37 : vector<1000x128xf32>
    %get3A_40 = arith.constant 0 : index
    %get3A_41 = arith.constant 128 : index
    %get3A_42 = vector.load %arg4[%get3A_40, %get3A_41] : memref<1x256xf32, #tpu.memory_space<vmem>>, vector<1x128xf32>
    %get3A_43 = vector.shape_cast %get3A_42 : vector<1x128xf32> to vector<128xf32>
    %broadcast_in_dim3A_44 = vector.shape_cast %get3A_43 : vector<128xf32> to vector<1x128xf32>
    %add3A_45 = vector.broadcast %broadcast_in_dim3A_44 : vector<1x128xf32> to vector<1000x128xf32>
    %add3A_46 = arith.addf %mul3A_39, %add3A_45 : vector<1000x128xf32>
    %ge3A_47 = arith.constant 0.000000e+00 : f32
    %ge3A_48 = vector.broadcast %ge3A_47 : f32 to vector<1000x128xf32>
    %ge3A_49 = arith.cmpf oge, %add3A_46, %ge3A_48 : vector<1000x128xf32>
    %mul3A_50 = vector.broadcast %get3A_2 : f32 to vector<1000x128xf32>
    %mul3A_51 = arith.mulf %mul3A_50, %add3A_46 : vector<1000x128xf32>
    %select_n3A_52 = arith.select %ge3A_49, %add3A_46, %mul3A_51 : vector<1000x128xi1>, vector<1000x128xf32>
    %get3A_53 = arith.constant 0 : index
    %get3A_54 = arith.constant 0 : index
    %get3A_55 = vector.load %arg5[%get3A_53, %get3A_54] : memref<256x128xf32, #tpu.memory_space<vmem>>, vector<128x128xf32>
    %dot_general3A = arith.constant dense<0.000000e+00> : vector<1000x128xf32>
    %dot_general3A_56 = tpu.matmul %select_n3A, %get3A_55, %dot_general3A {dimension_numbers = #tpu.dot_dimension_numbers<[1], [0], [0], [1], [0, 0, 1, 1], [], []>, transpose_lhs_hint = false} : vector<1000x128xf32>, vector<128x128xf32>, vector<1000x128xf32> -> vector<1000x128xf32>
    %get3A_57 = arith.constant 128 : index
    %get3A_58 = arith.constant 0 : index
    %get3A_59 = vector.load %arg5[%get3A_57, %get3A_58] : memref<256x128xf32, #tpu.memory_space<vmem>>, vector<128x128xf32>
    %dot_general3A_60 = arith.constant dense<0.000000e+00> : vector<1000x128xf32>
    %dot_general3A_61 = tpu.matmul %select_n3A_52, %get3A_59, %dot_general3A_60 {dimension_numbers = #tpu.dot_dimension_numbers<[1], [0], [0], [1], [0, 0, 1, 1], [], []>, transpose_lhs_hint = false} : vector<1000x128xf32>, vector<128x128xf32>, vector<1000x128xf32> -> vector<1000x128xf32>
    %add3A_62 = arith.addf %dot_general3A_56, %dot_general3A_61 : vector<1000x128xf32>
    %mul3A_63 = vector.broadcast %get3A_5 : vector<1000x1xf32> to vector<1000x128xf32>
    %mul3A_64 = arith.mulf %add3A_62, %mul3A_63 : vector<1000x128xf32>
    %swap3A = arith.constant 0 : index
    %swap3A_65 = arith.constant 0 : index
    %swap3A_66 = vector.load %arg7[%swap3A, %swap3A_65] : memref<1000x128xf32, #tpu.memory_space<vmem>>, vector<1000x128xf32>
    tpu.vector_store %arg7[%swap3A, %swap3A_65], %mul3A_64 {strides = array<i32>} : memref<1000x128xf32, #tpu.memory_space<vmem>>, vector<1000x128xf32>,
    return
  }
  func.func @transform_0(%arg0: i32) -> (i32, i32, i32) {
    %c0_i32 = arith.constant 0 : i32
    %c0_i32_0 = arith.constant 0 : i32
    %c0_i32_1 = arith.constant 0 : i32
    return %c0_i32, %arg0, %c0_i32_0 : i32, i32, i32
  }
  func.func @transform_1(%arg0: i32) -> (i32, i32, i32) {
    %c0_i32 = arith.constant 0 : i32
    %c0_i32_0 = arith.constant 0 : i32
    %c0_i32_1 = arith.constant 0 : i32
    return %c0_i32, %arg0, %c0_i32_0 : i32, i32, i32
  }
  func.func @transform_2(%arg0: i32) -> (i32, i32) {
    %c0_i32 = arith.constant 0 : i32
    %c0_i32_0 = arith.constant 0 : i32
    return %arg0, %c0_i32 : i32, i32
  }
  func.func @transform_3(%arg0: i32) -> (i32, i32) {
    %c0_i32 = arith.constant 0 : i32
    %c0_i32_0 = arith.constant 0 : i32
    %c0_i32_1 = arith.constant 0 : i32
    return %c0_i32, %c0_i32_0 : i32, i32
  }
  func.func @transform_4(%arg0: i32) -> (i32, i32) {
    %c0_i32 = arith.constant 0 : i32
    %c0_i32_0 = arith.constant 0 : i32
    %c0_i32_1 = arith.constant 0 : i32
    return %c0_i32, %c0_i32_0 : i32, i32
  }
  func.func @transform_5(%arg0: i32) -> (i32, i32) {
    %c0_i32 = arith.constant 0 : i32
    %c0_i32_0 = arith.constant 0 : i32
    %c0_i32_1 = arith.constant 0 : i32
    return %c0_i32, %c0_i32_0 : i32, i32
  }
  func.func @transform_6(%arg0: i32) -> (i32, i32) {
    %c0_i32 = arith.constant 0 : i32
    %c0_i32_0 = arith.constant 0 : i32
    return %arg0, %c0_i32 : i32, i32
  }
}

module attributes {stable_mosaic.version = 14 : i64} {
  func.func @_tc_f_body(%arg0: i32, %arg1: memref<2x1000x128xf32, #tpu.memory_space<vmem>>, %arg2: memref<1000x128xf32, #tpu.memory_space<vmem>>, %arg3: memref<1000x1xf32, #tpu.memory_space<vmem>>, %arg4: memref<1x128xf32, #tpu.memory_space<vmem>>, %arg5: memref<1x1xf32, #tpu.memory_space<vmem>>, %arg6: memref<1000x128xf32, #tpu.memory_space<vmem>>) attributes {dimension_semantics = [#tpu.dimension_semantics<arbitrary>], iteration_bounds = array<i64: 10>, scalar_prefetch = 0 : i64, scratch_operands = 0 : i64, tpu.core_type = #tpu.core_type<tc>, window_params = [{transform_indices = @transform_0, window_bounds = array<i64: 2, 1000, 128>}, {transform_indices = @transform_1, window_bounds = array<i64: 1000, 128>}, {transform_indices = @transform_2, window_bounds = array<i64: 1000, 1>}, {pipeline_mode = #tpu.pipeline_mode<synchronous>, transform_indices = @transform_3, window_bounds = array<i64: 1, 128>}, {pipeline_mode = #tpu.pipeline_mode<synchronous>, transform_indices = @transform_4, window_bounds = array<i64: 1, 1>}, {transform_indices = @transform_5, window_bounds = array<i64: 1000, 128>}]} {
    %get3A = arith.constant 0 : index
    %get3A_0 = arith.constant 0 : index
    %get3A_1 = vector.load %arg5[%get3A, %get3A_0] : memref<1x1xf32, #tpu.memory_space<vmem>>, vector<1x1xf32>
    %get3A_2 = vector.extract %get3A_1[0, 0] : f32 from vector<1x1xf32>
    %get3A_3 = arith.constant 0 : index
    %get3A_4 = arith.constant 0 : index
    %get3A_5 = vector.load %arg3[%get3A_3, %get3A_4] : memref<1000x1xf32, #tpu.memory_space<vmem>>, vector<1000x1xf32>
    %get3A_6 = arith.constant 0 : index
    %get3A_7 = arith.constant 0 : index
    %get3A_8 = arith.constant 0 : index
    %get3A_9 = vector.load %arg1[%get3A_6, %get3A_7, %get3A_8] : memref<2x1000x128xf32, #tpu.memory_space<vmem>>, vector<1x1000x128xf32>
    %get3A_10 = vector.shape_cast %get3A_9 : vector<1x1000x128xf32> to vector<1000x128xf32>
    %get3A_11 = arith.constant 1 : index
    %get3A_12 = arith.constant 0 : index
    %get3A_13 = arith.constant 0 : index
    %get3A_14 = vector.load %arg1[%get3A_11, %get3A_12, %get3A_13] : memref<2x1000x128xf32, #tpu.memory_space<vmem>>, vector<1x1000x128xf32>
    %get3A_15 = vector.shape_cast %get3A_14 : vector<1x1000x128xf32> to vector<1000x128xf32>
    %add3A = arith.addf %get3A_10, %get3A_15 : vector<1000x128xf32>
    %get3A_16 = arith.constant 0 : index
    %get3A_17 = arith.constant 0 : index
    %get3A_18 = vector.load %arg2[%get3A_16, %get3A_17] : memref<1000x128xf32, #tpu.memory_space<vmem>>, vector<1000x128xf32>
    %add3A_19 = arith.addf %add3A, %get3A_18 : vector<1000x128xf32>
    %mul3A = vector.broadcast %get3A_5 : vector<1000x1xf32> to vector<1000x128xf32>
    %mul3A_20 = arith.mulf %mul3A, %add3A_19 : vector<1000x128xf32>
    %get3A_21 = arith.constant 0 : index
    %get3A_22 = arith.constant 0 : index
    %get3A_23 = vector.load %arg4[%get3A_21, %get3A_22] : memref<1x128xf32, #tpu.memory_space<vmem>>, vector<1x128xf32>
    %get3A_24 = vector.shape_cast %get3A_23 : vector<1x128xf32> to vector<128xf32>
    %broadcast_in_dim3A = vector.shape_cast %get3A_24 : vector<128xf32> to vector<1x128xf32>
    %add3A_25 = vector.broadcast %broadcast_in_dim3A : vector<1x128xf32> to vector<1000x128xf32>
    %add3A_26 = arith.addf %mul3A_20, %add3A_25 : vector<1000x128xf32>
    %ge3A = arith.constant 0.000000e+00 : f32
    %ge3A_27 = vector.broadcast %ge3A : f32 to vector<1000x128xf32>
    %ge3A_28 = arith.cmpf oge, %add3A_26, %ge3A_27 : vector<1000x128xf32>
    %mul3A_29 = vector.broadcast %get3A_2 : f32 to vector<1000x128xf32>
    %mul3A_30 = arith.mulf %mul3A_29, %add3A_26 : vector<1000x128xf32>
    %select_n3A = arith.select %ge3A_28, %add3A_26, %mul3A_30 : vector<1000x128xi1>, vector<1000x128xf32>
    %swap3A = arith.constant 0 : index
    %swap3A_31 = arith.constant 0 : index
    %swap3A_32 = vector.load %arg6[%swap3A, %swap3A_31] : memref<1000x128xf32, #tpu.memory_space<vmem>>, vector<1000x128xf32>
    tpu.vector_store %arg6[%swap3A, %swap3A_31], %select_n3A {strides = array<i32>} : memref<1000x128xf32, #tpu.memory_space<vmem>>, vector<1000x128xf32>,
    return
  }
  func.func @transform_0(%arg0: i32) -> (i32, i32, i32) {
    %c0_i32 = arith.constant 0 : i32
    %c0_i32_0 = arith.constant 0 : i32
    %c0_i32_1 = arith.constant 0 : i32
    return %c0_i32, %arg0, %c0_i32_0 : i32, i32, i32
  }
  func.func @transform_1(%arg0: i32) -> (i32, i32) {
    %c0_i32 = arith.constant 0 : i32
    %c0_i32_0 = arith.constant 0 : i32
    return %arg0, %c0_i32 : i32, i32
  }
  func.func @transform_2(%arg0: i32) -> (i32, i32) {
    %c0_i32 = arith.constant 0 : i32
    %c0_i32_0 = arith.constant 0 : i32
    return %arg0, %c0_i32 : i32, i32
  }
  func.func @transform_3(%arg0: i32) -> (i32, i32) {
    %c0_i32 = arith.constant 0 : i32
    %c0_i32_0 = arith.constant 0 : i32
    %c0_i32_1 = arith.constant 0 : i32
    return %c0_i32, %c0_i32_0 : i32, i32
  }
  func.func @transform_4(%arg0: i32) -> (i32, i32) {
    %c0_i32 = arith.constant 0 : i32
    %c0_i32_0 = arith.constant 0 : i32
    %c0_i32_1 = arith.constant 0 : i32
    return %c0_i32, %c0_i32_0 : i32, i32
  }
  func.func @transform_5(%arg0: i32) -> (i32, i32) {
    %c0_i32 = arith.constant 0 : i32
    %c0_i32_0 = arith.constant 0 : i32
    return %arg0, %c0_i32 : i32, i32
  }
}

</mosaic_0001>

<sc_bundles>
// kernel: kernel.11.cloned.1.call-start
scs
__scs_entry_jumppad:
0x0: {  	(pc) =	sbr.rel $0x88, $3  }
0x1: {  	(tag) =	ssettag $0x0;
	lr =	simm.s32 $0x1  }
0x2: {  	[smem:$0x3F9A] =	sst lr;
	_ =	strace $0xD0000000  }
0x3: {  	_ = 	snop  }
0x4: {  	_ = 	snop  }
0x5: {  	_ = 	snop  }
0x6: {  	_ = 	snop  }
0x7: {  	_ = 	snop  }
__scs_overlays_trampoline_lowered:
0x8: {  	[smem:$0x3FA9] =	sst s0  }
0x9: {  	[smem:$0x3FAA] =	sst s1  }
0xa: {  	[smem:$0x3FAB] =	sst s2  }
0xb: {  	[smem:$0x3FAC] =	sst s3  }
0xc: {  	[smem:$0x3FAD] =	sst s4  }
0xd: {  	[smem:$0x3FAE] =	sst s5  }
0xe: {  	[smem:$0x3FAF] =	sst s6  }
0xf: {  	[smem:$0x3FB0] =	sst s7  }
0x10: {  	[smem:$0x3FB1] =	sst s8  }
0x11: {  	[smem:$0x3FB2] =	sst s9;
	s0 =	simm.s32 @!p0 $0x0  }
0x12: {  	s1 =	sld [smem:$0x3F98];
	s0 =	simm.s32 @p0 $0x1  }
0x13: {  	[smem:$0x3FB3] =	sst s0;
	s0 =	simm.s32 @!p1 $0x0  }
0x14: {  	s2 =	sld [smem:$0x3F97];
	s0 =	simm.s32 @p1 $0x1  }
0x15: {  	[smem:$0x3FB4] =	sst s0;
	s0 =	simm.s32 @!p2 $0x0  }
0x16: {  	s3 =	sld [smem:$0x3FDB];
	s0 =	simm.s32 @p2 $0x1  }
0x17: {  	s4 =	simm.s32 $0x1BF5;
	[smem:$0x3FB6] =	sst s0  }
0x18: {  	s0 =	sld [smem:$0x3F99];
	_ =	swait.ge [sflag:s4], $0x0  }
0x19: {  	s7 =	sld [smem:$0x3F9A]  }
0x1a: {  	s8 =	sadd.s32 $0xFFFFE003, lr  }
0x1b: {  	s9 =	sadd.s32 $0xFFFFFEF7, lr;
	s5 =	simm.s32 $0xFFFFFFFF;
	p2 =	slt.u32 s8, $0xFFFFF086  }
0x1c: {  	p1 =	slt.u32 s9, $0xF7A;
	s5 =	simm.s32 @!p2 $0x0  }
0x1d: {  	s5 =	simm.s32 @p1 $0x1;
	p0 =	seq.s32 s7, s2  }
0x1e: {  	s7 =	smul.u32 @!p0 $0xF7A, s2;
	p2 =	seq.s32 @!p0 s5, $0x0  }
0x1f: {  	s9 =	smul.u32 $0xF7A, s1;
	s8 =	simm.s32 @!p0 $0x1BF5;
	p2 =	por !p2, p0  }
0x20: {  	[sflag:s8] =	ssyncset.s32 @!p0 $0xFFFFF086;
	s6 =	sadd.s32 @!p0 s3, s7;
	s7 =	simm.s32 @!p0 $0x108  }
0x21: {  	s3 =	sadd.s32 s3, s9;
	s6 =	sadd.s32 @!p0 $0x88, s6;
	s7 =	simm.s32 @p2 $0x1082  }
0x22: {  	[simem:s7], [sflag:s8] =	dma.local @!p0 [hbm:s6], $0xF7A  }
0x23: {  	s9 =	sor.u32 $0xD0000000, s2;
	s6 =	simm.s32 $0x108;
	_ =	swait.ge @!p0 [sflag:s8], $0x0  }
0x24: {  	s3 =	sadd.s32 $0x88, s3;
	s6 =	simm.s32 @!p1 $0x1082;
	[sflag:s4] =	ssyncset.s32 $0xFFFFF086  }
0x25: {  	[simem:s6], [sflag:s4] =	dma.local [hbm:s3], $0xF7A  }
0x26: {  	[smem:$0x3F9A] =	sst s1;
	(tag) =	ssettag s2;
	_ =	strace s9  }
0x27: {  	s1 =	sld [smem:$0x3FAA]  }
0x28: {  	s2 =	sld [smem:$0x3FAB]  }
0x29: {  	s4 =	sld [smem:$0x3FAD]  }
0x2a: {  	p0 =	seq.s32 s5, $0x0;
	s5 =	sld [smem:$0x3FAE]  }
0x2b: {  	s6 =	sld [smem:$0x3FAF]  }
0x2c: {  	s7 =	sld [smem:$0x3FB0]  }
0x2d: {  	s3 =	simm.s32 $0x108;
	s8 =	sld [smem:$0x3FB1]  }
0x2e: {  	s3 =	simm.s32 @!p0 $0x1082;
	s9 =	sld [smem:$0x3FB2]  }
0x2f: {  	lr =	sadd.s32 s0, s3;
	s0 =	sld [smem:$0x3FA9]  }
0x30: {  	s3 =	sld [smem:$0x3FAC]  }
0x31: {  	[smem:$0x3FB5] =	sst s10  }
0x32: {  	s10 =	sld [smem:$0x3FB3];
	_ =	sdelay $0x3  }
0x33: {  	p0 =	seq.s32 s10, $0x1;
	s10 =	sld [smem:$0x3FB5];
	_ =	sdelay $0x3  }
0x34: {  	[smem:$0x3FB5] =	sst s10  }
0x35: {  	s10 =	sld [smem:$0x3FB4];
	_ =	sdelay $0x3  }
0x36: {  	p1 =	seq.s32 s10, $0x1;
	s10 =	sld [smem:$0x3FB5];
	_ =	sdelay $0x3  }
0x37: {  	[smem:$0x3FB5] =	sst s10  }
0x38: {  	s10 =	sld [smem:$0x3FB6]  }
0x39: {  	_ = 	snop;
	(pc) =	sbr.ind lr, $3  }
0x3a: {  	_ = 	snop  }
0x3b: {  	_ = 	snop  }
0x3c: {  	p2 =	seq.s32 s10, $0x1;
	s10 =	sld [smem:$0x3FB5]  }
0x3d: {  	_ =	shalt  }
0x3e: {  	_ =	shalt  }
0x3f: {  	_ =	shalt  }
0x40: {  	_ =	shalt  }
0x41: {  	_ =	shalt  }
0x42: {  	_ =	shalt  }
0x43: {  	_ =	shalt  }
0x44: {  	_ =	shalt  }
0x45: {  	_ =	shalt  }
0x46: {  	_ =	shalt  }
0x47: {  	_ =	shalt  }
0x48: {  	_ =	shalt  }
0x49: {  	_ =	shalt  }
0x4a: {  	_ =	shalt  }
0x4b: {  	_ =	shalt  }
0x4c: {  	_ =	shalt  }
0x4d: {  	_ =	shalt  }
0x4e: {  	_ =	shalt  }
0x4f: {  	_ =	shalt  }
0x50: {  	_ =	shalt  }
0x51: {  	_ =	shalt  }
0x52: {  	_ =	shalt  }
0x53: {  	_ =	shalt  }
0x54: {  	_ =	shalt  }
0x55: {  	_ =	shalt  }
0x56: {  	_ =	shalt  }
0x57: {  	_ =	shalt  }
0x58: {  	_ =	shalt  }
0x59: {  	_ =	shalt  }
0x5a: {  	_ =	shalt  }
0x5b: {  	_ =	shalt  }
0x5c: {  	_ =	shalt  }
0x5d: {  	_ =	shalt  }
0x5e: {  	_ =	shalt  }
0x5f: {  	_ =	shalt  }
0x60: {  	_ =	shalt  }
0x61: {  	_ =	shalt  }
0x62: {  	_ =	shalt  }
0x63: {  	_ =	shalt  }
0x64: {  	_ =	shalt  }
0x65: {  	_ =	shalt  }
0x66: {  	_ =	shalt  }
0x67: {  	_ =	shalt  }
0x68: {  	_ =	shalt  }
0x69: {  	_ =	shalt  }
0x6a: {  	_ =	shalt  }
0x6b: {  	_ =	shalt  }
0x6c: {  	_ =	shalt  }
0x6d: {  	_ =	shalt  }
0x6e: {  	_ =	shalt  }
0x6f: {  	_ =	shalt  }
0x70: {  	_ =	shalt  }
0x71: {  	_ =	shalt  }
0x72: {  	_ =	shalt  }
0x73: {  	_ =	shalt  }
0x74: {  	_ =	shalt  }
0x75: {  	_ =	shalt  }
0x76: {  	_ =	shalt  }
0x77: {  	_ =	shalt  }
0x78: {  	_ =	shalt  }
0x79: {  	_ =	shalt  }
0x7a: {  	_ =	shalt  }
0x7b: {  	_ =	shalt  }
0x7c: {  	_ =	shalt  }
0x7d: {  	_ =	shalt  }
0x7e: {  	_ =	shalt  }
0x7f: {  	_ =	shalt  }
0x80: {  	_ =	shalt  }
0x81: {  	_ =	shalt  }
0x82: {  	_ =	shalt  }
0x83: {  	_ =	shalt  }
0x84: {  	_ =	shalt  }
0x85: {  	_ =	shalt  }
0x86: {  	_ =	shalt  }
0x87: {  	_ =	shalt  }
.Lfunc_end0:
.L_simem_size_0:
called_computation.1_lowered:
.L_overlay_start_0:
0x88: {  	s2 =	sld [smem:$0x3FD9]  }
0x89: {  	s3 =	sld [smem:$0x3FFE];
	_ =	sdelay $0x1  }
0x8a: {  	s1 =	srdreg.scid  }
0x8b: {  	s0 =	sand.u32 $0x1, s1  }
0x8c: {  	s17 =	sshll.u32 s0, $0xA;
	s2 =	sadd.s32 s3, s2  }
0x8d: {  	s2 =	sadd.s32 s2, s17  }
0x8e: {  	[smem:$0x3FC1] =	sst s2  }
0x8f: {  	_ = 	snop  }
0x90: {  	s2 =	sld [smem:$0x3FD0];
	(tm) =	ssettm $0x1  }
0x91: {  	s18 =	sld [smem:$0x3FFB];
	_ =	sdelay $0x3  }
0x92: {  	_ =	strace s18  }
0x93: {  	s3 =	sld [smem:$0x3FFC];
	_ =	sdelay $0x3  }
0x94: {  	_ =	strace s3  }
0x95: {  	s3 =	sld [smem:$0x3FFD];
	_ =	sdelay $0x3  }
0x96: {  	_ =	strace s3  }
0x97: {  	_ =	strace $0x8FFFFFFF  }
0x98: {  	s19 =	sld [smem:$0x3FDB];
	_ =	sdelay $0x1  }
0x99: {  	s4 =	simm.s32 $_scs_section_size  }
0x9a: {  	s5 =	simm.s32 $_size__tile_overlayer_lowered;
	s6 =	simm.s32 $_tile_overlayer_lowered  }
0x9b: {  	s22 =	simm.s32 $0x1BFF;
	s21 =	sshll.u32 s6, $0x1;
	s3 =	sadd.s32 s4, s19  }
0x9c: {  	s7 =	simm.s32 $0x0;
	s20 =	sshll.u32 s5, $0x1;
	s5 =	sadd.s32 s21, s3  }
0x9d: {  	[timem:s7], [sflag:s22] =	dma.local [hbm:s5], s20  }
0x9e: {  	_ =	swait.ge [sflag:s22], s20  }
0x9f: {  	s4 =	ssub.s32 $0x0, s20;
	[sflag:s22] =	ssyncset.done $0x0  }
0xa0: {  	[sflag:s22] =	ssyncadd.s32 s4;
	_ =	sdelay $0x1  }
0xa1: {  	s23 =	simm.s32 $0x1B8B  }
0xa2: {  	_ =	swait.ge [sflag:s23], $0x1  }
0xa3: {  	[sflag:s23] =	ssyncset.done $0x0  }
0xa4: {  	s25 =	simm.s32 $0x1B8E;
	s24 =	sld [smem:$0x3FFE];
	[sflag:s23] =	ssyncadd.s32 $0xFFFFFFFF  }
0xa5: {  	s26 =	simm.s32 $execute0_lowered;
	[smem:$0x3FD2] =	sst s25  }
0xa6: {  	s5 =	sshll.u32 s26, $0x1;
	_ =	strace $0x80000049;
	[dreg:$0x1] =	wrdreg $0xFFFFFFFF  }
0xa7: {  	s28 =	simm.s32 $_size_execute0_lowered;
	s3 =	sadd.s32 s3, s5;
	[dreg:$0x0] =	wrdreg $0x0  }
0xa8: {  	s5 =	sshll.u32 s28, $0x1;
	[dreg:$0x2] =	wrdreg s3  }
0xa9: {  	[dreg:$0x3] =	wrdreg s5  }
0xaa: {  	[dreg:$0x4] =	wrdreg $0xC0  }
0xab: {  	_ =	task [dreg:s7], $0x5FFFF  }
0xac: {  	[dreg:$0x1] =	wrdreg $0xFFFFFFFF  }
0xad: {  	[dreg:$0x0] =	wrdreg $0x60  }
0xae: {  	[dreg:$0x2] =	wrdreg s2  }
0xaf: {  	[dreg:$0x3] =	wrdreg s24  }
0xb0: {  	[dreg:$0x4] =	wrdreg $0xAB000  }
0xb1: {  	[dreg:$0x5] =	wrdreg $0x9  }
0xb2: {  	_ =	task.clear_ibuf [dreg:s7], $0x6FFFF;
	_ =	strace $0x90000049  }
0xb3: {  	s29 =	simm.s32 $0x9;
	_ =	strace $0x8000004B  }
0xb4: {  	_ =	swait.ge [sflag:s29], $0x1  }
0xb5: {  	[sflag:s29] =	ssyncadd.s32 $0xFFFFFFFF  }
0xb6: {  	_ =	strace $0x9000004B  }
0xb7: {  	_ =	sfence  }
0xb8: {  	s30 =	sld [smem:$0x0];
	_ =	sdelay $0x2  }
0xb9: {  	s31 =	sshll.u32 s1, $0xD;
	s1 =	sshrl.u32 s1, $0x2  }
0xba: {  	s3 =	sand.u32 $0x4000, s31;
	s1 =	sadd.s32 s1, s30  }
0xbb: {  	s0 =	sor.u32 s3, s0;
	s1 =	sshll.u32 s1, $0x11  }
0xbc: {  	s0 =	sor.u32 s1, s0  }
0xbd: {  	s0 =	sadd.s32 $0x8F2B, s0  }
0xbe: {  	[sflag:s0] =	ssyncadd.remote.s32 $0x1  }
0xbf: {  	_ =	sfence.sel $0xFFFF  }
0xc0: {  	[dreg:$0x0] =	wrdreg $0xFFFFFFFF;
	(pc) =	sbr.abs _section_cstart, $3  }
0xc1: {  	[dreg:$0x1] =	wrdreg $0xFFFFFFFF  }
0xc2: {  	_ =	task.clear_ibuf [dreg:s7], $0x2FFFF;
	_ =	strace $0x9FFFFFFF  }
0xc3: {  	(tm) =	ssettm $0x7FFFFFFF  }
tec
execute0_lowered:
.L_overlay_start_1:
0x0: {  	(tag) =	ssettag $0x1  }
0x1: {  	s0 =	rddreg [dreg:$0x0]  }
0x2: {  	s2 =	rddreg [dreg:$0x1]  }
0x3: {  	s1 =	rddreg [dreg:$0x2];
	s11 =	stileid.u32  }
0x4: {  	s3 =	srdreg.scid;
	s28 =	simm.s32 $0x200;
	s5 =	smul.u32 $0x14000, s11  }
0x5: {  	s29 =	simm.s32 $0x3B00;
	s30 =	simm.s32 $0x280;
	s8 =	smul.u32 $0x50000, s11  }
0x6: {  	s31 =	simm.s32 $0x7300;
	s6 =	sand.u32 $0x1, s3;
	s15 =	smul.u32 $0x5A00, s11  }
0x7: {  	s12 =	simm.s32 $0x0;
	s3 =	simm.s32 $0x0;
	s4 =	smul.u32 $0x140000, s6  }
0x8: {  	s7 =	sadd.s32 $0xD400, s2;
	s23 =	smul.u32 $0xB40, s11;
	s11 =	simm.s32 $0x3  }
0x9: {  	[smem:$0x7FF] =	sst s3;
	s9 =	ssub.s32 $0x2, s6;
	s5 =	sadd.s32 s5, s4  }
0xa: {  	s6 =	smul.u32 $0x5A000, s6;
	s8 =	sshrl.u32 s8, $0x2;
	s5 =	sshrl.u32 s5, $0x3  }
0xb: {  	s4 =	sadd.s32 $0x18800, s2;
	s2 =	sadd.s32 s5, s2;
	s5 =	sadd.s32 s8, s1  }
0xc: {  	_ =	strace $0x8000004A;
	s13 =	sshrl.u32 s9, $0x1;
	s8 =	sadd.s32 $0x2000, s5  }
0xd: {  	s9 =	ssub.s32 s9, s13;
	s14 =	sadd.s32 $0x4000, s5;
	[dreg:$0x4] =	wrdreg s8  }
0xe: {  	s6 =	sadd.s32 s15, s6;
	s10 =	sadd.s32 $0x6000, s5;
	[dreg:$0x5] =	wrdreg s14  }
0xf: {  	s22 =	sshrl.u32 s6, $0x3;
	s16 =	sadd.s32 $0x8000, s5;
	[dreg:$0x6] =	wrdreg s10  }
0x10: {  	s24 =	sor.u32 $0x180, s6;
	s17 =	sadd.s32 $0xA000, s5;
	[dreg:$0x7] =	wrdreg s16  }
0x11: {  	s25 =	sor.u32 $0x100, s6;
	s18 =	sadd.s32 $0xC000, s5;
	[dreg:$0x8] =	wrdreg s17  }
0x12: {  	s6 =	sor.u32 $0x80, s6;
	s19 =	sadd.s32 $0xE000, s5;
	[dreg:$0x9] =	wrdreg s18  }
0x13: {  	s26 =	sshrl.u32 s6, $0x3;
	s20 =	sadd.s32 $0x10000, s5;
	[dreg:$0xa] =	wrdreg s19  }
0x14: {  	s6 =	simm.s32 $0x80;
	s21 =	sadd.s32 $0x12000, s5;
	[dreg:$0xb] =	wrdreg s20  }
0x15: {  	[dreg:$0xc] =	wrdreg s21;
	s10 =	sadd.s32 s0, s22;
	s8 =	sshrl.u32 s15, $0x3  }
0x16: {  	s17 =	sadd.s32 $0x66A00, s2;
	s18 =	smax.u32 s9, $0x1;
	s19 =	sadd.s32 s23, s7  }
0x17: {  	s2 =	sshrl.u32 s24, $0x3;
	s22 =	sadd.s32 s26, s0;
	s23 =	simm.s32 $0x300  }
.Ltmp0:
0x18: {  	s24 =	simm.s32 $0x7;
	s26 =	simm.s32 $0x180;
	(pc) =	sbr.rel .LBB2_1-.Ltmp0, $4  }
0x19: {  	s9 =	simm.s32 $0x100;
	[dreg:$0xd] =	wrdreg s10;
	s16 =	sadd.s32 s7, s8  }
0x1a: {  	s7 =	sshrl.u32 s25, $0x3;
	s20 =	sadd.s32 s2, s0;
	s25 =	simm.s32 $0x70  }
0x1b: {  	s2 =	simm.s32 $0x5;
	s8 =	simm.s32 $0x6;
	s10 =	simm.s32 $0x2  }
0x1c: {  	v0 =	vimm.f32 $0.0e+00;
	v1 =	vimm.s32 $0x27F8;
	s21 =	sadd.s32 s7, s0;
	s0 =	simm.s32 $0x4;
	s7 =	simm.s32 $0x1  }
.LBB2_6:
0x1d: {  	_ =	swait.ge [sflag:s11], $0x3800  }
0x1e: {  	[sflag:s11] =	ssyncset.done $0x0  }
0x1f: {  	[sflag:s11] =	ssyncadd.s32 $0xFFFFC800  }
0x20: {  	[spmem:s1] =	stream.indirect.scatter.add.f32 [tilespmem:s31], [sflag:$0x6], $0x80, s30, s25, $0xb8;
	[tilespmem:$0x1EB00] =	vst v63  }
0x21: {  	_ =	swait.ge [sflag:s0], $0x3800  }
0x22: {  	[sflag:s0] =	ssyncset.done $0x0  }
0x23: {  	[sflag:s0] =	ssyncadd.s32 $0xFFFFC800  }
0x24: {  	_ =	swait.ge [sflag:s2], $0x3800  }
0x25: {  	[sflag:s2] =	ssyncset.done $0x0  }
0x26: {  	[sflag:s2] =	ssyncadd.s32 $0xFFFFC800  }
0x27: {  	s13 =	stileid.u32;
	_ =	swait.ge [sflag:s8], $0x3800  }
0x28: {  	s14 =	sshrl.u32 s5, $0x3;
	s12 =	sadd.s32 $0x1, s12;
	[sflag:s8] =	ssyncset.done $0x0  }
0x29: {  	s13 =	sshll.u32 s13, $0x6;
	p0 =	sne.s32 s12, s18;
	[sflag:s8] =	ssyncadd.s32 $0xFFFFC800  }
.Ltmp1:
0x2a: {  	s13 =	sor.u32 $0x1C07, s13;
	[bflag:$0x0] =	sbarrier.arrive $0xFFFF;
	(pc) =	sbr.rel @!p0 .LBB2_7-.Ltmp1, $4  }
0x2b: {  	[hbm:s17], [sflag:s13] =	dma.local [spmem:s14], $0x2800  }
0x2c: {  	_ =	swait.ge [sflag:s24], $0x2800  }
0x2d: {  	[sflag:s24] =	ssyncset.done $0x0  }
0x2e: {  	[sflag:s24] =	ssyncadd.s32 $0xFFFFD800  }
.LBB2_1:
0x2f: {  	s13 =	simm.s32 $0x0;
	s14 =	simm.s32 $0x200  }
.LBB2_2:
0x30: {  	p0 =	sne.s32 s14, $0x7E00;
	[tilespmem:s13+$0x370] =	vst v0  }
0x31: {  	[tilespmem:s13+$0x300] =	vst v0  }
0x32: {  	[tilespmem:s13+$0x310] =	vst v0  }
.Ltmp2:
0x33: {  	[tilespmem:s13+$0x320] =	vst v0;
	(pc) =	sbr.rel @p0 .LBB2_2-.Ltmp2, $4  }
0x34: {  	[tilespmem:s13+$0x330] =	vst v0  }
0x35: {  	[tilespmem:s13+$0x340] =	vst v0  }
0x36: {  	[tilespmem:s13+$0x350] =	vst v0  }
0x37: {  	[tilespmem:s13+$0x360] =	vst v0;
	s13 =	sshra.s32 s14, $0x2;
	s14 =	sadd.s32 $0x200, s14  }
0x38: {  	[tilespmem:s13+$0x370] =	vst v0  }
0x39: {  	[tilespmem:s13+$0x300] =	vst v0  }
0x3a: {  	[tilespmem:s13+$0x310] =	vst v0  }
0x3b: {  	[tilespmem:s13+$0x320] =	vst v0  }
0x3c: {  	[tilespmem:s13+$0x330] =	vst v0  }
0x3d: {  	[tilespmem:s13+$0x340] =	vst v0  }
0x3e: {  	[tilespmem:s13+$0x350] =	vst v0  }
0x3f: {  	[tilespmem:s13+$0x360] =	vst v0  }
0x40: {  	[spmem:s5] =	stream.linear.scatter [tilespmem:s23], [sflag:$0x7], $0x2000, $0x38;
	[tilespmem:$0x1EB00] =	vst v63  }
0x41: {  	_ =	swait.ge [sflag:s24], $0x2000  }
0x42: {  	[sflag:s24] =	ssyncset.done $0x0  }
0x43: {  	s15 =	rddreg [dreg:$0x4];
	[sflag:s24] =	ssyncadd.s32 $0xFFFFE000  }
0x44: {  	[spmem:s15] =	stream.linear.scatter [tilespmem:s23], [sflag:$0x7], $0x2000, $0x38;
	[tilespmem:$0x1EB00] =	vst v63  }
0x45: {  	_ =	swait.ge [sflag:s24], $0x2000  }
0x46: {  	[sflag:s24] =	ssyncset.done $0x0  }
0x47: {  	s14 =	rddreg [dreg:$0x5];
	[sflag:s24] =	ssyncadd.s32 $0xFFFFE000  }
0x48: {  	[spmem:s14] =	stream.linear.scatter [tilespmem:s23], [sflag:$0x7], $0x2000, $0x38;
	[tilespmem:$0x1EB00] =	vst v63  }
0x49: {  	_ =	swait.ge [sflag:s24], $0x2000  }
0x4a: {  	[sflag:s24] =	ssyncset.done $0x0  }
0x4b: {  	s15 =	rddreg [dreg:$0x6];
	[sflag:s24] =	ssyncadd.s32 $0xFFFFE000  }
0x4c: {  	[spmem:s15] =	stream.linear.scatter [tilespmem:s23], [sflag:$0x7], $0x2000, $0x38;
	[tilespmem:$0x1EB00] =	vst v63  }
0x4d: {  	_ =	swait.ge [sflag:s24], $0x2000  }
0x4e: {  	[sflag:s24] =	ssyncset.done $0x0  }
0x4f: {  	s14 =	rddreg [dreg:$0x7];
	[sflag:s24] =	ssyncadd.s32 $0xFFFFE000  }
0x50: {  	[spmem:s14] =	stream.linear.scatter [tilespmem:s23], [sflag:$0x7], $0x2000, $0x38;
	[tilespmem:$0x1EB00] =	vst v63  }
0x51: {  	_ =	swait.ge [sflag:s24], $0x2000  }
0x52: {  	[sflag:s24] =	ssyncset.done $0x0  }
0x53: {  	s15 =	rddreg [dreg:$0x8];
	[sflag:s24] =	ssyncadd.s32 $0xFFFFE000  }
0x54: {  	[spmem:s15] =	stream.linear.scatter [tilespmem:s23], [sflag:$0x7], $0x2000, $0x38;
	[tilespmem:$0x1EB00] =	vst v63  }
0x55: {  	_ =	swait.ge [sflag:s24], $0x2000  }
0x56: {  	[sflag:s24] =	ssyncset.done $0x0  }
0x57: {  	s14 =	rddreg [dreg:$0x9];
	[sflag:s24] =	ssyncadd.s32 $0xFFFFE000  }
0x58: {  	[spmem:s14] =	stream.linear.scatter [tilespmem:s23], [sflag:$0x7], $0x2000, $0x38;
	[tilespmem:$0x1EB00] =	vst v63  }
0x59: {  	_ =	swait.ge [sflag:s24], $0x2000  }
0x5a: {  	[sflag:s24] =	ssyncset.done $0x0  }
0x5b: {  	s15 =	rddreg [dreg:$0xa];
	[sflag:s24] =	ssyncadd.s32 $0xFFFFE000  }
0x5c: {  	[spmem:s15] =	stream.linear.scatter [tilespmem:s23], [sflag:$0x7], $0x2000, $0x38;
	[tilespmem:$0x1EB00] =	vst v63  }
0x5d: {  	_ =	swait.ge [sflag:s24], $0x2000  }
0x5e: {  	[sflag:s24] =	ssyncset.done $0x0  }
0x5f: {  	s14 =	rddreg [dreg:$0xb];
	[sflag:s24] =	ssyncadd.s32 $0xFFFFE000  }
0x60: {  	[spmem:s14] =	stream.linear.scatter [tilespmem:s23], [sflag:$0x7], $0x2000, $0x38;
	[tilespmem:$0x1EB00] =	vst v63  }
0x61: {  	_ =	swait.ge [sflag:s24], $0x2000  }
0x62: {  	[sflag:s24] =	ssyncset.done $0x0  }
0x63: {  	s15 =	rddreg [dreg:$0xc];
	[sflag:s24] =	ssyncadd.s32 $0xFFFFE000  }
0x64: {  	[spmem:s15] =	stream.linear.scatter [tilespmem:s23], [sflag:$0x7], $0x2000, $0x38;
	[tilespmem:$0x1EB00] =	vst v63  }
0x65: {  	_ =	swait.ge [sflag:s24], $0x2000  }
0x66: {  	[sflag:s24] =	ssyncset.done $0x0  }
0x67: {  	[sflag:s24] =	ssyncadd.s32 $0xFFFFE000  }
0x68: {  	[tilespmem:$0x180] =	vst v1  }
0x69: {  	[tilespmem:$0x190] =	vst v1  }
0x6a: {  	[tilespmem:$0x1A0] =	vst v1  }
0x6b: {  	[tilespmem:$0x1B0] =	vst v1  }
0x6c: {  	[tilespmem:$0x1C0] =	vst v1  }
0x6d: {  	[tilespmem:$0x1D0] =	vst v1  }
0x6e: {  	[tilespmem:$0x1E0] =	vst v1  }
0x6f: {  	[tilespmem:$0x200] =	vst v1  }
0x70: {  	[tilespmem:$0x210] =	vst v1  }
0x71: {  	[tilespmem:$0x220] =	vst v1  }
0x72: {  	[tilespmem:$0x230] =	vst v1  }
0x73: {  	[tilespmem:$0x240] =	vst v1  }
0x74: {  	[tilespmem:$0x250] =	vst v1  }
0x75: {  	[tilespmem:$0x260] =	vst v1  }
0x76: {  	[tilespmem:$0x280] =	vst v1  }
0x77: {  	[tilespmem:$0x290] =	vst v1  }
0x78: {  	[tilespmem:$0x2A0] =	vst v1  }
0x79: {  	[tilespmem:$0x2B0] =	vst v1  }
0x7a: {  	[tilespmem:$0x2C0] =	vst v1  }
0x7b: {  	[tilespmem:$0x2D0] =	vst v1  }
0x7c: {  	[tilespmem:$0x2E0] =	vst v1  }
0x7d: {  	[spmem:s1] =	stream.indirect.scatter.add.f32 [tilespmem:s23], [sflag:$0x4], $0x80, s26, s25, $0xb8;
	[tilespmem:$0x1EB00] =	vst v63  }
0x7e: {  	_ = 	snop  }
0x7f: {  	[spmem:s1] =	stream.indirect.scatter.add.f32 [tilespmem:s29], [sflag:$0x5], $0x80, s28, s25, $0xb8;
	[tilespmem:$0x1EB00] =	vst v63  }
0x80: {  	_ = 	snop  }
0x81: {  	[spmem:s1] =	stream.indirect.scatter.add.f32 [tilespmem:s31], [sflag:$0x6], $0x80, s30, s25, $0xb8;
	[tilespmem:$0x1EB00] =	vst v63  }
0x82: {  	_ =	swait.ge [sflag:s0], $0x3800  }
0x83: {  	[sflag:s0] =	ssyncset.done $0x0  }
0x84: {  	s13 =	simm.s32 $0x0;
	s14 =	rddreg [dreg:$0xd];
	[sflag:s0] =	ssyncadd.s32 $0xFFFFC800  }
0x85: {  	[tilespmem:s13], [sflag:$0x7] =	stream.linear.gather [hbm4b:s14+s13], $0x80, $0x38;
	[tilespmem:$0x1EB00] =	vst v63  }
0x86: {  	_ =	swait.ge [sflag:s24], $0x80  }
0x87: {  	[sflag:s24] =	ssyncset.done $0x0  }
0x88: {  	[sflag:s24] =	ssyncadd.s32 $0xFFFFFF80  }
0x89: {  	[tilespmem:s26], [sflag:$0x7] =	stream.linear.gather [hbm4b:s16+s13], $0x80, $0x38;
	[tilespmem:$0x1EB00] =	vst v63  }
0x8a: {  	_ =	swait.ge [sflag:s24], $0x80  }
0x8b: {  	[sflag:s24] =	ssyncset.done $0x0  }
0x8c: {  	[sflag:s24] =	ssyncadd.s32 $0xFFFFFF80  }
0x8d: {  	[tilespmem:s23], [sflag:$0x1] =	stream.indirect.gather [hbm4b:s4+s25], $0x80, s13, s25, $0xb8;
	[tilespmem:$0x1EB00] =	vst v63  }
0x8e: {  	[bflag:$0x0] =	sbarrier.arrive $0xFFFF  }
.LBB2_4:
0x8f: {  	_ =	swait.ge [sflag:s2], $0x3800  }
0x90: {  	[sflag:s2] =	ssyncset.done $0x0  }
0x91: {  	s14 =	sadd.s32 s13, s22;
	[sflag:s2] =	ssyncadd.s32 $0xFFFFC800  }
0x92: {  	[tilespmem:s6], [sflag:$0x7] =	stream.linear.gather [hbm4b:s14+s3], $0x80, $0x38;
	[tilespmem:$0x1EB00] =	vst v63  }
0x93: {  	_ =	swait.ge [sflag:s24], $0x80  }
0x94: {  	s14 =	sadd.s32 s13, s19;
	[sflag:s24] =	ssyncset.done $0x0  }
0x95: {  	s15 =	sadd.s32 $0x10, s14;
	[sflag:s24] =	ssyncadd.s32 $0xFFFFFF80  }
0x96: {  	[tilespmem:s28], [sflag:$0x7] =	stream.linear.gather [hbm4b:s15+s3], $0x80, $0x38;
	[tilespmem:$0x1EB00] =	vst v63  }
0x97: {  	_ =	swait.ge [sflag:s24], $0x80  }
0x98: {  	[sflag:s24] =	ssyncset.done $0x0  }
0x99: {  	[sflag:s24] =	ssyncadd.s32 $0xFFFFFF80  }
0x9a: {  	[tilespmem:s29], [sflag:$0x2] =	stream.indirect.gather [hbm4b:s4+s25], $0x80, s6, s25, $0xb8;
	[tilespmem:$0x1EB00] =	vst v63  }
0x9b: {  	_ =	swait.ge [sflag:s7], $0x3800  }
0x9c: {  	[sflag:s7] =	ssyncset.done $0x0  }
0x9d: {  	[sflag:s7] =	ssyncadd.s32 $0xFFFFC800  }
0x9e: {  	[spmem:s1] =	stream.indirect.scatter.add.f32 [tilespmem:s23], [sflag:$0x4], $0x80, s26, s25, $0xb8;
	[tilespmem:$0x1EB00] =	vst v63  }
0x9f: {  	_ =	swait.ge [sflag:s8], $0x3800  }
0xa0: {  	[sflag:s8] =	ssyncset.done $0x0  }
0xa1: {  	s15 =	sadd.s32 s13, s21;
	[sflag:s8] =	ssyncadd.s32 $0xFFFFC800  }
0xa2: {  	[tilespmem:s9], [sflag:$0x7] =	stream.linear.gather [hbm4b:s15+s3], $0x80, $0x38;
	[tilespmem:$0x1EB00] =	vst v63  }
0xa3: {  	_ =	swait.ge [sflag:s24], $0x80  }
0xa4: {  	[sflag:s24] =	ssyncset.done $0x0  }
0xa5: {  	s15 =	sadd.s32 $0x20, s14;
	[sflag:s24] =	ssyncadd.s32 $0xFFFFFF80  }
0xa6: {  	[tilespmem:s30], [sflag:$0x7] =	stream.linear.gather [hbm4b:s15+s3], $0x80, $0x38;
	[tilespmem:$0x1EB00] =	vst v63  }
0xa7: {  	_ =	swait.ge [sflag:s24], $0x80  }
0xa8: {  	[sflag:s24] =	ssyncset.done $0x0  }
0xa9: {  	p0 =	seq.s32 s13, $0xB10;
	[sflag:s24] =	ssyncadd.s32 $0xFFFFFF80  }
0xaa: {  	[tilespmem:s31], [sflag:$0x3] =	stream.indirect.gather [hbm4b:s4+s25], $0x80, s9, s25, $0xb8;
	[tilespmem:$0x1EB00] =	vst v63  }
.Ltmp3:
0xab: {  	_ = 	snop;
	(pc) =	sbr.rel @p0 .LBB2_6-.Ltmp3, $4  }
0xac: {  	_ =	swait.ge [sflag:s10], $0x3800  }
0xad: {  	[sflag:s10] =	ssyncset.done $0x0  }
0xae: {  	[sflag:s10] =	ssyncadd.s32 $0xFFFFC800  }
0xaf: {  	[spmem:s1] =	stream.indirect.scatter.add.f32 [tilespmem:s29], [sflag:$0x5], $0x80, s28, s25, $0xb8;
	[tilespmem:$0x1EB00] =	vst v63  }
0xb0: {  	_ =	swait.ge [sflag:s0], $0x3800  }
0xb1: {  	[sflag:s0] =	ssyncset.done $0x0  }
0xb2: {  	s15 =	sadd.s32 s13, s20;
	[sflag:s0] =	ssyncadd.s32 $0xFFFFC800  }
0xb3: {  	[tilespmem:s3], [sflag:$0x7] =	stream.linear.gather [hbm4b:s15+s3], $0x80, $0x38;
	[tilespmem:$0x1EB00] =	vst v63  }
0xb4: {  	_ =	swait.ge [sflag:s24], $0x80  }
0xb5: {  	[sflag:s24] =	ssyncset.done $0x0  }
0xb6: {  	s14 =	sadd.s32 $0x30, s14;
	[sflag:s24] =	ssyncadd.s32 $0xFFFFFF80  }
0xb7: {  	[tilespmem:s26], [sflag:$0x7] =	stream.linear.gather [hbm4b:s14+s3], $0x80, $0x38;
	[tilespmem:$0x1EB00] =	vst v63  }
0xb8: {  	_ =	swait.ge [sflag:s24], $0x80  }
0xb9: {  	[sflag:s24] =	ssyncset.done $0x0  }
0xba: {  	[sflag:s24] =	ssyncadd.s32 $0xFFFFFF80  }
0xbb: {  	[tilespmem:s23], [sflag:$0x1] =	stream.indirect.gather [hbm4b:s4+s25], $0x80, s3, s25, $0xb8;
	[tilespmem:$0x1EB00] =	vst v63  }
.Ltmp4:
0xbc: {  	_ = 	snop;
	(pc) =	sbr.rel .LBB2_4-.Ltmp4, $4  }
0xbd: {  	_ =	swait.ge [sflag:s11], $0x3800  }
0xbe: {  	[sflag:s11] =	ssyncset.done $0x0  }
0xbf: {  	s13 =	sadd.s32 $0x30, s13;
	[sflag:s11] =	ssyncadd.s32 $0xFFFFC800  }
0xc0: {  	[spmem:s1] =	stream.indirect.scatter.add.f32 [tilespmem:s31], [sflag:$0x6], $0x80, s30, s25, $0xb8;
	[tilespmem:$0x1EB00] =	vst v63  }
.LBB2_7:
0xc1: {  	_ =	sfence.sel $0x180000  }
0xc2: {  	[bflag:$0x0] =	sbarrier.arrive $0xFFFF  }
0xc3: {  	_ =	strace $0x9000004A  }
0xc4: {  	s0 =	stileid.u32;
	[bflag:$0x2] =	sbarrier.arrive $0xFFFF  }
0xc5: {  	p0 =	sne.s32 s0, $0x0;
	s0 =	rddreg [dreg:$0x3]  }
0xc6: {  	s0 =	sadd.s32 @!p0 $0x100000, s0  }
0xc7: {  	[sflag:s0] =	ssyncadd.tile.s32 @!p0 $0x1;
	_ =	shalt  }
.Lfunc_end2:
_tile_overlayer_lowered:
.L_overlay_start_2:
0xc8: {  	(tag) =	ssettag $0x2  }
0xc9: {  	s0 =	rddreg [dreg:$0x0];
	s2 =	stileid.u32  }
0xca: {  	s1 =	rddreg [dreg:$0x1];
	p0 =	sne.s32 s2, $0x0  }
0xcb: {  	s3 =	rddreg [dreg:$0x2];
	[bflag:$0x3] =	sbarrier.arrive $0xFFFF;
	s2 =	simm.s32 @!p0 $0x1C07  }
0xcc: {  	[timem:s3], [sflag:s2] =	dma.local @!p0 [hbm:s0], s1  }
0xcd: {  	s0 =	simm.s32 @!p0 $0x7  }
0xce: {  	_ =	swait.ge @!p0 [sflag:s0], s1  }
0xcf: {  	s1 =	ssub.s32 @!p0 $0x0, s1;
	[sflag:s0] =	ssyncset.done @!p0 $0x0  }
0xd0: {  	[sflag:s0] =	ssyncadd.s32 @!p0 s1  }
0xd1: {  	[bflag:$0x3] =	sbarrier.arrive $0xFFFF  }
0xd2: {  	_ =	shalt  }

// kernel: kernel.14.cloned.1.call-start
scs
__scs_entry_jumppad:
0x0: {  	(pc) =	sbr.rel $0x88, $3  }
0x1: {  	(tag) =	ssettag $0x0;
	lr =	simm.s32 $0x1  }
0x2: {  	[smem:$0x3F9A] =	sst lr;
	_ =	strace $0xD0000000  }
0x3: {  	_ = 	snop  }
0x4: {  	_ = 	snop  }
0x5: {  	_ = 	snop  }
0x6: {  	_ = 	snop  }
0x7: {  	_ = 	snop  }
__scs_overlays_trampoline_lowered:
0x8: {  	[smem:$0x3FA9] =	sst s0  }
0x9: {  	[smem:$0x3FAA] =	sst s1  }
0xa: {  	[smem:$0x3FAB] =	sst s2  }
0xb: {  	[smem:$0x3FAC] =	sst s3  }
0xc: {  	[smem:$0x3FAD] =	sst s4  }
0xd: {  	[smem:$0x3FAE] =	sst s5  }
0xe: {  	[smem:$0x3FAF] =	sst s6  }
0xf: {  	[smem:$0x3FB0] =	sst s7  }
0x10: {  	[smem:$0x3FB1] =	sst s8  }
0x11: {  	[smem:$0x3FB2] =	sst s9;
	s0 =	simm.s32 @!p0 $0x0  }
0x12: {  	s1 =	sld [smem:$0x3F98];
	s0 =	simm.s32 @p0 $0x1  }
0x13: {  	[smem:$0x3FB3] =	sst s0;
	s0 =	simm.s32 @!p1 $0x0  }
0x14: {  	s2 =	sld [smem:$0x3F97];
	s0 =	simm.s32 @p1 $0x1  }
0x15: {  	[smem:$0x3FB4] =	sst s0;
	s0 =	simm.s32 @!p2 $0x0  }
0x16: {  	s3 =	sld [smem:$0x3FDB];
	s0 =	simm.s32 @p2 $0x1  }
0x17: {  	s4 =	simm.s32 $0x1BF5;
	[smem:$0x3FB6] =	sst s0  }
0x18: {  	s0 =	sld [smem:$0x3F99];
	_ =	swait.ge [sflag:s4], $0x0  }
0x19: {  	s7 =	sld [smem:$0x3F9A]  }
0x1a: {  	s8 =	sadd.s32 $0xFFFFE003, lr  }
0x1b: {  	s9 =	sadd.s32 $0xFFFFFEF7, lr;
	s5 =	simm.s32 $0xFFFFFFFF;
	p2 =	slt.u32 s8, $0xFFFFF086  }
0x1c: {  	p1 =	slt.u32 s9, $0xF7A;
	s5 =	simm.s32 @!p2 $0x0  }
0x1d: {  	s5 =	simm.s32 @p1 $0x1;
	p0 =	seq.s32 s7, s2  }
0x1e: {  	s7 =	smul.u32 @!p0 $0xF7A, s2;
	p2 =	seq.s32 @!p0 s5, $0x0  }
0x1f: {  	s9 =	smul.u32 $0xF7A, s1;
	s8 =	simm.s32 @!p0 $0x1BF5;
	p2 =	por !p2, p0  }
0x20: {  	[sflag:s8] =	ssyncset.s32 @!p0 $0xFFFFF086;
	s6 =	sadd.s32 @!p0 s3, s7;
	s7 =	simm.s32 @!p0 $0x108  }
0x21: {  	s3 =	sadd.s32 s3, s9;
	s6 =	sadd.s32 @!p0 $0x88, s6;
	s7 =	simm.s32 @p2 $0x1082  }
0x22: {  	[simem:s7], [sflag:s8] =	dma.local @!p0 [hbm:s6], $0xF7A  }
0x23: {  	s9 =	sor.u32 $0xD0000000, s2;
	s6 =	simm.s32 $0x108;
	_ =	swait.ge @!p0 [sflag:s8], $0x0  }
0x24: {  	s3 =	sadd.s32 $0x88, s3;
	s6 =	simm.s32 @!p1 $0x1082;
	[sflag:s4] =	ssyncset.s32 $0xFFFFF086  }
0x25: {  	[simem:s6], [sflag:s4] =	dma.local [hbm:s3], $0xF7A  }
0x26: {  	[smem:$0x3F9A] =	sst s1;
	(tag) =	ssettag s2;
	_ =	strace s9  }
0x27: {  	s1 =	sld [smem:$0x3FAA]  }
0x28: {  	s2 =	sld [smem:$0x3FAB]  }
0x29: {  	s4 =	sld [smem:$0x3FAD]  }
0x2a: {  	p0 =	seq.s32 s5, $0x0;
	s5 =	sld [smem:$0x3FAE]  }
0x2b: {  	s6 =	sld [smem:$0x3FAF]  }
0x2c: {  	s7 =	sld [smem:$0x3FB0]  }
0x2d: {  	s3 =	simm.s32 $0x108;
	s8 =	sld [smem:$0x3FB1]  }
0x2e: {  	s3 =	simm.s32 @!p0 $0x1082;
	s9 =	sld [smem:$0x3FB2]  }
0x2f: {  	lr =	sadd.s32 s0, s3;
	s0 =	sld [smem:$0x3FA9]  }
0x30: {  	s3 =	sld [smem:$0x3FAC]  }
0x31: {  	[smem:$0x3FB5] =	sst s10  }
0x32: {  	s10 =	sld [smem:$0x3FB3];
	_ =	sdelay $0x3  }
0x33: {  	p0 =	seq.s32 s10, $0x1;
	s10 =	sld [smem:$0x3FB5];
	_ =	sdelay $0x3  }
0x34: {  	[smem:$0x3FB5] =	sst s10  }
0x35: {  	s10 =	sld [smem:$0x3FB4];
	_ =	sdelay $0x3  }
0x36: {  	p1 =	seq.s32 s10, $0x1;
	s10 =	sld [smem:$0x3FB5];
	_ =	sdelay $0x3  }
0x37: {  	[smem:$0x3FB5] =	sst s10  }
0x38: {  	s10 =	sld [smem:$0x3FB6]  }
0x39: {  	_ = 	snop;
	(pc) =	sbr.ind lr, $3  }
0x3a: {  	_ = 	snop  }
0x3b: {  	_ = 	snop  }
0x3c: {  	p2 =	seq.s32 s10, $0x1;
	s10 =	sld [smem:$0x3FB5]  }
0x3d: {  	_ =	shalt  }
0x3e: {  	_ =	shalt  }
0x3f: {  	_ =	shalt  }
0x40: {  	_ =	shalt  }
0x41: {  	_ =	shalt  }
0x42: {  	_ =	shalt  }
0x43: {  	_ =	shalt  }
0x44: {  	_ =	shalt  }
0x45: {  	_ =	shalt  }
0x46: {  	_ =	shalt  }
0x47: {  	_ =	shalt  }
0x48: {  	_ =	shalt  }
0x49: {  	_ =	shalt  }
0x4a: {  	_ =	shalt  }
0x4b: {  	_ =	shalt  }
0x4c: {  	_ =	shalt  }
0x4d: {  	_ =	shalt  }
0x4e: {  	_ =	shalt  }
0x4f: {  	_ =	shalt  }
0x50: {  	_ =	shalt  }
0x51: {  	_ =	shalt  }
0x52: {  	_ =	shalt  }
0x53: {  	_ =	shalt  }
0x54: {  	_ =	shalt  }
0x55: {  	_ =	shalt  }
0x56: {  	_ =	shalt  }
0x57: {  	_ =	shalt  }
0x58: {  	_ =	shalt  }
0x59: {  	_ =	shalt  }
0x5a: {  	_ =	shalt  }
0x5b: {  	_ =	shalt  }
0x5c: {  	_ =	shalt  }
0x5d: {  	_ =	shalt  }
0x5e: {  	_ =	shalt  }
0x5f: {  	_ =	shalt  }
0x60: {  	_ =	shalt  }
0x61: {  	_ =	shalt  }
0x62: {  	_ =	shalt  }
0x63: {  	_ =	shalt  }
0x64: {  	_ =	shalt  }
0x65: {  	_ =	shalt  }
0x66: {  	_ =	shalt  }
0x67: {  	_ =	shalt  }
0x68: {  	_ =	shalt  }
0x69: {  	_ =	shalt  }
0x6a: {  	_ =	shalt  }
0x6b: {  	_ =	shalt  }
0x6c: {  	_ =	shalt  }
0x6d: {  	_ =	shalt  }
0x6e: {  	_ =	shalt  }
0x6f: {  	_ =	shalt  }
0x70: {  	_ =	shalt  }
0x71: {  	_ =	shalt  }
0x72: {  	_ =	shalt  }
0x73: {  	_ =	shalt  }
0x74: {  	_ =	shalt  }
0x75: {  	_ =	shalt  }
0x76: {  	_ =	shalt  }
0x77: {  	_ =	shalt  }
0x78: {  	_ =	shalt  }
0x79: {  	_ =	shalt  }
0x7a: {  	_ =	shalt  }
0x7b: {  	_ =	shalt  }
0x7c: {  	_ =	shalt  }
0x7d: {  	_ =	shalt  }
0x7e: {  	_ =	shalt  }
0x7f: {  	_ =	shalt  }
0x80: {  	_ =	shalt  }
0x81: {  	_ =	shalt  }
0x82: {  	_ =	shalt  }
0x83: {  	_ =	shalt  }
0x84: {  	_ =	shalt  }
0x85: {  	_ =	shalt  }
0x86: {  	_ =	shalt  }
0x87: {  	_ =	shalt  }
.Lfunc_end0:
.L_simem_size_0:
called_computation.2_lowered:
.L_overlay_start_0:
0x88: {  	s2 =	sld [smem:$0x3FD9]  }
0x89: {  	s3 =	sld [smem:$0x3FFE];
	_ =	sdelay $0x1  }
0x8a: {  	s1 =	srdreg.scid  }
0x8b: {  	s0 =	sand.u32 $0x1, s1  }
0x8c: {  	s16 =	sshll.u32 s0, $0xA;
	s2 =	sadd.s32 s3, s2  }
0x8d: {  	s2 =	sadd.s32 s2, s16  }
0x8e: {  	[smem:$0x3FC1] =	sst s2  }
0x8f: {  	_ = 	snop  }
0x90: {  	(tm) =	ssettm $0x1  }
0x91: {  	s17 =	sld [smem:$0x3FFB];
	_ =	sdelay $0x3  }
0x92: {  	_ =	strace s17  }
0x93: {  	s2 =	sld [smem:$0x3FFC];
	_ =	sdelay $0x3  }
0x94: {  	_ =	strace s2  }
0x95: {  	s2 =	sld [smem:$0x3FFD];
	_ =	sdelay $0x3  }
0x96: {  	_ =	strace s2  }
0x97: {  	_ =	strace $0x8FFFFFFF  }
0x98: {  	s18 =	sld [smem:$0x3FDB];
	_ =	sdelay $0x1  }
0x99: {  	s19 =	simm.s32 $_scs_section_size  }
0x9a: {  	s4 =	simm.s32 $_size__tile_overlayer_lowered;
	s5 =	simm.s32 $_tile_overlayer_lowered  }
0x9b: {  	s22 =	simm.s32 $0x1BFF;
	s21 =	sshll.u32 s5, $0x1;
	s2 =	sadd.s32 s19, s18  }
0x9c: {  	s6 =	simm.s32 $0x0;
	s20 =	sshll.u32 s4, $0x1;
	s4 =	sadd.s32 s21, s2  }
0x9d: {  	[timem:s6], [sflag:s22] =	dma.local [hbm:s4], s20  }
0x9e: {  	_ =	swait.ge [sflag:s22], s20  }
0x9f: {  	s3 =	ssub.s32 $0x0, s20;
	[sflag:s22] =	ssyncset.done $0x0  }
0xa0: {  	[sflag:s22] =	ssyncadd.s32 s3;
	_ =	sdelay $0x1  }
0xa1: {  	s23 =	simm.s32 $0x1B8B  }
0xa2: {  	_ =	swait.ge [sflag:s23], $0x1  }
0xa3: {  	[sflag:s23] =	ssyncset.done $0x0  }
0xa4: {  	s25 =	simm.s32 $0x1B8E;
	s24 =	sld [smem:$0x3FFE];
	[sflag:s23] =	ssyncadd.s32 $0xFFFFFFFF  }
0xa5: {  	s26 =	simm.s32 $execute0_lowered;
	[smem:$0x3FD2] =	sst s25  }
0xa6: {  	s4 =	sshll.u32 s26, $0x1;
	_ =	strace $0x8000004C;
	[dreg:$0x1] =	wrdreg $0xFFFFFFFF  }
0xa7: {  	s28 =	simm.s32 $_size_execute0_lowered;
	s2 =	sadd.s32 s2, s4;
	[dreg:$0x0] =	wrdreg $0x0  }
0xa8: {  	s4 =	sshll.u32 s28, $0x1;
	[dreg:$0x2] =	wrdreg s2  }
0xa9: {  	[dreg:$0x3] =	wrdreg s4  }
0xaa: {  	[dreg:$0x4] =	wrdreg $0xC0  }
0xab: {  	_ =	task [dreg:s6], $0x5FFFF  }
0xac: {  	[dreg:$0x1] =	wrdreg $0xFFFFFFFF  }
0xad: {  	[dreg:$0x0] =	wrdreg $0x60  }
0xae: {  	[dreg:$0x2] =	wrdreg s24  }
0xaf: {  	[dreg:$0x3] =	wrdreg $0xAB000  }
0xb0: {  	[dreg:$0x4] =	wrdreg $0x9  }
0xb1: {  	_ =	task.clear_ibuf [dreg:s6], $0x5FFFF;
	_ =	strace $0x9000004C  }
0xb2: {  	s29 =	simm.s32 $0x9;
	_ =	strace $0x8000004E  }
0xb3: {  	_ =	swait.ge [sflag:s29], $0x1  }
0xb4: {  	[sflag:s29] =	ssyncadd.s32 $0xFFFFFFFF  }
0xb5: {  	_ =	strace $0x9000004E  }
0xb6: {  	_ =	sfence  }
0xb7: {  	s30 =	sld [smem:$0x0];
	_ =	sdelay $0x2  }
0xb8: {  	s31 =	sshll.u32 s1, $0xD;
	s1 =	sshrl.u32 s1, $0x2  }
0xb9: {  	s3 =	sand.u32 $0x4000, s31;
	s1 =	sadd.s32 s1, s30  }
0xba: {  	s0 =	sor.u32 s3, s0;
	s1 =	sshll.u32 s1, $0x11  }
0xbb: {  	s0 =	sor.u32 s1, s0  }
0xbc: {  	s0 =	sadd.s32 $0x8F2B, s0  }
0xbd: {  	[sflag:s0] =	ssyncadd.remote.s32 $0x1  }
0xbe: {  	_ =	sfence.sel $0xFFFF  }
0xbf: {  	[dreg:$0x0] =	wrdreg $0xFFFFFFFF;
	(pc) =	sbr.abs _section_cstart, $3  }
0xc0: {  	[dreg:$0x1] =	wrdreg $0xFFFFFFFF  }
0xc1: {  	_ =	task.clear_ibuf [dreg:s6], $0x2FFFF;
	_ =	strace $0x9FFFFFFF  }
0xc2: {  	(tm) =	ssettm $0x7FFFFFFF  }
0xc3: {  	_ =	shalt  }
tec
execute0_lowered:
.L_overlay_start_1:
0x0: {  	(tag) =	ssettag $0x1  }
0x1: {  	s0 =	rddreg [dreg:$0x0]  }
0x2: {  	s1 =	rddreg [dreg:$0x1];
	s10 =	stileid.u32  }
0x3: {  	s2 =	srdreg.scid;
	s7 =	smul.u32 $0x14000, s10  }
0x4: {  	s3 =	simm.s32 $0x0;
	s2 =	sand.u32 $0x1, s2;
	s8 =	smul.u32 $0x50000, s10  }
0x5: {  	s28 =	simm.s32 $0x7;
	[smem:$0x7FF] =	sst s3;
	s6 =	smul.u32 $0x140000, s2  }
0x6: {  	s4 =	sadd.s32 $0xB6A00, s0;
	s5 =	sadd.s32 $0x1600, s0;
	s9 =	ssub.s32 $0x2, s2  }
0x7: {  	s25 =	sshrl.u32 s9, $0x1;
	s8 =	sshrl.u32 s8, $0x2;
	s7 =	sadd.s32 s7, s6  }
0x8: {  	s6 =	sadd.s32 $0xCC00, s0;
	s9 =	ssub.s32 s9, s25;
	s7 =	sshrl.u32 s7, $0x3  }
0x9: {  	s22 =	smax.u32 s9, $0x1;
	s0 =	sadd.s32 s7, s0;
	s7 =	sadd.s32 s8, s1  }
0xa: {  	_ =	strace $0x8000004D;
	[dreg:$0xf] =	wrdreg s22;
	s11 =	sadd.s32 $0x2000, s7  }
0xb: {  	s29 =	simm.s32 $0x70;
	s12 =	sadd.s32 $0x4000, s7;
	[dreg:$0x3] =	wrdreg s11  }
0xc: {  	s30 =	simm.s32 $0x180;
	s13 =	sadd.s32 $0x6000, s7;
	[dreg:$0x4] =	wrdreg s12  }
0xd: {  	s31 =	simm.s32 $0x200;
	s14 =	sadd.s32 $0x8000, s7;
	[dreg:$0x5] =	wrdreg s13  }
0xe: {  	s26 =	sshll.u32 s10, $0x1;
	s15 =	sadd.s32 $0xA000, s7;
	[dreg:$0x6] =	wrdreg s14  }
0xf: {  	s10 =	smul.u32 $0x5A00, s10;
	s16 =	sadd.s32 $0xC000, s7;
	[dreg:$0x7] =	wrdreg s15  }
0x10: {  	s9 =	simm.s32 $0x4;
	s17 =	sadd.s32 $0xE000, s7;
	[dreg:$0x8] =	wrdreg s16  }
0x11: {  	s8 =	sor.u32 s2, s26;
	s18 =	sadd.s32 $0x10000, s7;
	[dreg:$0x9] =	wrdreg s17  }
0x12: {  	s2 =	smul.u32 $0x2D00, s2;
	s19 =	sadd.s32 $0x12000, s7;
	[dreg:$0xa] =	wrdreg s18  }
0x13: {  	s8 =	smul.u32 $0x2D00, s8;
	s0 =	sadd.s32 $0x5AE00, s0;
	[dreg:$0xb] =	wrdreg s19  }
0x14: {  	[dreg:$0xe] =	wrdreg s0;
	s21 =	sadd.s32 s2, s10;
	s2 =	simm.s32 $0x280  }
0x15: {  	s10 =	simm.s32 $0x5;
	s11 =	simm.s32 $0x80;
	s12 =	simm.s32 $0x1  }
0x16: {  	s13 =	simm.s32 $0x6;
	s14 =	simm.s32 $0x100;
	s15 =	simm.s32 $0x2  }
0x17: {  	s16 =	simm.s32 $0x3;
	s17 =	simm.s32 $0x0;
	s8 =	sshrl.u32 s8, $0x3  }
0x18: {  	s23 =	sadd.s32 $0x100, s21;
	s24 =	sor.u32 $0x80, s21;
	s0 =	sadd.s32 $0x180, s21  }
.Ltmp0:
0x19: {  	s20 =	sadd.s32 s4, s8;
	[dreg:$0x10] =	wrdreg s0;
	(pc) =	sbr.rel .LBB2_1-.Ltmp0, $4  }
0x1a: {  	s8 =	sadd.s32 s5, s8;
	s25 =	sshrl.u32 s23, $0x3;
	[dreg:$0xc] =	wrdreg s20  }
0x1b: {  	s26 =	sshrl.u32 s24, $0x3;
	s0 =	simm.s32 $0x3B00;
	[dreg:$0xd] =	wrdreg s8  }
0x1c: {  	s22 =	sadd.s32 s25, s5;
	s23 =	sadd.s32 s25, s4;
	s24 =	sadd.s32 s26, s5  }
0x1d: {  	v0 =	vimm.f32 $0.0e+00;
	v1 =	vimm.s32 $0x27F8;
	s25 =	sadd.s32 s26, s4;
	s26 =	simm.s32 $0x300;
	s8 =	simm.s32 $0x7300  }
.LBB2_6:
0x1e: {  	_ =	swait.ge [sflag:s16], $0x3800  }
0x1f: {  	[sflag:s16] =	ssyncset.done $0x0  }
0x20: {  	[sflag:s16] =	ssyncadd.s32 $0xFFFFC800  }
0x21: {  	[spmem:s1] =	stream.indirect.scatter.add.f32 [tilespmem:s8], [sflag:$0x6], $0x80, s2, s29, $0xb8;
	[tilespmem:$0x1EB00] =	vst v63  }
0x22: {  	_ =	swait.ge [sflag:s9], $0x3800  }
0x23: {  	[sflag:s9] =	ssyncset.done $0x0  }
0x24: {  	[sflag:s9] =	ssyncadd.s32 $0xFFFFC800  }
0x25: {  	_ =	swait.ge [sflag:s10], $0x3800  }
0x26: {  	[sflag:s10] =	ssyncset.done $0x0  }
0x27: {  	[sflag:s10] =	ssyncadd.s32 $0xFFFFC800  }
0x28: {  	_ =	swait.ge [sflag:s13], $0x3800  }
0x29: {  	[sflag:s13] =	ssyncset.done $0x0  }
0x2a: {  	s18 =	stileid.u32;
	[sflag:s13] =	ssyncadd.s32 $0xFFFFC800  }
0x2b: {  	s18 =	sshll.u32 s18, $0x6;
	[bflag:$0x0] =	sbarrier.arrive $0xFFFF  }
0x2c: {  	s19 =	sshrl.u32 s7, $0x3;
	s18 =	sor.u32 $0x1C07, s18;
	s20 =	rddreg [dreg:$0xe]  }
0x2d: {  	[hbm:s20], [sflag:s18] =	dma.local [spmem:s19], $0x2800  }
0x2e: {  	_ =	swait.ge [sflag:s28], $0x2800  }
0x2f: {  	s17 =	sadd.s32 $0x1, s17;
	s21 =	rddreg [dreg:$0xf]  }
0x30: {  	p0 =	sne.s32 s17, s21  }
.Ltmp1:
0x31: {  	_ = 	snop;
	(pc) =	sbr.rel @!p0 .LBB2_7-.Ltmp1, $3  }
0x32: {  	_ =	sdelay $0x1  }
0x33: {  	[sflag:s28] =	ssyncset.done $0x0  }
0x34: {  	[sflag:s28] =	ssyncadd.s32 $0xFFFFD800  }
.LBB2_1:
0x35: {  	s18 =	simm.s32 $0x0;
	s21 =	simm.s32 $0x200  }
.LBB2_2:
0x36: {  	p0 =	sne.s32 s21, $0x7E00;
	[tilespmem:s18+$0x370] =	vst v0  }
0x37: {  	[tilespmem:s18+$0x300] =	vst v0  }
0x38: {  	[tilespmem:s18+$0x310] =	vst v0  }
.Ltmp2:
0x39: {  	[tilespmem:s18+$0x320] =	vst v0;
	(pc) =	sbr.rel @p0 .LBB2_2-.Ltmp2, $4  }
0x3a: {  	[tilespmem:s18+$0x330] =	vst v0  }
0x3b: {  	[tilespmem:s18+$0x340] =	vst v0  }
0x3c: {  	[tilespmem:s18+$0x350] =	vst v0  }
0x3d: {  	[tilespmem:s18+$0x360] =	vst v0;
	s18 =	sshra.s32 s21, $0x2;
	s21 =	sadd.s32 $0x200, s21  }
0x3e: {  	[tilespmem:s18+$0x370] =	vst v0  }
0x3f: {  	[tilespmem:s18+$0x300] =	vst v0  }
0x40: {  	[tilespmem:s18+$0x310] =	vst v0  }
0x41: {  	[tilespmem:s18+$0x320] =	vst v0  }
0x42: {  	[tilespmem:s18+$0x330] =	vst v0  }
0x43: {  	[tilespmem:s18+$0x340] =	vst v0  }
0x44: {  	[tilespmem:s18+$0x350] =	vst v0  }
0x45: {  	[tilespmem:s18+$0x360] =	vst v0  }
0x46: {  	[spmem:s7] =	stream.linear.scatter [tilespmem:s26], [sflag:$0x7], $0x2000, $0x38;
	[tilespmem:$0x1EB00] =	vst v63  }
0x47: {  	_ =	swait.ge [sflag:s28], $0x2000  }
0x48: {  	[sflag:s28] =	ssyncset.done $0x0  }
0x49: {  	s21 =	rddreg [dreg:$0x3];
	[sflag:s28] =	ssyncadd.s32 $0xFFFFE000  }
0x4a: {  	[spmem:s21] =	stream.linear.scatter [tilespmem:s26], [sflag:$0x7], $0x2000, $0x38;
	[tilespmem:$0x1EB00] =	vst v63  }
0x4b: {  	_ =	swait.ge [sflag:s28], $0x2000  }
0x4c: {  	[sflag:s28] =	ssyncset.done $0x0  }
0x4d: {  	s19 =	rddreg [dreg:$0x4];
	[sflag:s28] =	ssyncadd.s32 $0xFFFFE000  }
0x4e: {  	[spmem:s19] =	stream.linear.scatter [tilespmem:s26], [sflag:$0x7], $0x2000, $0x38;
	[tilespmem:$0x1EB00] =	vst v63  }
0x4f: {  	_ =	swait.ge [sflag:s28], $0x2000  }
0x50: {  	[sflag:s28] =	ssyncset.done $0x0  }
0x51: {  	s20 =	rddreg [dreg:$0x5];
	[sflag:s28] =	ssyncadd.s32 $0xFFFFE000  }
0x52: {  	[spmem:s20] =	stream.linear.scatter [tilespmem:s26], [sflag:$0x7], $0x2000, $0x38;
	[tilespmem:$0x1EB00] =	vst v63  }
0x53: {  	_ =	swait.ge [sflag:s28], $0x2000  }
0x54: {  	[sflag:s28] =	ssyncset.done $0x0  }
0x55: {  	s21 =	rddreg [dreg:$0x6];
	[sflag:s28] =	ssyncadd.s32 $0xFFFFE000  }
0x56: {  	[spmem:s21] =	stream.linear.scatter [tilespmem:s26], [sflag:$0x7], $0x2000, $0x38;
	[tilespmem:$0x1EB00] =	vst v63  }
0x57: {  	_ =	swait.ge [sflag:s28], $0x2000  }
0x58: {  	[sflag:s28] =	ssyncset.done $0x0  }
0x59: {  	s19 =	rddreg [dreg:$0x7];
	[sflag:s28] =	ssyncadd.s32 $0xFFFFE000  }
0x5a: {  	[spmem:s19] =	stream.linear.scatter [tilespmem:s26], [sflag:$0x7], $0x2000, $0x38;
	[tilespmem:$0x1EB00] =	vst v63  }
0x5b: {  	_ =	swait.ge [sflag:s28], $0x2000  }
0x5c: {  	[sflag:s28] =	ssyncset.done $0x0  }
0x5d: {  	s20 =	rddreg [dreg:$0x8];
	[sflag:s28] =	ssyncadd.s32 $0xFFFFE000  }
0x5e: {  	[spmem:s20] =	stream.linear.scatter [tilespmem:s26], [sflag:$0x7], $0x2000, $0x38;
	[tilespmem:$0x1EB00] =	vst v63  }
0x5f: {  	_ =	swait.ge [sflag:s28], $0x2000  }
0x60: {  	[sflag:s28] =	ssyncset.done $0x0  }
0x61: {  	s21 =	rddreg [dreg:$0x9];
	[sflag:s28] =	ssyncadd.s32 $0xFFFFE000  }
0x62: {  	[spmem:s21] =	stream.linear.scatter [tilespmem:s26], [sflag:$0x7], $0x2000, $0x38;
	[tilespmem:$0x1EB00] =	vst v63  }
0x63: {  	_ =	swait.ge [sflag:s28], $0x2000  }
0x64: {  	[sflag:s28] =	ssyncset.done $0x0  }
0x65: {  	s19 =	rddreg [dreg:$0xa];
	[sflag:s28] =	ssyncadd.s32 $0xFFFFE000  }
0x66: {  	[spmem:s19] =	stream.linear.scatter [tilespmem:s26], [sflag:$0x7], $0x2000, $0x38;
	[tilespmem:$0x1EB00] =	vst v63  }
0x67: {  	_ =	swait.ge [sflag:s28], $0x2000  }
0x68: {  	[sflag:s28] =	ssyncset.done $0x0  }
0x69: {  	s20 =	rddreg [dreg:$0xb];
	[sflag:s28] =	ssyncadd.s32 $0xFFFFE000  }
0x6a: {  	[spmem:s20] =	stream.linear.scatter [tilespmem:s26], [sflag:$0x7], $0x2000, $0x38;
	[tilespmem:$0x1EB00] =	vst v63  }
0x6b: {  	_ =	swait.ge [sflag:s28], $0x2000  }
0x6c: {  	[sflag:s28] =	ssyncset.done $0x0  }
0x6d: {  	[sflag:s28] =	ssyncadd.s32 $0xFFFFE000  }
0x6e: {  	[tilespmem:$0x180] =	vst v1  }
0x6f: {  	[tilespmem:$0x190] =	vst v1  }
0x70: {  	[tilespmem:$0x1A0] =	vst v1  }
0x71: {  	[tilespmem:$0x1B0] =	vst v1  }
0x72: {  	[tilespmem:$0x1C0] =	vst v1  }
0x73: {  	[tilespmem:$0x1D0] =	vst v1  }
0x74: {  	[tilespmem:$0x1E0] =	vst v1  }
0x75: {  	[tilespmem:$0x200] =	vst v1  }
0x76: {  	[tilespmem:$0x210] =	vst v1  }
0x77: {  	[tilespmem:$0x220] =	vst v1  }
0x78: {  	[tilespmem:$0x230] =	vst v1  }
0x79: {  	[tilespmem:$0x240] =	vst v1  }
0x7a: {  	[tilespmem:$0x250] =	vst v1  }
0x7b: {  	[tilespmem:$0x260] =	vst v1  }
0x7c: {  	[tilespmem:$0x280] =	vst v1  }
0x7d: {  	[tilespmem:$0x290] =	vst v1  }
0x7e: {  	[tilespmem:$0x2A0] =	vst v1  }
0x7f: {  	[tilespmem:$0x2B0] =	vst v1  }
0x80: {  	[tilespmem:$0x2C0] =	vst v1  }
0x81: {  	[tilespmem:$0x2D0] =	vst v1  }
0x82: {  	[tilespmem:$0x2E0] =	vst v1  }
0x83: {  	[spmem:s1] =	stream.indirect.scatter.add.f32 [tilespmem:s26], [sflag:$0x4], $0x80, s30, s29, $0xb8;
	[tilespmem:$0x1EB00] =	vst v63  }
0x84: {  	_ = 	snop  }
0x85: {  	[spmem:s1] =	stream.indirect.scatter.add.f32 [tilespmem:s0], [sflag:$0x5], $0x80, s31, s29, $0xb8;
	[tilespmem:$0x1EB00] =	vst v63  }
0x86: {  	_ = 	snop  }
0x87: {  	[spmem:s1] =	stream.indirect.scatter.add.f32 [tilespmem:s8], [sflag:$0x6], $0x80, s2, s29, $0xb8;
	[tilespmem:$0x1EB00] =	vst v63  }
0x88: {  	_ =	swait.ge [sflag:s9], $0x3800  }
0x89: {  	[sflag:s9] =	ssyncset.done $0x0  }
0x8a: {  	s18 =	simm.s32 $0x0;
	s19 =	rddreg [dreg:$0xc];
	[sflag:s9] =	ssyncadd.s32 $0xFFFFC800  }
0x8b: {  	[tilespmem:s18], [sflag:$0x7] =	stream.linear.gather [hbm4b:s19+s18], $0x80, $0x38;
	[tilespmem:$0x1EB00] =	vst v63  }
0x8c: {  	_ =	swait.ge [sflag:s28], $0x80  }
0x8d: {  	[sflag:s28] =	ssyncset.done $0x0  }
0x8e: {  	s21 =	rddreg [dreg:$0xd];
	[sflag:s28] =	ssyncadd.s32 $0xFFFFFF80  }
0x8f: {  	[tilespmem:s30], [sflag:$0x7] =	stream.linear.gather [hbm4b:s21+s18], $0x80, $0x38;
	[tilespmem:$0x1EB00] =	vst v63  }
0x90: {  	_ =	swait.ge [sflag:s28], $0x80  }
0x91: {  	[sflag:s28] =	ssyncset.done $0x0  }
0x92: {  	[sflag:s28] =	ssyncadd.s32 $0xFFFFFF80  }
0x93: {  	[tilespmem:s26], [sflag:$0x1] =	stream.indirect.gather [hbm4b:s6+s29], $0x80, s18, s29, $0xb8;
	[tilespmem:$0x1EB00] =	vst v63  }
0x94: {  	[bflag:$0x0] =	sbarrier.arrive $0xFFFF  }
0x95: {  	s21 =	rddreg [dreg:$0x10]  }
.LBB2_4:
0x96: {  	_ =	swait.ge [sflag:s10], $0x3800  }
0x97: {  	[sflag:s10] =	ssyncset.done $0x0  }
0x98: {  	s20 =	sadd.s32 s18, s25;
	[sflag:s10] =	ssyncadd.s32 $0xFFFFC800  }
0x99: {  	[tilespmem:s11], [sflag:$0x7] =	stream.linear.gather [hbm4b:s20+s3], $0x80, $0x38;
	[tilespmem:$0x1EB00] =	vst v63  }
0x9a: {  	_ =	swait.ge [sflag:s28], $0x80  }
0x9b: {  	[sflag:s28] =	ssyncset.done $0x0  }
0x9c: {  	s19 =	sadd.s32 s18, s24;
	[sflag:s28] =	ssyncadd.s32 $0xFFFFFF80  }
0x9d: {  	[tilespmem:s31], [sflag:$0x7] =	stream.linear.gather [hbm4b:s19+s3], $0x80, $0x38;
	[tilespmem:$0x1EB00] =	vst v63  }
0x9e: {  	_ =	swait.ge [sflag:s28], $0x80  }
0x9f: {  	[sflag:s28] =	ssyncset.done $0x0  }
0xa0: {  	[sflag:s28] =	ssyncadd.s32 $0xFFFFFF80  }
0xa1: {  	[tilespmem:s0], [sflag:$0x2] =	stream.indirect.gather [hbm4b:s6+s29], $0x80, s11, s29, $0xb8;
	[tilespmem:$0x1EB00] =	vst v63  }
0xa2: {  	_ =	swait.ge [sflag:s12], $0x3800  }
0xa3: {  	[sflag:s12] =	ssyncset.done $0x0  }
0xa4: {  	[sflag:s12] =	ssyncadd.s32 $0xFFFFC800  }
0xa5: {  	[spmem:s1] =	stream.indirect.scatter.add.f32 [tilespmem:s26], [sflag:$0x4], $0x80, s30, s29, $0xb8;
	[tilespmem:$0x1EB00] =	vst v63  }
0xa6: {  	_ =	swait.ge [sflag:s13], $0x3800  }
0xa7: {  	[sflag:s13] =	ssyncset.done $0x0  }
0xa8: {  	s19 =	sadd.s32 s18, s23;
	[sflag:s13] =	ssyncadd.s32 $0xFFFFC800  }
0xa9: {  	[tilespmem:s14], [sflag:$0x7] =	stream.linear.gather [hbm4b:s19+s3], $0x80, $0x38;
	[tilespmem:$0x1EB00] =	vst v63  }
0xaa: {  	_ =	swait.ge [sflag:s28], $0x80  }
0xab: {  	[sflag:s28] =	ssyncset.done $0x0  }
0xac: {  	s19 =	sadd.s32 s18, s22;
	[sflag:s28] =	ssyncadd.s32 $0xFFFFFF80  }
0xad: {  	[tilespmem:s2], [sflag:$0x7] =	stream.linear.gather [hbm4b:s19+s3], $0x80, $0x38;
	[tilespmem:$0x1EB00] =	vst v63  }
0xae: {  	_ =	swait.ge [sflag:s28], $0x80  }
0xaf: {  	[sflag:s28] =	ssyncset.done $0x0  }
0xb0: {  	p0 =	seq.s32 s18, $0x570;
	[sflag:s28] =	ssyncadd.s32 $0xFFFFFF80  }
0xb1: {  	[tilespmem:s8], [sflag:$0x3] =	stream.indirect.gather [hbm4b:s6+s29], $0x80, s14, s29, $0xb8;
	[tilespmem:$0x1EB00] =	vst v63  }
.Ltmp3:
0xb2: {  	_ = 	snop;
	(pc) =	sbr.rel @p0 .LBB2_6-.Ltmp3, $4  }
0xb3: {  	_ =	swait.ge [sflag:s15], $0x3800  }
0xb4: {  	[sflag:s15] =	ssyncset.done $0x0  }
0xb5: {  	[sflag:s15] =	ssyncadd.s32 $0xFFFFC800  }
0xb6: {  	[spmem:s1] =	stream.indirect.scatter.add.f32 [tilespmem:s0], [sflag:$0x5], $0x80, s31, s29, $0xb8;
	[tilespmem:$0x1EB00] =	vst v63  }
0xb7: {  	_ =	swait.ge [sflag:s9], $0x3800  }
0xb8: {  	s20 =	sshrl.u32 s21, $0x3;
	[sflag:s9] =	ssyncset.done $0x0  }
0xb9: {  	s19 =	sadd.s32 s4, s20;
	[sflag:s9] =	ssyncadd.s32 $0xFFFFC800  }
0xba: {  	[tilespmem:s3], [sflag:$0x7] =	stream.linear.gather [hbm4b:s19+s3], $0x80, $0x38;
	[tilespmem:$0x1EB00] =	vst v63  }
0xbb: {  	_ =	swait.ge [sflag:s28], $0x80  }
0xbc: {  	[sflag:s28] =	ssyncset.done $0x0  }
0xbd: {  	s20 =	sadd.s32 s5, s20;
	[sflag:s28] =	ssyncadd.s32 $0xFFFFFF80  }
0xbe: {  	[tilespmem:s30], [sflag:$0x7] =	stream.linear.gather [hbm4b:s20+s3], $0x80, $0x38;
	[tilespmem:$0x1EB00] =	vst v63  }
0xbf: {  	_ =	swait.ge [sflag:s28], $0x80  }
0xc0: {  	[sflag:s28] =	ssyncset.done $0x0  }
0xc1: {  	[sflag:s28] =	ssyncadd.s32 $0xFFFFFF80  }
0xc2: {  	[tilespmem:s26], [sflag:$0x1] =	stream.indirect.gather [hbm4b:s6+s29], $0x80, s3, s29, $0xb8;
	[tilespmem:$0x1EB00] =	vst v63  }
.Ltmp4:
0xc3: {  	_ = 	snop;
	(pc) =	sbr.rel .LBB2_4-.Ltmp4, $4  }
0xc4: {  	_ =	swait.ge [sflag:s16], $0x3800  }
0xc5: {  	[sflag:s16] =	ssyncset.done $0x0  }
0xc6: {  	s21 =	sadd.s32 $0x180, s21;
	s18 =	sadd.s32 $0x30, s18;
	[sflag:s16] =	ssyncadd.s32 $0xFFFFC800  }
0xc7: {  	[spmem:s1] =	stream.indirect.scatter.add.f32 [tilespmem:s8], [sflag:$0x6], $0x80, s2, s29, $0xb8;
	[tilespmem:$0x1EB00] =	vst v63  }
.LBB2_7:
0xc8: {  	_ =	sfence.sel $0x180000  }
0xc9: {  	[bflag:$0x0] =	sbarrier.arrive $0xFFFF  }
0xca: {  	_ =	strace $0x9000004D  }
0xcb: {  	s0 =	stileid.u32;
	[bflag:$0x2] =	sbarrier.arrive $0xFFFF  }
0xcc: {  	p0 =	sne.s32 s0, $0x0;
	s0 =	rddreg [dreg:$0x2]  }
0xcd: {  	s0 =	sadd.s32 @!p0 $0x100000, s0  }
0xce: {  	[sflag:s0] =	ssyncadd.tile.s32 @!p0 $0x1;
	_ =	shalt  }
.Lfunc_end2:
_tile_overlayer_lowered:
.L_overlay_start_2:
0xcf: {  	(tag) =	ssettag $0x2  }
0xd0: {  	s0 =	rddreg [dreg:$0x0];
	s2 =	stileid.u32  }
0xd1: {  	s1 =	rddreg [dreg:$0x1];
	p0 =	sne.s32 s2, $0x0  }
0xd2: {  	s3 =	rddreg [dreg:$0x2];
	[bflag:$0x3] =	sbarrier.arrive $0xFFFF;
	s2 =	simm.s32 @!p0 $0x1C07  }
0xd3: {  	[timem:s3], [sflag:s2] =	dma.local @!p0 [hbm:s0], s1  }
0xd4: {  	s0 =	simm.s32 @!p0 $0x7  }
0xd5: {  	_ =	swait.ge @!p0 [sflag:s0], s1  }
0xd6: {  	s1 =	ssub.s32 @!p0 $0x0, s1;
	[sflag:s0] =	ssyncset.done @!p0 $0x0  }
0xd7: {  	[sflag:s0] =	ssyncadd.s32 @!p0 s1  }
0xd8: {  	[bflag:$0x3] =	sbarrier.arrive $0xFFFF  }
0xd9: {  	_ =	shalt  }

// kernel: kernel.8.cloned.1.call-start
scs
__scs_entry_jumppad:
0x0: {  	(pc) =	sbr.rel $0x88, $3  }
0x1: {  	(tag) =	ssettag $0x0;
	lr =	simm.s32 $0x1  }
0x2: {  	[smem:$0x3F9A] =	sst lr;
	_ =	strace $0xD0000000  }
0x3: {  	_ = 	snop  }
0x4: {  	_ = 	snop  }
0x5: {  	_ = 	snop  }
0x6: {  	_ = 	snop  }
0x7: {  	_ = 	snop  }
__scs_overlays_trampoline_lowered:
0x8: {  	[smem:$0x3FA9] =	sst s0  }
0x9: {  	[smem:$0x3FAA] =	sst s1  }
0xa: {  	[smem:$0x3FAB] =	sst s2  }
0xb: {  	[smem:$0x3FAC] =	sst s3  }
0xc: {  	[smem:$0x3FAD] =	sst s4  }
0xd: {  	[smem:$0x3FAE] =	sst s5  }
0xe: {  	[smem:$0x3FAF] =	sst s6  }
0xf: {  	[smem:$0x3FB0] =	sst s7  }
0x10: {  	[smem:$0x3FB1] =	sst s8  }
0x11: {  	[smem:$0x3FB2] =	sst s9;
	s0 =	simm.s32 @!p0 $0x0  }
0x12: {  	s1 =	sld [smem:$0x3F98];
	s0 =	simm.s32 @p0 $0x1  }
0x13: {  	[smem:$0x3FB3] =	sst s0;
	s0 =	simm.s32 @!p1 $0x0  }
0x14: {  	s2 =	sld [smem:$0x3F97];
	s0 =	simm.s32 @p1 $0x1  }
0x15: {  	[smem:$0x3FB4] =	sst s0;
	s0 =	simm.s32 @!p2 $0x0  }
0x16: {  	s3 =	sld [smem:$0x3FDB];
	s0 =	simm.s32 @p2 $0x1  }
0x17: {  	s4 =	simm.s32 $0x1BF5;
	[smem:$0x3FB6] =	sst s0  }
0x18: {  	s0 =	sld [smem:$0x3F99];
	_ =	swait.ge [sflag:s4], $0x0  }
0x19: {  	s7 =	sld [smem:$0x3F9A]  }
0x1a: {  	s8 =	sadd.s32 $0xFFFFE003, lr  }
0x1b: {  	s9 =	sadd.s32 $0xFFFFFEF7, lr;
	s5 =	simm.s32 $0xFFFFFFFF;
	p2 =	slt.u32 s8, $0xFFFFF086  }
0x1c: {  	p1 =	slt.u32 s9, $0xF7A;
	s5 =	simm.s32 @!p2 $0x0  }
0x1d: {  	s5 =	simm.s32 @p1 $0x1;
	p0 =	seq.s32 s7, s2  }
0x1e: {  	s7 =	smul.u32 @!p0 $0xF7A, s2;
	p2 =	seq.s32 @!p0 s5, $0x0  }
0x1f: {  	s9 =	smul.u32 $0xF7A, s1;
	s8 =	simm.s32 @!p0 $0x1BF5;
	p2 =	por !p2, p0  }
0x20: {  	[sflag:s8] =	ssyncset.s32 @!p0 $0xFFFFF086;
	s6 =	sadd.s32 @!p0 s3, s7;
	s7 =	simm.s32 @!p0 $0x108  }
0x21: {  	s3 =	sadd.s32 s3, s9;
	s6 =	sadd.s32 @!p0 $0x88, s6;
	s7 =	simm.s32 @p2 $0x1082  }
0x22: {  	[simem:s7], [sflag:s8] =	dma.local @!p0 [hbm:s6], $0xF7A  }
0x23: {  	s9 =	sor.u32 $0xD0000000, s2;
	s6 =	simm.s32 $0x108;
	_ =	swait.ge @!p0 [sflag:s8], $0x0  }
0x24: {  	s3 =	sadd.s32 $0x88, s3;
	s6 =	simm.s32 @!p1 $0x1082;
	[sflag:s4] =	ssyncset.s32 $0xFFFFF086  }
0x25: {  	[simem:s6], [sflag:s4] =	dma.local [hbm:s3], $0xF7A  }
0x26: {  	[smem:$0x3F9A] =	sst s1;
	(tag) =	ssettag s2;
	_ =	strace s9  }
0x27: {  	s1 =	sld [smem:$0x3FAA]  }
0x28: {  	s2 =	sld [smem:$0x3FAB]  }
0x29: {  	s4 =	sld [smem:$0x3FAD]  }
0x2a: {  	p0 =	seq.s32 s5, $0x0;
	s5 =	sld [smem:$0x3FAE]  }
0x2b: {  	s6 =	sld [smem:$0x3FAF]  }
0x2c: {  	s7 =	sld [smem:$0x3FB0]  }
0x2d: {  	s3 =	simm.s32 $0x108;
	s8 =	sld [smem:$0x3FB1]  }
0x2e: {  	s3 =	simm.s32 @!p0 $0x1082;
	s9 =	sld [smem:$0x3FB2]  }
0x2f: {  	lr =	sadd.s32 s0, s3;
	s0 =	sld [smem:$0x3FA9]  }
0x30: {  	s3 =	sld [smem:$0x3FAC]  }
0x31: {  	[smem:$0x3FB5] =	sst s10  }
0x32: {  	s10 =	sld [smem:$0x3FB3];
	_ =	sdelay $0x3  }
0x33: {  	p0 =	seq.s32 s10, $0x1;
	s10 =	sld [smem:$0x3FB5];
	_ =	sdelay $0x3  }
0x34: {  	[smem:$0x3FB5] =	sst s10  }
0x35: {  	s10 =	sld [smem:$0x3FB4];
	_ =	sdelay $0x3  }
0x36: {  	p1 =	seq.s32 s10, $0x1;
	s10 =	sld [smem:$0x3FB5];
	_ =	sdelay $0x3  }
0x37: {  	[smem:$0x3FB5] =	sst s10  }
0x38: {  	s10 =	sld [smem:$0x3FB6]  }
0x39: {  	_ = 	snop;
	(pc) =	sbr.ind lr, $3  }
0x3a: {  	_ = 	snop  }
0x3b: {  	_ = 	snop  }
0x3c: {  	p2 =	seq.s32 s10, $0x1;
	s10 =	sld [smem:$0x3FB5]  }
0x3d: {  	_ =	shalt  }
0x3e: {  	_ =	shalt  }
0x3f: {  	_ =	shalt  }
0x40: {  	_ =	shalt  }
0x41: {  	_ =	shalt  }
0x42: {  	_ =	shalt  }
0x43: {  	_ =	shalt  }
0x44: {  	_ =	shalt  }
0x45: {  	_ =	shalt  }
0x46: {  	_ =	shalt  }
0x47: {  	_ =	shalt  }
0x48: {  	_ =	shalt  }
0x49: {  	_ =	shalt  }
0x4a: {  	_ =	shalt  }
0x4b: {  	_ =	shalt  }
0x4c: {  	_ =	shalt  }
0x4d: {  	_ =	shalt  }
0x4e: {  	_ =	shalt  }
0x4f: {  	_ =	shalt  }
0x50: {  	_ =	shalt  }
0x51: {  	_ =	shalt  }
0x52: {  	_ =	shalt  }
0x53: {  	_ =	shalt  }
0x54: {  	_ =	shalt  }
0x55: {  	_ =	shalt  }
0x56: {  	_ =	shalt  }
0x57: {  	_ =	shalt  }
0x58: {  	_ =	shalt  }
0x59: {  	_ =	shalt  }
0x5a: {  	_ =	shalt  }
0x5b: {  	_ =	shalt  }
0x5c: {  	_ =	shalt  }
0x5d: {  	_ =	shalt  }
0x5e: {  	_ =	shalt  }
0x5f: {  	_ =	shalt  }
0x60: {  	_ =	shalt  }
0x61: {  	_ =	shalt  }
0x62: {  	_ =	shalt  }
0x63: {  	_ =	shalt  }
0x64: {  	_ =	shalt  }
0x65: {  	_ =	shalt  }
0x66: {  	_ =	shalt  }
0x67: {  	_ =	shalt  }
0x68: {  	_ =	shalt  }
0x69: {  	_ =	shalt  }
0x6a: {  	_ =	shalt  }
0x6b: {  	_ =	shalt  }
0x6c: {  	_ =	shalt  }
0x6d: {  	_ =	shalt  }
0x6e: {  	_ =	shalt  }
0x6f: {  	_ =	shalt  }
0x70: {  	_ =	shalt  }
0x71: {  	_ =	shalt  }
0x72: {  	_ =	shalt  }
0x73: {  	_ =	shalt  }
0x74: {  	_ =	shalt  }
0x75: {  	_ =	shalt  }
0x76: {  	_ =	shalt  }
0x77: {  	_ =	shalt  }
0x78: {  	_ =	shalt  }
0x79: {  	_ =	shalt  }
0x7a: {  	_ =	shalt  }
0x7b: {  	_ =	shalt  }
0x7c: {  	_ =	shalt  }
0x7d: {  	_ =	shalt  }
0x7e: {  	_ =	shalt  }
0x7f: {  	_ =	shalt  }
0x80: {  	_ =	shalt  }
0x81: {  	_ =	shalt  }
0x82: {  	_ =	shalt  }
0x83: {  	_ =	shalt  }
0x84: {  	_ =	shalt  }
0x85: {  	_ =	shalt  }
0x86: {  	_ =	shalt  }
0x87: {  	_ =	shalt  }
.Lfunc_end0:
.L_simem_size_0:
called_computation_lowered:
.L_overlay_start_0:
0x88: {  	s2 =	sld [smem:$0x3FD9]  }
0x89: {  	s3 =	sld [smem:$0x3FFE];
	_ =	sdelay $0x1  }
0x8a: {  	s1 =	srdreg.scid  }
0x8b: {  	s0 =	sand.u32 $0x1, s1  }
0x8c: {  	s16 =	sshll.u32 s0, $0xA;
	s2 =	sadd.s32 s3, s2  }
0x8d: {  	s2 =	sadd.s32 s2, s16  }
0x8e: {  	[smem:$0x3FC1] =	sst s2  }
0x8f: {  	_ = 	snop  }
0x90: {  	(tm) =	ssettm $0x1  }
0x91: {  	s17 =	sld [smem:$0x3FFB];
	_ =	sdelay $0x3  }
0x92: {  	_ =	strace s17  }
0x93: {  	s2 =	sld [smem:$0x3FFC];
	_ =	sdelay $0x3  }
0x94: {  	_ =	strace s2  }
0x95: {  	s2 =	sld [smem:$0x3FFD];
	_ =	sdelay $0x3  }
0x96: {  	_ =	strace s2  }
0x97: {  	_ =	strace $0x8FFFFFFF  }
0x98: {  	s18 =	sld [smem:$0x3FDB];
	_ =	sdelay $0x1  }
0x99: {  	s19 =	simm.s32 $_scs_section_size  }
0x9a: {  	s4 =	simm.s32 $_size__tile_overlayer_lowered;
	s5 =	simm.s32 $_tile_overlayer_lowered  }
0x9b: {  	s22 =	simm.s32 $0x1BFF;
	s21 =	sshll.u32 s5, $0x1;
	s2 =	sadd.s32 s19, s18  }
0x9c: {  	s6 =	simm.s32 $0x0;
	s20 =	sshll.u32 s4, $0x1;
	s4 =	sadd.s32 s21, s2  }
0x9d: {  	[timem:s6], [sflag:s22] =	dma.local [hbm:s4], s20  }
0x9e: {  	_ =	swait.ge [sflag:s22], s20  }
0x9f: {  	s3 =	ssub.s32 $0x0, s20;
	[sflag:s22] =	ssyncset.done $0x0  }
0xa0: {  	[sflag:s22] =	ssyncadd.s32 s3;
	_ =	sdelay $0x1  }
0xa1: {  	s23 =	simm.s32 $0x1B8B  }
0xa2: {  	_ =	swait.ge [sflag:s23], $0x1  }
0xa3: {  	[sflag:s23] =	ssyncset.done $0x0  }
0xa4: {  	s25 =	simm.s32 $0x1B8E;
	s24 =	sld [smem:$0x3FFE];
	[sflag:s23] =	ssyncadd.s32 $0xFFFFFFFF  }
0xa5: {  	s26 =	simm.s32 $execute0_lowered;
	[smem:$0x3FD2] =	sst s25  }
0xa6: {  	s4 =	sshll.u32 s26, $0x1;
	_ =	strace $0x80000046;
	[dreg:$0x1] =	wrdreg $0xFFFFFFFF  }
0xa7: {  	s28 =	simm.s32 $_size_execute0_lowered;
	s2 =	sadd.s32 s2, s4;
	[dreg:$0x0] =	wrdreg $0x0  }
0xa8: {  	s4 =	sshll.u32 s28, $0x1;
	[dreg:$0x2] =	wrdreg s2  }
0xa9: {  	[dreg:$0x3] =	wrdreg s4  }
0xaa: {  	[dreg:$0x4] =	wrdreg $0xC0  }
0xab: {  	_ =	task [dreg:s6], $0x5FFFF  }
0xac: {  	[dreg:$0x1] =	wrdreg $0xFFFFFFFF  }
0xad: {  	[dreg:$0x0] =	wrdreg $0x60  }
0xae: {  	[dreg:$0x2] =	wrdreg s24  }
0xaf: {  	[dreg:$0x3] =	wrdreg $0x30000  }
0xb0: {  	[dreg:$0x4] =	wrdreg $0x9  }
0xb1: {  	_ =	task.clear_ibuf [dreg:s6], $0x5FFFF;
	_ =	strace $0x90000046  }
0xb2: {  	s29 =	simm.s32 $0x9;
	_ =	strace $0x80000048  }
0xb3: {  	_ =	swait.ge [sflag:s29], $0x1  }
0xb4: {  	[sflag:s29] =	ssyncadd.s32 $0xFFFFFFFF  }
0xb5: {  	_ =	strace $0x90000048  }
0xb6: {  	_ =	sfence  }
0xb7: {  	s30 =	sld [smem:$0x0];
	_ =	sdelay $0x2  }
0xb8: {  	s31 =	sshll.u32 s1, $0xD;
	s1 =	sshrl.u32 s1, $0x2  }
0xb9: {  	s3 =	sand.u32 $0x4000, s31;
	s1 =	sadd.s32 s1, s30  }
0xba: {  	s0 =	sor.u32 s3, s0;
	s1 =	sshll.u32 s1, $0x11  }
0xbb: {  	s0 =	sor.u32 s1, s0  }
0xbc: {  	s0 =	sadd.s32 $0x8F2B, s0  }
0xbd: {  	[sflag:s0] =	ssyncadd.remote.s32 $0x1  }
0xbe: {  	_ =	sfence.sel $0xFFFF  }
0xbf: {  	[dreg:$0x0] =	wrdreg $0xFFFFFFFF;
	(pc) =	sbr.abs _section_cstart, $3  }
0xc0: {  	[dreg:$0x1] =	wrdreg $0xFFFFFFFF  }
0xc1: {  	_ =	task.clear_ibuf [dreg:s6], $0x2FFFF;
	_ =	strace $0x9FFFFFFF  }
0xc2: {  	(tm) =	ssettm $0x7FFFFFFF  }
0xc3: {  	_ =	shalt  }
tec
execute0_lowered:
.L_overlay_start_1:
0x0: {  	(tag) =	ssettag $0x1  }
0x1: {  	s4 =	rddreg [dreg:$0x0]  }
0x2: {  	s2 =	rddreg [dreg:$0x1];
	s3 =	srdreg.scid  }
0x3: {  	s1 =	stileid.u32;
	s0 =	rddreg [dreg:$0x2];
	s10 =	simm.s32 $0x70  }
0x4: {  	s11 =	simm.s32 $0x2D00;
	s14 =	simm.s32 $0x0;
	s5 =	sand.u32 $0x1, s3  }
0x5: {  	s6 =	smul.u32 $0x280, s1;
	s3 =	simm.s32 $0x0;
	s7 =	sshll.u32 s1, $0x1  }
0x6: {  	s12 =	sshll.u32 s1, $0x6;
	s8 =	smul.u32 $0x2800, s5;
	[smem:$0x7FF] =	sst s3  }
0x7: {  	s7 =	sor.u32 s5, s7;
	s5 =	ssub.s32 $0x2, s5;
	s12 =	sor.u32 $0x1C01, s12  }
0x8: {  	s7 =	smul.u32 $0x5A0, s7;
	s9 =	sshrl.u32 s5, $0x1;
	s8 =	sadd.s32 s6, s8  }
0x9: {  	_ =	strace $0x80000047;
	s9 =	ssub.s32 s5, s9;
	s8 =	sshrl.u32 s8, $0x3  }
0xa: {  	s7 =	sadd.s32 s7, s4;
	s8 =	sadd.s32 s8, s4;
	s4 =	sadd.s32 s6, s2  }
0xb: {  	s5 =	sadd.s32 $0x1600, s7;
	s7 =	smax.u32 s9, $0x1;
	s9 =	simm.s32 $0x1  }
0xc: {  	v0 =	vimm.f32 $1.000000000e+00;
	v1 =	vimm.f32 $0.0e+00;
	s6 =	sadd.s32 $0xCA00, s8;
	s8 =	simm.s32 $0x2D80;
	s13 =	sshrl.u32 s4, $0x3  }
.LBB2_1:
0xd: {  	[tilespmem:$0x2D00] =	vst v0  }
0xe: {  	[tilespmem:$0x2D10] =	vst v0  }
0xf: {  	[tilespmem:$0x2D20] =	vst v0  }
0x10: {  	[tilespmem:$0x2D30] =	vst v0  }
0x11: {  	[tilespmem:$0x2D40] =	vst v0  }
0x12: {  	[tilespmem:$0x2D50] =	vst v0  }
0x13: {  	[tilespmem:$0x2D60] =	vst v0  }
0x14: {  	[tilespmem:$0x2D80] =	vst v1  }
0x15: {  	[tilespmem:$0x2D90] =	vst v1  }
0x16: {  	[tilespmem:$0x2DA0] =	vst v1  }
0x17: {  	[tilespmem:$0x2DB0] =	vst v1  }
0x18: {  	[tilespmem:$0x2DC0] =	vst v1  }
0x19: {  	[tilespmem:$0x2DD0] =	vst v1  }
0x1a: {  	[tilespmem:$0x2DE0] =	vst v1  }
0x1b: {  	[tilespmem:$0x2DF0] =	vst v1  }
0x1c: {  	[tilespmem:$0x2E00] =	vst v1  }
0x1d: {  	[tilespmem:$0x2E10] =	vst v1  }
0x1e: {  	[tilespmem:$0x2E20] =	vst v1  }
0x1f: {  	[tilespmem:$0x2E30] =	vst v1  }
0x20: {  	[tilespmem:$0x2E40] =	vst v1  }
0x21: {  	[tilespmem:$0x2E50] =	vst v1  }
0x22: {  	[tilespmem:$0x2E60] =	vst v1  }
0x23: {  	[tilespmem:$0x2E70] =	vst v1  }
0x24: {  	[tilespmem:$0x2E80] =	vst v1  }
0x25: {  	[tilespmem:$0x2E90] =	vst v1  }
0x26: {  	[tilespmem:$0x2EA0] =	vst v1  }
0x27: {  	[tilespmem:$0x2EB0] =	vst v1  }
0x28: {  	[tilespmem:$0x2EC0] =	vst v1  }
0x29: {  	[tilespmem:$0x2ED0] =	vst v1  }
0x2a: {  	[tilespmem:$0x2EE0] =	vst v1  }
0x2b: {  	[tilespmem:$0x2EF0] =	vst v1  }
0x2c: {  	[tilespmem:$0x2F00] =	vst v1  }
0x2d: {  	[tilespmem:$0x2F10] =	vst v1  }
0x2e: {  	[tilespmem:$0x2F20] =	vst v1  }
0x2f: {  	[tilespmem:$0x2F30] =	vst v1  }
0x30: {  	[tilespmem:$0x2F40] =	vst v1  }
0x31: {  	[tilespmem:$0x2F50] =	vst v1  }
0x32: {  	[tilespmem:$0x2F60] =	vst v1  }
0x33: {  	[tilespmem:$0x2F70] =	vst v1  }
0x34: {  	[tilespmem:$0x2F80] =	vst v1  }
0x35: {  	[tilespmem:$0x2F90] =	vst v1  }
0x36: {  	[tilespmem:$0x2FA0] =	vst v1  }
0x37: {  	[tilespmem:$0x2FB0] =	vst v1  }
0x38: {  	[tilespmem:$0x2FC0] =	vst v1  }
0x39: {  	[tilespmem:$0x2FD0] =	vst v1  }
0x3a: {  	[tilespmem:$0x2FE0] =	vst v1  }
0x3b: {  	[tilespmem:$0x2FF0] =	vst v1  }
0x3c: {  	[spmem:s4] =	stream.linear.scatter [tilespmem:s8], [sflag:$0x1], $0x280, $0x38;
	[tilespmem:$0x3280] =	vst v63  }
0x3d: {  	_ =	swait.ge [sflag:s9], $0x280  }
0x3e: {  	[sflag:s9] =	ssyncset.done $0x0  }
0x3f: {  	[sflag:s9] =	ssyncadd.s32 $0xFFFFFD80  }
0x40: {  	[tilespmem:s3], [sflag:$0x1] =	stream.linear.gather [hbm4b:s5+s3], $0x2D00, $0x38;
	[tilespmem:$0x3280] =	vst v63  }
0x41: {  	_ =	swait.ge [sflag:s9], $0x2D00  }
0x42: {  	[sflag:s9] =	ssyncset.done $0x0  }
0x43: {  	[sflag:s9] =	ssyncadd.s32 $0xFFFFD300  }
0x44: {  	s15 =	simm.s32 $0x0;
	[bflag:$0x0] =	sbarrier.arrive $0xFFFF  }
0x45: {  	[spmem:s2] =	stream.indirect.scatter.add.f32 [tilespmem:s11], [sflag:$0x1], $0x1, s15, s10, $0xb8;
	[tilespmem:$0x3280] =	vst v63  }
0x46: {  	_ =	swait.ge [sflag:s9], $0x70  }
0x47: {  	s15 =	simm.s32 $0x200;
	[sflag:s9] =	ssyncset.done $0x0  }
.LBB2_2:
0x48: {  	s16 =	sshra.s32 s15, $0x2;
	[sflag:s9] =	ssyncadd.s32 $0xFFFFFF90;
	p0 =	sne.s32 s15, $0xB200  }
0x49: {  	[spmem:s2] =	stream.indirect.scatter.add.f32 [tilespmem:s11], [sflag:$0x1], $0x1, s16, s10, $0xb8;
	[tilespmem:$0x3280] =	vst v63  }
.Ltmp0:
0x4a: {  	_ = 	snop;
	(pc) =	sbr.rel @p0 .LBB2_2-.Ltmp0, $4  }
0x4b: {  	_ = 	snop  }
0x4c: {  	s15 =	sadd.s32 $0x200, s15  }
0x4d: {  	_ =	swait.ge [sflag:s9], $0x70  }
0x4e: {  	[sflag:s9] =	ssyncset.done $0x0  }
0x4f: {  	s14 =	sadd.s32 $0x1, s14  }
0x50: {  	[sflag:s9] =	ssyncadd.s32 $0xFFFFFF90;
	p0 =	sne.s32 s14, s7  }
.Ltmp1:
0x51: {  	[bflag:$0x0] =	sbarrier.arrive $0xFFFF;
	(pc) =	sbr.rel @p0 .LBB2_1-.Ltmp1, $4  }
0x52: {  	[hbm:s6], [sflag:s12] =	dma.local [spmem:s13], $0x50  }
0x53: {  	_ =	swait.ge [sflag:s9], $0x50  }
0x54: {  	[sflag:s9] =	ssyncset.done $0x0  }
0x55: {  	[sflag:s9] =	ssyncadd.s32 $0xFFFFFFB0  }
0x56: {  	_ =	sfence.sel $0x180000  }
0x57: {  	[bflag:$0x0] =	sbarrier.arrive $0xFFFF  }
0x58: {  	p0 =	sne.s32 s1, $0x0;
	_ =	strace $0x90000047  }
0x59: {  	s0 =	sadd.s32 @!p0 $0x100000, s0;
	[bflag:$0x2] =	sbarrier.arrive $0xFFFF  }
0x5a: {  	[sflag:s0] =	ssyncadd.tile.s32 @!p0 $0x1;
	_ =	shalt  }
.Lfunc_end2:
_tile_overlayer_lowered:
.L_overlay_start_2:
0x5b: {  	(tag) =	ssettag $0x2  }
0x5c: {  	s0 =	rddreg [dreg:$0x0];
	s2 =	stileid.u32  }
0x5d: {  	s1 =	rddreg [dreg:$0x1];
	p0 =	sne.s32 s2, $0x0  }
0x5e: {  	s3 =	rddreg [dreg:$0x2];
	[bflag:$0x3] =	sbarrier.arrive $0xFFFF;
	s2 =	simm.s32 @!p0 $0x1C01  }
0x5f: {  	[timem:s3], [sflag:s2] =	dma.local @!p0 [hbm:s0], s1  }
0x60: {  	s0 =	simm.s32 @!p0 $0x1  }
0x61: {  	_ =	swait.ge @!p0 [sflag:s0], s1  }
0x62: {  	s1 =	ssub.s32 @!p0 $0x0, s1;
	[sflag:s0] =	ssyncset.done @!p0 $0x0  }
0x63: {  	[sflag:s0] =	ssyncadd.s32 @!p0 s1  }
0x64: {  	[bflag:$0x3] =	sbarrier.arrive $0xFFFF  }
0x65: {  	_ =	shalt  }

</sc_bundles>
